<compile_context>
chip_gen: v7x
topology: tpu7x:2x2x1
jax: 0.10.2.dev20260603
libtpu: 0.0.44.dev20260713+nightly
codegen_flags: <defaults>
</compile_context>

<pallas_src>
import functools

import jax
import jax.numpy as jnp
from jax import lax
from jax.experimental import pallas as pl
from jax.experimental.pallas import tpu as pltpu
from jax.experimental.pallas import tpu_sc as plsc

NW = 32
CH = 80
ZB = 40
VT = 10240
TRASH = 10200


def _sc_gather(table, idx):
    V, Dw = table.shape
    B = idx.shape[0]
    bpw = B // NW
    nch = bpw // CH
    mesh = plsc.VectorSubcoreMesh(core_axis_name="c", subcore_axis_name="s")

    @functools.partial(
        pl.kernel, mesh=mesh,
        out_type=jax.ShapeDtypeStruct((B, Dw), jnp.float32),
        scratch_types=[
            pltpu.VMEM((bpw,), jnp.int32),
            pltpu.VMEM((CH, Dw), jnp.float32),
            pltpu.SemaphoreType.DMA,
        ],
    )
    def k(table_hbm, idx_hbm, out_hbm, idx_v, rows_v, sem):
        wid = lax.axis_index("s") * 2 + lax.axis_index("c")
        base = wid * bpw
        pltpu.sync_copy(idx_hbm.at[pl.ds(base, bpw)], idx_v)

        def body(j, carry):
            pltpu.async_copy(
                table_hbm.at[idx_v.at[pl.ds(j * CH, CH)]], rows_v, sem
            ).wait()
            pltpu.sync_copy(rows_v, out_hbm.at[pl.ds(base + j * CH, CH)])
            return carry

        lax.fori_loop(0, nch, body, 0)

    return k(table, idx)


def _chunk_ranges(idx3):
    act = jnp.any(idx3 < TRASH, axis=2)
    cnt = jnp.sum(act.astype(jnp.int32), axis=1)
    lo = jnp.where(cnt > 0, jnp.argmax(act, axis=1).astype(jnp.int32), 0)
    return jnp.pad(jnp.stack([lo, lo + cnt], axis=1), ((0, 0), (0, 14)))


def _sc_scatter_add(rows, idx3, rng):
    B, Dw = rows.shape
    bpw = B // NW
    nch = bpw // CH
    rpt = VT // 16
    nzb = rpt // ZB
    mesh = plsc.VectorSubcoreMesh(core_axis_name="c", subcore_axis_name="s")

    @functools.partial(
        pl.kernel, mesh=mesh,
        out_type=jax.ShapeDtypeStruct((2, VT, Dw), jnp.float32),
        scratch_types=[
            pltpu.VMEM((nch, CH), jnp.int32),
            pltpu.VMEM((16,), jnp.int32),
            pltpu.VMEM((CH, Dw), jnp.float32),
            pltpu.VMEM((ZB, Dw), jnp.float32),
            pltpu.VMEM_SHARED((VT, Dw), jnp.float32),
        ],
    )
    def k(rows_hbm, idx_hbm, rng_hbm, out_hbm, idx_v, rng_v, rbuf, zbuf,
          table):
        cid = lax.axis_index("c")
        sid = lax.axis_index("s")
        wid = sid * 2 + cid
        base = wid * bpw
        tbase = sid * rpt

        def zrow(i, carry):
            def zcol(j, c2):
                zbuf[i, pl.ds(j * 16, 16)] = jnp.zeros((16,), jnp.float32)
                return c2
            lax.fori_loop(0, Dw // 16, zcol, 0)
            return carry

        lax.fori_loop(0, ZB, zrow, 0)

        def ztab(i, carry):
            pltpu.sync_copy(zbuf, table.at[pl.ds(tbase + i * ZB, ZB)])
            return carry

        lax.fori_loop(0, nzb, ztab, 0)
        plsc.subcore_barrier()

        pltpu.sync_copy(idx_hbm.at[wid], idx_v)
        pltpu.sync_copy(rng_hbm.at[pl.ds(wid * 16, 16)], rng_v)
        rng = rng_v[...]

        def body(j, carry):
            pltpu.sync_copy(rows_hbm.at[pl.ds(base + j * CH, CH)], rbuf)
            pltpu.sync_copy(rbuf, table.at[idx_v.at[j]], add=True)
            return carry

        lax.fori_loop(rng[0], rng[1], body, 0)
        plsc.subcore_barrier()

        def dump(i, carry):
            pltpu.sync_copy(table.at[pl.ds(tbase + i * ZB, ZB)], zbuf)
            pltpu.sync_copy(zbuf, out_hbm.at[cid, pl.ds(tbase + i * ZB, ZB)])
            return carry

        lax.fori_loop(0, nzb, dump, 0)

    return k(rows, idx3, rng.reshape(-1))


def _tc_logits1(G, W1, b1):
    B = 2000
    n = G.shape[0] // B

    def body(g_ref, w_ref, b_ref, eg_ref, eb_ref):
        g = g_ref[...]
        a1 = jnp.dot(g, w_ref[...], preferred_element_type=jnp.float32)
        ex = jnp.exp(a1 + b_ref[0, 0])
        eg_ref[...] = ex * g
        eb_ref[...] = jnp.broadcast_to(ex, (B, 128))

    return pl.pallas_call(
        body,
        grid=(n,),
        in_specs=[
            pl.BlockSpec((B, 128), lambda i: (i, 0)),
            pl.BlockSpec((128, 1), lambda i: (0, 0)),
            pl.BlockSpec((1, 1), lambda i: (0, 0)),
        ],
        out_specs=[
            pl.BlockSpec((B, 128), lambda i: (i, 0)),
            pl.BlockSpec((B, 128), lambda i: (i, 0)),
        ],
        out_shape=[
            jax.ShapeDtypeStruct((G.shape[0], 128), jnp.float32),
            jax.ShapeDtypeStruct((G.shape[0], 128), jnp.float32),
        ],
    )(G, W1, b1)


def _tc_edge_norm(Sg, Sb, gamma, beta):
    M = Sg.shape[1]
    B = 400
    n = M // B

    def body(sg_ref, sb_ref, g_ref, be_ref, t2_ref):
        num = sg_ref[0] + sg_ref[1]
        s1 = sb_ref[0, :, 0:1] + sb_ref[1, :, 0:1]
        mu = jnp.mean(num, axis=1, keepdims=True)
        xc = num - mu
        var = jnp.mean(xc * xc, axis=1, keepdims=True)
        y = xc * lax.rsqrt(var + 1e-5) * g_ref[...] + be_ref[...]
        t2_ref[:, :128] = y
        t2_ref[:, 128:256] = jnp.broadcast_to(s1, (B, 128))

    return pl.pallas_call(
        body,
        grid=(n,),
        in_specs=[
            pl.BlockSpec((2, B, 128), lambda i: (0, i, 0)),
            pl.BlockSpec((2, B, 128), lambda i: (0, i, 0)),
            pl.BlockSpec((1, 128), lambda i: (0, 0)),
            pl.BlockSpec((1, 128), lambda i: (0, 0)),
        ],
        out_specs=pl.BlockSpec((B, 256), lambda i: (i, 0)),
        out_shape=jax.ShapeDtypeStruct((M, 256), jnp.float32),
    )(Sg, Sb, gamma, beta)


def _tc_logits2(EG, XA, W2, b2):
    B = 2000
    n = EG.shape[0] // B

    def body(eg_ref, xa_ref, w_ref, b_ref, r2_ref, rb_ref):
        xev = xa_ref[:, :128]
        s1g = xa_ref[:, 128:129] + 1e-16
        u = eg_ref[...]
        w = w_ref[...]
        a2 = (
            jnp.dot(xev, w[:128, :], preferred_element_type=jnp.float32)
            + jnp.dot(u, w[128:, :], preferred_element_type=jnp.float32) / s1g
            + b_ref[0, 0]
        )
        ex2 = jnp.exp(a2)
        r2_ref[...] = ex2 * xev
        rb_ref[...] = jnp.broadcast_to(ex2, (B, 128))

    return pl.pallas_call(
        body,
        grid=(n,),
        in_specs=[
            pl.BlockSpec((B, 128), lambda i: (i, 0)),
            pl.BlockSpec((B, 256), lambda i: (i, 0)),
            pl.BlockSpec((256, 1), lambda i: (0, 0)),
            pl.BlockSpec((1, 1), lambda i: (0, 0)),
        ],
        out_specs=[
            pl.BlockSpec((B, 128), lambda i: (i, 0)),
            pl.BlockSpec((B, 128), lambda i: (i, 0)),
        ],
        out_shape=[
            jax.ShapeDtypeStruct((EG.shape[0], 128), jnp.float32),
            jax.ShapeDtypeStruct((EG.shape[0], 128), jnp.float32),
        ],
    )(EG, XA, W2, b2)


def _tc_final(Sv, SvB, Xv_in):
    N = Xv_in.shape[0]
    B = 400
    n = N // B

    def body(s_ref, sb_ref, xv_ref, out_ref):
        num = s_ref[0] + s_ref[1]
        den = sb_ref[0, :, 0:1] + sb_ref[1, :, 0:1] + 1e-16
        out_ref[...] = num / den + xv_ref[...]

    return pl.pallas_call(
        body,
        grid=(n,),
        in_specs=[
            pl.BlockSpec((2, B, 128), lambda i: (0, i, 0)),
            pl.BlockSpec((2, B, 128), lambda i: (0, i, 0)),
            pl.BlockSpec((B, 128), lambda i: (i, 0)),
        ],
        out_specs=pl.BlockSpec((B, 128), lambda i: (i, 0)),
        out_shape=jax.ShapeDtypeStruct((N, 128), jnp.float32),
    )(Sv, SvB, Xv_in)


def kernel(Xv_in, v, e, W1, b1, W2, b2, gamma, beta):
    N, D = Xv_in.shape
    NNZ = v.shape[0]
    M = 20000
    MH = M // 2
    bpw = NNZ // NW
    nch = bpw // CH

    e0 = jnp.where(e < MH, e, TRASH).reshape(NW, nch, CH)
    e1 = jnp.where(e >= MH, e - MH, TRASH).reshape(NW, nch, CH)
    v3 = v.reshape(NW, nch, CH)
    r0 = _chunk_ranges(e0)
    r1 = _chunk_ranges(e1)
    rv = _chunk_ranges(v3)

    G = _sc_gather(Xv_in, v)
    EG, EB = _tc_logits1(G, W1, jnp.reshape(b1, (1, 1)))

    Sg = jnp.concatenate(
        [_sc_scatter_add(EG, e0, r0)[:, :MH],
         _sc_scatter_add(EG, e1, r1)[:, :MH]], axis=1)
    Sb = jnp.concatenate(
        [_sc_scatter_add(EB, e0, r0)[:, :MH],
         _sc_scatter_add(EB, e1, r1)[:, :MH]], axis=1)

    T2 = _tc_edge_norm(Sg, Sb, jnp.reshape(gamma, (1, 128)),
                       jnp.reshape(beta, (1, 128)))
    XA = _sc_gather(T2, e)
    R2, R2B = _tc_logits2(EG, XA, jnp.reshape(W2, (256, 1)),
                          jnp.reshape(b2, (1, 1)))

    Sv = _sc_scatter_add(R2, v3, rv)[:, :N]
    SvB = _sc_scatter_add(R2B, v3, rv)[:, :N]
    return _tc_final(Sv, SvB, Xv_in)

# --- scband reference (transcript-rebuilt; emitter-appended) ---
"""Pipeline reference for scband-hatlayer-13202729467973 (READ-ONLY COPY).

The authoritative reference and input builder live on the scoring server;
editing this copy changes nothing except your own understanding.
"""

import jax, jax.numpy as jnp
import numpy as np

N = 10000      # code_num (nodes)
D = 128        # embed dim
NNZ = 320000   # nonzeros in incidence matrix
M = 20000      # number of hyperedges


def setup_inputs(seed: int = 0) -> dict:
    key = jax.random.key(seed)
    ks = jax.random.split(key, 8)
    Xv_in = jax.random.normal(ks[0], (N, D), dtype=jnp.float32)
    v = jax.random.randint(ks[1], (NNZ,), 0, N, dtype=jnp.int32)
    e = jnp.sort(jax.random.randint(ks[2], (NNZ,), 0, M, dtype=jnp.int32))
    # fusion1.W : Linear(D, 1) producing per-node attention logits
    W1 = jax.random.normal(ks[3], (D, 1), dtype=jnp.float32) * 0.1
    b1 = jnp.zeros((1,), dtype=jnp.float32)
    # fusion2.W : Linear(2*D, 1)
    W2 = jax.random.normal(ks[4], (2 * D, 1), dtype=jnp.float32) * 0.1
    b2 = jnp.zeros((1,), dtype=jnp.float32)
    # edge_norm LayerNorm params
    gamma = jnp.ones((D,), dtype=jnp.float32)
    beta = jnp.zeros((D,), dtype=jnp.float32)
    return {"Xv_in": Xv_in, "v": v, "e": e, "W1": W1, "b1": b1,
            "W2": W2, "b2": b2, "gamma": gamma, "beta": beta}


def _seg_softmax(x, seg, num_segments):
    m = jax.ops.segment_max(x, seg, num_segments=num_segments)
    m = jax.lax.stop_gradient(m)
    ex = jnp.exp(x - m[seg])
    s = jax.ops.segment_sum(ex, seg, num_segments=num_segments)
    return ex / (s[seg] + 1e-16)


def _layer_norm(x, g, b, eps=1e-5):
    mu = jnp.mean(x, axis=-1, keepdims=True)
    var = jnp.mean((x - mu) ** 2, axis=-1, keepdims=True)
    return (x - mu) / jnp.sqrt(var + eps) * g + b


def reference(Xv_in, v, e, W1, b1, W2, b2, gamma, beta):
    # alpha1 = W1(Xv_in)[v], softmax grouped by hyperedge e
    alpha1 = Xv_in @ W1 + b1            # (N, 1)
    alpha1 = alpha1[v]                  # (NNZ, 1) gather
    alpha1 = _seg_softmax(alpha1, e, M)
    Xve = Xv_in[v] * alpha1             # (NNZ, D)
    Xe = jax.ops.segment_sum(Xve, e, num_segments=M)  # (M, D) scatter-add
    Xe = _layer_norm(Xe, gamma, beta)
    Xev = Xe[e]                         # (NNZ, D) gather
    alpha2 = jnp.concatenate((Xev, Xve), axis=1) @ W2 + b2  # (NNZ, 1)
    alpha2 = _seg_softmax(alpha2, v, N)
    Xev = Xev * alpha2
    Xv = jax.ops.segment_sum(Xev, v, num_segments=N)  # (N, D) scatter-add
    # dropout in eval mode = identity
    return Xv + Xv_in

if __name__ == "__main__":
    import jax
    _d = setup_inputs()
    print(jax.jit(kernel)(*tuple(_d.values())))

</pallas_src>

<mosaic_0001>
#map = affine_map<(d0, d1) -> (0, 0)>
#map1 = affine_map<(d0, d1) -> (0, 0, 0)>
#map2 = affine_map<(d0, d1) -> (0)>
module attributes {stable_mosaic.version = 14 : i64} {
  func.func @k(%arg0: i32, %arg1: i32, %arg2: memref<320000x128xf32, #tpu.memory_space<hbm>>, %arg3: memref<32x125x80xi32, #tpu.memory_space<hbm>>, %arg4: memref<512xi32, #tpu.memory_space<hbm>>, %arg5: memref<2x10240x128xf32, #tpu.memory_space<hbm>>, %arg6: memref<125x80xi32, #tpu.memory_space<vmem>>, %arg7: memref<16xi32, #tpu.memory_space<vmem>>, %arg8: memref<80x128xf32, #tpu.memory_space<vmem>>, %arg9: memref<40x128xf32, #tpu.memory_space<vmem>>, %arg10: memref<10240x128xf32, #tpu.memory_space<vmem_shared>>) attributes {dimension_semantics = [#tpu.dimension_semantics<core_parallel>, #tpu.dimension_semantics<subcore_parallel>], iteration_bounds = array<i64: 2, 16>, scalar_prefetch = 0 : i64, scratch_operands = 5 : i64, tpu.core_type = #tpu.core_type<sc_vector_subcore>, window_params = [{transform_indices = #map}, {transform_indices = #map1}, {transform_indices = #map2}, {transform_indices = #map1}]} {
    %mul3A = arith.constant 2 : i32
    %mul3A_0 = arith.muli %arg1, %mul3A : i32
    %add3A = arith.addi %mul3A_0, %arg0 : i32
    %mul3A_1 = arith.constant 10000 : i32
    %mul3A_2 = arith.muli %add3A, %mul3A_1 : i32
    %mul3A_3 = arith.constant 640 : i32
    %mul3A_4 = arith.muli %arg1, %mul3A_3 : i32
    %scan3A = arith.constant 0 : i32
    %scan3A_5 = arith.constant 0 : i32
    %scan3A_6 = arith.constant 40 : i32
    %scan3A_7 = arith.addi %scan3A_5, %scan3A_6 : i32
    %scan3A_8 = arith.constant 1 : i32
    scf.for %scan3A_37 = %scan3A_5 to %scan3A_7 step %scan3A_8  : i32 {
      %scan3A_38 = arith.constant 0 : i32
      %scan3A_39 = arith.constant 0 : i32
      %scan3A_40 = arith.constant 8 : i32
      %scan3A_41 = arith.addi %scan3A_39, %scan3A_40 : i32
      %scan3A_42 = arith.constant 1 : i32
      scf.for %scan3A_44 = %scan3A_39 to %scan3A_41 step %scan3A_42  : i32 {
        %broadcast_in_dim3A = arith.constant 0.000000e+00 : f32
        %broadcast_in_dim3A_45 = vector.broadcast %broadcast_in_dim3A : f32 to vector<16xf32>
        %mul3A_46 = arith.constant 16 : i32
        %mul3A_47 = arith.muli %scan3A_44, %mul3A_46 : i32
        %swap3A = arith.index_cast %scan3A_37 : i32 to index
        %swap3A_48 = arith.index_cast %mul3A_47 : i32 to index
        %swap3A_49 = tpu.vector_load %arg9[%swap3A, %swap3A_48] {strides = array<i32>} : memref<40x128xf32, #tpu.memory_space<vmem>>, vector<1x16xf32>,
        %swap3A_50 = vector.shape_cast %swap3A_49 : vector<1x16xf32> to vector<16xf32>
        %swap3A_51 = vector.shape_cast %broadcast_in_dim3A_45 : vector<16xf32> to vector<1x16xf32>
        tpu.vector_store %arg9[%swap3A, %swap3A_48], %swap3A_51 {strides = array<i32>} : memref<40x128xf32, #tpu.memory_space<vmem>>, vector<1x16xf32>,
      }
      %scan3A_43 = arith.constant 8 : i32
    }
    %scan3A_9 = arith.constant 40 : i32
    %scan3A_10 = arith.constant 0 : i32
    %scan3A_11 = arith.constant 0 : i32
    %scan3A_12 = arith.constant 16 : i32
    %scan3A_13 = arith.addi %scan3A_11, %scan3A_12 : i32
    %scan3A_14 = arith.constant 1 : i32
    scf.for %scan3A_37 = %scan3A_11 to %scan3A_13 step %scan3A_14  : i32 {
      %mul3A_38 = arith.constant 40 : i32
      %mul3A_39 = arith.muli %scan3A_37, %mul3A_38 : i32
      %add3A_40 = arith.addi %mul3A_4, %mul3A_39 : i32
      "tpu.region"() ({
        %run_scoped3A = tpu.sem_alloc : memref<!tpu.dma_semaphore, #tpu.memory_space<semaphore_mem>>
        %dma_start3A = arith.constant 0 : i32
        %dma_start3A_41 = tpu.memref_slice %arg10[%add3A_40, %dma_start3A] : memref<10240x128xf32, #tpu.memory_space<vmem_shared>> -> memref<40x128xf32, #tpu.memory_space<vmem_shared>>
        %dma_start3A_42 = arith.constant 0 : i32
        %dma_start3A_43 = tpu.memref_slice %arg10[%add3A_40, %dma_start3A_42] : memref<10240x128xf32, #tpu.memory_space<vmem_shared>> -> memref<40x128xf32, #tpu.memory_space<vmem_shared>>
        tpu.enqueue_dma source(%arg9 : memref<40x128xf32, #tpu.memory_space<vmem>>) target(%dma_start3A_43 : memref<40x128xf32, #tpu.memory_space<vmem_shared>>) target_semaphore(%run_scoped3A : memref<!tpu.dma_semaphore, #tpu.memory_space<semaphore_mem>>)
        %dma_wait3A = arith.constant 0 : i32
        %dma_wait3A_44 = tpu.memref_slice %arg10[%add3A_40, %dma_wait3A] : memref<10240x128xf32, #tpu.memory_space<vmem_shared>> -> memref<40x128xf32, #tpu.memory_space<vmem_shared>>
        %dma_wait3A_45 = arith.constant 0 : i32
        %dma_wait3A_46 = tpu.memref_slice %arg10[%add3A_40, %dma_wait3A_45] : memref<10240x128xf32, #tpu.memory_space<vmem_shared>> -> memref<40x128xf32, #tpu.memory_space<vmem_shared>>
        tpu.wait_dma2 semaphore(%run_scoped3A : memref<!tpu.dma_semaphore, #tpu.memory_space<semaphore_mem>>) src(%arg9 : memref<40x128xf32, #tpu.memory_space<vmem>>) dst(%dma_wait3A_46 : memref<40x128xf32, #tpu.memory_space<vmem_shared>>)
        tpu.yield
      }) : () -> ()
    }
    %scan3A_15 = arith.constant 16 : i32
    %barrier3A = arith.constant 0 : index
    tpu.barrier barrier_id(%barrier3A)
    "tpu.region"() ({
      %run_scoped3A = tpu.sem_alloc : memref<!tpu.dma_semaphore, #tpu.memory_space<semaphore_mem>>
      %dma_start3A = arith.constant 0 : i32
      %dma_start3A_37 = arith.constant 0 : i32
      %dma_start3A_38 = tpu.memref_slice %arg3[%add3A, %dma_start3A, %dma_start3A_37] : memref<32x125x80xi32, #tpu.memory_space<hbm>> -> memref<1x125x80xi32, #tpu.memory_space<hbm>>
      %dma_start3A_39 = tpu.memref_squeeze %dma_start3A_38 : memref<1x125x80xi32, #tpu.memory_space<hbm>> -> memref<125x80xi32, #tpu.memory_space<hbm>>
      %dma_start3A_40 = arith.constant 0 : i32
      %dma_start3A_41 = arith.constant 0 : i32
      %dma_start3A_42 = tpu.memref_slice %arg3[%add3A, %dma_start3A_40, %dma_start3A_41] : memref<32x125x80xi32, #tpu.memory_space<hbm>> -> memref<1x125x80xi32, #tpu.memory_space<hbm>>
      %dma_start3A_43 = tpu.memref_squeeze %dma_start3A_42 : memref<1x125x80xi32, #tpu.memory_space<hbm>> -> memref<125x80xi32, #tpu.memory_space<hbm>>
      tpu.enqueue_dma source(%dma_start3A_43 : memref<125x80xi32, #tpu.memory_space<hbm>>) target(%arg6 : memref<125x80xi32, #tpu.memory_space<vmem>>) target_semaphore(%run_scoped3A : memref<!tpu.dma_semaphore, #tpu.memory_space<semaphore_mem>>)
      %dma_wait3A = arith.constant 0 : i32
      %dma_wait3A_44 = arith.constant 0 : i32
      %dma_wait3A_45 = tpu.memref_slice %arg3[%add3A, %dma_wait3A, %dma_wait3A_44] : memref<32x125x80xi32, #tpu.memory_space<hbm>> -> memref<1x125x80xi32, #tpu.memory_space<hbm>>
      %dma_wait3A_46 = tpu.memref_squeeze %dma_wait3A_45 : memref<1x125x80xi32, #tpu.memory_space<hbm>> -> memref<125x80xi32, #tpu.memory_space<hbm>>
      %dma_wait3A_47 = arith.constant 0 : i32
      %dma_wait3A_48 = arith.constant 0 : i32
      %dma_wait3A_49 = tpu.memref_slice %arg3[%add3A, %dma_wait3A_47, %dma_wait3A_48] : memref<32x125x80xi32, #tpu.memory_space<hbm>> -> memref<1x125x80xi32, #tpu.memory_space<hbm>>
      %dma_wait3A_50 = tpu.memref_squeeze %dma_wait3A_49 : memref<1x125x80xi32, #tpu.memory_space<hbm>> -> memref<125x80xi32, #tpu.memory_space<hbm>>
      tpu.wait_dma2 semaphore(%run_scoped3A : memref<!tpu.dma_semaphore, #tpu.memory_space<semaphore_mem>>) src(%dma_wait3A_50 : memref<125x80xi32, #tpu.memory_space<hbm>>) dst(%arg6 : memref<125x80xi32, #tpu.memory_space<vmem>>)
      tpu.yield
    }) : () -> ()
    %mul3A_16 = arith.constant 16 : i32
    %mul3A_17 = arith.muli %add3A, %mul3A_16 : i32
    "tpu.region"() ({
      %run_scoped3A = tpu.sem_alloc : memref<!tpu.dma_semaphore, #tpu.memory_space<semaphore_mem>>
      %dma_start3A = tpu.memref_slice %arg4[%mul3A_17] : memref<512xi32, #tpu.memory_space<hbm>> -> memref<16xi32, #tpu.memory_space<hbm>>
      %dma_start3A_37 = tpu.memref_slice %arg4[%mul3A_17] : memref<512xi32, #tpu.memory_space<hbm>> -> memref<16xi32, #tpu.memory_space<hbm>>
      tpu.enqueue_dma source(%dma_start3A_37 : memref<16xi32, #tpu.memory_space<hbm>>) target(%arg7 : memref<16xi32, #tpu.memory_space<vmem>>) target_semaphore(%run_scoped3A : memref<!tpu.dma_semaphore, #tpu.memory_space<semaphore_mem>>)
      %dma_wait3A = tpu.memref_slice %arg4[%mul3A_17] : memref<512xi32, #tpu.memory_space<hbm>> -> memref<16xi32, #tpu.memory_space<hbm>>
      %dma_wait3A_38 = tpu.memref_slice %arg4[%mul3A_17] : memref<512xi32, #tpu.memory_space<hbm>> -> memref<16xi32, #tpu.memory_space<hbm>>
      tpu.wait_dma2 semaphore(%run_scoped3A : memref<!tpu.dma_semaphore, #tpu.memory_space<semaphore_mem>>) src(%dma_wait3A_38 : memref<16xi32, #tpu.memory_space<hbm>>) dst(%arg7 : memref<16xi32, #tpu.memory_space<vmem>>)
      tpu.yield
    }) : () -> ()
    %get3A = arith.constant 0 : index
    %get3A_18 = tpu.vector_load %arg7[%get3A] {strides = array<i32>} : memref<16xi32, #tpu.memory_space<vmem>>, vector<16xi32>,
    %get3A_19 = vector.shape_cast %get3A_18 : vector<16xi32> to vector<16xi32>
    %slice3A = vector.extract_strided_slice %get3A_19 {offsets = [0], sizes = [1], strides = [1]} : vector<16xi32> to vector<1xi32>
    %squeeze3A = vector.extract %slice3A[0] : i32 from vector<1xi32>
    %slice3A_20 = vector.extract_strided_slice %get3A_19 {offsets = [1], sizes = [1], strides = [1]} : vector<16xi32> to vector<1xi32>
    %squeeze3A_21 = vector.extract %slice3A_20[0] : i32 from vector<1xi32>
    %while3A = arith.constant 0 : i32
    %while3A_22 = arith.subi %squeeze3A_21, %squeeze3A : i32
    %while3A_23 = arith.addi %squeeze3A, %while3A_22 : i32
    %while3A_24 = arith.constant 1 : i32
    %while3A_25 = arith.divsi %while3A_22, %while3A_24 : i32
    %while3A_26 = arith.muli %while3A_25, %while3A_24 : i32
    %while3A_27 = arith.addi %squeeze3A, %while3A_26 : i32
    %while3A_28 = arith.constant 1 : i32
    scf.for %while3A_37 = %squeeze3A to %while3A_27 step %while3A_28  : i32 {
      %mul3A_38 = arith.constant 80 : i32
      %mul3A_39 = arith.muli %while3A_37, %mul3A_38 : i32
      %add3A_40 = arith.addi %mul3A_2, %mul3A_39 : i32
      "tpu.region"() ({
        %run_scoped3A = tpu.sem_alloc : memref<!tpu.dma_semaphore, #tpu.memory_space<semaphore_mem>>
        %dma_start3A = arith.constant 0 : i32
        %dma_start3A_41 = tpu.memref_slice %arg2[%add3A_40, %dma_start3A] : memref<320000x128xf32, #tpu.memory_space<hbm>> -> memref<80x128xf32, #tpu.memory_space<hbm>>
        %dma_start3A_42 = arith.constant 0 : i32
        %dma_start3A_43 = tpu.memref_slice %arg2[%add3A_40, %dma_start3A_42] : memref<320000x128xf32, #tpu.memory_space<hbm>> -> memref<80x128xf32, #tpu.memory_space<hbm>>
        tpu.enqueue_dma source(%dma_start3A_43 : memref<80x128xf32, #tpu.memory_space<hbm>>) target(%arg8 : memref<80x128xf32, #tpu.memory_space<vmem>>) target_semaphore(%run_scoped3A : memref<!tpu.dma_semaphore, #tpu.memory_space<semaphore_mem>>)
        %dma_wait3A = arith.constant 0 : i32
        %dma_wait3A_44 = tpu.memref_slice %arg2[%add3A_40, %dma_wait3A] : memref<320000x128xf32, #tpu.memory_space<hbm>> -> memref<80x128xf32, #tpu.memory_space<hbm>>
        %dma_wait3A_45 = arith.constant 0 : i32
        %dma_wait3A_46 = tpu.memref_slice %arg2[%add3A_40, %dma_wait3A_45] : memref<320000x128xf32, #tpu.memory_space<hbm>> -> memref<80x128xf32, #tpu.memory_space<hbm>>
        tpu.wait_dma2 semaphore(%run_scoped3A : memref<!tpu.dma_semaphore, #tpu.memory_space<semaphore_mem>>) src(%dma_wait3A_46 : memref<80x128xf32, #tpu.memory_space<hbm>>) dst(%arg8 : memref<80x128xf32, #tpu.memory_space<vmem>>)
        tpu.yield
      }) : () -> ()
      "tpu.region"() ({
        %run_scoped3A = tpu.sem_alloc : memref<!tpu.dma_semaphore, #tpu.memory_space<semaphore_mem>>
        %dma_start3A = arith.constant 0 : i32
        %dma_start3A_41 = tpu.memref_slice %arg6[%while3A_37, %dma_start3A] : memref<125x80xi32, #tpu.memory_space<vmem>> -> memref<1x80xi32, #tpu.memory_space<vmem>>
        %dma_start3A_42 = tpu.memref_squeeze %dma_start3A_41 : memref<1x80xi32, #tpu.memory_space<vmem>> -> memref<80xi32, #tpu.memory_space<vmem>>
        %dma_start3A_43 = arith.constant 0 : i32
        %dma_start3A_44 = arith.constant 0 : i32
        %dma_start3A_45 = tpu.memref_slice %arg10[%dma_start3A_43, %dma_start3A_44] : memref<10240x128xf32, #tpu.memory_space<vmem_shared>> -> memref<10240x128xf32, #tpu.memory_space<vmem_shared>>
        tpu.enqueue_indirect_dma source(%arg8 : memref<80x128xf32, #tpu.memory_space<vmem>>) target(%dma_start3A_45 : memref<10240x128xf32, #tpu.memory_space<vmem_shared>>) offsets(%dma_start3A_42 : memref<80xi32, #tpu.memory_space<vmem>>) semaphore(%run_scoped3A : memref<!tpu.dma_semaphore, #tpu.memory_space<semaphore_mem>>) {add = true}
        %dma_wait3A = arith.constant 0 : i32
        %dma_wait3A_46 = tpu.memref_slice %arg6[%while3A_37, %dma_wait3A] : memref<125x80xi32, #tpu.memory_space<vmem>> -> memref<1x80xi32, #tpu.memory_space<vmem>>
        %dma_wait3A_47 = tpu.memref_squeeze %dma_wait3A_46 : memref<1x80xi32, #tpu.memory_space<vmem>> -> memref<80xi32, #tpu.memory_space<vmem>>
        %dma_wait3A_48 = arith.constant 0 : i32
        %dma_wait3A_49 = arith.constant 0 : i32
        %dma_wait3A_50 = tpu.memref_slice %arg10[%dma_wait3A_48, %dma_wait3A_49] : memref<10240x128xf32, #tpu.memory_space<vmem_shared>> -> memref<10240x128xf32, #tpu.memory_space<vmem_shared>>
        tpu.wait_indirect_dma semaphore(%run_scoped3A : memref<!tpu.dma_semaphore, #tpu.memory_space<semaphore_mem>>) src(%arg8 : memref<80x128xf32, #tpu.memory_space<vmem>>) dst(%dma_wait3A_50 : memref<10240x128xf32, #tpu.memory_space<vmem_shared>>)
        tpu.yield
      }) : () -> ()
    }
    %while3A_29 = arith.constant 1 : i32
    scf.for %while3A_37 = %while3A_27 to %while3A_23 step %while3A_29  : i32 {
      %mul3A_38 = arith.constant 80 : i32
      %mul3A_39 = arith.muli %while3A_37, %mul3A_38 : i32
      %add3A_40 = arith.addi %mul3A_2, %mul3A_39 : i32
      "tpu.region"() ({
        %run_scoped3A = tpu.sem_alloc : memref<!tpu.dma_semaphore, #tpu.memory_space<semaphore_mem>>
        %dma_start3A = arith.constant 0 : i32
        %dma_start3A_41 = tpu.memref_slice %arg2[%add3A_40, %dma_start3A] : memref<320000x128xf32, #tpu.memory_space<hbm>> -> memref<80x128xf32, #tpu.memory_space<hbm>>
        %dma_start3A_42 = arith.constant 0 : i32
        %dma_start3A_43 = tpu.memref_slice %arg2[%add3A_40, %dma_start3A_42] : memref<320000x128xf32, #tpu.memory_space<hbm>> -> memref<80x128xf32, #tpu.memory_space<hbm>>
        tpu.enqueue_dma source(%dma_start3A_43 : memref<80x128xf32, #tpu.memory_space<hbm>>) target(%arg8 : memref<80x128xf32, #tpu.memory_space<vmem>>) target_semaphore(%run_scoped3A : memref<!tpu.dma_semaphore, #tpu.memory_space<semaphore_mem>>)
        %dma_wait3A = arith.constant 0 : i32
        %dma_wait3A_44 = tpu.memref_slice %arg2[%add3A_40, %dma_wait3A] : memref<320000x128xf32, #tpu.memory_space<hbm>> -> memref<80x128xf32, #tpu.memory_space<hbm>>
        %dma_wait3A_45 = arith.constant 0 : i32
        %dma_wait3A_46 = tpu.memref_slice %arg2[%add3A_40, %dma_wait3A_45] : memref<320000x128xf32, #tpu.memory_space<hbm>> -> memref<80x128xf32, #tpu.memory_space<hbm>>
        tpu.wait_dma2 semaphore(%run_scoped3A : memref<!tpu.dma_semaphore, #tpu.memory_space<semaphore_mem>>) src(%dma_wait3A_46 : memref<80x128xf32, #tpu.memory_space<hbm>>) dst(%arg8 : memref<80x128xf32, #tpu.memory_space<vmem>>)
        tpu.yield
      }) : () -> ()
      "tpu.region"() ({
        %run_scoped3A = tpu.sem_alloc : memref<!tpu.dma_semaphore, #tpu.memory_space<semaphore_mem>>
        %dma_start3A = arith.constant 0 : i32
        %dma_start3A_41 = tpu.memref_slice %arg6[%while3A_37, %dma_start3A] : memref<125x80xi32, #tpu.memory_space<vmem>> -> memref<1x80xi32, #tpu.memory_space<vmem>>
        %dma_start3A_42 = tpu.memref_squeeze %dma_start3A_41 : memref<1x80xi32, #tpu.memory_space<vmem>> -> memref<80xi32, #tpu.memory_space<vmem>>
        %dma_start3A_43 = arith.constant 0 : i32
        %dma_start3A_44 = arith.constant 0 : i32
        %dma_start3A_45 = tpu.memref_slice %arg10[%dma_start3A_43, %dma_start3A_44] : memref<10240x128xf32, #tpu.memory_space<vmem_shared>> -> memref<10240x128xf32, #tpu.memory_space<vmem_shared>>
        tpu.enqueue_indirect_dma source(%arg8 : memref<80x128xf32, #tpu.memory_space<vmem>>) target(%dma_start3A_45 : memref<10240x128xf32, #tpu.memory_space<vmem_shared>>) offsets(%dma_start3A_42 : memref<80xi32, #tpu.memory_space<vmem>>) semaphore(%run_scoped3A : memref<!tpu.dma_semaphore, #tpu.memory_space<semaphore_mem>>) {add = true}
        %dma_wait3A = arith.constant 0 : i32
        %dma_wait3A_46 = tpu.memref_slice %arg6[%while3A_37, %dma_wait3A] : memref<125x80xi32, #tpu.memory_space<vmem>> -> memref<1x80xi32, #tpu.memory_space<vmem>>
        %dma_wait3A_47 = tpu.memref_squeeze %dma_wait3A_46 : memref<1x80xi32, #tpu.memory_space<vmem>> -> memref<80xi32, #tpu.memory_space<vmem>>
        %dma_wait3A_48 = arith.constant 0 : i32
        %dma_wait3A_49 = arith.constant 0 : i32
        %dma_wait3A_50 = tpu.memref_slice %arg10[%dma_wait3A_48, %dma_wait3A_49] : memref<10240x128xf32, #tpu.memory_space<vmem_shared>> -> memref<10240x128xf32, #tpu.memory_space<vmem_shared>>
        tpu.wait_indirect_dma semaphore(%run_scoped3A : memref<!tpu.dma_semaphore, #tpu.memory_space<semaphore_mem>>) src(%arg8 : memref<80x128xf32, #tpu.memory_space<vmem>>) dst(%dma_wait3A_50 : memref<10240x128xf32, #tpu.memory_space<vmem_shared>>)
        tpu.yield
      }) : () -> ()
    }
    %barrier3A_30 = arith.constant 0 : index
    tpu.barrier barrier_id(%barrier3A_30)
    %scan3A_31 = arith.constant 0 : i32
    %scan3A_32 = arith.constant 0 : i32
    %scan3A_33 = arith.constant 16 : i32
    %scan3A_34 = arith.addi %scan3A_32, %scan3A_33 : i32
    %scan3A_35 = arith.constant 1 : i32
    scf.for %scan3A_37 = %scan3A_32 to %scan3A_34 step %scan3A_35  : i32 {
      %mul3A_38 = arith.constant 40 : i32
      %mul3A_39 = arith.muli %scan3A_37, %mul3A_38 : i32
      %add3A_40 = arith.addi %mul3A_4, %mul3A_39 : i32
      "tpu.region"() ({
        %run_scoped3A = tpu.sem_alloc : memref<!tpu.dma_semaphore, #tpu.memory_space<semaphore_mem>>
        %dma_start3A = arith.constant 0 : i32
        %dma_start3A_44 = tpu.memref_slice %arg10[%add3A_40, %dma_start3A] : memref<10240x128xf32, #tpu.memory_space<vmem_shared>> -> memref<40x128xf32, #tpu.memory_space<vmem_shared>>
        %dma_start3A_45 = arith.constant 0 : i32
        %dma_start3A_46 = tpu.memref_slice %arg10[%add3A_40, %dma_start3A_45] : memref<10240x128xf32, #tpu.memory_space<vmem_shared>> -> memref<40x128xf32, #tpu.memory_space<vmem_shared>>
        tpu.enqueue_dma source(%dma_start3A_46 : memref<40x128xf32, #tpu.memory_space<vmem_shared>>) target(%arg9 : memref<40x128xf32, #tpu.memory_space<vmem>>) target_semaphore(%run_scoped3A : memref<!tpu.dma_semaphore, #tpu.memory_space<semaphore_mem>>)
        %dma_wait3A = arith.constant 0 : i32
        %dma_wait3A_47 = tpu.memref_slice %arg10[%add3A_40, %dma_wait3A] : memref<10240x128xf32, #tpu.memory_space<vmem_shared>> -> memref<40x128xf32, #tpu.memory_space<vmem_shared>>
        %dma_wait3A_48 = arith.constant 0 : i32
        %dma_wait3A_49 = tpu.memref_slice %arg10[%add3A_40, %dma_wait3A_48] : memref<10240x128xf32, #tpu.memory_space<vmem_shared>> -> memref<40x128xf32, #tpu.memory_space<vmem_shared>>
        tpu.wait_dma2 semaphore(%run_scoped3A : memref<!tpu.dma_semaphore, #tpu.memory_space<semaphore_mem>>) src(%dma_wait3A_49 : memref<40x128xf32, #tpu.memory_space<vmem_shared>>) dst(%arg9 : memref<40x128xf32, #tpu.memory_space<vmem>>)
        tpu.yield
      }) : () -> ()
      %mul3A_41 = arith.constant 40 : i32
      %mul3A_42 = arith.muli %scan3A_37, %mul3A_41 : i32
      %add3A_43 = arith.addi %mul3A_4, %mul3A_42 : i32
      "tpu.region"() ({
        %run_scoped3A = tpu.sem_alloc : memref<!tpu.dma_semaphore, #tpu.memory_space<semaphore_mem>>
        %dma_start3A = arith.constant 0 : i32
        %dma_start3A_44 = tpu.memref_slice %arg5[%arg0, %add3A_43, %dma_start3A] : memref<2x10240x128xf32, #tpu.memory_space<hbm>> -> memref<1x40x128xf32, #tpu.memory_space<hbm>>
        %dma_start3A_45 = tpu.memref_squeeze %dma_start3A_44 : memref<1x40x128xf32, #tpu.memory_space<hbm>> -> memref<40x128xf32, #tpu.memory_space<hbm>>
        %dma_start3A_46 = arith.constant 0 : i32
        %dma_start3A_47 = tpu.memref_slice %arg5[%arg0, %add3A_43, %dma_start3A_46] : memref<2x10240x128xf32, #tpu.memory_space<hbm>> -> memref<1x40x128xf32, #tpu.memory_space<hbm>>
        %dma_start3A_48 = tpu.memref_squeeze %dma_start3A_47 : memref<1x40x128xf32, #tpu.memory_space<hbm>> -> memref<40x128xf32, #tpu.memory_space<hbm>>
        tpu.enqueue_dma source(%arg9 : memref<40x128xf32, #tpu.memory_space<vmem>>) target(%dma_start3A_48 : memref<40x128xf32, #tpu.memory_space<hbm>>) target_semaphore(%run_scoped3A : memref<!tpu.dma_semaphore, #tpu.memory_space<semaphore_mem>>)
        %dma_wait3A = arith.constant 0 : i32
        %dma_wait3A_49 = tpu.memref_slice %arg5[%arg0, %add3A_43, %dma_wait3A] : memref<2x10240x128xf32, #tpu.memory_space<hbm>> -> memref<1x40x128xf32, #tpu.memory_space<hbm>>
        %dma_wait3A_50 = tpu.memref_squeeze %dma_wait3A_49 : memref<1x40x128xf32, #tpu.memory_space<hbm>> -> memref<40x128xf32, #tpu.memory_space<hbm>>
        %dma_wait3A_51 = arith.constant 0 : i32
        %dma_wait3A_52 = tpu.memref_slice %arg5[%arg0, %add3A_43, %dma_wait3A_51] : memref<2x10240x128xf32, #tpu.memory_space<hbm>> -> memref<1x40x128xf32, #tpu.memory_space<hbm>>
        %dma_wait3A_53 = tpu.memref_squeeze %dma_wait3A_52 : memref<1x40x128xf32, #tpu.memory_space<hbm>> -> memref<40x128xf32, #tpu.memory_space<hbm>>
        tpu.wait_dma2 semaphore(%run_scoped3A : memref<!tpu.dma_semaphore, #tpu.memory_space<semaphore_mem>>) src(%arg9 : memref<40x128xf32, #tpu.memory_space<vmem>>) dst(%dma_wait3A_53 : memref<40x128xf32, #tpu.memory_space<hbm>>)
        tpu.yield
      }) : () -> ()
    }
    %scan3A_36 = arith.constant 16 : i32
    return
  }
}

#map = affine_map<(d0, d1) -> (0, 0)>
#map1 = affine_map<(d0, d1) -> (0, 0, 0)>
#map2 = affine_map<(d0, d1) -> (0)>
module attributes {stable_mosaic.version = 14 : i64} {
  func.func @k(%arg0: i32, %arg1: i32, %arg2: memref<320000x128xf32, #tpu.memory_space<hbm>>, %arg3: memref<32x125x80xi32, #tpu.memory_space<hbm>>, %arg4: memref<512xi32, #tpu.memory_space<hbm>>, %arg5: memref<2x10240x128xf32, #tpu.memory_space<hbm>>, %arg6: memref<125x80xi32, #tpu.memory_space<vmem>>, %arg7: memref<16xi32, #tpu.memory_space<vmem>>, %arg8: memref<80x128xf32, #tpu.memory_space<vmem>>, %arg9: memref<40x128xf32, #tpu.memory_space<vmem>>, %arg10: memref<10240x128xf32, #tpu.memory_space<vmem_shared>>) attributes {dimension_semantics = [#tpu.dimension_semantics<core_parallel>, #tpu.dimension_semantics<subcore_parallel>], iteration_bounds = array<i64: 2, 16>, scalar_prefetch = 0 : i64, scratch_operands = 5 : i64, tpu.core_type = #tpu.core_type<sc_vector_subcore>, window_params = [{transform_indices = #map}, {transform_indices = #map1}, {transform_indices = #map2}, {transform_indices = #map1}]} {
    %mul3A = arith.constant 2 : i32
    %mul3A_0 = arith.muli %arg1, %mul3A : i32
    %add3A = arith.addi %mul3A_0, %arg0 : i32
    %mul3A_1 = arith.constant 10000 : i32
    %mul3A_2 = arith.muli %add3A, %mul3A_1 : i32
    %mul3A_3 = arith.constant 640 : i32
    %mul3A_4 = arith.muli %arg1, %mul3A_3 : i32
    %scan3A = arith.constant 0 : i32
    %scan3A_5 = arith.constant 0 : i32
    %scan3A_6 = arith.constant 40 : i32
    %scan3A_7 = arith.addi %scan3A_5, %scan3A_6 : i32
    %scan3A_8 = arith.constant 1 : i32
    scf.for %scan3A_37 = %scan3A_5 to %scan3A_7 step %scan3A_8  : i32 {
      %scan3A_38 = arith.constant 0 : i32
      %scan3A_39 = arith.constant 0 : i32
      %scan3A_40 = arith.constant 8 : i32
      %scan3A_41 = arith.addi %scan3A_39, %scan3A_40 : i32
      %scan3A_42 = arith.constant 1 : i32
      scf.for %scan3A_44 = %scan3A_39 to %scan3A_41 step %scan3A_42  : i32 {
        %broadcast_in_dim3A = arith.constant 0.000000e+00 : f32
        %broadcast_in_dim3A_45 = vector.broadcast %broadcast_in_dim3A : f32 to vector<16xf32>
        %mul3A_46 = arith.constant 16 : i32
        %mul3A_47 = arith.muli %scan3A_44, %mul3A_46 : i32
        %swap3A = arith.index_cast %scan3A_37 : i32 to index
        %swap3A_48 = arith.index_cast %mul3A_47 : i32 to index
        %swap3A_49 = tpu.vector_load %arg9[%swap3A, %swap3A_48] {strides = array<i32>} : memref<40x128xf32, #tpu.memory_space<vmem>>, vector<1x16xf32>,
        %swap3A_50 = vector.shape_cast %swap3A_49 : vector<1x16xf32> to vector<16xf32>
        %swap3A_51 = vector.shape_cast %broadcast_in_dim3A_45 : vector<16xf32> to vector<1x16xf32>
        tpu.vector_store %arg9[%swap3A, %swap3A_48], %swap3A_51 {strides = array<i32>} : memref<40x128xf32, #tpu.memory_space<vmem>>, vector<1x16xf32>,
      }
      %scan3A_43 = arith.constant 8 : i32
    }
    %scan3A_9 = arith.constant 40 : i32
    %scan3A_10 = arith.constant 0 : i32
    %scan3A_11 = arith.constant 0 : i32
    %scan3A_12 = arith.constant 16 : i32
    %scan3A_13 = arith.addi %scan3A_11, %scan3A_12 : i32
    %scan3A_14 = arith.constant 1 : i32
    scf.for %scan3A_37 = %scan3A_11 to %scan3A_13 step %scan3A_14  : i32 {
      %mul3A_38 = arith.constant 40 : i32
      %mul3A_39 = arith.muli %scan3A_37, %mul3A_38 : i32
      %add3A_40 = arith.addi %mul3A_4, %mul3A_39 : i32
      "tpu.region"() ({
        %run_scoped3A = tpu.sem_alloc : memref<!tpu.dma_semaphore, #tpu.memory_space<semaphore_mem>>
        %dma_start3A = arith.constant 0 : i32
        %dma_start3A_41 = tpu.memref_slice %arg10[%add3A_40, %dma_start3A] : memref<10240x128xf32, #tpu.memory_space<vmem_shared>> -> memref<40x128xf32, #tpu.memory_space<vmem_shared>>
        %dma_start3A_42 = arith.constant 0 : i32
        %dma_start3A_43 = tpu.memref_slice %arg10[%add3A_40, %dma_start3A_42] : memref<10240x128xf32, #tpu.memory_space<vmem_shared>> -> memref<40x128xf32, #tpu.memory_space<vmem_shared>>
        tpu.enqueue_dma source(%arg9 : memref<40x128xf32, #tpu.memory_space<vmem>>) target(%dma_start3A_43 : memref<40x128xf32, #tpu.memory_space<vmem_shared>>) target_semaphore(%run_scoped3A : memref<!tpu.dma_semaphore, #tpu.memory_space<semaphore_mem>>)
        %dma_wait3A = arith.constant 0 : i32
        %dma_wait3A_44 = tpu.memref_slice %arg10[%add3A_40, %dma_wait3A] : memref<10240x128xf32, #tpu.memory_space<vmem_shared>> -> memref<40x128xf32, #tpu.memory_space<vmem_shared>>
        %dma_wait3A_45 = arith.constant 0 : i32
        %dma_wait3A_46 = tpu.memref_slice %arg10[%add3A_40, %dma_wait3A_45] : memref<10240x128xf32, #tpu.memory_space<vmem_shared>> -> memref<40x128xf32, #tpu.memory_space<vmem_shared>>
        tpu.wait_dma2 semaphore(%run_scoped3A : memref<!tpu.dma_semaphore, #tpu.memory_space<semaphore_mem>>) src(%arg9 : memref<40x128xf32, #tpu.memory_space<vmem>>) dst(%dma_wait3A_46 : memref<40x128xf32, #tpu.memory_space<vmem_shared>>)
        tpu.yield
      }) : () -> ()
    }
    %scan3A_15 = arith.constant 16 : i32
    %barrier3A = arith.constant 0 : index
    tpu.barrier barrier_id(%barrier3A)
    "tpu.region"() ({
      %run_scoped3A = tpu.sem_alloc : memref<!tpu.dma_semaphore, #tpu.memory_space<semaphore_mem>>
      %dma_start3A = arith.constant 0 : i32
      %dma_start3A_37 = arith.constant 0 : i32
      %dma_start3A_38 = tpu.memref_slice %arg3[%add3A, %dma_start3A, %dma_start3A_37] : memref<32x125x80xi32, #tpu.memory_space<hbm>> -> memref<1x125x80xi32, #tpu.memory_space<hbm>>
      %dma_start3A_39 = tpu.memref_squeeze %dma_start3A_38 : memref<1x125x80xi32, #tpu.memory_space<hbm>> -> memref<125x80xi32, #tpu.memory_space<hbm>>
      %dma_start3A_40 = arith.constant 0 : i32
      %dma_start3A_41 = arith.constant 0 : i32
      %dma_start3A_42 = tpu.memref_slice %arg3[%add3A, %dma_start3A_40, %dma_start3A_41] : memref<32x125x80xi32, #tpu.memory_space<hbm>> -> memref<1x125x80xi32, #tpu.memory_space<hbm>>
      %dma_start3A_43 = tpu.memref_squeeze %dma_start3A_42 : memref<1x125x80xi32, #tpu.memory_space<hbm>> -> memref<125x80xi32, #tpu.memory_space<hbm>>
      tpu.enqueue_dma source(%dma_start3A_43 : memref<125x80xi32, #tpu.memory_space<hbm>>) target(%arg6 : memref<125x80xi32, #tpu.memory_space<vmem>>) target_semaphore(%run_scoped3A : memref<!tpu.dma_semaphore, #tpu.memory_space<semaphore_mem>>)
      %dma_wait3A = arith.constant 0 : i32
      %dma_wait3A_44 = arith.constant 0 : i32
      %dma_wait3A_45 = tpu.memref_slice %arg3[%add3A, %dma_wait3A, %dma_wait3A_44] : memref<32x125x80xi32, #tpu.memory_space<hbm>> -> memref<1x125x80xi32, #tpu.memory_space<hbm>>
      %dma_wait3A_46 = tpu.memref_squeeze %dma_wait3A_45 : memref<1x125x80xi32, #tpu.memory_space<hbm>> -> memref<125x80xi32, #tpu.memory_space<hbm>>
      %dma_wait3A_47 = arith.constant 0 : i32
      %dma_wait3A_48 = arith.constant 0 : i32
      %dma_wait3A_49 = tpu.memref_slice %arg3[%add3A, %dma_wait3A_47, %dma_wait3A_48] : memref<32x125x80xi32, #tpu.memory_space<hbm>> -> memref<1x125x80xi32, #tpu.memory_space<hbm>>
      %dma_wait3A_50 = tpu.memref_squeeze %dma_wait3A_49 : memref<1x125x80xi32, #tpu.memory_space<hbm>> -> memref<125x80xi32, #tpu.memory_space<hbm>>
      tpu.wait_dma2 semaphore(%run_scoped3A : memref<!tpu.dma_semaphore, #tpu.memory_space<semaphore_mem>>) src(%dma_wait3A_50 : memref<125x80xi32, #tpu.memory_space<hbm>>) dst(%arg6 : memref<125x80xi32, #tpu.memory_space<vmem>>)
      tpu.yield
    }) : () -> ()
    %mul3A_16 = arith.constant 16 : i32
    %mul3A_17 = arith.muli %add3A, %mul3A_16 : i32
    "tpu.region"() ({
      %run_scoped3A = tpu.sem_alloc : memref<!tpu.dma_semaphore, #tpu.memory_space<semaphore_mem>>
      %dma_start3A = tpu.memref_slice %arg4[%mul3A_17] : memref<512xi32, #tpu.memory_space<hbm>> -> memref<16xi32, #tpu.memory_space<hbm>>
      %dma_start3A_37 = tpu.memref_slice %arg4[%mul3A_17] : memref<512xi32, #tpu.memory_space<hbm>> -> memref<16xi32, #tpu.memory_space<hbm>>
      tpu.enqueue_dma source(%dma_start3A_37 : memref<16xi32, #tpu.memory_space<hbm>>) target(%arg7 : memref<16xi32, #tpu.memory_space<vmem>>) target_semaphore(%run_scoped3A : memref<!tpu.dma_semaphore, #tpu.memory_space<semaphore_mem>>)
      %dma_wait3A = tpu.memref_slice %arg4[%mul3A_17] : memref<512xi32, #tpu.memory_space<hbm>> -> memref<16xi32, #tpu.memory_space<hbm>>
      %dma_wait3A_38 = tpu.memref_slice %arg4[%mul3A_17] : memref<512xi32, #tpu.memory_space<hbm>> -> memref<16xi32, #tpu.memory_space<hbm>>
      tpu.wait_dma2 semaphore(%run_scoped3A : memref<!tpu.dma_semaphore, #tpu.memory_space<semaphore_mem>>) src(%dma_wait3A_38 : memref<16xi32, #tpu.memory_space<hbm>>) dst(%arg7 : memref<16xi32, #tpu.memory_space<vmem>>)
      tpu.yield
    }) : () -> ()
    %get3A = arith.constant 0 : index
    %get3A_18 = tpu.vector_load %arg7[%get3A] {strides = array<i32>} : memref<16xi32, #tpu.memory_space<vmem>>, vector<16xi32>,
    %get3A_19 = vector.shape_cast %get3A_18 : vector<16xi32> to vector<16xi32>
    %slice3A = vector.extract_strided_slice %get3A_19 {offsets = [0], sizes = [1], strides = [1]} : vector<16xi32> to vector<1xi32>
    %squeeze3A = vector.extract %slice3A[0] : i32 from vector<1xi32>
    %slice3A_20 = vector.extract_strided_slice %get3A_19 {offsets = [1], sizes = [1], strides = [1]} : vector<16xi32> to vector<1xi32>
    %squeeze3A_21 = vector.extract %slice3A_20[0] : i32 from vector<1xi32>
    %while3A = arith.constant 0 : i32
    %while3A_22 = arith.subi %squeeze3A_21, %squeeze3A : i32
    %while3A_23 = arith.addi %squeeze3A, %while3A_22 : i32
    %while3A_24 = arith.constant 1 : i32
    %while3A_25 = arith.divsi %while3A_22, %while3A_24 : i32
    %while3A_26 = arith.muli %while3A_25, %while3A_24 : i32
    %while3A_27 = arith.addi %squeeze3A, %while3A_26 : i32
    %while3A_28 = arith.constant 1 : i32
    scf.for %while3A_37 = %squeeze3A to %while3A_27 step %while3A_28  : i32 {
      %mul3A_38 = arith.constant 80 : i32
      %mul3A_39 = arith.muli %while3A_37, %mul3A_38 : i32
      %add3A_40 = arith.addi %mul3A_2, %mul3A_39 : i32
      "tpu.region"() ({
        %run_scoped3A = tpu.sem_alloc : memref<!tpu.dma_semaphore, #tpu.memory_space<semaphore_mem>>
        %dma_start3A = arith.constant 0 : i32
        %dma_start3A_41 = tpu.memref_slice %arg2[%add3A_40, %dma_start3A] : memref<320000x128xf32, #tpu.memory_space<hbm>> -> memref<80x128xf32, #tpu.memory_space<hbm>>
        %dma_start3A_42 = arith.constant 0 : i32
        %dma_start3A_43 = tpu.memref_slice %arg2[%add3A_40, %dma_start3A_42] : memref<320000x128xf32, #tpu.memory_space<hbm>> -> memref<80x128xf32, #tpu.memory_space<hbm>>
        tpu.enqueue_dma source(%dma_start3A_43 : memref<80x128xf32, #tpu.memory_space<hbm>>) target(%arg8 : memref<80x128xf32, #tpu.memory_space<vmem>>) target_semaphore(%run_scoped3A : memref<!tpu.dma_semaphore, #tpu.memory_space<semaphore_mem>>)
        %dma_wait3A = arith.constant 0 : i32
        %dma_wait3A_44 = tpu.memref_slice %arg2[%add3A_40, %dma_wait3A] : memref<320000x128xf32, #tpu.memory_space<hbm>> -> memref<80x128xf32, #tpu.memory_space<hbm>>
        %dma_wait3A_45 = arith.constant 0 : i32
        %dma_wait3A_46 = tpu.memref_slice %arg2[%add3A_40, %dma_wait3A_45] : memref<320000x128xf32, #tpu.memory_space<hbm>> -> memref<80x128xf32, #tpu.memory_space<hbm>>
        tpu.wait_dma2 semaphore(%run_scoped3A : memref<!tpu.dma_semaphore, #tpu.memory_space<semaphore_mem>>) src(%dma_wait3A_46 : memref<80x128xf32, #tpu.memory_space<hbm>>) dst(%arg8 : memref<80x128xf32, #tpu.memory_space<vmem>>)
        tpu.yield
      }) : () -> ()
      "tpu.region"() ({
        %run_scoped3A = tpu.sem_alloc : memref<!tpu.dma_semaphore, #tpu.memory_space<semaphore_mem>>
        %dma_start3A = arith.constant 0 : i32
        %dma_start3A_41 = tpu.memref_slice %arg6[%while3A_37, %dma_start3A] : memref<125x80xi32, #tpu.memory_space<vmem>> -> memref<1x80xi32, #tpu.memory_space<vmem>>
        %dma_start3A_42 = tpu.memref_squeeze %dma_start3A_41 : memref<1x80xi32, #tpu.memory_space<vmem>> -> memref<80xi32, #tpu.memory_space<vmem>>
        %dma_start3A_43 = arith.constant 0 : i32
        %dma_start3A_44 = arith.constant 0 : i32
        %dma_start3A_45 = tpu.memref_slice %arg10[%dma_start3A_43, %dma_start3A_44] : memref<10240x128xf32, #tpu.memory_space<vmem_shared>> -> memref<10240x128xf32, #tpu.memory_space<vmem_shared>>
        tpu.enqueue_indirect_dma source(%arg8 : memref<80x128xf32, #tpu.memory_space<vmem>>) target(%dma_start3A_45 : memref<10240x128xf32, #tpu.memory_space<vmem_shared>>) offsets(%dma_start3A_42 : memref<80xi32, #tpu.memory_space<vmem>>) semaphore(%run_scoped3A : memref<!tpu.dma_semaphore, #tpu.memory_space<semaphore_mem>>) {add = true}
        %dma_wait3A = arith.constant 0 : i32
        %dma_wait3A_46 = tpu.memref_slice %arg6[%while3A_37, %dma_wait3A] : memref<125x80xi32, #tpu.memory_space<vmem>> -> memref<1x80xi32, #tpu.memory_space<vmem>>
        %dma_wait3A_47 = tpu.memref_squeeze %dma_wait3A_46 : memref<1x80xi32, #tpu.memory_space<vmem>> -> memref<80xi32, #tpu.memory_space<vmem>>
        %dma_wait3A_48 = arith.constant 0 : i32
        %dma_wait3A_49 = arith.constant 0 : i32
        %dma_wait3A_50 = tpu.memref_slice %arg10[%dma_wait3A_48, %dma_wait3A_49] : memref<10240x128xf32, #tpu.memory_space<vmem_shared>> -> memref<10240x128xf32, #tpu.memory_space<vmem_shared>>
        tpu.wait_indirect_dma semaphore(%run_scoped3A : memref<!tpu.dma_semaphore, #tpu.memory_space<semaphore_mem>>) src(%arg8 : memref<80x128xf32, #tpu.memory_space<vmem>>) dst(%dma_wait3A_50 : memref<10240x128xf32, #tpu.memory_space<vmem_shared>>)
        tpu.yield
      }) : () -> ()
    }
    %while3A_29 = arith.constant 1 : i32
    scf.for %while3A_37 = %while3A_27 to %while3A_23 step %while3A_29  : i32 {
      %mul3A_38 = arith.constant 80 : i32
      %mul3A_39 = arith.muli %while3A_37, %mul3A_38 : i32
      %add3A_40 = arith.addi %mul3A_2, %mul3A_39 : i32
      "tpu.region"() ({
        %run_scoped3A = tpu.sem_alloc : memref<!tpu.dma_semaphore, #tpu.memory_space<semaphore_mem>>
        %dma_start3A = arith.constant 0 : i32
        %dma_start3A_41 = tpu.memref_slice %arg2[%add3A_40, %dma_start3A] : memref<320000x128xf32, #tpu.memory_space<hbm>> -> memref<80x128xf32, #tpu.memory_space<hbm>>
        %dma_start3A_42 = arith.constant 0 : i32
        %dma_start3A_43 = tpu.memref_slice %arg2[%add3A_40, %dma_start3A_42] : memref<320000x128xf32, #tpu.memory_space<hbm>> -> memref<80x128xf32, #tpu.memory_space<hbm>>
        tpu.enqueue_dma source(%dma_start3A_43 : memref<80x128xf32, #tpu.memory_space<hbm>>) target(%arg8 : memref<80x128xf32, #tpu.memory_space<vmem>>) target_semaphore(%run_scoped3A : memref<!tpu.dma_semaphore, #tpu.memory_space<semaphore_mem>>)
        %dma_wait3A = arith.constant 0 : i32
        %dma_wait3A_44 = tpu.memref_slice %arg2[%add3A_40, %dma_wait3A] : memref<320000x128xf32, #tpu.memory_space<hbm>> -> memref<80x128xf32, #tpu.memory_space<hbm>>
        %dma_wait3A_45 = arith.constant 0 : i32
        %dma_wait3A_46 = tpu.memref_slice %arg2[%add3A_40, %dma_wait3A_45] : memref<320000x128xf32, #tpu.memory_space<hbm>> -> memref<80x128xf32, #tpu.memory_space<hbm>>
        tpu.wait_dma2 semaphore(%run_scoped3A : memref<!tpu.dma_semaphore, #tpu.memory_space<semaphore_mem>>) src(%dma_wait3A_46 : memref<80x128xf32, #tpu.memory_space<hbm>>) dst(%arg8 : memref<80x128xf32, #tpu.memory_space<vmem>>)
        tpu.yield
      }) : () -> ()
      "tpu.region"() ({
        %run_scoped3A = tpu.sem_alloc : memref<!tpu.dma_semaphore, #tpu.memory_space<semaphore_mem>>
        %dma_start3A = arith.constant 0 : i32
        %dma_start3A_41 = tpu.memref_slice %arg6[%while3A_37, %dma_start3A] : memref<125x80xi32, #tpu.memory_space<vmem>> -> memref<1x80xi32, #tpu.memory_space<vmem>>
        %dma_start3A_42 = tpu.memref_squeeze %dma_start3A_41 : memref<1x80xi32, #tpu.memory_space<vmem>> -> memref<80xi32, #tpu.memory_space<vmem>>
        %dma_start3A_43 = arith.constant 0 : i32
        %dma_start3A_44 = arith.constant 0 : i32
        %dma_start3A_45 = tpu.memref_slice %arg10[%dma_start3A_43, %dma_start3A_44] : memref<10240x128xf32, #tpu.memory_space<vmem_shared>> -> memref<10240x128xf32, #tpu.memory_space<vmem_shared>>
        tpu.enqueue_indirect_dma source(%arg8 : memref<80x128xf32, #tpu.memory_space<vmem>>) target(%dma_start3A_45 : memref<10240x128xf32, #tpu.memory_space<vmem_shared>>) offsets(%dma_start3A_42 : memref<80xi32, #tpu.memory_space<vmem>>) semaphore(%run_scoped3A : memref<!tpu.dma_semaphore, #tpu.memory_space<semaphore_mem>>) {add = true}
        %dma_wait3A = arith.constant 0 : i32
        %dma_wait3A_46 = tpu.memref_slice %arg6[%while3A_37, %dma_wait3A] : memref<125x80xi32, #tpu.memory_space<vmem>> -> memref<1x80xi32, #tpu.memory_space<vmem>>
        %dma_wait3A_47 = tpu.memref_squeeze %dma_wait3A_46 : memref<1x80xi32, #tpu.memory_space<vmem>> -> memref<80xi32, #tpu.memory_space<vmem>>
        %dma_wait3A_48 = arith.constant 0 : i32
        %dma_wait3A_49 = arith.constant 0 : i32
        %dma_wait3A_50 = tpu.memref_slice %arg10[%dma_wait3A_48, %dma_wait3A_49] : memref<10240x128xf32, #tpu.memory_space<vmem_shared>> -> memref<10240x128xf32, #tpu.memory_space<vmem_shared>>
        tpu.wait_indirect_dma semaphore(%run_scoped3A : memref<!tpu.dma_semaphore, #tpu.memory_space<semaphore_mem>>) src(%arg8 : memref<80x128xf32, #tpu.memory_space<vmem>>) dst(%dma_wait3A_50 : memref<10240x128xf32, #tpu.memory_space<vmem_shared>>)
        tpu.yield
      }) : () -> ()
    }
    %barrier3A_30 = arith.constant 0 : index
    tpu.barrier barrier_id(%barrier3A_30)
    %scan3A_31 = arith.constant 0 : i32
    %scan3A_32 = arith.constant 0 : i32
    %scan3A_33 = arith.constant 16 : i32
    %scan3A_34 = arith.addi %scan3A_32, %scan3A_33 : i32
    %scan3A_35 = arith.constant 1 : i32
    scf.for %scan3A_37 = %scan3A_32 to %scan3A_34 step %scan3A_35  : i32 {
      %mul3A_38 = arith.constant 40 : i32
      %mul3A_39 = arith.muli %scan3A_37, %mul3A_38 : i32
      %add3A_40 = arith.addi %mul3A_4, %mul3A_39 : i32
      "tpu.region"() ({
        %run_scoped3A = tpu.sem_alloc : memref<!tpu.dma_semaphore, #tpu.memory_space<semaphore_mem>>
        %dma_start3A = arith.constant 0 : i32
        %dma_start3A_44 = tpu.memref_slice %arg10[%add3A_40, %dma_start3A] : memref<10240x128xf32, #tpu.memory_space<vmem_shared>> -> memref<40x128xf32, #tpu.memory_space<vmem_shared>>
        %dma_start3A_45 = arith.constant 0 : i32
        %dma_start3A_46 = tpu.memref_slice %arg10[%add3A_40, %dma_start3A_45] : memref<10240x128xf32, #tpu.memory_space<vmem_shared>> -> memref<40x128xf32, #tpu.memory_space<vmem_shared>>
        tpu.enqueue_dma source(%dma_start3A_46 : memref<40x128xf32, #tpu.memory_space<vmem_shared>>) target(%arg9 : memref<40x128xf32, #tpu.memory_space<vmem>>) target_semaphore(%run_scoped3A : memref<!tpu.dma_semaphore, #tpu.memory_space<semaphore_mem>>)
        %dma_wait3A = arith.constant 0 : i32
        %dma_wait3A_47 = tpu.memref_slice %arg10[%add3A_40, %dma_wait3A] : memref<10240x128xf32, #tpu.memory_space<vmem_shared>> -> memref<40x128xf32, #tpu.memory_space<vmem_shared>>
        %dma_wait3A_48 = arith.constant 0 : i32
        %dma_wait3A_49 = tpu.memref_slice %arg10[%add3A_40, %dma_wait3A_48] : memref<10240x128xf32, #tpu.memory_space<vmem_shared>> -> memref<40x128xf32, #tpu.memory_space<vmem_shared>>
        tpu.wait_dma2 semaphore(%run_scoped3A : memref<!tpu.dma_semaphore, #tpu.memory_space<semaphore_mem>>) src(%dma_wait3A_49 : memref<40x128xf32, #tpu.memory_space<vmem_shared>>) dst(%arg9 : memref<40x128xf32, #tpu.memory_space<vmem>>)
        tpu.yield
      }) : () -> ()
      %mul3A_41 = arith.constant 40 : i32
      %mul3A_42 = arith.muli %scan3A_37, %mul3A_41 : i32
      %add3A_43 = arith.addi %mul3A_4, %mul3A_42 : i32
      "tpu.region"() ({
        %run_scoped3A = tpu.sem_alloc : memref<!tpu.dma_semaphore, #tpu.memory_space<semaphore_mem>>
        %dma_start3A = arith.constant 0 : i32
        %dma_start3A_44 = tpu.memref_slice %arg5[%arg0, %add3A_43, %dma_start3A] : memref<2x10240x128xf32, #tpu.memory_space<hbm>> -> memref<1x40x128xf32, #tpu.memory_space<hbm>>
        %dma_start3A_45 = tpu.memref_squeeze %dma_start3A_44 : memref<1x40x128xf32, #tpu.memory_space<hbm>> -> memref<40x128xf32, #tpu.memory_space<hbm>>
        %dma_start3A_46 = arith.constant 0 : i32
        %dma_start3A_47 = tpu.memref_slice %arg5[%arg0, %add3A_43, %dma_start3A_46] : memref<2x10240x128xf32, #tpu.memory_space<hbm>> -> memref<1x40x128xf32, #tpu.memory_space<hbm>>
        %dma_start3A_48 = tpu.memref_squeeze %dma_start3A_47 : memref<1x40x128xf32, #tpu.memory_space<hbm>> -> memref<40x128xf32, #tpu.memory_space<hbm>>
        tpu.enqueue_dma source(%arg9 : memref<40x128xf32, #tpu.memory_space<vmem>>) target(%dma_start3A_48 : memref<40x128xf32, #tpu.memory_space<hbm>>) target_semaphore(%run_scoped3A : memref<!tpu.dma_semaphore, #tpu.memory_space<semaphore_mem>>)
        %dma_wait3A = arith.constant 0 : i32
        %dma_wait3A_49 = tpu.memref_slice %arg5[%arg0, %add3A_43, %dma_wait3A] : memref<2x10240x128xf32, #tpu.memory_space<hbm>> -> memref<1x40x128xf32, #tpu.memory_space<hbm>>
        %dma_wait3A_50 = tpu.memref_squeeze %dma_wait3A_49 : memref<1x40x128xf32, #tpu.memory_space<hbm>> -> memref<40x128xf32, #tpu.memory_space<hbm>>
        %dma_wait3A_51 = arith.constant 0 : i32
        %dma_wait3A_52 = tpu.memref_slice %arg5[%arg0, %add3A_43, %dma_wait3A_51] : memref<2x10240x128xf32, #tpu.memory_space<hbm>> -> memref<1x40x128xf32, #tpu.memory_space<hbm>>
        %dma_wait3A_53 = tpu.memref_squeeze %dma_wait3A_52 : memref<1x40x128xf32, #tpu.memory_space<hbm>> -> memref<40x128xf32, #tpu.memory_space<hbm>>
        tpu.wait_dma2 semaphore(%run_scoped3A : memref<!tpu.dma_semaphore, #tpu.memory_space<semaphore_mem>>) src(%arg9 : memref<40x128xf32, #tpu.memory_space<vmem>>) dst(%dma_wait3A_53 : memref<40x128xf32, #tpu.memory_space<hbm>>)
        tpu.yield
      }) : () -> ()
    }
    %scan3A_36 = arith.constant 16 : i32
    return
  }
}

#map = affine_map<(d0, d1) -> (0, 0)>
#map1 = affine_map<(d0, d1) -> (0)>
module attributes {stable_mosaic.version = 14 : i64} {
  func.func @k(%arg0: i32, %arg1: i32, %arg2: memref<10000x128xf32, #tpu.memory_space<hbm>>, %arg3: memref<320000xi32, #tpu.memory_space<hbm>>, %arg4: memref<320000x128xf32, #tpu.memory_space<hbm>>, %arg5: memref<10000xi32, #tpu.memory_space<vmem>>, %arg6: memref<80x128xf32, #tpu.memory_space<vmem>>, %arg7: memref<!tpu.dma_semaphore, #tpu.memory_space<semaphore_mem>>) attributes {dimension_semantics = [#tpu.dimension_semantics<core_parallel>, #tpu.dimension_semantics<subcore_parallel>], iteration_bounds = array<i64: 2, 16>, scalar_prefetch = 0 : i64, scratch_operands = 3 : i64, tpu.core_type = #tpu.core_type<sc_vector_subcore>, window_params = [{transform_indices = #map}, {transform_indices = #map1}, {transform_indices = #map}]} {
    %mul3A = arith.constant 2 : i32
    %mul3A_0 = arith.muli %arg1, %mul3A : i32
    %add3A = arith.addi %mul3A_0, %arg0 : i32
    %mul3A_1 = arith.constant 10000 : i32
    %mul3A_2 = arith.muli %add3A, %mul3A_1 : i32
    "tpu.region"() ({
      %run_scoped3A = tpu.sem_alloc : memref<!tpu.dma_semaphore, #tpu.memory_space<semaphore_mem>>
      %dma_start3A = tpu.memref_slice %arg3[%mul3A_2] : memref<320000xi32, #tpu.memory_space<hbm>> -> memref<10000xi32, #tpu.memory_space<hbm>>
      %dma_start3A_8 = tpu.memref_slice %arg3[%mul3A_2] : memref<320000xi32, #tpu.memory_space<hbm>> -> memref<10000xi32, #tpu.memory_space<hbm>>
      tpu.enqueue_dma source(%dma_start3A_8 : memref<10000xi32, #tpu.memory_space<hbm>>) target(%arg5 : memref<10000xi32, #tpu.memory_space<vmem>>) target_semaphore(%run_scoped3A : memref<!tpu.dma_semaphore, #tpu.memory_space<semaphore_mem>>)
      %dma_wait3A = tpu.memref_slice %arg3[%mul3A_2] : memref<320000xi32, #tpu.memory_space<hbm>> -> memref<10000xi32, #tpu.memory_space<hbm>>
      %dma_wait3A_9 = tpu.memref_slice %arg3[%mul3A_2] : memref<320000xi32, #tpu.memory_space<hbm>> -> memref<10000xi32, #tpu.memory_space<hbm>>
      tpu.wait_dma2 semaphore(%run_scoped3A : memref<!tpu.dma_semaphore, #tpu.memory_space<semaphore_mem>>) src(%dma_wait3A_9 : memref<10000xi32, #tpu.memory_space<hbm>>) dst(%arg5 : memref<10000xi32, #tpu.memory_space<vmem>>)
      tpu.yield
    }) : () -> ()
    %scan3A = arith.constant 0 : i32
    %scan3A_3 = arith.constant 0 : i32
    %scan3A_4 = arith.constant 125 : i32
    %scan3A_5 = arith.addi %scan3A_3, %scan3A_4 : i32
    %scan3A_6 = arith.constant 1 : i32
    scf.for %scan3A_8 = %scan3A_3 to %scan3A_5 step %scan3A_6  : i32 {
      %mul3A_9 = arith.constant 80 : i32
      %mul3A_10 = arith.muli %scan3A_8, %mul3A_9 : i32
      %dma_start3A = tpu.memref_slice %arg5[%mul3A_10] : memref<10000xi32, #tpu.memory_space<vmem>> -> memref<80xi32, #tpu.memory_space<vmem>>
      %dma_start3A_11 = arith.constant 0 : i32
      %dma_start3A_12 = arith.constant 0 : i32
      %dma_start3A_13 = tpu.memref_slice %arg2[%dma_start3A_11, %dma_start3A_12] : memref<10000x128xf32, #tpu.memory_space<hbm>> -> memref<10000x128xf32, #tpu.memory_space<hbm>>
      tpu.enqueue_indirect_dma source(%dma_start3A_13 : memref<10000x128xf32, #tpu.memory_space<hbm>>) target(%arg6 : memref<80x128xf32, #tpu.memory_space<vmem>>) offsets(%dma_start3A : memref<80xi32, #tpu.memory_space<vmem>>) semaphore(%arg7 : memref<!tpu.dma_semaphore, #tpu.memory_space<semaphore_mem>>)
      %dma_wait3A = tpu.memref_slice %arg5[%mul3A_10] : memref<10000xi32, #tpu.memory_space<vmem>> -> memref<80xi32, #tpu.memory_space<vmem>>
      %dma_wait3A_14 = arith.constant 0 : i32
      %dma_wait3A_15 = arith.constant 0 : i32
      %dma_wait3A_16 = tpu.memref_slice %arg2[%dma_wait3A_14, %dma_wait3A_15] : memref<10000x128xf32, #tpu.memory_space<hbm>> -> memref<10000x128xf32, #tpu.memory_space<hbm>>
      tpu.wait_indirect_dma semaphore(%arg7 : memref<!tpu.dma_semaphore, #tpu.memory_space<semaphore_mem>>) src(%dma_wait3A_16 : memref<10000x128xf32, #tpu.memory_space<hbm>>) dst(%arg6 : memref<80x128xf32, #tpu.memory_space<vmem>>)
      %mul3A_17 = arith.constant 80 : i32
      %mul3A_18 = arith.muli %scan3A_8, %mul3A_17 : i32
      %add3A_19 = arith.addi %mul3A_2, %mul3A_18 : i32
      "tpu.region"() ({
        %run_scoped3A = tpu.sem_alloc : memref<!tpu.dma_semaphore, #tpu.memory_space<semaphore_mem>>
        %dma_start3A_20 = arith.constant 0 : i32
        %dma_start3A_21 = tpu.memref_slice %arg4[%add3A_19, %dma_start3A_20] : memref<320000x128xf32, #tpu.memory_space<hbm>> -> memref<80x128xf32, #tpu.memory_space<hbm>>
        %dma_start3A_22 = arith.constant 0 : i32
        %dma_start3A_23 = tpu.memref_slice %arg4[%add3A_19, %dma_start3A_22] : memref<320000x128xf32, #tpu.memory_space<hbm>> -> memref<80x128xf32, #tpu.memory_space<hbm>>
        tpu.enqueue_dma source(%arg6 : memref<80x128xf32, #tpu.memory_space<vmem>>) target(%dma_start3A_23 : memref<80x128xf32, #tpu.memory_space<hbm>>) target_semaphore(%run_scoped3A : memref<!tpu.dma_semaphore, #tpu.memory_space<semaphore_mem>>)
        %dma_wait3A_24 = arith.constant 0 : i32
        %dma_wait3A_25 = tpu.memref_slice %arg4[%add3A_19, %dma_wait3A_24] : memref<320000x128xf32, #tpu.memory_space<hbm>> -> memref<80x128xf32, #tpu.memory_space<hbm>>
        %dma_wait3A_26 = arith.constant 0 : i32
        %dma_wait3A_27 = tpu.memref_slice %arg4[%add3A_19, %dma_wait3A_26] : memref<320000x128xf32, #tpu.memory_space<hbm>> -> memref<80x128xf32, #tpu.memory_space<hbm>>
        tpu.wait_dma2 semaphore(%run_scoped3A : memref<!tpu.dma_semaphore, #tpu.memory_space<semaphore_mem>>) src(%arg6 : memref<80x128xf32, #tpu.memory_space<vmem>>) dst(%dma_wait3A_27 : memref<80x128xf32, #tpu.memory_space<hbm>>)
        tpu.yield
      }) : () -> ()
    }
    %scan3A_7 = arith.constant 125 : i32
    return
  }
}

#map = affine_map<(d0, d1) -> (0, 0)>
#map1 = affine_map<(d0, d1) -> (0, 0, 0)>
#map2 = affine_map<(d0, d1) -> (0)>
module attributes {stable_mosaic.version = 14 : i64} {
  func.func @k(%arg0: i32, %arg1: i32, %arg2: memref<320000x128xf32, #tpu.memory_space<hbm>>, %arg3: memref<32x125x80xi32, #tpu.memory_space<hbm>>, %arg4: memref<512xi32, #tpu.memory_space<hbm>>, %arg5: memref<2x10240x128xf32, #tpu.memory_space<hbm>>, %arg6: memref<125x80xi32, #tpu.memory_space<vmem>>, %arg7: memref<16xi32, #tpu.memory_space<vmem>>, %arg8: memref<80x128xf32, #tpu.memory_space<vmem>>, %arg9: memref<40x128xf32, #tpu.memory_space<vmem>>, %arg10: memref<10240x128xf32, #tpu.memory_space<vmem_shared>>) attributes {dimension_semantics = [#tpu.dimension_semantics<core_parallel>, #tpu.dimension_semantics<subcore_parallel>], iteration_bounds = array<i64: 2, 16>, scalar_prefetch = 0 : i64, scratch_operands = 5 : i64, tpu.core_type = #tpu.core_type<sc_vector_subcore>, window_params = [{transform_indices = #map}, {transform_indices = #map1}, {transform_indices = #map2}, {transform_indices = #map1}]} {
    %mul3A = arith.constant 2 : i32
    %mul3A_0 = arith.muli %arg1, %mul3A : i32
    %add3A = arith.addi %mul3A_0, %arg0 : i32
    %mul3A_1 = arith.constant 10000 : i32
    %mul3A_2 = arith.muli %add3A, %mul3A_1 : i32
    %mul3A_3 = arith.constant 640 : i32
    %mul3A_4 = arith.muli %arg1, %mul3A_3 : i32
    %scan3A = arith.constant 0 : i32
    %scan3A_5 = arith.constant 0 : i32
    %scan3A_6 = arith.constant 40 : i32
    %scan3A_7 = arith.addi %scan3A_5, %scan3A_6 : i32
    %scan3A_8 = arith.constant 1 : i32
    scf.for %scan3A_37 = %scan3A_5 to %scan3A_7 step %scan3A_8  : i32 {
      %scan3A_38 = arith.constant 0 : i32
      %scan3A_39 = arith.constant 0 : i32
      %scan3A_40 = arith.constant 8 : i32
      %scan3A_41 = arith.addi %scan3A_39, %scan3A_40 : i32
      %scan3A_42 = arith.constant 1 : i32
      scf.for %scan3A_44 = %scan3A_39 to %scan3A_41 step %scan3A_42  : i32 {
        %broadcast_in_dim3A = arith.constant 0.000000e+00 : f32
        %broadcast_in_dim3A_45 = vector.broadcast %broadcast_in_dim3A : f32 to vector<16xf32>
        %mul3A_46 = arith.constant 16 : i32
        %mul3A_47 = arith.muli %scan3A_44, %mul3A_46 : i32
        %swap3A = arith.index_cast %scan3A_37 : i32 to index
        %swap3A_48 = arith.index_cast %mul3A_47 : i32 to index
        %swap3A_49 = tpu.vector_load %arg9[%swap3A, %swap3A_48] {strides = array<i32>} : memref<40x128xf32, #tpu.memory_space<vmem>>, vector<1x16xf32>,
        %swap3A_50 = vector.shape_cast %swap3A_49 : vector<1x16xf32> to vector<16xf32>
        %swap3A_51 = vector.shape_cast %broadcast_in_dim3A_45 : vector<16xf32> to vector<1x16xf32>
        tpu.vector_store %arg9[%swap3A, %swap3A_48], %swap3A_51 {strides = array<i32>} : memref<40x128xf32, #tpu.memory_space<vmem>>, vector<1x16xf32>,
      }
      %scan3A_43 = arith.constant 8 : i32
    }
    %scan3A_9 = arith.constant 40 : i32
    %scan3A_10 = arith.constant 0 : i32
    %scan3A_11 = arith.constant 0 : i32
    %scan3A_12 = arith.constant 16 : i32
    %scan3A_13 = arith.addi %scan3A_11, %scan3A_12 : i32
    %scan3A_14 = arith.constant 1 : i32
    scf.for %scan3A_37 = %scan3A_11 to %scan3A_13 step %scan3A_14  : i32 {
      %mul3A_38 = arith.constant 40 : i32
      %mul3A_39 = arith.muli %scan3A_37, %mul3A_38 : i32
      %add3A_40 = arith.addi %mul3A_4, %mul3A_39 : i32
      "tpu.region"() ({
        %run_scoped3A = tpu.sem_alloc : memref<!tpu.dma_semaphore, #tpu.memory_space<semaphore_mem>>
        %dma_start3A = arith.constant 0 : i32
        %dma_start3A_41 = tpu.memref_slice %arg10[%add3A_40, %dma_start3A] : memref<10240x128xf32, #tpu.memory_space<vmem_shared>> -> memref<40x128xf32, #tpu.memory_space<vmem_shared>>
        %dma_start3A_42 = arith.constant 0 : i32
        %dma_start3A_43 = tpu.memref_slice %arg10[%add3A_40, %dma_start3A_42] : memref<10240x128xf32, #tpu.memory_space<vmem_shared>> -> memref<40x128xf32, #tpu.memory_space<vmem_shared>>
        tpu.enqueue_dma source(%arg9 : memref<40x128xf32, #tpu.memory_space<vmem>>) target(%dma_start3A_43 : memref<40x128xf32, #tpu.memory_space<vmem_shared>>) target_semaphore(%run_scoped3A : memref<!tpu.dma_semaphore, #tpu.memory_space<semaphore_mem>>)
        %dma_wait3A = arith.constant 0 : i32
        %dma_wait3A_44 = tpu.memref_slice %arg10[%add3A_40, %dma_wait3A] : memref<10240x128xf32, #tpu.memory_space<vmem_shared>> -> memref<40x128xf32, #tpu.memory_space<vmem_shared>>
        %dma_wait3A_45 = arith.constant 0 : i32
        %dma_wait3A_46 = tpu.memref_slice %arg10[%add3A_40, %dma_wait3A_45] : memref<10240x128xf32, #tpu.memory_space<vmem_shared>> -> memref<40x128xf32, #tpu.memory_space<vmem_shared>>
        tpu.wait_dma2 semaphore(%run_scoped3A : memref<!tpu.dma_semaphore, #tpu.memory_space<semaphore_mem>>) src(%arg9 : memref<40x128xf32, #tpu.memory_space<vmem>>) dst(%dma_wait3A_46 : memref<40x128xf32, #tpu.memory_space<vmem_shared>>)
        tpu.yield
      }) : () -> ()
    }
    %scan3A_15 = arith.constant 16 : i32
    %barrier3A = arith.constant 0 : index
    tpu.barrier barrier_id(%barrier3A)
    "tpu.region"() ({
      %run_scoped3A = tpu.sem_alloc : memref<!tpu.dma_semaphore, #tpu.memory_space<semaphore_mem>>
      %dma_start3A = arith.constant 0 : i32
      %dma_start3A_37 = arith.constant 0 : i32
      %dma_start3A_38 = tpu.memref_slice %arg3[%add3A, %dma_start3A, %dma_start3A_37] : memref<32x125x80xi32, #tpu.memory_space<hbm>> -> memref<1x125x80xi32, #tpu.memory_space<hbm>>
      %dma_start3A_39 = tpu.memref_squeeze %dma_start3A_38 : memref<1x125x80xi32, #tpu.memory_space<hbm>> -> memref<125x80xi32, #tpu.memory_space<hbm>>
      %dma_start3A_40 = arith.constant 0 : i32
      %dma_start3A_41 = arith.constant 0 : i32
      %dma_start3A_42 = tpu.memref_slice %arg3[%add3A, %dma_start3A_40, %dma_start3A_41] : memref<32x125x80xi32, #tpu.memory_space<hbm>> -> memref<1x125x80xi32, #tpu.memory_space<hbm>>
      %dma_start3A_43 = tpu.memref_squeeze %dma_start3A_42 : memref<1x125x80xi32, #tpu.memory_space<hbm>> -> memref<125x80xi32, #tpu.memory_space<hbm>>
      tpu.enqueue_dma source(%dma_start3A_43 : memref<125x80xi32, #tpu.memory_space<hbm>>) target(%arg6 : memref<125x80xi32, #tpu.memory_space<vmem>>) target_semaphore(%run_scoped3A : memref<!tpu.dma_semaphore, #tpu.memory_space<semaphore_mem>>)
      %dma_wait3A = arith.constant 0 : i32
      %dma_wait3A_44 = arith.constant 0 : i32
      %dma_wait3A_45 = tpu.memref_slice %arg3[%add3A, %dma_wait3A, %dma_wait3A_44] : memref<32x125x80xi32, #tpu.memory_space<hbm>> -> memref<1x125x80xi32, #tpu.memory_space<hbm>>
      %dma_wait3A_46 = tpu.memref_squeeze %dma_wait3A_45 : memref<1x125x80xi32, #tpu.memory_space<hbm>> -> memref<125x80xi32, #tpu.memory_space<hbm>>
      %dma_wait3A_47 = arith.constant 0 : i32
      %dma_wait3A_48 = arith.constant 0 : i32
      %dma_wait3A_49 = tpu.memref_slice %arg3[%add3A, %dma_wait3A_47, %dma_wait3A_48] : memref<32x125x80xi32, #tpu.memory_space<hbm>> -> memref<1x125x80xi32, #tpu.memory_space<hbm>>
      %dma_wait3A_50 = tpu.memref_squeeze %dma_wait3A_49 : memref<1x125x80xi32, #tpu.memory_space<hbm>> -> memref<125x80xi32, #tpu.memory_space<hbm>>
      tpu.wait_dma2 semaphore(%run_scoped3A : memref<!tpu.dma_semaphore, #tpu.memory_space<semaphore_mem>>) src(%dma_wait3A_50 : memref<125x80xi32, #tpu.memory_space<hbm>>) dst(%arg6 : memref<125x80xi32, #tpu.memory_space<vmem>>)
      tpu.yield
    }) : () -> ()
    %mul3A_16 = arith.constant 16 : i32
    %mul3A_17 = arith.muli %add3A, %mul3A_16 : i32
    "tpu.region"() ({
      %run_scoped3A = tpu.sem_alloc : memref<!tpu.dma_semaphore, #tpu.memory_space<semaphore_mem>>
      %dma_start3A = tpu.memref_slice %arg4[%mul3A_17] : memref<512xi32, #tpu.memory_space<hbm>> -> memref<16xi32, #tpu.memory_space<hbm>>
      %dma_start3A_37 = tpu.memref_slice %arg4[%mul3A_17] : memref<512xi32, #tpu.memory_space<hbm>> -> memref<16xi32, #tpu.memory_space<hbm>>
      tpu.enqueue_dma source(%dma_start3A_37 : memref<16xi32, #tpu.memory_space<hbm>>) target(%arg7 : memref<16xi32, #tpu.memory_space<vmem>>) target_semaphore(%run_scoped3A : memref<!tpu.dma_semaphore, #tpu.memory_space<semaphore_mem>>)
      %dma_wait3A = tpu.memref_slice %arg4[%mul3A_17] : memref<512xi32, #tpu.memory_space<hbm>> -> memref<16xi32, #tpu.memory_space<hbm>>
      %dma_wait3A_38 = tpu.memref_slice %arg4[%mul3A_17] : memref<512xi32, #tpu.memory_space<hbm>> -> memref<16xi32, #tpu.memory_space<hbm>>
      tpu.wait_dma2 semaphore(%run_scoped3A : memref<!tpu.dma_semaphore, #tpu.memory_space<semaphore_mem>>) src(%dma_wait3A_38 : memref<16xi32, #tpu.memory_space<hbm>>) dst(%arg7 : memref<16xi32, #tpu.memory_space<vmem>>)
      tpu.yield
    }) : () -> ()
    %get3A = arith.constant 0 : index
    %get3A_18 = tpu.vector_load %arg7[%get3A] {strides = array<i32>} : memref<16xi32, #tpu.memory_space<vmem>>, vector<16xi32>,
    %get3A_19 = vector.shape_cast %get3A_18 : vector<16xi32> to vector<16xi32>
    %slice3A = vector.extract_strided_slice %get3A_19 {offsets = [0], sizes = [1], strides = [1]} : vector<16xi32> to vector<1xi32>
    %squeeze3A = vector.extract %slice3A[0] : i32 from vector<1xi32>
    %slice3A_20 = vector.extract_strided_slice %get3A_19 {offsets = [1], sizes = [1], strides = [1]} : vector<16xi32> to vector<1xi32>
    %squeeze3A_21 = vector.extract %slice3A_20[0] : i32 from vector<1xi32>
    %while3A = arith.constant 0 : i32
    %while3A_22 = arith.subi %squeeze3A_21, %squeeze3A : i32
    %while3A_23 = arith.addi %squeeze3A, %while3A_22 : i32
    %while3A_24 = arith.constant 1 : i32
    %while3A_25 = arith.divsi %while3A_22, %while3A_24 : i32
    %while3A_26 = arith.muli %while3A_25, %while3A_24 : i32
    %while3A_27 = arith.addi %squeeze3A, %while3A_26 : i32
    %while3A_28 = arith.constant 1 : i32
    scf.for %while3A_37 = %squeeze3A to %while3A_27 step %while3A_28  : i32 {
      %mul3A_38 = arith.constant 80 : i32
      %mul3A_39 = arith.muli %while3A_37, %mul3A_38 : i32
      %add3A_40 = arith.addi %mul3A_2, %mul3A_39 : i32
      "tpu.region"() ({
        %run_scoped3A = tpu.sem_alloc : memref<!tpu.dma_semaphore, #tpu.memory_space<semaphore_mem>>
        %dma_start3A = arith.constant 0 : i32
        %dma_start3A_41 = tpu.memref_slice %arg2[%add3A_40, %dma_start3A] : memref<320000x128xf32, #tpu.memory_space<hbm>> -> memref<80x128xf32, #tpu.memory_space<hbm>>
        %dma_start3A_42 = arith.constant 0 : i32
        %dma_start3A_43 = tpu.memref_slice %arg2[%add3A_40, %dma_start3A_42] : memref<320000x128xf32, #tpu.memory_space<hbm>> -> memref<80x128xf32, #tpu.memory_space<hbm>>
        tpu.enqueue_dma source(%dma_start3A_43 : memref<80x128xf32, #tpu.memory_space<hbm>>) target(%arg8 : memref<80x128xf32, #tpu.memory_space<vmem>>) target_semaphore(%run_scoped3A : memref<!tpu.dma_semaphore, #tpu.memory_space<semaphore_mem>>)
        %dma_wait3A = arith.constant 0 : i32
        %dma_wait3A_44 = tpu.memref_slice %arg2[%add3A_40, %dma_wait3A] : memref<320000x128xf32, #tpu.memory_space<hbm>> -> memref<80x128xf32, #tpu.memory_space<hbm>>
        %dma_wait3A_45 = arith.constant 0 : i32
        %dma_wait3A_46 = tpu.memref_slice %arg2[%add3A_40, %dma_wait3A_45] : memref<320000x128xf32, #tpu.memory_space<hbm>> -> memref<80x128xf32, #tpu.memory_space<hbm>>
        tpu.wait_dma2 semaphore(%run_scoped3A : memref<!tpu.dma_semaphore, #tpu.memory_space<semaphore_mem>>) src(%dma_wait3A_46 : memref<80x128xf32, #tpu.memory_space<hbm>>) dst(%arg8 : memref<80x128xf32, #tpu.memory_space<vmem>>)
        tpu.yield
      }) : () -> ()
      "tpu.region"() ({
        %run_scoped3A = tpu.sem_alloc : memref<!tpu.dma_semaphore, #tpu.memory_space<semaphore_mem>>
        %dma_start3A = arith.constant 0 : i32
        %dma_start3A_41 = tpu.memref_slice %arg6[%while3A_37, %dma_start3A] : memref<125x80xi32, #tpu.memory_space<vmem>> -> memref<1x80xi32, #tpu.memory_space<vmem>>
        %dma_start3A_42 = tpu.memref_squeeze %dma_start3A_41 : memref<1x80xi32, #tpu.memory_space<vmem>> -> memref<80xi32, #tpu.memory_space<vmem>>
        %dma_start3A_43 = arith.constant 0 : i32
        %dma_start3A_44 = arith.constant 0 : i32
        %dma_start3A_45 = tpu.memref_slice %arg10[%dma_start3A_43, %dma_start3A_44] : memref<10240x128xf32, #tpu.memory_space<vmem_shared>> -> memref<10240x128xf32, #tpu.memory_space<vmem_shared>>
        tpu.enqueue_indirect_dma source(%arg8 : memref<80x128xf32, #tpu.memory_space<vmem>>) target(%dma_start3A_45 : memref<10240x128xf32, #tpu.memory_space<vmem_shared>>) offsets(%dma_start3A_42 : memref<80xi32, #tpu.memory_space<vmem>>) semaphore(%run_scoped3A : memref<!tpu.dma_semaphore, #tpu.memory_space<semaphore_mem>>) {add = true}
        %dma_wait3A = arith.constant 0 : i32
        %dma_wait3A_46 = tpu.memref_slice %arg6[%while3A_37, %dma_wait3A] : memref<125x80xi32, #tpu.memory_space<vmem>> -> memref<1x80xi32, #tpu.memory_space<vmem>>
        %dma_wait3A_47 = tpu.memref_squeeze %dma_wait3A_46 : memref<1x80xi32, #tpu.memory_space<vmem>> -> memref<80xi32, #tpu.memory_space<vmem>>
        %dma_wait3A_48 = arith.constant 0 : i32
        %dma_wait3A_49 = arith.constant 0 : i32
        %dma_wait3A_50 = tpu.memref_slice %arg10[%dma_wait3A_48, %dma_wait3A_49] : memref<10240x128xf32, #tpu.memory_space<vmem_shared>> -> memref<10240x128xf32, #tpu.memory_space<vmem_shared>>
        tpu.wait_indirect_dma semaphore(%run_scoped3A : memref<!tpu.dma_semaphore, #tpu.memory_space<semaphore_mem>>) src(%arg8 : memref<80x128xf32, #tpu.memory_space<vmem>>) dst(%dma_wait3A_50 : memref<10240x128xf32, #tpu.memory_space<vmem_shared>>)
        tpu.yield
      }) : () -> ()
    }
    %while3A_29 = arith.constant 1 : i32
    scf.for %while3A_37 = %while3A_27 to %while3A_23 step %while3A_29  : i32 {
      %mul3A_38 = arith.constant 80 : i32
      %mul3A_39 = arith.muli %while3A_37, %mul3A_38 : i32
      %add3A_40 = arith.addi %mul3A_2, %mul3A_39 : i32
      "tpu.region"() ({
        %run_scoped3A = tpu.sem_alloc : memref<!tpu.dma_semaphore, #tpu.memory_space<semaphore_mem>>
        %dma_start3A = arith.constant 0 : i32
        %dma_start3A_41 = tpu.memref_slice %arg2[%add3A_40, %dma_start3A] : memref<320000x128xf32, #tpu.memory_space<hbm>> -> memref<80x128xf32, #tpu.memory_space<hbm>>
        %dma_start3A_42 = arith.constant 0 : i32
        %dma_start3A_43 = tpu.memref_slice %arg2[%add3A_40, %dma_start3A_42] : memref<320000x128xf32, #tpu.memory_space<hbm>> -> memref<80x128xf32, #tpu.memory_space<hbm>>
        tpu.enqueue_dma source(%dma_start3A_43 : memref<80x128xf32, #tpu.memory_space<hbm>>) target(%arg8 : memref<80x128xf32, #tpu.memory_space<vmem>>) target_semaphore(%run_scoped3A : memref<!tpu.dma_semaphore, #tpu.memory_space<semaphore_mem>>)
        %dma_wait3A = arith.constant 0 : i32
        %dma_wait3A_44 = tpu.memref_slice %arg2[%add3A_40, %dma_wait3A] : memref<320000x128xf32, #tpu.memory_space<hbm>> -> memref<80x128xf32, #tpu.memory_space<hbm>>
        %dma_wait3A_45 = arith.constant 0 : i32
        %dma_wait3A_46 = tpu.memref_slice %arg2[%add3A_40, %dma_wait3A_45] : memref<320000x128xf32, #tpu.memory_space<hbm>> -> memref<80x128xf32, #tpu.memory_space<hbm>>
        tpu.wait_dma2 semaphore(%run_scoped3A : memref<!tpu.dma_semaphore, #tpu.memory_space<semaphore_mem>>) src(%dma_wait3A_46 : memref<80x128xf32, #tpu.memory_space<hbm>>) dst(%arg8 : memref<80x128xf32, #tpu.memory_space<vmem>>)
        tpu.yield
      }) : () -> ()
      "tpu.region"() ({
        %run_scoped3A = tpu.sem_alloc : memref<!tpu.dma_semaphore, #tpu.memory_space<semaphore_mem>>
        %dma_start3A = arith.constant 0 : i32
        %dma_start3A_41 = tpu.memref_slice %arg6[%while3A_37, %dma_start3A] : memref<125x80xi32, #tpu.memory_space<vmem>> -> memref<1x80xi32, #tpu.memory_space<vmem>>
        %dma_start3A_42 = tpu.memref_squeeze %dma_start3A_41 : memref<1x80xi32, #tpu.memory_space<vmem>> -> memref<80xi32, #tpu.memory_space<vmem>>
        %dma_start3A_43 = arith.constant 0 : i32
        %dma_start3A_44 = arith.constant 0 : i32
        %dma_start3A_45 = tpu.memref_slice %arg10[%dma_start3A_43, %dma_start3A_44] : memref<10240x128xf32, #tpu.memory_space<vmem_shared>> -> memref<10240x128xf32, #tpu.memory_space<vmem_shared>>
        tpu.enqueue_indirect_dma source(%arg8 : memref<80x128xf32, #tpu.memory_space<vmem>>) target(%dma_start3A_45 : memref<10240x128xf32, #tpu.memory_space<vmem_shared>>) offsets(%dma_start3A_42 : memref<80xi32, #tpu.memory_space<vmem>>) semaphore(%run_scoped3A : memref<!tpu.dma_semaphore, #tpu.memory_space<semaphore_mem>>) {add = true}
        %dma_wait3A = arith.constant 0 : i32
        %dma_wait3A_46 = tpu.memref_slice %arg6[%while3A_37, %dma_wait3A] : memref<125x80xi32, #tpu.memory_space<vmem>> -> memref<1x80xi32, #tpu.memory_space<vmem>>
        %dma_wait3A_47 = tpu.memref_squeeze %dma_wait3A_46 : memref<1x80xi32, #tpu.memory_space<vmem>> -> memref<80xi32, #tpu.memory_space<vmem>>
        %dma_wait3A_48 = arith.constant 0 : i32
        %dma_wait3A_49 = arith.constant 0 : i32
        %dma_wait3A_50 = tpu.memref_slice %arg10[%dma_wait3A_48, %dma_wait3A_49] : memref<10240x128xf32, #tpu.memory_space<vmem_shared>> -> memref<10240x128xf32, #tpu.memory_space<vmem_shared>>
        tpu.wait_indirect_dma semaphore(%run_scoped3A : memref<!tpu.dma_semaphore, #tpu.memory_space<semaphore_mem>>) src(%arg8 : memref<80x128xf32, #tpu.memory_space<vmem>>) dst(%dma_wait3A_50 : memref<10240x128xf32, #tpu.memory_space<vmem_shared>>)
        tpu.yield
      }) : () -> ()
    }
    %barrier3A_30 = arith.constant 0 : index
    tpu.barrier barrier_id(%barrier3A_30)
    %scan3A_31 = arith.constant 0 : i32
    %scan3A_32 = arith.constant 0 : i32
    %scan3A_33 = arith.constant 16 : i32
    %scan3A_34 = arith.addi %scan3A_32, %scan3A_33 : i32
    %scan3A_35 = arith.constant 1 : i32
    scf.for %scan3A_37 = %scan3A_32 to %scan3A_34 step %scan3A_35  : i32 {
      %mul3A_38 = arith.constant 40 : i32
      %mul3A_39 = arith.muli %scan3A_37, %mul3A_38 : i32
      %add3A_40 = arith.addi %mul3A_4, %mul3A_39 : i32
      "tpu.region"() ({
        %run_scoped3A = tpu.sem_alloc : memref<!tpu.dma_semaphore, #tpu.memory_space<semaphore_mem>>
        %dma_start3A = arith.constant 0 : i32
        %dma_start3A_44 = tpu.memref_slice %arg10[%add3A_40, %dma_start3A] : memref<10240x128xf32, #tpu.memory_space<vmem_shared>> -> memref<40x128xf32, #tpu.memory_space<vmem_shared>>
        %dma_start3A_45 = arith.constant 0 : i32
        %dma_start3A_46 = tpu.memref_slice %arg10[%add3A_40, %dma_start3A_45] : memref<10240x128xf32, #tpu.memory_space<vmem_shared>> -> memref<40x128xf32, #tpu.memory_space<vmem_shared>>
        tpu.enqueue_dma source(%dma_start3A_46 : memref<40x128xf32, #tpu.memory_space<vmem_shared>>) target(%arg9 : memref<40x128xf32, #tpu.memory_space<vmem>>) target_semaphore(%run_scoped3A : memref<!tpu.dma_semaphore, #tpu.memory_space<semaphore_mem>>)
        %dma_wait3A = arith.constant 0 : i32
        %dma_wait3A_47 = tpu.memref_slice %arg10[%add3A_40, %dma_wait3A] : memref<10240x128xf32, #tpu.memory_space<vmem_shared>> -> memref<40x128xf32, #tpu.memory_space<vmem_shared>>
        %dma_wait3A_48 = arith.constant 0 : i32
        %dma_wait3A_49 = tpu.memref_slice %arg10[%add3A_40, %dma_wait3A_48] : memref<10240x128xf32, #tpu.memory_space<vmem_shared>> -> memref<40x128xf32, #tpu.memory_space<vmem_shared>>
        tpu.wait_dma2 semaphore(%run_scoped3A : memref<!tpu.dma_semaphore, #tpu.memory_space<semaphore_mem>>) src(%dma_wait3A_49 : memref<40x128xf32, #tpu.memory_space<vmem_shared>>) dst(%arg9 : memref<40x128xf32, #tpu.memory_space<vmem>>)
        tpu.yield
      }) : () -> ()
      %mul3A_41 = arith.constant 40 : i32
      %mul3A_42 = arith.muli %scan3A_37, %mul3A_41 : i32
      %add3A_43 = arith.addi %mul3A_4, %mul3A_42 : i32
      "tpu.region"() ({
        %run_scoped3A = tpu.sem_alloc : memref<!tpu.dma_semaphore, #tpu.memory_space<semaphore_mem>>
        %dma_start3A = arith.constant 0 : i32
        %dma_start3A_44 = tpu.memref_slice %arg5[%arg0, %add3A_43, %dma_start3A] : memref<2x10240x128xf32, #tpu.memory_space<hbm>> -> memref<1x40x128xf32, #tpu.memory_space<hbm>>
        %dma_start3A_45 = tpu.memref_squeeze %dma_start3A_44 : memref<1x40x128xf32, #tpu.memory_space<hbm>> -> memref<40x128xf32, #tpu.memory_space<hbm>>
        %dma_start3A_46 = arith.constant 0 : i32
        %dma_start3A_47 = tpu.memref_slice %arg5[%arg0, %add3A_43, %dma_start3A_46] : memref<2x10240x128xf32, #tpu.memory_space<hbm>> -> memref<1x40x128xf32, #tpu.memory_space<hbm>>
        %dma_start3A_48 = tpu.memref_squeeze %dma_start3A_47 : memref<1x40x128xf32, #tpu.memory_space<hbm>> -> memref<40x128xf32, #tpu.memory_space<hbm>>
        tpu.enqueue_dma source(%arg9 : memref<40x128xf32, #tpu.memory_space<vmem>>) target(%dma_start3A_48 : memref<40x128xf32, #tpu.memory_space<hbm>>) target_semaphore(%run_scoped3A : memref<!tpu.dma_semaphore, #tpu.memory_space<semaphore_mem>>)
        %dma_wait3A = arith.constant 0 : i32
        %dma_wait3A_49 = tpu.memref_slice %arg5[%arg0, %add3A_43, %dma_wait3A] : memref<2x10240x128xf32, #tpu.memory_space<hbm>> -> memref<1x40x128xf32, #tpu.memory_space<hbm>>
        %dma_wait3A_50 = tpu.memref_squeeze %dma_wait3A_49 : memref<1x40x128xf32, #tpu.memory_space<hbm>> -> memref<40x128xf32, #tpu.memory_space<hbm>>
        %dma_wait3A_51 = arith.constant 0 : i32
        %dma_wait3A_52 = tpu.memref_slice %arg5[%arg0, %add3A_43, %dma_wait3A_51] : memref<2x10240x128xf32, #tpu.memory_space<hbm>> -> memref<1x40x128xf32, #tpu.memory_space<hbm>>
        %dma_wait3A_53 = tpu.memref_squeeze %dma_wait3A_52 : memref<1x40x128xf32, #tpu.memory_space<hbm>> -> memref<40x128xf32, #tpu.memory_space<hbm>>
        tpu.wait_dma2 semaphore(%run_scoped3A : memref<!tpu.dma_semaphore, #tpu.memory_space<semaphore_mem>>) src(%arg9 : memref<40x128xf32, #tpu.memory_space<vmem>>) dst(%dma_wait3A_53 : memref<40x128xf32, #tpu.memory_space<hbm>>)
        tpu.yield
      }) : () -> ()
    }
    %scan3A_36 = arith.constant 16 : i32
    return
  }
}

#map = affine_map<(d0, d1) -> (0, 0)>
#map1 = affine_map<(d0, d1) -> (0, 0, 0)>
#map2 = affine_map<(d0, d1) -> (0)>
module attributes {stable_mosaic.version = 14 : i64} {
  func.func @k(%arg0: i32, %arg1: i32, %arg2: memref<320000x128xf32, #tpu.memory_space<hbm>>, %arg3: memref<32x125x80xi32, #tpu.memory_space<hbm>>, %arg4: memref<512xi32, #tpu.memory_space<hbm>>, %arg5: memref<2x10240x128xf32, #tpu.memory_space<hbm>>, %arg6: memref<125x80xi32, #tpu.memory_space<vmem>>, %arg7: memref<16xi32, #tpu.memory_space<vmem>>, %arg8: memref<80x128xf32, #tpu.memory_space<vmem>>, %arg9: memref<40x128xf32, #tpu.memory_space<vmem>>, %arg10: memref<10240x128xf32, #tpu.memory_space<vmem_shared>>) attributes {dimension_semantics = [#tpu.dimension_semantics<core_parallel>, #tpu.dimension_semantics<subcore_parallel>], iteration_bounds = array<i64: 2, 16>, scalar_prefetch = 0 : i64, scratch_operands = 5 : i64, tpu.core_type = #tpu.core_type<sc_vector_subcore>, window_params = [{transform_indices = #map}, {transform_indices = #map1}, {transform_indices = #map2}, {transform_indices = #map1}]} {
    %mul3A = arith.constant 2 : i32
    %mul3A_0 = arith.muli %arg1, %mul3A : i32
    %add3A = arith.addi %mul3A_0, %arg0 : i32
    %mul3A_1 = arith.constant 10000 : i32
    %mul3A_2 = arith.muli %add3A, %mul3A_1 : i32
    %mul3A_3 = arith.constant 640 : i32
    %mul3A_4 = arith.muli %arg1, %mul3A_3 : i32
    %scan3A = arith.constant 0 : i32
    %scan3A_5 = arith.constant 0 : i32
    %scan3A_6 = arith.constant 40 : i32
    %scan3A_7 = arith.addi %scan3A_5, %scan3A_6 : i32
    %scan3A_8 = arith.constant 1 : i32
    scf.for %scan3A_37 = %scan3A_5 to %scan3A_7 step %scan3A_8  : i32 {
      %scan3A_38 = arith.constant 0 : i32
      %scan3A_39 = arith.constant 0 : i32
      %scan3A_40 = arith.constant 8 : i32
      %scan3A_41 = arith.addi %scan3A_39, %scan3A_40 : i32
      %scan3A_42 = arith.constant 1 : i32
      scf.for %scan3A_44 = %scan3A_39 to %scan3A_41 step %scan3A_42  : i32 {
        %broadcast_in_dim3A = arith.constant 0.000000e+00 : f32
        %broadcast_in_dim3A_45 = vector.broadcast %broadcast_in_dim3A : f32 to vector<16xf32>
        %mul3A_46 = arith.constant 16 : i32
        %mul3A_47 = arith.muli %scan3A_44, %mul3A_46 : i32
        %swap3A = arith.index_cast %scan3A_37 : i32 to index
        %swap3A_48 = arith.index_cast %mul3A_47 : i32 to index
        %swap3A_49 = tpu.vector_load %arg9[%swap3A, %swap3A_48] {strides = array<i32>} : memref<40x128xf32, #tpu.memory_space<vmem>>, vector<1x16xf32>,
        %swap3A_50 = vector.shape_cast %swap3A_49 : vector<1x16xf32> to vector<16xf32>
        %swap3A_51 = vector.shape_cast %broadcast_in_dim3A_45 : vector<16xf32> to vector<1x16xf32>
        tpu.vector_store %arg9[%swap3A, %swap3A_48], %swap3A_51 {strides = array<i32>} : memref<40x128xf32, #tpu.memory_space<vmem>>, vector<1x16xf32>,
      }
      %scan3A_43 = arith.constant 8 : i32
    }
    %scan3A_9 = arith.constant 40 : i32
    %scan3A_10 = arith.constant 0 : i32
    %scan3A_11 = arith.constant 0 : i32
    %scan3A_12 = arith.constant 16 : i32
    %scan3A_13 = arith.addi %scan3A_11, %scan3A_12 : i32
    %scan3A_14 = arith.constant 1 : i32
    scf.for %scan3A_37 = %scan3A_11 to %scan3A_13 step %scan3A_14  : i32 {
      %mul3A_38 = arith.constant 40 : i32
      %mul3A_39 = arith.muli %scan3A_37, %mul3A_38 : i32
      %add3A_40 = arith.addi %mul3A_4, %mul3A_39 : i32
      "tpu.region"() ({
        %run_scoped3A = tpu.sem_alloc : memref<!tpu.dma_semaphore, #tpu.memory_space<semaphore_mem>>
        %dma_start3A = arith.constant 0 : i32
        %dma_start3A_41 = tpu.memref_slice %arg10[%add3A_40, %dma_start3A] : memref<10240x128xf32, #tpu.memory_space<vmem_shared>> -> memref<40x128xf32, #tpu.memory_space<vmem_shared>>
        %dma_start3A_42 = arith.constant 0 : i32
        %dma_start3A_43 = tpu.memref_slice %arg10[%add3A_40, %dma_start3A_42] : memref<10240x128xf32, #tpu.memory_space<vmem_shared>> -> memref<40x128xf32, #tpu.memory_space<vmem_shared>>
        tpu.enqueue_dma source(%arg9 : memref<40x128xf32, #tpu.memory_space<vmem>>) target(%dma_start3A_43 : memref<40x128xf32, #tpu.memory_space<vmem_shared>>) target_semaphore(%run_scoped3A : memref<!tpu.dma_semaphore, #tpu.memory_space<semaphore_mem>>)
        %dma_wait3A = arith.constant 0 : i32
        %dma_wait3A_44 = tpu.memref_slice %arg10[%add3A_40, %dma_wait3A] : memref<10240x128xf32, #tpu.memory_space<vmem_shared>> -> memref<40x128xf32, #tpu.memory_space<vmem_shared>>
        %dma_wait3A_45 = arith.constant 0 : i32
        %dma_wait3A_46 = tpu.memref_slice %arg10[%add3A_40, %dma_wait3A_45] : memref<10240x128xf32, #tpu.memory_space<vmem_shared>> -> memref<40x128xf32, #tpu.memory_space<vmem_shared>>
        tpu.wait_dma2 semaphore(%run_scoped3A : memref<!tpu.dma_semaphore, #tpu.memory_space<semaphore_mem>>) src(%arg9 : memref<40x128xf32, #tpu.memory_space<vmem>>) dst(%dma_wait3A_46 : memref<40x128xf32, #tpu.memory_space<vmem_shared>>)
        tpu.yield
      }) : () -> ()
    }
    %scan3A_15 = arith.constant 16 : i32
    %barrier3A = arith.constant 0 : index
    tpu.barrier barrier_id(%barrier3A)
    "tpu.region"() ({
      %run_scoped3A = tpu.sem_alloc : memref<!tpu.dma_semaphore, #tpu.memory_space<semaphore_mem>>
      %dma_start3A = arith.constant 0 : i32
      %dma_start3A_37 = arith.constant 0 : i32
      %dma_start3A_38 = tpu.memref_slice %arg3[%add3A, %dma_start3A, %dma_start3A_37] : memref<32x125x80xi32, #tpu.memory_space<hbm>> -> memref<1x125x80xi32, #tpu.memory_space<hbm>>
      %dma_start3A_39 = tpu.memref_squeeze %dma_start3A_38 : memref<1x125x80xi32, #tpu.memory_space<hbm>> -> memref<125x80xi32, #tpu.memory_space<hbm>>
      %dma_start3A_40 = arith.constant 0 : i32
      %dma_start3A_41 = arith.constant 0 : i32
      %dma_start3A_42 = tpu.memref_slice %arg3[%add3A, %dma_start3A_40, %dma_start3A_41] : memref<32x125x80xi32, #tpu.memory_space<hbm>> -> memref<1x125x80xi32, #tpu.memory_space<hbm>>
      %dma_start3A_43 = tpu.memref_squeeze %dma_start3A_42 : memref<1x125x80xi32, #tpu.memory_space<hbm>> -> memref<125x80xi32, #tpu.memory_space<hbm>>
      tpu.enqueue_dma source(%dma_start3A_43 : memref<125x80xi32, #tpu.memory_space<hbm>>) target(%arg6 : memref<125x80xi32, #tpu.memory_space<vmem>>) target_semaphore(%run_scoped3A : memref<!tpu.dma_semaphore, #tpu.memory_space<semaphore_mem>>)
      %dma_wait3A = arith.constant 0 : i32
      %dma_wait3A_44 = arith.constant 0 : i32
      %dma_wait3A_45 = tpu.memref_slice %arg3[%add3A, %dma_wait3A, %dma_wait3A_44] : memref<32x125x80xi32, #tpu.memory_space<hbm>> -> memref<1x125x80xi32, #tpu.memory_space<hbm>>
      %dma_wait3A_46 = tpu.memref_squeeze %dma_wait3A_45 : memref<1x125x80xi32, #tpu.memory_space<hbm>> -> memref<125x80xi32, #tpu.memory_space<hbm>>
      %dma_wait3A_47 = arith.constant 0 : i32
      %dma_wait3A_48 = arith.constant 0 : i32
      %dma_wait3A_49 = tpu.memref_slice %arg3[%add3A, %dma_wait3A_47, %dma_wait3A_48] : memref<32x125x80xi32, #tpu.memory_space<hbm>> -> memref<1x125x80xi32, #tpu.memory_space<hbm>>
      %dma_wait3A_50 = tpu.memref_squeeze %dma_wait3A_49 : memref<1x125x80xi32, #tpu.memory_space<hbm>> -> memref<125x80xi32, #tpu.memory_space<hbm>>
      tpu.wait_dma2 semaphore(%run_scoped3A : memref<!tpu.dma_semaphore, #tpu.memory_space<semaphore_mem>>) src(%dma_wait3A_50 : memref<125x80xi32, #tpu.memory_space<hbm>>) dst(%arg6 : memref<125x80xi32, #tpu.memory_space<vmem>>)
      tpu.yield
    }) : () -> ()
    %mul3A_16 = arith.constant 16 : i32
    %mul3A_17 = arith.muli %add3A, %mul3A_16 : i32
    "tpu.region"() ({
      %run_scoped3A = tpu.sem_alloc : memref<!tpu.dma_semaphore, #tpu.memory_space<semaphore_mem>>
      %dma_start3A = tpu.memref_slice %arg4[%mul3A_17] : memref<512xi32, #tpu.memory_space<hbm>> -> memref<16xi32, #tpu.memory_space<hbm>>
      %dma_start3A_37 = tpu.memref_slice %arg4[%mul3A_17] : memref<512xi32, #tpu.memory_space<hbm>> -> memref<16xi32, #tpu.memory_space<hbm>>
      tpu.enqueue_dma source(%dma_start3A_37 : memref<16xi32, #tpu.memory_space<hbm>>) target(%arg7 : memref<16xi32, #tpu.memory_space<vmem>>) target_semaphore(%run_scoped3A : memref<!tpu.dma_semaphore, #tpu.memory_space<semaphore_mem>>)
      %dma_wait3A = tpu.memref_slice %arg4[%mul3A_17] : memref<512xi32, #tpu.memory_space<hbm>> -> memref<16xi32, #tpu.memory_space<hbm>>
      %dma_wait3A_38 = tpu.memref_slice %arg4[%mul3A_17] : memref<512xi32, #tpu.memory_space<hbm>> -> memref<16xi32, #tpu.memory_space<hbm>>
      tpu.wait_dma2 semaphore(%run_scoped3A : memref<!tpu.dma_semaphore, #tpu.memory_space<semaphore_mem>>) src(%dma_wait3A_38 : memref<16xi32, #tpu.memory_space<hbm>>) dst(%arg7 : memref<16xi32, #tpu.memory_space<vmem>>)
      tpu.yield
    }) : () -> ()
    %get3A = arith.constant 0 : index
    %get3A_18 = tpu.vector_load %arg7[%get3A] {strides = array<i32>} : memref<16xi32, #tpu.memory_space<vmem>>, vector<16xi32>,
    %get3A_19 = vector.shape_cast %get3A_18 : vector<16xi32> to vector<16xi32>
    %slice3A = vector.extract_strided_slice %get3A_19 {offsets = [0], sizes = [1], strides = [1]} : vector<16xi32> to vector<1xi32>
    %squeeze3A = vector.extract %slice3A[0] : i32 from vector<1xi32>
    %slice3A_20 = vector.extract_strided_slice %get3A_19 {offsets = [1], sizes = [1], strides = [1]} : vector<16xi32> to vector<1xi32>
    %squeeze3A_21 = vector.extract %slice3A_20[0] : i32 from vector<1xi32>
    %while3A = arith.constant 0 : i32
    %while3A_22 = arith.subi %squeeze3A_21, %squeeze3A : i32
    %while3A_23 = arith.addi %squeeze3A, %while3A_22 : i32
    %while3A_24 = arith.constant 1 : i32
    %while3A_25 = arith.divsi %while3A_22, %while3A_24 : i32
    %while3A_26 = arith.muli %while3A_25, %while3A_24 : i32
    %while3A_27 = arith.addi %squeeze3A, %while3A_26 : i32
    %while3A_28 = arith.constant 1 : i32
    scf.for %while3A_37 = %squeeze3A to %while3A_27 step %while3A_28  : i32 {
      %mul3A_38 = arith.constant 80 : i32
      %mul3A_39 = arith.muli %while3A_37, %mul3A_38 : i32
      %add3A_40 = arith.addi %mul3A_2, %mul3A_39 : i32
      "tpu.region"() ({
        %run_scoped3A = tpu.sem_alloc : memref<!tpu.dma_semaphore, #tpu.memory_space<semaphore_mem>>
        %dma_start3A = arith.constant 0 : i32
        %dma_start3A_41 = tpu.memref_slice %arg2[%add3A_40, %dma_start3A] : memref<320000x128xf32, #tpu.memory_space<hbm>> -> memref<80x128xf32, #tpu.memory_space<hbm>>
        %dma_start3A_42 = arith.constant 0 : i32
        %dma_start3A_43 = tpu.memref_slice %arg2[%add3A_40, %dma_start3A_42] : memref<320000x128xf32, #tpu.memory_space<hbm>> -> memref<80x128xf32, #tpu.memory_space<hbm>>
        tpu.enqueue_dma source(%dma_start3A_43 : memref<80x128xf32, #tpu.memory_space<hbm>>) target(%arg8 : memref<80x128xf32, #tpu.memory_space<vmem>>) target_semaphore(%run_scoped3A : memref<!tpu.dma_semaphore, #tpu.memory_space<semaphore_mem>>)
        %dma_wait3A = arith.constant 0 : i32
        %dma_wait3A_44 = tpu.memref_slice %arg2[%add3A_40, %dma_wait3A] : memref<320000x128xf32, #tpu.memory_space<hbm>> -> memref<80x128xf32, #tpu.memory_space<hbm>>
        %dma_wait3A_45 = arith.constant 0 : i32
        %dma_wait3A_46 = tpu.memref_slice %arg2[%add3A_40, %dma_wait3A_45] : memref<320000x128xf32, #tpu.memory_space<hbm>> -> memref<80x128xf32, #tpu.memory_space<hbm>>
        tpu.wait_dma2 semaphore(%run_scoped3A : memref<!tpu.dma_semaphore, #tpu.memory_space<semaphore_mem>>) src(%dma_wait3A_46 : memref<80x128xf32, #tpu.memory_space<hbm>>) dst(%arg8 : memref<80x128xf32, #tpu.memory_space<vmem>>)
        tpu.yield
      }) : () -> ()
      "tpu.region"() ({
        %run_scoped3A = tpu.sem_alloc : memref<!tpu.dma_semaphore, #tpu.memory_space<semaphore_mem>>
        %dma_start3A = arith.constant 0 : i32
        %dma_start3A_41 = tpu.memref_slice %arg6[%while3A_37, %dma_start3A] : memref<125x80xi32, #tpu.memory_space<vmem>> -> memref<1x80xi32, #tpu.memory_space<vmem>>
        %dma_start3A_42 = tpu.memref_squeeze %dma_start3A_41 : memref<1x80xi32, #tpu.memory_space<vmem>> -> memref<80xi32, #tpu.memory_space<vmem>>
        %dma_start3A_43 = arith.constant 0 : i32
        %dma_start3A_44 = arith.constant 0 : i32
        %dma_start3A_45 = tpu.memref_slice %arg10[%dma_start3A_43, %dma_start3A_44] : memref<10240x128xf32, #tpu.memory_space<vmem_shared>> -> memref<10240x128xf32, #tpu.memory_space<vmem_shared>>
        tpu.enqueue_indirect_dma source(%arg8 : memref<80x128xf32, #tpu.memory_space<vmem>>) target(%dma_start3A_45 : memref<10240x128xf32, #tpu.memory_space<vmem_shared>>) offsets(%dma_start3A_42 : memref<80xi32, #tpu.memory_space<vmem>>) semaphore(%run_scoped3A : memref<!tpu.dma_semaphore, #tpu.memory_space<semaphore_mem>>) {add = true}
        %dma_wait3A = arith.constant 0 : i32
        %dma_wait3A_46 = tpu.memref_slice %arg6[%while3A_37, %dma_wait3A] : memref<125x80xi32, #tpu.memory_space<vmem>> -> memref<1x80xi32, #tpu.memory_space<vmem>>
        %dma_wait3A_47 = tpu.memref_squeeze %dma_wait3A_46 : memref<1x80xi32, #tpu.memory_space<vmem>> -> memref<80xi32, #tpu.memory_space<vmem>>
        %dma_wait3A_48 = arith.constant 0 : i32
        %dma_wait3A_49 = arith.constant 0 : i32
        %dma_wait3A_50 = tpu.memref_slice %arg10[%dma_wait3A_48, %dma_wait3A_49] : memref<10240x128xf32, #tpu.memory_space<vmem_shared>> -> memref<10240x128xf32, #tpu.memory_space<vmem_shared>>
        tpu.wait_indirect_dma semaphore(%run_scoped3A : memref<!tpu.dma_semaphore, #tpu.memory_space<semaphore_mem>>) src(%arg8 : memref<80x128xf32, #tpu.memory_space<vmem>>) dst(%dma_wait3A_50 : memref<10240x128xf32, #tpu.memory_space<vmem_shared>>)
        tpu.yield
      }) : () -> ()
    }
    %while3A_29 = arith.constant 1 : i32
    scf.for %while3A_37 = %while3A_27 to %while3A_23 step %while3A_29  : i32 {
      %mul3A_38 = arith.constant 80 : i32
      %mul3A_39 = arith.muli %while3A_37, %mul3A_38 : i32
      %add3A_40 = arith.addi %mul3A_2, %mul3A_39 : i32
      "tpu.region"() ({
        %run_scoped3A = tpu.sem_alloc : memref<!tpu.dma_semaphore, #tpu.memory_space<semaphore_mem>>
        %dma_start3A = arith.constant 0 : i32
        %dma_start3A_41 = tpu.memref_slice %arg2[%add3A_40, %dma_start3A] : memref<320000x128xf32, #tpu.memory_space<hbm>> -> memref<80x128xf32, #tpu.memory_space<hbm>>
        %dma_start3A_42 = arith.constant 0 : i32
        %dma_start3A_43 = tpu.memref_slice %arg2[%add3A_40, %dma_start3A_42] : memref<320000x128xf32, #tpu.memory_space<hbm>> -> memref<80x128xf32, #tpu.memory_space<hbm>>
        tpu.enqueue_dma source(%dma_start3A_43 : memref<80x128xf32, #tpu.memory_space<hbm>>) target(%arg8 : memref<80x128xf32, #tpu.memory_space<vmem>>) target_semaphore(%run_scoped3A : memref<!tpu.dma_semaphore, #tpu.memory_space<semaphore_mem>>)
        %dma_wait3A = arith.constant 0 : i32
        %dma_wait3A_44 = tpu.memref_slice %arg2[%add3A_40, %dma_wait3A] : memref<320000x128xf32, #tpu.memory_space<hbm>> -> memref<80x128xf32, #tpu.memory_space<hbm>>
        %dma_wait3A_45 = arith.constant 0 : i32
        %dma_wait3A_46 = tpu.memref_slice %arg2[%add3A_40, %dma_wait3A_45] : memref<320000x128xf32, #tpu.memory_space<hbm>> -> memref<80x128xf32, #tpu.memory_space<hbm>>
        tpu.wait_dma2 semaphore(%run_scoped3A : memref<!tpu.dma_semaphore, #tpu.memory_space<semaphore_mem>>) src(%dma_wait3A_46 : memref<80x128xf32, #tpu.memory_space<hbm>>) dst(%arg8 : memref<80x128xf32, #tpu.memory_space<vmem>>)
        tpu.yield
      }) : () -> ()
      "tpu.region"() ({
        %run_scoped3A = tpu.sem_alloc : memref<!tpu.dma_semaphore, #tpu.memory_space<semaphore_mem>>
        %dma_start3A = arith.constant 0 : i32
        %dma_start3A_41 = tpu.memref_slice %arg6[%while3A_37, %dma_start3A] : memref<125x80xi32, #tpu.memory_space<vmem>> -> memref<1x80xi32, #tpu.memory_space<vmem>>
        %dma_start3A_42 = tpu.memref_squeeze %dma_start3A_41 : memref<1x80xi32, #tpu.memory_space<vmem>> -> memref<80xi32, #tpu.memory_space<vmem>>
        %dma_start3A_43 = arith.constant 0 : i32
        %dma_start3A_44 = arith.constant 0 : i32
        %dma_start3A_45 = tpu.memref_slice %arg10[%dma_start3A_43, %dma_start3A_44] : memref<10240x128xf32, #tpu.memory_space<vmem_shared>> -> memref<10240x128xf32, #tpu.memory_space<vmem_shared>>
        tpu.enqueue_indirect_dma source(%arg8 : memref<80x128xf32, #tpu.memory_space<vmem>>) target(%dma_start3A_45 : memref<10240x128xf32, #tpu.memory_space<vmem_shared>>) offsets(%dma_start3A_42 : memref<80xi32, #tpu.memory_space<vmem>>) semaphore(%run_scoped3A : memref<!tpu.dma_semaphore, #tpu.memory_space<semaphore_mem>>) {add = true}
        %dma_wait3A = arith.constant 0 : i32
        %dma_wait3A_46 = tpu.memref_slice %arg6[%while3A_37, %dma_wait3A] : memref<125x80xi32, #tpu.memory_space<vmem>> -> memref<1x80xi32, #tpu.memory_space<vmem>>
        %dma_wait3A_47 = tpu.memref_squeeze %dma_wait3A_46 : memref<1x80xi32, #tpu.memory_space<vmem>> -> memref<80xi32, #tpu.memory_space<vmem>>
        %dma_wait3A_48 = arith.constant 0 : i32
        %dma_wait3A_49 = arith.constant 0 : i32
        %dma_wait3A_50 = tpu.memref_slice %arg10[%dma_wait3A_48, %dma_wait3A_49] : memref<10240x128xf32, #tpu.memory_space<vmem_shared>> -> memref<10240x128xf32, #tpu.memory_space<vmem_shared>>
        tpu.wait_indirect_dma semaphore(%run_scoped3A : memref<!tpu.dma_semaphore, #tpu.memory_space<semaphore_mem>>) src(%arg8 : memref<80x128xf32, #tpu.memory_space<vmem>>) dst(%dma_wait3A_50 : memref<10240x128xf32, #tpu.memory_space<vmem_shared>>)
        tpu.yield
      }) : () -> ()
    }
    %barrier3A_30 = arith.constant 0 : index
    tpu.barrier barrier_id(%barrier3A_30)
    %scan3A_31 = arith.constant 0 : i32
    %scan3A_32 = arith.constant 0 : i32
    %scan3A_33 = arith.constant 16 : i32
    %scan3A_34 = arith.addi %scan3A_32, %scan3A_33 : i32
    %scan3A_35 = arith.constant 1 : i32
    scf.for %scan3A_37 = %scan3A_32 to %scan3A_34 step %scan3A_35  : i32 {
      %mul3A_38 = arith.constant 40 : i32
      %mul3A_39 = arith.muli %scan3A_37, %mul3A_38 : i32
      %add3A_40 = arith.addi %mul3A_4, %mul3A_39 : i32
      "tpu.region"() ({
        %run_scoped3A = tpu.sem_alloc : memref<!tpu.dma_semaphore, #tpu.memory_space<semaphore_mem>>
        %dma_start3A = arith.constant 0 : i32
        %dma_start3A_44 = tpu.memref_slice %arg10[%add3A_40, %dma_start3A] : memref<10240x128xf32, #tpu.memory_space<vmem_shared>> -> memref<40x128xf32, #tpu.memory_space<vmem_shared>>
        %dma_start3A_45 = arith.constant 0 : i32
        %dma_start3A_46 = tpu.memref_slice %arg10[%add3A_40, %dma_start3A_45] : memref<10240x128xf32, #tpu.memory_space<vmem_shared>> -> memref<40x128xf32, #tpu.memory_space<vmem_shared>>
        tpu.enqueue_dma source(%dma_start3A_46 : memref<40x128xf32, #tpu.memory_space<vmem_shared>>) target(%arg9 : memref<40x128xf32, #tpu.memory_space<vmem>>) target_semaphore(%run_scoped3A : memref<!tpu.dma_semaphore, #tpu.memory_space<semaphore_mem>>)
        %dma_wait3A = arith.constant 0 : i32
        %dma_wait3A_47 = tpu.memref_slice %arg10[%add3A_40, %dma_wait3A] : memref<10240x128xf32, #tpu.memory_space<vmem_shared>> -> memref<40x128xf32, #tpu.memory_space<vmem_shared>>
        %dma_wait3A_48 = arith.constant 0 : i32
        %dma_wait3A_49 = tpu.memref_slice %arg10[%add3A_40, %dma_wait3A_48] : memref<10240x128xf32, #tpu.memory_space<vmem_shared>> -> memref<40x128xf32, #tpu.memory_space<vmem_shared>>
        tpu.wait_dma2 semaphore(%run_scoped3A : memref<!tpu.dma_semaphore, #tpu.memory_space<semaphore_mem>>) src(%dma_wait3A_49 : memref<40x128xf32, #tpu.memory_space<vmem_shared>>) dst(%arg9 : memref<40x128xf32, #tpu.memory_space<vmem>>)
        tpu.yield
      }) : () -> ()
      %mul3A_41 = arith.constant 40 : i32
      %mul3A_42 = arith.muli %scan3A_37, %mul3A_41 : i32
      %add3A_43 = arith.addi %mul3A_4, %mul3A_42 : i32
      "tpu.region"() ({
        %run_scoped3A = tpu.sem_alloc : memref<!tpu.dma_semaphore, #tpu.memory_space<semaphore_mem>>
        %dma_start3A = arith.constant 0 : i32
        %dma_start3A_44 = tpu.memref_slice %arg5[%arg0, %add3A_43, %dma_start3A] : memref<2x10240x128xf32, #tpu.memory_space<hbm>> -> memref<1x40x128xf32, #tpu.memory_space<hbm>>
        %dma_start3A_45 = tpu.memref_squeeze %dma_start3A_44 : memref<1x40x128xf32, #tpu.memory_space<hbm>> -> memref<40x128xf32, #tpu.memory_space<hbm>>
        %dma_start3A_46 = arith.constant 0 : i32
        %dma_start3A_47 = tpu.memref_slice %arg5[%arg0, %add3A_43, %dma_start3A_46] : memref<2x10240x128xf32, #tpu.memory_space<hbm>> -> memref<1x40x128xf32, #tpu.memory_space<hbm>>
        %dma_start3A_48 = tpu.memref_squeeze %dma_start3A_47 : memref<1x40x128xf32, #tpu.memory_space<hbm>> -> memref<40x128xf32, #tpu.memory_space<hbm>>
        tpu.enqueue_dma source(%arg9 : memref<40x128xf32, #tpu.memory_space<vmem>>) target(%dma_start3A_48 : memref<40x128xf32, #tpu.memory_space<hbm>>) target_semaphore(%run_scoped3A : memref<!tpu.dma_semaphore, #tpu.memory_space<semaphore_mem>>)
        %dma_wait3A = arith.constant 0 : i32
        %dma_wait3A_49 = tpu.memref_slice %arg5[%arg0, %add3A_43, %dma_wait3A] : memref<2x10240x128xf32, #tpu.memory_space<hbm>> -> memref<1x40x128xf32, #tpu.memory_space<hbm>>
        %dma_wait3A_50 = tpu.memref_squeeze %dma_wait3A_49 : memref<1x40x128xf32, #tpu.memory_space<hbm>> -> memref<40x128xf32, #tpu.memory_space<hbm>>
        %dma_wait3A_51 = arith.constant 0 : i32
        %dma_wait3A_52 = tpu.memref_slice %arg5[%arg0, %add3A_43, %dma_wait3A_51] : memref<2x10240x128xf32, #tpu.memory_space<hbm>> -> memref<1x40x128xf32, #tpu.memory_space<hbm>>
        %dma_wait3A_53 = tpu.memref_squeeze %dma_wait3A_52 : memref<1x40x128xf32, #tpu.memory_space<hbm>> -> memref<40x128xf32, #tpu.memory_space<hbm>>
        tpu.wait_dma2 semaphore(%run_scoped3A : memref<!tpu.dma_semaphore, #tpu.memory_space<semaphore_mem>>) src(%arg9 : memref<40x128xf32, #tpu.memory_space<vmem>>) dst(%dma_wait3A_53 : memref<40x128xf32, #tpu.memory_space<hbm>>)
        tpu.yield
      }) : () -> ()
    }
    %scan3A_36 = arith.constant 16 : i32
    return
  }
}

#map = affine_map<(d0, d1) -> (0, 0)>
#map1 = affine_map<(d0, d1) -> (0)>
module attributes {stable_mosaic.version = 14 : i64} {
  func.func @k(%arg0: i32, %arg1: i32, %arg2: memref<20000x256xf32, #tpu.memory_space<hbm>>, %arg3: memref<320000xi32, #tpu.memory_space<hbm>>, %arg4: memref<320000x256xf32, #tpu.memory_space<hbm>>, %arg5: memref<10000xi32, #tpu.memory_space<vmem>>, %arg6: memref<80x256xf32, #tpu.memory_space<vmem>>, %arg7: memref<!tpu.dma_semaphore, #tpu.memory_space<semaphore_mem>>) attributes {dimension_semantics = [#tpu.dimension_semantics<core_parallel>, #tpu.dimension_semantics<subcore_parallel>], iteration_bounds = array<i64: 2, 16>, scalar_prefetch = 0 : i64, scratch_operands = 3 : i64, tpu.core_type = #tpu.core_type<sc_vector_subcore>, window_params = [{transform_indices = #map}, {transform_indices = #map1}, {transform_indices = #map}]} {
    %mul3A = arith.constant 2 : i32
    %mul3A_0 = arith.muli %arg1, %mul3A : i32
    %add3A = arith.addi %mul3A_0, %arg0 : i32
    %mul3A_1 = arith.constant 10000 : i32
    %mul3A_2 = arith.muli %add3A, %mul3A_1 : i32
    "tpu.region"() ({
      %run_scoped3A = tpu.sem_alloc : memref<!tpu.dma_semaphore, #tpu.memory_space<semaphore_mem>>
      %dma_start3A = tpu.memref_slice %arg3[%mul3A_2] : memref<320000xi32, #tpu.memory_space<hbm>> -> memref<10000xi32, #tpu.memory_space<hbm>>
      %dma_start3A_8 = tpu.memref_slice %arg3[%mul3A_2] : memref<320000xi32, #tpu.memory_space<hbm>> -> memref<10000xi32, #tpu.memory_space<hbm>>
      tpu.enqueue_dma source(%dma_start3A_8 : memref<10000xi32, #tpu.memory_space<hbm>>) target(%arg5 : memref<10000xi32, #tpu.memory_space<vmem>>) target_semaphore(%run_scoped3A : memref<!tpu.dma_semaphore, #tpu.memory_space<semaphore_mem>>)
      %dma_wait3A = tpu.memref_slice %arg3[%mul3A_2] : memref<320000xi32, #tpu.memory_space<hbm>> -> memref<10000xi32, #tpu.memory_space<hbm>>
      %dma_wait3A_9 = tpu.memref_slice %arg3[%mul3A_2] : memref<320000xi32, #tpu.memory_space<hbm>> -> memref<10000xi32, #tpu.memory_space<hbm>>
      tpu.wait_dma2 semaphore(%run_scoped3A : memref<!tpu.dma_semaphore, #tpu.memory_space<semaphore_mem>>) src(%dma_wait3A_9 : memref<10000xi32, #tpu.memory_space<hbm>>) dst(%arg5 : memref<10000xi32, #tpu.memory_space<vmem>>)
      tpu.yield
    }) : () -> ()
    %scan3A = arith.constant 0 : i32
    %scan3A_3 = arith.constant 0 : i32
    %scan3A_4 = arith.constant 125 : i32
    %scan3A_5 = arith.addi %scan3A_3, %scan3A_4 : i32
    %scan3A_6 = arith.constant 1 : i32
    scf.for %scan3A_8 = %scan3A_3 to %scan3A_5 step %scan3A_6  : i32 {
      %mul3A_9 = arith.constant 80 : i32
      %mul3A_10 = arith.muli %scan3A_8, %mul3A_9 : i32
      %dma_start3A = tpu.memref_slice %arg5[%mul3A_10] : memref<10000xi32, #tpu.memory_space<vmem>> -> memref<80xi32, #tpu.memory_space<vmem>>
      %dma_start3A_11 = arith.constant 0 : i32
      %dma_start3A_12 = arith.constant 0 : i32
      %dma_start3A_13 = tpu.memref_slice %arg2[%dma_start3A_11, %dma_start3A_12] : memref<20000x256xf32, #tpu.memory_space<hbm>> -> memref<20000x256xf32, #tpu.memory_space<hbm>>
      tpu.enqueue_indirect_dma source(%dma_start3A_13 : memref<20000x256xf32, #tpu.memory_space<hbm>>) target(%arg6 : memref<80x256xf32, #tpu.memory_space<vmem>>) offsets(%dma_start3A : memref<80xi32, #tpu.memory_space<vmem>>) semaphore(%arg7 : memref<!tpu.dma_semaphore, #tpu.memory_space<semaphore_mem>>)
      %dma_wait3A = tpu.memref_slice %arg5[%mul3A_10] : memref<10000xi32, #tpu.memory_space<vmem>> -> memref<80xi32, #tpu.memory_space<vmem>>
      %dma_wait3A_14 = arith.constant 0 : i32
      %dma_wait3A_15 = arith.constant 0 : i32
      %dma_wait3A_16 = tpu.memref_slice %arg2[%dma_wait3A_14, %dma_wait3A_15] : memref<20000x256xf32, #tpu.memory_space<hbm>> -> memref<20000x256xf32, #tpu.memory_space<hbm>>
      tpu.wait_indirect_dma semaphore(%arg7 : memref<!tpu.dma_semaphore, #tpu.memory_space<semaphore_mem>>) src(%dma_wait3A_16 : memref<20000x256xf32, #tpu.memory_space<hbm>>) dst(%arg6 : memref<80x256xf32, #tpu.memory_space<vmem>>)
      %mul3A_17 = arith.constant 80 : i32
      %mul3A_18 = arith.muli %scan3A_8, %mul3A_17 : i32
      %add3A_19 = arith.addi %mul3A_2, %mul3A_18 : i32
      "tpu.region"() ({
        %run_scoped3A = tpu.sem_alloc : memref<!tpu.dma_semaphore, #tpu.memory_space<semaphore_mem>>
        %dma_start3A_20 = arith.constant 0 : i32
        %dma_start3A_21 = tpu.memref_slice %arg4[%add3A_19, %dma_start3A_20] : memref<320000x256xf32, #tpu.memory_space<hbm>> -> memref<80x256xf32, #tpu.memory_space<hbm>>
        %dma_start3A_22 = arith.constant 0 : i32
        %dma_start3A_23 = tpu.memref_slice %arg4[%add3A_19, %dma_start3A_22] : memref<320000x256xf32, #tpu.memory_space<hbm>> -> memref<80x256xf32, #tpu.memory_space<hbm>>
        tpu.enqueue_dma source(%arg6 : memref<80x256xf32, #tpu.memory_space<vmem>>) target(%dma_start3A_23 : memref<80x256xf32, #tpu.memory_space<hbm>>) target_semaphore(%run_scoped3A : memref<!tpu.dma_semaphore, #tpu.memory_space<semaphore_mem>>)
        %dma_wait3A_24 = arith.constant 0 : i32
        %dma_wait3A_25 = tpu.memref_slice %arg4[%add3A_19, %dma_wait3A_24] : memref<320000x256xf32, #tpu.memory_space<hbm>> -> memref<80x256xf32, #tpu.memory_space<hbm>>
        %dma_wait3A_26 = arith.constant 0 : i32
        %dma_wait3A_27 = tpu.memref_slice %arg4[%add3A_19, %dma_wait3A_26] : memref<320000x256xf32, #tpu.memory_space<hbm>> -> memref<80x256xf32, #tpu.memory_space<hbm>>
        tpu.wait_dma2 semaphore(%run_scoped3A : memref<!tpu.dma_semaphore, #tpu.memory_space<semaphore_mem>>) src(%arg6 : memref<80x256xf32, #tpu.memory_space<vmem>>) dst(%dma_wait3A_27 : memref<80x256xf32, #tpu.memory_space<hbm>>)
        tpu.yield
      }) : () -> ()
    }
    %scan3A_7 = arith.constant 125 : i32
    return
  }
}

#map = affine_map<(d0, d1) -> (0, 0)>
#map1 = affine_map<(d0, d1) -> (0, 0, 0)>
#map2 = affine_map<(d0, d1) -> (0)>
module attributes {stable_mosaic.version = 14 : i64} {
  func.func @k(%arg0: i32, %arg1: i32, %arg2: memref<320000x128xf32, #tpu.memory_space<hbm>>, %arg3: memref<32x125x80xi32, #tpu.memory_space<hbm>>, %arg4: memref<512xi32, #tpu.memory_space<hbm>>, %arg5: memref<2x10240x128xf32, #tpu.memory_space<hbm>>, %arg6: memref<125x80xi32, #tpu.memory_space<vmem>>, %arg7: memref<16xi32, #tpu.memory_space<vmem>>, %arg8: memref<80x128xf32, #tpu.memory_space<vmem>>, %arg9: memref<40x128xf32, #tpu.memory_space<vmem>>, %arg10: memref<10240x128xf32, #tpu.memory_space<vmem_shared>>) attributes {dimension_semantics = [#tpu.dimension_semantics<core_parallel>, #tpu.dimension_semantics<subcore_parallel>], iteration_bounds = array<i64: 2, 16>, scalar_prefetch = 0 : i64, scratch_operands = 5 : i64, tpu.core_type = #tpu.core_type<sc_vector_subcore>, window_params = [{transform_indices = #map}, {transform_indices = #map1}, {transform_indices = #map2}, {transform_indices = #map1}]} {
    %mul3A = arith.constant 2 : i32
    %mul3A_0 = arith.muli %arg1, %mul3A : i32
    %add3A = arith.addi %mul3A_0, %arg0 : i32
    %mul3A_1 = arith.constant 10000 : i32
    %mul3A_2 = arith.muli %add3A, %mul3A_1 : i32
    %mul3A_3 = arith.constant 640 : i32
    %mul3A_4 = arith.muli %arg1, %mul3A_3 : i32
    %scan3A = arith.constant 0 : i32
    %scan3A_5 = arith.constant 0 : i32
    %scan3A_6 = arith.constant 40 : i32
    %scan3A_7 = arith.addi %scan3A_5, %scan3A_6 : i32
    %scan3A_8 = arith.constant 1 : i32
    scf.for %scan3A_37 = %scan3A_5 to %scan3A_7 step %scan3A_8  : i32 {
      %scan3A_38 = arith.constant 0 : i32
      %scan3A_39 = arith.constant 0 : i32
      %scan3A_40 = arith.constant 8 : i32
      %scan3A_41 = arith.addi %scan3A_39, %scan3A_40 : i32
      %scan3A_42 = arith.constant 1 : i32
      scf.for %scan3A_44 = %scan3A_39 to %scan3A_41 step %scan3A_42  : i32 {
        %broadcast_in_dim3A = arith.constant 0.000000e+00 : f32
        %broadcast_in_dim3A_45 = vector.broadcast %broadcast_in_dim3A : f32 to vector<16xf32>
        %mul3A_46 = arith.constant 16 : i32
        %mul3A_47 = arith.muli %scan3A_44, %mul3A_46 : i32
        %swap3A = arith.index_cast %scan3A_37 : i32 to index
        %swap3A_48 = arith.index_cast %mul3A_47 : i32 to index
        %swap3A_49 = tpu.vector_load %arg9[%swap3A, %swap3A_48] {strides = array<i32>} : memref<40x128xf32, #tpu.memory_space<vmem>>, vector<1x16xf32>,
        %swap3A_50 = vector.shape_cast %swap3A_49 : vector<1x16xf32> to vector<16xf32>
        %swap3A_51 = vector.shape_cast %broadcast_in_dim3A_45 : vector<16xf32> to vector<1x16xf32>
        tpu.vector_store %arg9[%swap3A, %swap3A_48], %swap3A_51 {strides = array<i32>} : memref<40x128xf32, #tpu.memory_space<vmem>>, vector<1x16xf32>,
      }
      %scan3A_43 = arith.constant 8 : i32
    }
    %scan3A_9 = arith.constant 40 : i32
    %scan3A_10 = arith.constant 0 : i32
    %scan3A_11 = arith.constant 0 : i32
    %scan3A_12 = arith.constant 16 : i32
    %scan3A_13 = arith.addi %scan3A_11, %scan3A_12 : i32
    %scan3A_14 = arith.constant 1 : i32
    scf.for %scan3A_37 = %scan3A_11 to %scan3A_13 step %scan3A_14  : i32 {
      %mul3A_38 = arith.constant 40 : i32
      %mul3A_39 = arith.muli %scan3A_37, %mul3A_38 : i32
      %add3A_40 = arith.addi %mul3A_4, %mul3A_39 : i32
      "tpu.region"() ({
        %run_scoped3A = tpu.sem_alloc : memref<!tpu.dma_semaphore, #tpu.memory_space<semaphore_mem>>
        %dma_start3A = arith.constant 0 : i32
        %dma_start3A_41 = tpu.memref_slice %arg10[%add3A_40, %dma_start3A] : memref<10240x128xf32, #tpu.memory_space<vmem_shared>> -> memref<40x128xf32, #tpu.memory_space<vmem_shared>>
        %dma_start3A_42 = arith.constant 0 : i32
        %dma_start3A_43 = tpu.memref_slice %arg10[%add3A_40, %dma_start3A_42] : memref<10240x128xf32, #tpu.memory_space<vmem_shared>> -> memref<40x128xf32, #tpu.memory_space<vmem_shared>>
        tpu.enqueue_dma source(%arg9 : memref<40x128xf32, #tpu.memory_space<vmem>>) target(%dma_start3A_43 : memref<40x128xf32, #tpu.memory_space<vmem_shared>>) target_semaphore(%run_scoped3A : memref<!tpu.dma_semaphore, #tpu.memory_space<semaphore_mem>>)
        %dma_wait3A = arith.constant 0 : i32
        %dma_wait3A_44 = tpu.memref_slice %arg10[%add3A_40, %dma_wait3A] : memref<10240x128xf32, #tpu.memory_space<vmem_shared>> -> memref<40x128xf32, #tpu.memory_space<vmem_shared>>
        %dma_wait3A_45 = arith.constant 0 : i32
        %dma_wait3A_46 = tpu.memref_slice %arg10[%add3A_40, %dma_wait3A_45] : memref<10240x128xf32, #tpu.memory_space<vmem_shared>> -> memref<40x128xf32, #tpu.memory_space<vmem_shared>>
        tpu.wait_dma2 semaphore(%run_scoped3A : memref<!tpu.dma_semaphore, #tpu.memory_space<semaphore_mem>>) src(%arg9 : memref<40x128xf32, #tpu.memory_space<vmem>>) dst(%dma_wait3A_46 : memref<40x128xf32, #tpu.memory_space<vmem_shared>>)
        tpu.yield
      }) : () -> ()
    }
    %scan3A_15 = arith.constant 16 : i32
    %barrier3A = arith.constant 0 : index
    tpu.barrier barrier_id(%barrier3A)
    "tpu.region"() ({
      %run_scoped3A = tpu.sem_alloc : memref<!tpu.dma_semaphore, #tpu.memory_space<semaphore_mem>>
      %dma_start3A = arith.constant 0 : i32
      %dma_start3A_37 = arith.constant 0 : i32
      %dma_start3A_38 = tpu.memref_slice %arg3[%add3A, %dma_start3A, %dma_start3A_37] : memref<32x125x80xi32, #tpu.memory_space<hbm>> -> memref<1x125x80xi32, #tpu.memory_space<hbm>>
      %dma_start3A_39 = tpu.memref_squeeze %dma_start3A_38 : memref<1x125x80xi32, #tpu.memory_space<hbm>> -> memref<125x80xi32, #tpu.memory_space<hbm>>
      %dma_start3A_40 = arith.constant 0 : i32
      %dma_start3A_41 = arith.constant 0 : i32
      %dma_start3A_42 = tpu.memref_slice %arg3[%add3A, %dma_start3A_40, %dma_start3A_41] : memref<32x125x80xi32, #tpu.memory_space<hbm>> -> memref<1x125x80xi32, #tpu.memory_space<hbm>>
      %dma_start3A_43 = tpu.memref_squeeze %dma_start3A_42 : memref<1x125x80xi32, #tpu.memory_space<hbm>> -> memref<125x80xi32, #tpu.memory_space<hbm>>
      tpu.enqueue_dma source(%dma_start3A_43 : memref<125x80xi32, #tpu.memory_space<hbm>>) target(%arg6 : memref<125x80xi32, #tpu.memory_space<vmem>>) target_semaphore(%run_scoped3A : memref<!tpu.dma_semaphore, #tpu.memory_space<semaphore_mem>>)
      %dma_wait3A = arith.constant 0 : i32
      %dma_wait3A_44 = arith.constant 0 : i32
      %dma_wait3A_45 = tpu.memref_slice %arg3[%add3A, %dma_wait3A, %dma_wait3A_44] : memref<32x125x80xi32, #tpu.memory_space<hbm>> -> memref<1x125x80xi32, #tpu.memory_space<hbm>>
      %dma_wait3A_46 = tpu.memref_squeeze %dma_wait3A_45 : memref<1x125x80xi32, #tpu.memory_space<hbm>> -> memref<125x80xi32, #tpu.memory_space<hbm>>
      %dma_wait3A_47 = arith.constant 0 : i32
      %dma_wait3A_48 = arith.constant 0 : i32
      %dma_wait3A_49 = tpu.memref_slice %arg3[%add3A, %dma_wait3A_47, %dma_wait3A_48] : memref<32x125x80xi32, #tpu.memory_space<hbm>> -> memref<1x125x80xi32, #tpu.memory_space<hbm>>
      %dma_wait3A_50 = tpu.memref_squeeze %dma_wait3A_49 : memref<1x125x80xi32, #tpu.memory_space<hbm>> -> memref<125x80xi32, #tpu.memory_space<hbm>>
      tpu.wait_dma2 semaphore(%run_scoped3A : memref<!tpu.dma_semaphore, #tpu.memory_space<semaphore_mem>>) src(%dma_wait3A_50 : memref<125x80xi32, #tpu.memory_space<hbm>>) dst(%arg6 : memref<125x80xi32, #tpu.memory_space<vmem>>)
      tpu.yield
    }) : () -> ()
    %mul3A_16 = arith.constant 16 : i32
    %mul3A_17 = arith.muli %add3A, %mul3A_16 : i32
    "tpu.region"() ({
      %run_scoped3A = tpu.sem_alloc : memref<!tpu.dma_semaphore, #tpu.memory_space<semaphore_mem>>
      %dma_start3A = tpu.memref_slice %arg4[%mul3A_17] : memref<512xi32, #tpu.memory_space<hbm>> -> memref<16xi32, #tpu.memory_space<hbm>>
      %dma_start3A_37 = tpu.memref_slice %arg4[%mul3A_17] : memref<512xi32, #tpu.memory_space<hbm>> -> memref<16xi32, #tpu.memory_space<hbm>>
      tpu.enqueue_dma source(%dma_start3A_37 : memref<16xi32, #tpu.memory_space<hbm>>) target(%arg7 : memref<16xi32, #tpu.memory_space<vmem>>) target_semaphore(%run_scoped3A : memref<!tpu.dma_semaphore, #tpu.memory_space<semaphore_mem>>)
      %dma_wait3A = tpu.memref_slice %arg4[%mul3A_17] : memref<512xi32, #tpu.memory_space<hbm>> -> memref<16xi32, #tpu.memory_space<hbm>>
      %dma_wait3A_38 = tpu.memref_slice %arg4[%mul3A_17] : memref<512xi32, #tpu.memory_space<hbm>> -> memref<16xi32, #tpu.memory_space<hbm>>
      tpu.wait_dma2 semaphore(%run_scoped3A : memref<!tpu.dma_semaphore, #tpu.memory_space<semaphore_mem>>) src(%dma_wait3A_38 : memref<16xi32, #tpu.memory_space<hbm>>) dst(%arg7 : memref<16xi32, #tpu.memory_space<vmem>>)
      tpu.yield
    }) : () -> ()
    %get3A = arith.constant 0 : index
    %get3A_18 = tpu.vector_load %arg7[%get3A] {strides = array<i32>} : memref<16xi32, #tpu.memory_space<vmem>>, vector<16xi32>,
    %get3A_19 = vector.shape_cast %get3A_18 : vector<16xi32> to vector<16xi32>
    %slice3A = vector.extract_strided_slice %get3A_19 {offsets = [0], sizes = [1], strides = [1]} : vector<16xi32> to vector<1xi32>
    %squeeze3A = vector.extract %slice3A[0] : i32 from vector<1xi32>
    %slice3A_20 = vector.extract_strided_slice %get3A_19 {offsets = [1], sizes = [1], strides = [1]} : vector<16xi32> to vector<1xi32>
    %squeeze3A_21 = vector.extract %slice3A_20[0] : i32 from vector<1xi32>
    %while3A = arith.constant 0 : i32
    %while3A_22 = arith.subi %squeeze3A_21, %squeeze3A : i32
    %while3A_23 = arith.addi %squeeze3A, %while3A_22 : i32
    %while3A_24 = arith.constant 1 : i32
    %while3A_25 = arith.divsi %while3A_22, %while3A_24 : i32
    %while3A_26 = arith.muli %while3A_25, %while3A_24 : i32
    %while3A_27 = arith.addi %squeeze3A, %while3A_26 : i32
    %while3A_28 = arith.constant 1 : i32
    scf.for %while3A_37 = %squeeze3A to %while3A_27 step %while3A_28  : i32 {
      %mul3A_38 = arith.constant 80 : i32
      %mul3A_39 = arith.muli %while3A_37, %mul3A_38 : i32
      %add3A_40 = arith.addi %mul3A_2, %mul3A_39 : i32
      "tpu.region"() ({
        %run_scoped3A = tpu.sem_alloc : memref<!tpu.dma_semaphore, #tpu.memory_space<semaphore_mem>>
        %dma_start3A = arith.constant 0 : i32
        %dma_start3A_41 = tpu.memref_slice %arg2[%add3A_40, %dma_start3A] : memref<320000x128xf32, #tpu.memory_space<hbm>> -> memref<80x128xf32, #tpu.memory_space<hbm>>
        %dma_start3A_42 = arith.constant 0 : i32
        %dma_start3A_43 = tpu.memref_slice %arg2[%add3A_40, %dma_start3A_42] : memref<320000x128xf32, #tpu.memory_space<hbm>> -> memref<80x128xf32, #tpu.memory_space<hbm>>
        tpu.enqueue_dma source(%dma_start3A_43 : memref<80x128xf32, #tpu.memory_space<hbm>>) target(%arg8 : memref<80x128xf32, #tpu.memory_space<vmem>>) target_semaphore(%run_scoped3A : memref<!tpu.dma_semaphore, #tpu.memory_space<semaphore_mem>>)
        %dma_wait3A = arith.constant 0 : i32
        %dma_wait3A_44 = tpu.memref_slice %arg2[%add3A_40, %dma_wait3A] : memref<320000x128xf32, #tpu.memory_space<hbm>> -> memref<80x128xf32, #tpu.memory_space<hbm>>
        %dma_wait3A_45 = arith.constant 0 : i32
        %dma_wait3A_46 = tpu.memref_slice %arg2[%add3A_40, %dma_wait3A_45] : memref<320000x128xf32, #tpu.memory_space<hbm>> -> memref<80x128xf32, #tpu.memory_space<hbm>>
        tpu.wait_dma2 semaphore(%run_scoped3A : memref<!tpu.dma_semaphore, #tpu.memory_space<semaphore_mem>>) src(%dma_wait3A_46 : memref<80x128xf32, #tpu.memory_space<hbm>>) dst(%arg8 : memref<80x128xf32, #tpu.memory_space<vmem>>)
        tpu.yield
      }) : () -> ()
      "tpu.region"() ({
        %run_scoped3A = tpu.sem_alloc : memref<!tpu.dma_semaphore, #tpu.memory_space<semaphore_mem>>
        %dma_start3A = arith.constant 0 : i32
        %dma_start3A_41 = tpu.memref_slice %arg6[%while3A_37, %dma_start3A] : memref<125x80xi32, #tpu.memory_space<vmem>> -> memref<1x80xi32, #tpu.memory_space<vmem>>
        %dma_start3A_42 = tpu.memref_squeeze %dma_start3A_41 : memref<1x80xi32, #tpu.memory_space<vmem>> -> memref<80xi32, #tpu.memory_space<vmem>>
        %dma_start3A_43 = arith.constant 0 : i32
        %dma_start3A_44 = arith.constant 0 : i32
        %dma_start3A_45 = tpu.memref_slice %arg10[%dma_start3A_43, %dma_start3A_44] : memref<10240x128xf32, #tpu.memory_space<vmem_shared>> -> memref<10240x128xf32, #tpu.memory_space<vmem_shared>>
        tpu.enqueue_indirect_dma source(%arg8 : memref<80x128xf32, #tpu.memory_space<vmem>>) target(%dma_start3A_45 : memref<10240x128xf32, #tpu.memory_space<vmem_shared>>) offsets(%dma_start3A_42 : memref<80xi32, #tpu.memory_space<vmem>>) semaphore(%run_scoped3A : memref<!tpu.dma_semaphore, #tpu.memory_space<semaphore_mem>>) {add = true}
        %dma_wait3A = arith.constant 0 : i32
        %dma_wait3A_46 = tpu.memref_slice %arg6[%while3A_37, %dma_wait3A] : memref<125x80xi32, #tpu.memory_space<vmem>> -> memref<1x80xi32, #tpu.memory_space<vmem>>
        %dma_wait3A_47 = tpu.memref_squeeze %dma_wait3A_46 : memref<1x80xi32, #tpu.memory_space<vmem>> -> memref<80xi32, #tpu.memory_space<vmem>>
        %dma_wait3A_48 = arith.constant 0 : i32
        %dma_wait3A_49 = arith.constant 0 : i32
        %dma_wait3A_50 = tpu.memref_slice %arg10[%dma_wait3A_48, %dma_wait3A_49] : memref<10240x128xf32, #tpu.memory_space<vmem_shared>> -> memref<10240x128xf32, #tpu.memory_space<vmem_shared>>
        tpu.wait_indirect_dma semaphore(%run_scoped3A : memref<!tpu.dma_semaphore, #tpu.memory_space<semaphore_mem>>) src(%arg8 : memref<80x128xf32, #tpu.memory_space<vmem>>) dst(%dma_wait3A_50 : memref<10240x128xf32, #tpu.memory_space<vmem_shared>>)
        tpu.yield
      }) : () -> ()
    }
    %while3A_29 = arith.constant 1 : i32
    scf.for %while3A_37 = %while3A_27 to %while3A_23 step %while3A_29  : i32 {
      %mul3A_38 = arith.constant 80 : i32
      %mul3A_39 = arith.muli %while3A_37, %mul3A_38 : i32
      %add3A_40 = arith.addi %mul3A_2, %mul3A_39 : i32
      "tpu.region"() ({
        %run_scoped3A = tpu.sem_alloc : memref<!tpu.dma_semaphore, #tpu.memory_space<semaphore_mem>>
        %dma_start3A = arith.constant 0 : i32
        %dma_start3A_41 = tpu.memref_slice %arg2[%add3A_40, %dma_start3A] : memref<320000x128xf32, #tpu.memory_space<hbm>> -> memref<80x128xf32, #tpu.memory_space<hbm>>
        %dma_start3A_42 = arith.constant 0 : i32
        %dma_start3A_43 = tpu.memref_slice %arg2[%add3A_40, %dma_start3A_42] : memref<320000x128xf32, #tpu.memory_space<hbm>> -> memref<80x128xf32, #tpu.memory_space<hbm>>
        tpu.enqueue_dma source(%dma_start3A_43 : memref<80x128xf32, #tpu.memory_space<hbm>>) target(%arg8 : memref<80x128xf32, #tpu.memory_space<vmem>>) target_semaphore(%run_scoped3A : memref<!tpu.dma_semaphore, #tpu.memory_space<semaphore_mem>>)
        %dma_wait3A = arith.constant 0 : i32
        %dma_wait3A_44 = tpu.memref_slice %arg2[%add3A_40, %dma_wait3A] : memref<320000x128xf32, #tpu.memory_space<hbm>> -> memref<80x128xf32, #tpu.memory_space<hbm>>
        %dma_wait3A_45 = arith.constant 0 : i32
        %dma_wait3A_46 = tpu.memref_slice %arg2[%add3A_40, %dma_wait3A_45] : memref<320000x128xf32, #tpu.memory_space<hbm>> -> memref<80x128xf32, #tpu.memory_space<hbm>>
        tpu.wait_dma2 semaphore(%run_scoped3A : memref<!tpu.dma_semaphore, #tpu.memory_space<semaphore_mem>>) src(%dma_wait3A_46 : memref<80x128xf32, #tpu.memory_space<hbm>>) dst(%arg8 : memref<80x128xf32, #tpu.memory_space<vmem>>)
        tpu.yield
      }) : () -> ()
      "tpu.region"() ({
        %run_scoped3A = tpu.sem_alloc : memref<!tpu.dma_semaphore, #tpu.memory_space<semaphore_mem>>
        %dma_start3A = arith.constant 0 : i32
        %dma_start3A_41 = tpu.memref_slice %arg6[%while3A_37, %dma_start3A] : memref<125x80xi32, #tpu.memory_space<vmem>> -> memref<1x80xi32, #tpu.memory_space<vmem>>
        %dma_start3A_42 = tpu.memref_squeeze %dma_start3A_41 : memref<1x80xi32, #tpu.memory_space<vmem>> -> memref<80xi32, #tpu.memory_space<vmem>>
        %dma_start3A_43 = arith.constant 0 : i32
        %dma_start3A_44 = arith.constant 0 : i32
        %dma_start3A_45 = tpu.memref_slice %arg10[%dma_start3A_43, %dma_start3A_44] : memref<10240x128xf32, #tpu.memory_space<vmem_shared>> -> memref<10240x128xf32, #tpu.memory_space<vmem_shared>>
        tpu.enqueue_indirect_dma source(%arg8 : memref<80x128xf32, #tpu.memory_space<vmem>>) target(%dma_start3A_45 : memref<10240x128xf32, #tpu.memory_space<vmem_shared>>) offsets(%dma_start3A_42 : memref<80xi32, #tpu.memory_space<vmem>>) semaphore(%run_scoped3A : memref<!tpu.dma_semaphore, #tpu.memory_space<semaphore_mem>>) {add = true}
        %dma_wait3A = arith.constant 0 : i32
        %dma_wait3A_46 = tpu.memref_slice %arg6[%while3A_37, %dma_wait3A] : memref<125x80xi32, #tpu.memory_space<vmem>> -> memref<1x80xi32, #tpu.memory_space<vmem>>
        %dma_wait3A_47 = tpu.memref_squeeze %dma_wait3A_46 : memref<1x80xi32, #tpu.memory_space<vmem>> -> memref<80xi32, #tpu.memory_space<vmem>>
        %dma_wait3A_48 = arith.constant 0 : i32
        %dma_wait3A_49 = arith.constant 0 : i32
        %dma_wait3A_50 = tpu.memref_slice %arg10[%dma_wait3A_48, %dma_wait3A_49] : memref<10240x128xf32, #tpu.memory_space<vmem_shared>> -> memref<10240x128xf32, #tpu.memory_space<vmem_shared>>
        tpu.wait_indirect_dma semaphore(%run_scoped3A : memref<!tpu.dma_semaphore, #tpu.memory_space<semaphore_mem>>) src(%arg8 : memref<80x128xf32, #tpu.memory_space<vmem>>) dst(%dma_wait3A_50 : memref<10240x128xf32, #tpu.memory_space<vmem_shared>>)
        tpu.yield
      }) : () -> ()
    }
    %barrier3A_30 = arith.constant 0 : index
    tpu.barrier barrier_id(%barrier3A_30)
    %scan3A_31 = arith.constant 0 : i32
    %scan3A_32 = arith.constant 0 : i32
    %scan3A_33 = arith.constant 16 : i32
    %scan3A_34 = arith.addi %scan3A_32, %scan3A_33 : i32
    %scan3A_35 = arith.constant 1 : i32
    scf.for %scan3A_37 = %scan3A_32 to %scan3A_34 step %scan3A_35  : i32 {
      %mul3A_38 = arith.constant 40 : i32
      %mul3A_39 = arith.muli %scan3A_37, %mul3A_38 : i32
      %add3A_40 = arith.addi %mul3A_4, %mul3A_39 : i32
      "tpu.region"() ({
        %run_scoped3A = tpu.sem_alloc : memref<!tpu.dma_semaphore, #tpu.memory_space<semaphore_mem>>
        %dma_start3A = arith.constant 0 : i32
        %dma_start3A_44 = tpu.memref_slice %arg10[%add3A_40, %dma_start3A] : memref<10240x128xf32, #tpu.memory_space<vmem_shared>> -> memref<40x128xf32, #tpu.memory_space<vmem_shared>>
        %dma_start3A_45 = arith.constant 0 : i32
        %dma_start3A_46 = tpu.memref_slice %arg10[%add3A_40, %dma_start3A_45] : memref<10240x128xf32, #tpu.memory_space<vmem_shared>> -> memref<40x128xf32, #tpu.memory_space<vmem_shared>>
        tpu.enqueue_dma source(%dma_start3A_46 : memref<40x128xf32, #tpu.memory_space<vmem_shared>>) target(%arg9 : memref<40x128xf32, #tpu.memory_space<vmem>>) target_semaphore(%run_scoped3A : memref<!tpu.dma_semaphore, #tpu.memory_space<semaphore_mem>>)
        %dma_wait3A = arith.constant 0 : i32
        %dma_wait3A_47 = tpu.memref_slice %arg10[%add3A_40, %dma_wait3A] : memref<10240x128xf32, #tpu.memory_space<vmem_shared>> -> memref<40x128xf32, #tpu.memory_space<vmem_shared>>
        %dma_wait3A_48 = arith.constant 0 : i32
        %dma_wait3A_49 = tpu.memref_slice %arg10[%add3A_40, %dma_wait3A_48] : memref<10240x128xf32, #tpu.memory_space<vmem_shared>> -> memref<40x128xf32, #tpu.memory_space<vmem_shared>>
        tpu.wait_dma2 semaphore(%run_scoped3A : memref<!tpu.dma_semaphore, #tpu.memory_space<semaphore_mem>>) src(%dma_wait3A_49 : memref<40x128xf32, #tpu.memory_space<vmem_shared>>) dst(%arg9 : memref<40x128xf32, #tpu.memory_space<vmem>>)
        tpu.yield
      }) : () -> ()
      %mul3A_41 = arith.constant 40 : i32
      %mul3A_42 = arith.muli %scan3A_37, %mul3A_41 : i32
      %add3A_43 = arith.addi %mul3A_4, %mul3A_42 : i32
      "tpu.region"() ({
        %run_scoped3A = tpu.sem_alloc : memref<!tpu.dma_semaphore, #tpu.memory_space<semaphore_mem>>
        %dma_start3A = arith.constant 0 : i32
        %dma_start3A_44 = tpu.memref_slice %arg5[%arg0, %add3A_43, %dma_start3A] : memref<2x10240x128xf32, #tpu.memory_space<hbm>> -> memref<1x40x128xf32, #tpu.memory_space<hbm>>
        %dma_start3A_45 = tpu.memref_squeeze %dma_start3A_44 : memref<1x40x128xf32, #tpu.memory_space<hbm>> -> memref<40x128xf32, #tpu.memory_space<hbm>>
        %dma_start3A_46 = arith.constant 0 : i32
        %dma_start3A_47 = tpu.memref_slice %arg5[%arg0, %add3A_43, %dma_start3A_46] : memref<2x10240x128xf32, #tpu.memory_space<hbm>> -> memref<1x40x128xf32, #tpu.memory_space<hbm>>
        %dma_start3A_48 = tpu.memref_squeeze %dma_start3A_47 : memref<1x40x128xf32, #tpu.memory_space<hbm>> -> memref<40x128xf32, #tpu.memory_space<hbm>>
        tpu.enqueue_dma source(%arg9 : memref<40x128xf32, #tpu.memory_space<vmem>>) target(%dma_start3A_48 : memref<40x128xf32, #tpu.memory_space<hbm>>) target_semaphore(%run_scoped3A : memref<!tpu.dma_semaphore, #tpu.memory_space<semaphore_mem>>)
        %dma_wait3A = arith.constant 0 : i32
        %dma_wait3A_49 = tpu.memref_slice %arg5[%arg0, %add3A_43, %dma_wait3A] : memref<2x10240x128xf32, #tpu.memory_space<hbm>> -> memref<1x40x128xf32, #tpu.memory_space<hbm>>
        %dma_wait3A_50 = tpu.memref_squeeze %dma_wait3A_49 : memref<1x40x128xf32, #tpu.memory_space<hbm>> -> memref<40x128xf32, #tpu.memory_space<hbm>>
        %dma_wait3A_51 = arith.constant 0 : i32
        %dma_wait3A_52 = tpu.memref_slice %arg5[%arg0, %add3A_43, %dma_wait3A_51] : memref<2x10240x128xf32, #tpu.memory_space<hbm>> -> memref<1x40x128xf32, #tpu.memory_space<hbm>>
        %dma_wait3A_53 = tpu.memref_squeeze %dma_wait3A_52 : memref<1x40x128xf32, #tpu.memory_space<hbm>> -> memref<40x128xf32, #tpu.memory_space<hbm>>
        tpu.wait_dma2 semaphore(%run_scoped3A : memref<!tpu.dma_semaphore, #tpu.memory_space<semaphore_mem>>) src(%arg9 : memref<40x128xf32, #tpu.memory_space<vmem>>) dst(%dma_wait3A_53 : memref<40x128xf32, #tpu.memory_space<hbm>>)
        tpu.yield
      }) : () -> ()
    }
    %scan3A_36 = arith.constant 16 : i32
    return
  }
}

#map = affine_map<(d0, d1) -> (0, 0)>
#map1 = affine_map<(d0, d1) -> (0, 0, 0)>
#map2 = affine_map<(d0, d1) -> (0)>
module attributes {stable_mosaic.version = 14 : i64} {
  func.func @k(%arg0: i32, %arg1: i32, %arg2: memref<320000x128xf32, #tpu.memory_space<hbm>>, %arg3: memref<32x125x80xi32, #tpu.memory_space<hbm>>, %arg4: memref<512xi32, #tpu.memory_space<hbm>>, %arg5: memref<2x10240x128xf32, #tpu.memory_space<hbm>>, %arg6: memref<125x80xi32, #tpu.memory_space<vmem>>, %arg7: memref<16xi32, #tpu.memory_space<vmem>>, %arg8: memref<80x128xf32, #tpu.memory_space<vmem>>, %arg9: memref<40x128xf32, #tpu.memory_space<vmem>>, %arg10: memref<10240x128xf32, #tpu.memory_space<vmem_shared>>) attributes {dimension_semantics = [#tpu.dimension_semantics<core_parallel>, #tpu.dimension_semantics<subcore_parallel>], iteration_bounds = array<i64: 2, 16>, scalar_prefetch = 0 : i64, scratch_operands = 5 : i64, tpu.core_type = #tpu.core_type<sc_vector_subcore>, window_params = [{transform_indices = #map}, {transform_indices = #map1}, {transform_indices = #map2}, {transform_indices = #map1}]} {
    %mul3A = arith.constant 2 : i32
    %mul3A_0 = arith.muli %arg1, %mul3A : i32
    %add3A = arith.addi %mul3A_0, %arg0 : i32
    %mul3A_1 = arith.constant 10000 : i32
    %mul3A_2 = arith.muli %add3A, %mul3A_1 : i32
    %mul3A_3 = arith.constant 640 : i32
    %mul3A_4 = arith.muli %arg1, %mul3A_3 : i32
    %scan3A = arith.constant 0 : i32
    %scan3A_5 = arith.constant 0 : i32
    %scan3A_6 = arith.constant 40 : i32
    %scan3A_7 = arith.addi %scan3A_5, %scan3A_6 : i32
    %scan3A_8 = arith.constant 1 : i32
    scf.for %scan3A_37 = %scan3A_5 to %scan3A_7 step %scan3A_8  : i32 {
      %scan3A_38 = arith.constant 0 : i32
      %scan3A_39 = arith.constant 0 : i32
      %scan3A_40 = arith.constant 8 : i32
      %scan3A_41 = arith.addi %scan3A_39, %scan3A_40 : i32
      %scan3A_42 = arith.constant 1 : i32
      scf.for %scan3A_44 = %scan3A_39 to %scan3A_41 step %scan3A_42  : i32 {
        %broadcast_in_dim3A = arith.constant 0.000000e+00 : f32
        %broadcast_in_dim3A_45 = vector.broadcast %broadcast_in_dim3A : f32 to vector<16xf32>
        %mul3A_46 = arith.constant 16 : i32
        %mul3A_47 = arith.muli %scan3A_44, %mul3A_46 : i32
        %swap3A = arith.index_cast %scan3A_37 : i32 to index
        %swap3A_48 = arith.index_cast %mul3A_47 : i32 to index
        %swap3A_49 = tpu.vector_load %arg9[%swap3A, %swap3A_48] {strides = array<i32>} : memref<40x128xf32, #tpu.memory_space<vmem>>, vector<1x16xf32>,
        %swap3A_50 = vector.shape_cast %swap3A_49 : vector<1x16xf32> to vector<16xf32>
        %swap3A_51 = vector.shape_cast %broadcast_in_dim3A_45 : vector<16xf32> to vector<1x16xf32>
        tpu.vector_store %arg9[%swap3A, %swap3A_48], %swap3A_51 {strides = array<i32>} : memref<40x128xf32, #tpu.memory_space<vmem>>, vector<1x16xf32>,
      }
      %scan3A_43 = arith.constant 8 : i32
    }
    %scan3A_9 = arith.constant 40 : i32
    %scan3A_10 = arith.constant 0 : i32
    %scan3A_11 = arith.constant 0 : i32
    %scan3A_12 = arith.constant 16 : i32
    %scan3A_13 = arith.addi %scan3A_11, %scan3A_12 : i32
    %scan3A_14 = arith.constant 1 : i32
    scf.for %scan3A_37 = %scan3A_11 to %scan3A_13 step %scan3A_14  : i32 {
      %mul3A_38 = arith.constant 40 : i32
      %mul3A_39 = arith.muli %scan3A_37, %mul3A_38 : i32
      %add3A_40 = arith.addi %mul3A_4, %mul3A_39 : i32
      "tpu.region"() ({
        %run_scoped3A = tpu.sem_alloc : memref<!tpu.dma_semaphore, #tpu.memory_space<semaphore_mem>>
        %dma_start3A = arith.constant 0 : i32
        %dma_start3A_41 = tpu.memref_slice %arg10[%add3A_40, %dma_start3A] : memref<10240x128xf32, #tpu.memory_space<vmem_shared>> -> memref<40x128xf32, #tpu.memory_space<vmem_shared>>
        %dma_start3A_42 = arith.constant 0 : i32
        %dma_start3A_43 = tpu.memref_slice %arg10[%add3A_40, %dma_start3A_42] : memref<10240x128xf32, #tpu.memory_space<vmem_shared>> -> memref<40x128xf32, #tpu.memory_space<vmem_shared>>
        tpu.enqueue_dma source(%arg9 : memref<40x128xf32, #tpu.memory_space<vmem>>) target(%dma_start3A_43 : memref<40x128xf32, #tpu.memory_space<vmem_shared>>) target_semaphore(%run_scoped3A : memref<!tpu.dma_semaphore, #tpu.memory_space<semaphore_mem>>)
        %dma_wait3A = arith.constant 0 : i32
        %dma_wait3A_44 = tpu.memref_slice %arg10[%add3A_40, %dma_wait3A] : memref<10240x128xf32, #tpu.memory_space<vmem_shared>> -> memref<40x128xf32, #tpu.memory_space<vmem_shared>>
        %dma_wait3A_45 = arith.constant 0 : i32
        %dma_wait3A_46 = tpu.memref_slice %arg10[%add3A_40, %dma_wait3A_45] : memref<10240x128xf32, #tpu.memory_space<vmem_shared>> -> memref<40x128xf32, #tpu.memory_space<vmem_shared>>
        tpu.wait_dma2 semaphore(%run_scoped3A : memref<!tpu.dma_semaphore, #tpu.memory_space<semaphore_mem>>) src(%arg9 : memref<40x128xf32, #tpu.memory_space<vmem>>) dst(%dma_wait3A_46 : memref<40x128xf32, #tpu.memory_space<vmem_shared>>)
        tpu.yield
      }) : () -> ()
    }
    %scan3A_15 = arith.constant 16 : i32
    %barrier3A = arith.constant 0 : index
    tpu.barrier barrier_id(%barrier3A)
    "tpu.region"() ({
      %run_scoped3A = tpu.sem_alloc : memref<!tpu.dma_semaphore, #tpu.memory_space<semaphore_mem>>
      %dma_start3A = arith.constant 0 : i32
      %dma_start3A_37 = arith.constant 0 : i32
      %dma_start3A_38 = tpu.memref_slice %arg3[%add3A, %dma_start3A, %dma_start3A_37] : memref<32x125x80xi32, #tpu.memory_space<hbm>> -> memref<1x125x80xi32, #tpu.memory_space<hbm>>
      %dma_start3A_39 = tpu.memref_squeeze %dma_start3A_38 : memref<1x125x80xi32, #tpu.memory_space<hbm>> -> memref<125x80xi32, #tpu.memory_space<hbm>>
      %dma_start3A_40 = arith.constant 0 : i32
      %dma_start3A_41 = arith.constant 0 : i32
      %dma_start3A_42 = tpu.memref_slice %arg3[%add3A, %dma_start3A_40, %dma_start3A_41] : memref<32x125x80xi32, #tpu.memory_space<hbm>> -> memref<1x125x80xi32, #tpu.memory_space<hbm>>
      %dma_start3A_43 = tpu.memref_squeeze %dma_start3A_42 : memref<1x125x80xi32, #tpu.memory_space<hbm>> -> memref<125x80xi32, #tpu.memory_space<hbm>>
      tpu.enqueue_dma source(%dma_start3A_43 : memref<125x80xi32, #tpu.memory_space<hbm>>) target(%arg6 : memref<125x80xi32, #tpu.memory_space<vmem>>) target_semaphore(%run_scoped3A : memref<!tpu.dma_semaphore, #tpu.memory_space<semaphore_mem>>)
      %dma_wait3A = arith.constant 0 : i32
      %dma_wait3A_44 = arith.constant 0 : i32
      %dma_wait3A_45 = tpu.memref_slice %arg3[%add3A, %dma_wait3A, %dma_wait3A_44] : memref<32x125x80xi32, #tpu.memory_space<hbm>> -> memref<1x125x80xi32, #tpu.memory_space<hbm>>
      %dma_wait3A_46 = tpu.memref_squeeze %dma_wait3A_45 : memref<1x125x80xi32, #tpu.memory_space<hbm>> -> memref<125x80xi32, #tpu.memory_space<hbm>>
      %dma_wait3A_47 = arith.constant 0 : i32
      %dma_wait3A_48 = arith.constant 0 : i32
      %dma_wait3A_49 = tpu.memref_slice %arg3[%add3A, %dma_wait3A_47, %dma_wait3A_48] : memref<32x125x80xi32, #tpu.memory_space<hbm>> -> memref<1x125x80xi32, #tpu.memory_space<hbm>>
      %dma_wait3A_50 = tpu.memref_squeeze %dma_wait3A_49 : memref<1x125x80xi32, #tpu.memory_space<hbm>> -> memref<125x80xi32, #tpu.memory_space<hbm>>
      tpu.wait_dma2 semaphore(%run_scoped3A : memref<!tpu.dma_semaphore, #tpu.memory_space<semaphore_mem>>) src(%dma_wait3A_50 : memref<125x80xi32, #tpu.memory_space<hbm>>) dst(%arg6 : memref<125x80xi32, #tpu.memory_space<vmem>>)
      tpu.yield
    }) : () -> ()
    %mul3A_16 = arith.constant 16 : i32
    %mul3A_17 = arith.muli %add3A, %mul3A_16 : i32
    "tpu.region"() ({
      %run_scoped3A = tpu.sem_alloc : memref<!tpu.dma_semaphore, #tpu.memory_space<semaphore_mem>>
      %dma_start3A = tpu.memref_slice %arg4[%mul3A_17] : memref<512xi32, #tpu.memory_space<hbm>> -> memref<16xi32, #tpu.memory_space<hbm>>
      %dma_start3A_37 = tpu.memref_slice %arg4[%mul3A_17] : memref<512xi32, #tpu.memory_space<hbm>> -> memref<16xi32, #tpu.memory_space<hbm>>
      tpu.enqueue_dma source(%dma_start3A_37 : memref<16xi32, #tpu.memory_space<hbm>>) target(%arg7 : memref<16xi32, #tpu.memory_space<vmem>>) target_semaphore(%run_scoped3A : memref<!tpu.dma_semaphore, #tpu.memory_space<semaphore_mem>>)
      %dma_wait3A = tpu.memref_slice %arg4[%mul3A_17] : memref<512xi32, #tpu.memory_space<hbm>> -> memref<16xi32, #tpu.memory_space<hbm>>
      %dma_wait3A_38 = tpu.memref_slice %arg4[%mul3A_17] : memref<512xi32, #tpu.memory_space<hbm>> -> memref<16xi32, #tpu.memory_space<hbm>>
      tpu.wait_dma2 semaphore(%run_scoped3A : memref<!tpu.dma_semaphore, #tpu.memory_space<semaphore_mem>>) src(%dma_wait3A_38 : memref<16xi32, #tpu.memory_space<hbm>>) dst(%arg7 : memref<16xi32, #tpu.memory_space<vmem>>)
      tpu.yield
    }) : () -> ()
    %get3A = arith.constant 0 : index
    %get3A_18 = tpu.vector_load %arg7[%get3A] {strides = array<i32>} : memref<16xi32, #tpu.memory_space<vmem>>, vector<16xi32>,
    %get3A_19 = vector.shape_cast %get3A_18 : vector<16xi32> to vector<16xi32>
    %slice3A = vector.extract_strided_slice %get3A_19 {offsets = [0], sizes = [1], strides = [1]} : vector<16xi32> to vector<1xi32>
    %squeeze3A = vector.extract %slice3A[0] : i32 from vector<1xi32>
    %slice3A_20 = vector.extract_strided_slice %get3A_19 {offsets = [1], sizes = [1], strides = [1]} : vector<16xi32> to vector<1xi32>
    %squeeze3A_21 = vector.extract %slice3A_20[0] : i32 from vector<1xi32>
    %while3A = arith.constant 0 : i32
    %while3A_22 = arith.subi %squeeze3A_21, %squeeze3A : i32
    %while3A_23 = arith.addi %squeeze3A, %while3A_22 : i32
    %while3A_24 = arith.constant 1 : i32
    %while3A_25 = arith.divsi %while3A_22, %while3A_24 : i32
    %while3A_26 = arith.muli %while3A_25, %while3A_24 : i32
    %while3A_27 = arith.addi %squeeze3A, %while3A_26 : i32
    %while3A_28 = arith.constant 1 : i32
    scf.for %while3A_37 = %squeeze3A to %while3A_27 step %while3A_28  : i32 {
      %mul3A_38 = arith.constant 80 : i32
      %mul3A_39 = arith.muli %while3A_37, %mul3A_38 : i32
      %add3A_40 = arith.addi %mul3A_2, %mul3A_39 : i32
      "tpu.region"() ({
        %run_scoped3A = tpu.sem_alloc : memref<!tpu.dma_semaphore, #tpu.memory_space<semaphore_mem>>
        %dma_start3A = arith.constant 0 : i32
        %dma_start3A_41 = tpu.memref_slice %arg2[%add3A_40, %dma_start3A] : memref<320000x128xf32, #tpu.memory_space<hbm>> -> memref<80x128xf32, #tpu.memory_space<hbm>>
        %dma_start3A_42 = arith.constant 0 : i32
        %dma_start3A_43 = tpu.memref_slice %arg2[%add3A_40, %dma_start3A_42] : memref<320000x128xf32, #tpu.memory_space<hbm>> -> memref<80x128xf32, #tpu.memory_space<hbm>>
        tpu.enqueue_dma source(%dma_start3A_43 : memref<80x128xf32, #tpu.memory_space<hbm>>) target(%arg8 : memref<80x128xf32, #tpu.memory_space<vmem>>) target_semaphore(%run_scoped3A : memref<!tpu.dma_semaphore, #tpu.memory_space<semaphore_mem>>)
        %dma_wait3A = arith.constant 0 : i32
        %dma_wait3A_44 = tpu.memref_slice %arg2[%add3A_40, %dma_wait3A] : memref<320000x128xf32, #tpu.memory_space<hbm>> -> memref<80x128xf32, #tpu.memory_space<hbm>>
        %dma_wait3A_45 = arith.constant 0 : i32
        %dma_wait3A_46 = tpu.memref_slice %arg2[%add3A_40, %dma_wait3A_45] : memref<320000x128xf32, #tpu.memory_space<hbm>> -> memref<80x128xf32, #tpu.memory_space<hbm>>
        tpu.wait_dma2 semaphore(%run_scoped3A : memref<!tpu.dma_semaphore, #tpu.memory_space<semaphore_mem>>) src(%dma_wait3A_46 : memref<80x128xf32, #tpu.memory_space<hbm>>) dst(%arg8 : memref<80x128xf32, #tpu.memory_space<vmem>>)
        tpu.yield
      }) : () -> ()
      "tpu.region"() ({
        %run_scoped3A = tpu.sem_alloc : memref<!tpu.dma_semaphore, #tpu.memory_space<semaphore_mem>>
        %dma_start3A = arith.constant 0 : i32
        %dma_start3A_41 = tpu.memref_slice %arg6[%while3A_37, %dma_start3A] : memref<125x80xi32, #tpu.memory_space<vmem>> -> memref<1x80xi32, #tpu.memory_space<vmem>>
        %dma_start3A_42 = tpu.memref_squeeze %dma_start3A_41 : memref<1x80xi32, #tpu.memory_space<vmem>> -> memref<80xi32, #tpu.memory_space<vmem>>
        %dma_start3A_43 = arith.constant 0 : i32
        %dma_start3A_44 = arith.constant 0 : i32
        %dma_start3A_45 = tpu.memref_slice %arg10[%dma_start3A_43, %dma_start3A_44] : memref<10240x128xf32, #tpu.memory_space<vmem_shared>> -> memref<10240x128xf32, #tpu.memory_space<vmem_shared>>
        tpu.enqueue_indirect_dma source(%arg8 : memref<80x128xf32, #tpu.memory_space<vmem>>) target(%dma_start3A_45 : memref<10240x128xf32, #tpu.memory_space<vmem_shared>>) offsets(%dma_start3A_42 : memref<80xi32, #tpu.memory_space<vmem>>) semaphore(%run_scoped3A : memref<!tpu.dma_semaphore, #tpu.memory_space<semaphore_mem>>) {add = true}
        %dma_wait3A = arith.constant 0 : i32
        %dma_wait3A_46 = tpu.memref_slice %arg6[%while3A_37, %dma_wait3A] : memref<125x80xi32, #tpu.memory_space<vmem>> -> memref<1x80xi32, #tpu.memory_space<vmem>>
        %dma_wait3A_47 = tpu.memref_squeeze %dma_wait3A_46 : memref<1x80xi32, #tpu.memory_space<vmem>> -> memref<80xi32, #tpu.memory_space<vmem>>
        %dma_wait3A_48 = arith.constant 0 : i32
        %dma_wait3A_49 = arith.constant 0 : i32
        %dma_wait3A_50 = tpu.memref_slice %arg10[%dma_wait3A_48, %dma_wait3A_49] : memref<10240x128xf32, #tpu.memory_space<vmem_shared>> -> memref<10240x128xf32, #tpu.memory_space<vmem_shared>>
        tpu.wait_indirect_dma semaphore(%run_scoped3A : memref<!tpu.dma_semaphore, #tpu.memory_space<semaphore_mem>>) src(%arg8 : memref<80x128xf32, #tpu.memory_space<vmem>>) dst(%dma_wait3A_50 : memref<10240x128xf32, #tpu.memory_space<vmem_shared>>)
        tpu.yield
      }) : () -> ()
    }
    %while3A_29 = arith.constant 1 : i32
    scf.for %while3A_37 = %while3A_27 to %while3A_23 step %while3A_29  : i32 {
      %mul3A_38 = arith.constant 80 : i32
      %mul3A_39 = arith.muli %while3A_37, %mul3A_38 : i32
      %add3A_40 = arith.addi %mul3A_2, %mul3A_39 : i32
      "tpu.region"() ({
        %run_scoped3A = tpu.sem_alloc : memref<!tpu.dma_semaphore, #tpu.memory_space<semaphore_mem>>
        %dma_start3A = arith.constant 0 : i32
        %dma_start3A_41 = tpu.memref_slice %arg2[%add3A_40, %dma_start3A] : memref<320000x128xf32, #tpu.memory_space<hbm>> -> memref<80x128xf32, #tpu.memory_space<hbm>>
        %dma_start3A_42 = arith.constant 0 : i32
        %dma_start3A_43 = tpu.memref_slice %arg2[%add3A_40, %dma_start3A_42] : memref<320000x128xf32, #tpu.memory_space<hbm>> -> memref<80x128xf32, #tpu.memory_space<hbm>>
        tpu.enqueue_dma source(%dma_start3A_43 : memref<80x128xf32, #tpu.memory_space<hbm>>) target(%arg8 : memref<80x128xf32, #tpu.memory_space<vmem>>) target_semaphore(%run_scoped3A : memref<!tpu.dma_semaphore, #tpu.memory_space<semaphore_mem>>)
        %dma_wait3A = arith.constant 0 : i32
        %dma_wait3A_44 = tpu.memref_slice %arg2[%add3A_40, %dma_wait3A] : memref<320000x128xf32, #tpu.memory_space<hbm>> -> memref<80x128xf32, #tpu.memory_space<hbm>>
        %dma_wait3A_45 = arith.constant 0 : i32
        %dma_wait3A_46 = tpu.memref_slice %arg2[%add3A_40, %dma_wait3A_45] : memref<320000x128xf32, #tpu.memory_space<hbm>> -> memref<80x128xf32, #tpu.memory_space<hbm>>
        tpu.wait_dma2 semaphore(%run_scoped3A : memref<!tpu.dma_semaphore, #tpu.memory_space<semaphore_mem>>) src(%dma_wait3A_46 : memref<80x128xf32, #tpu.memory_space<hbm>>) dst(%arg8 : memref<80x128xf32, #tpu.memory_space<vmem>>)
        tpu.yield
      }) : () -> ()
      "tpu.region"() ({
        %run_scoped3A = tpu.sem_alloc : memref<!tpu.dma_semaphore, #tpu.memory_space<semaphore_mem>>
        %dma_start3A = arith.constant 0 : i32
        %dma_start3A_41 = tpu.memref_slice %arg6[%while3A_37, %dma_start3A] : memref<125x80xi32, #tpu.memory_space<vmem>> -> memref<1x80xi32, #tpu.memory_space<vmem>>
        %dma_start3A_42 = tpu.memref_squeeze %dma_start3A_41 : memref<1x80xi32, #tpu.memory_space<vmem>> -> memref<80xi32, #tpu.memory_space<vmem>>
        %dma_start3A_43 = arith.constant 0 : i32
        %dma_start3A_44 = arith.constant 0 : i32
        %dma_start3A_45 = tpu.memref_slice %arg10[%dma_start3A_43, %dma_start3A_44] : memref<10240x128xf32, #tpu.memory_space<vmem_shared>> -> memref<10240x128xf32, #tpu.memory_space<vmem_shared>>
        tpu.enqueue_indirect_dma source(%arg8 : memref<80x128xf32, #tpu.memory_space<vmem>>) target(%dma_start3A_45 : memref<10240x128xf32, #tpu.memory_space<vmem_shared>>) offsets(%dma_start3A_42 : memref<80xi32, #tpu.memory_space<vmem>>) semaphore(%run_scoped3A : memref<!tpu.dma_semaphore, #tpu.memory_space<semaphore_mem>>) {add = true}
        %dma_wait3A = arith.constant 0 : i32
        %dma_wait3A_46 = tpu.memref_slice %arg6[%while3A_37, %dma_wait3A] : memref<125x80xi32, #tpu.memory_space<vmem>> -> memref<1x80xi32, #tpu.memory_space<vmem>>
        %dma_wait3A_47 = tpu.memref_squeeze %dma_wait3A_46 : memref<1x80xi32, #tpu.memory_space<vmem>> -> memref<80xi32, #tpu.memory_space<vmem>>
        %dma_wait3A_48 = arith.constant 0 : i32
        %dma_wait3A_49 = arith.constant 0 : i32
        %dma_wait3A_50 = tpu.memref_slice %arg10[%dma_wait3A_48, %dma_wait3A_49] : memref<10240x128xf32, #tpu.memory_space<vmem_shared>> -> memref<10240x128xf32, #tpu.memory_space<vmem_shared>>
        tpu.wait_indirect_dma semaphore(%run_scoped3A : memref<!tpu.dma_semaphore, #tpu.memory_space<semaphore_mem>>) src(%arg8 : memref<80x128xf32, #tpu.memory_space<vmem>>) dst(%dma_wait3A_50 : memref<10240x128xf32, #tpu.memory_space<vmem_shared>>)
        tpu.yield
      }) : () -> ()
    }
    %barrier3A_30 = arith.constant 0 : index
    tpu.barrier barrier_id(%barrier3A_30)
    %scan3A_31 = arith.constant 0 : i32
    %scan3A_32 = arith.constant 0 : i32
    %scan3A_33 = arith.constant 16 : i32
    %scan3A_34 = arith.addi %scan3A_32, %scan3A_33 : i32
    %scan3A_35 = arith.constant 1 : i32
    scf.for %scan3A_37 = %scan3A_32 to %scan3A_34 step %scan3A_35  : i32 {
      %mul3A_38 = arith.constant 40 : i32
      %mul3A_39 = arith.muli %scan3A_37, %mul3A_38 : i32
      %add3A_40 = arith.addi %mul3A_4, %mul3A_39 : i32
      "tpu.region"() ({
        %run_scoped3A = tpu.sem_alloc : memref<!tpu.dma_semaphore, #tpu.memory_space<semaphore_mem>>
        %dma_start3A = arith.constant 0 : i32
        %dma_start3A_44 = tpu.memref_slice %arg10[%add3A_40, %dma_start3A] : memref<10240x128xf32, #tpu.memory_space<vmem_shared>> -> memref<40x128xf32, #tpu.memory_space<vmem_shared>>
        %dma_start3A_45 = arith.constant 0 : i32
        %dma_start3A_46 = tpu.memref_slice %arg10[%add3A_40, %dma_start3A_45] : memref<10240x128xf32, #tpu.memory_space<vmem_shared>> -> memref<40x128xf32, #tpu.memory_space<vmem_shared>>
        tpu.enqueue_dma source(%dma_start3A_46 : memref<40x128xf32, #tpu.memory_space<vmem_shared>>) target(%arg9 : memref<40x128xf32, #tpu.memory_space<vmem>>) target_semaphore(%run_scoped3A : memref<!tpu.dma_semaphore, #tpu.memory_space<semaphore_mem>>)
        %dma_wait3A = arith.constant 0 : i32
        %dma_wait3A_47 = tpu.memref_slice %arg10[%add3A_40, %dma_wait3A] : memref<10240x128xf32, #tpu.memory_space<vmem_shared>> -> memref<40x128xf32, #tpu.memory_space<vmem_shared>>
        %dma_wait3A_48 = arith.constant 0 : i32
        %dma_wait3A_49 = tpu.memref_slice %arg10[%add3A_40, %dma_wait3A_48] : memref<10240x128xf32, #tpu.memory_space<vmem_shared>> -> memref<40x128xf32, #tpu.memory_space<vmem_shared>>
        tpu.wait_dma2 semaphore(%run_scoped3A : memref<!tpu.dma_semaphore, #tpu.memory_space<semaphore_mem>>) src(%dma_wait3A_49 : memref<40x128xf32, #tpu.memory_space<vmem_shared>>) dst(%arg9 : memref<40x128xf32, #tpu.memory_space<vmem>>)
        tpu.yield
      }) : () -> ()
      %mul3A_41 = arith.constant 40 : i32
      %mul3A_42 = arith.muli %scan3A_37, %mul3A_41 : i32
      %add3A_43 = arith.addi %mul3A_4, %mul3A_42 : i32
      "tpu.region"() ({
        %run_scoped3A = tpu.sem_alloc : memref<!tpu.dma_semaphore, #tpu.memory_space<semaphore_mem>>
        %dma_start3A = arith.constant 0 : i32
        %dma_start3A_44 = tpu.memref_slice %arg5[%arg0, %add3A_43, %dma_start3A] : memref<2x10240x128xf32, #tpu.memory_space<hbm>> -> memref<1x40x128xf32, #tpu.memory_space<hbm>>
        %dma_start3A_45 = tpu.memref_squeeze %dma_start3A_44 : memref<1x40x128xf32, #tpu.memory_space<hbm>> -> memref<40x128xf32, #tpu.memory_space<hbm>>
        %dma_start3A_46 = arith.constant 0 : i32
        %dma_start3A_47 = tpu.memref_slice %arg5[%arg0, %add3A_43, %dma_start3A_46] : memref<2x10240x128xf32, #tpu.memory_space<hbm>> -> memref<1x40x128xf32, #tpu.memory_space<hbm>>
        %dma_start3A_48 = tpu.memref_squeeze %dma_start3A_47 : memref<1x40x128xf32, #tpu.memory_space<hbm>> -> memref<40x128xf32, #tpu.memory_space<hbm>>
        tpu.enqueue_dma source(%arg9 : memref<40x128xf32, #tpu.memory_space<vmem>>) target(%dma_start3A_48 : memref<40x128xf32, #tpu.memory_space<hbm>>) target_semaphore(%run_scoped3A : memref<!tpu.dma_semaphore, #tpu.memory_space<semaphore_mem>>)
        %dma_wait3A = arith.constant 0 : i32
        %dma_wait3A_49 = tpu.memref_slice %arg5[%arg0, %add3A_43, %dma_wait3A] : memref<2x10240x128xf32, #tpu.memory_space<hbm>> -> memref<1x40x128xf32, #tpu.memory_space<hbm>>
        %dma_wait3A_50 = tpu.memref_squeeze %dma_wait3A_49 : memref<1x40x128xf32, #tpu.memory_space<hbm>> -> memref<40x128xf32, #tpu.memory_space<hbm>>
        %dma_wait3A_51 = arith.constant 0 : i32
        %dma_wait3A_52 = tpu.memref_slice %arg5[%arg0, %add3A_43, %dma_wait3A_51] : memref<2x10240x128xf32, #tpu.memory_space<hbm>> -> memref<1x40x128xf32, #tpu.memory_space<hbm>>
        %dma_wait3A_53 = tpu.memref_squeeze %dma_wait3A_52 : memref<1x40x128xf32, #tpu.memory_space<hbm>> -> memref<40x128xf32, #tpu.memory_space<hbm>>
        tpu.wait_dma2 semaphore(%run_scoped3A : memref<!tpu.dma_semaphore, #tpu.memory_space<semaphore_mem>>) src(%arg9 : memref<40x128xf32, #tpu.memory_space<vmem>>) dst(%dma_wait3A_53 : memref<40x128xf32, #tpu.memory_space<hbm>>)
        tpu.yield
      }) : () -> ()
    }
    %scan3A_36 = arith.constant 16 : i32
    return
  }
}

module attributes {stable_mosaic.version = 14 : i64} {
  func.func @body(%arg0: i32, %arg1: memref<2000x128xf32, #tpu.memory_space<vmem>>, %arg2: memref<128x1xf32, #tpu.memory_space<vmem>>, %arg3: memref<1x1xf32, #tpu.memory_space<vmem>>, %arg4: memref<2000x128xf32, #tpu.memory_space<vmem>>, %arg5: memref<2000x128xf32, #tpu.memory_space<vmem>>) attributes {dimension_semantics = [#tpu.dimension_semantics<arbitrary>], iteration_bounds = array<i64: 160>, scalar_prefetch = 0 : i64, scratch_operands = 0 : i64, tpu.core_type = #tpu.core_type<tc>, window_params = [{transform_indices = @transform_0, window_bounds = array<i64: 2000, 128>}, {pipeline_mode = #tpu.pipeline_mode<synchronous>, transform_indices = @transform_1, window_bounds = array<i64: 128, 1>}, {pipeline_mode = #tpu.pipeline_mode<synchronous>, transform_indices = @transform_2, window_bounds = array<i64: 1, 1>}, {transform_indices = @transform_3, window_bounds = array<i64: 2000, 128>}, {transform_indices = @transform_4, window_bounds = array<i64: 2000, 128>}]} {
    %get3A = arith.constant 0 : index
    %get3A_0 = arith.constant 0 : index
    %get3A_1 = vector.load %arg1[%get3A, %get3A_0] : memref<2000x128xf32, #tpu.memory_space<vmem>>, vector<2000x128xf32>
    %get3A_2 = arith.constant 0 : index
    %get3A_3 = arith.constant 0 : index
    %get3A_4 = vector.load %arg2[%get3A_2, %get3A_3] : memref<128x1xf32, #tpu.memory_space<vmem>>, vector<128x1xf32>
    %dot_general3A = arith.constant dense<0.000000e+00> : vector<2000x1xf32>
    %dot_general3A_5 = tpu.matmul %get3A_1, %get3A_4, %dot_general3A {dimension_numbers = #tpu.dot_dimension_numbers<[1], [0], [0], [1], [0, 0, 1, 1], [], []>, transpose_lhs_hint = false} : vector<2000x128xf32>, vector<128x1xf32>, vector<2000x1xf32> -> vector<2000x1xf32>
    %get3A_6 = arith.constant 0 : index
    %get3A_7 = arith.constant 0 : index
    %get3A_8 = vector.load %arg3[%get3A_6, %get3A_7] : memref<1x1xf32, #tpu.memory_space<vmem>>, vector<1x1xf32>
    %get3A_9 = vector.extract %get3A_8[0, 0] : f32 from vector<1x1xf32>
    %add3A = vector.broadcast %get3A_9 : f32 to vector<2000x1xf32>
    %add3A_10 = arith.addf %dot_general3A_5, %add3A : vector<2000x1xf32>
    %exp3A = math.exp %add3A_10 : vector<2000x1xf32>
    %mul3A = vector.broadcast %exp3A : vector<2000x1xf32> to vector<2000x128xf32>
    %mul3A_11 = arith.mulf %mul3A, %get3A_1 : vector<2000x128xf32>
    %swap3A = arith.constant 0 : index
    %swap3A_12 = arith.constant 0 : index
    %swap3A_13 = vector.load %arg4[%swap3A, %swap3A_12] : memref<2000x128xf32, #tpu.memory_space<vmem>>, vector<2000x128xf32>
    tpu.vector_store %arg4[%swap3A, %swap3A_12], %mul3A_11 {strides = array<i32>} : memref<2000x128xf32, #tpu.memory_space<vmem>>, vector<2000x128xf32>,
    %broadcast_in_dim3A = vector.shape_cast %exp3A : vector<2000x1xf32> to vector<2000x1xf32>
    %broadcast_in_dim3A_14 = vector.broadcast %broadcast_in_dim3A : vector<2000x1xf32> to vector<2000x128xf32>
    %swap3A_15 = arith.constant 0 : index
    %swap3A_16 = arith.constant 0 : index
    %swap3A_17 = vector.load %arg5[%swap3A_15, %swap3A_16] : memref<2000x128xf32, #tpu.memory_space<vmem>>, vector<2000x128xf32>
    tpu.vector_store %arg5[%swap3A_15, %swap3A_16], %broadcast_in_dim3A_14 {strides = array<i32>} : memref<2000x128xf32, #tpu.memory_space<vmem>>, vector<2000x128xf32>,
    return
  }
  func.func @transform_0(%arg0: i32) -> (i32, i32) {
    %c0_i32 = arith.constant 0 : i32
    %c0_i32_0 = arith.constant 0 : i32
    return %arg0, %c0_i32 : i32, i32
  }
  func.func @transform_1(%arg0: i32) -> (i32, i32) {
    %c0_i32 = arith.constant 0 : i32
    %c0_i32_0 = arith.constant 0 : i32
    %c0_i32_1 = arith.constant 0 : i32
    return %c0_i32, %c0_i32_0 : i32, i32
  }
  func.func @transform_2(%arg0: i32) -> (i32, i32) {
    %c0_i32 = arith.constant 0 : i32
    %c0_i32_0 = arith.constant 0 : i32
    %c0_i32_1 = arith.constant 0 : i32
    return %c0_i32, %c0_i32_0 : i32, i32
  }
  func.func @transform_3(%arg0: i32) -> (i32, i32) {
    %c0_i32 = arith.constant 0 : i32
    %c0_i32_0 = arith.constant 0 : i32
    return %arg0, %c0_i32 : i32, i32
  }
  func.func @transform_4(%arg0: i32) -> (i32, i32) {
    %c0_i32 = arith.constant 0 : i32
    %c0_i32_0 = arith.constant 0 : i32
    return %arg0, %c0_i32 : i32, i32
  }
}

module attributes {stable_mosaic.version = 14 : i64} {
  func.func @body(%arg0: i32, %arg1: memref<2x400x128xf32, #tpu.memory_space<vmem>>, %arg2: memref<2x400x128xf32, #tpu.memory_space<vmem>>, %arg3: memref<1x128xf32, #tpu.memory_space<vmem>>, %arg4: memref<1x128xf32, #tpu.memory_space<vmem>>, %arg5: memref<400x256xf32, #tpu.memory_space<vmem>>) attributes {dimension_semantics = [#tpu.dimension_semantics<arbitrary>], iteration_bounds = array<i64: 50>, scalar_prefetch = 0 : i64, scratch_operands = 0 : i64, tpu.core_type = #tpu.core_type<tc>, window_params = [{transform_indices = @transform_0, window_bounds = array<i64: 2, 400, 128>}, {transform_indices = @transform_1, window_bounds = array<i64: 2, 400, 128>}, {pipeline_mode = #tpu.pipeline_mode<synchronous>, transform_indices = @transform_2, window_bounds = array<i64: 1, 128>}, {pipeline_mode = #tpu.pipeline_mode<synchronous>, transform_indices = @transform_3, window_bounds = array<i64: 1, 128>}, {transform_indices = @transform_4, window_bounds = array<i64: 400, 256>}]} {
    %get3A = arith.constant 0 : index
    %get3A_0 = arith.constant 0 : index
    %get3A_1 = arith.constant 0 : index
    %get3A_2 = vector.load %arg1[%get3A, %get3A_0, %get3A_1] : memref<2x400x128xf32, #tpu.memory_space<vmem>>, vector<1x400x128xf32>
    %get3A_3 = vector.shape_cast %get3A_2 : vector<1x400x128xf32> to vector<400x128xf32>
    %get3A_4 = arith.constant 1 : index
    %get3A_5 = arith.constant 0 : index
    %get3A_6 = arith.constant 0 : index
    %get3A_7 = vector.load %arg1[%get3A_4, %get3A_5, %get3A_6] : memref<2x400x128xf32, #tpu.memory_space<vmem>>, vector<1x400x128xf32>
    %get3A_8 = vector.shape_cast %get3A_7 : vector<1x400x128xf32> to vector<400x128xf32>
    %add3A = arith.addf %get3A_3, %get3A_8 : vector<400x128xf32>
    %get3A_9 = arith.constant 0 : index
    %get3A_10 = arith.constant 0 : index
    %get3A_11 = arith.constant 0 : index
    %get3A_12 = vector.load %arg2[%get3A_9, %get3A_10, %get3A_11] : memref<2x400x128xf32, #tpu.memory_space<vmem>>, vector<1x400x1xf32>
    %get3A_13 = vector.shape_cast %get3A_12 : vector<1x400x1xf32> to vector<400x1xf32>
    %get3A_14 = arith.constant 1 : index
    %get3A_15 = arith.constant 0 : index
    %get3A_16 = arith.constant 0 : index
    %get3A_17 = vector.load %arg2[%get3A_14, %get3A_15, %get3A_16] : memref<2x400x128xf32, #tpu.memory_space<vmem>>, vector<1x400x1xf32>
    %get3A_18 = vector.shape_cast %get3A_17 : vector<1x400x1xf32> to vector<400x1xf32>
    %add3A_19 = arith.addf %get3A_13, %get3A_18 : vector<400x1xf32>
    %reduce_sum3A = arith.constant dense<0.000000e+00> : vector<400xf32>
    %reduce_sum3A_20 = vector.multi_reduction <add>, %add3A, %reduce_sum3A [1] : vector<400x128xf32> to vector<400xf32>
    %broadcast_in_dim3A = vector.shape_cast %reduce_sum3A_20 : vector<400xf32> to vector<400x1xf32>
    %div3A = arith.constant 1.280000e+02 : f32
    %div3A_21 = vector.broadcast %div3A : f32 to vector<400x1xf32>
    %div3A_22 = arith.divf %broadcast_in_dim3A, %div3A_21 : vector<400x1xf32>
    %sub3A = vector.broadcast %div3A_22 : vector<400x1xf32> to vector<400x128xf32>
    %sub3A_23 = arith.subf %add3A, %sub3A : vector<400x128xf32>
    %mul3A = arith.mulf %sub3A_23, %sub3A_23 : vector<400x128xf32>
    %reduce_sum3A_24 = arith.constant dense<0.000000e+00> : vector<400xf32>
    %reduce_sum3A_25 = vector.multi_reduction <add>, %mul3A, %reduce_sum3A_24 [1] : vector<400x128xf32> to vector<400xf32>
    %broadcast_in_dim3A_26 = vector.shape_cast %reduce_sum3A_25 : vector<400xf32> to vector<400x1xf32>
    %div3A_27 = arith.constant 1.280000e+02 : f32
    %div3A_28 = vector.broadcast %div3A_27 : f32 to vector<400x1xf32>
    %div3A_29 = arith.divf %broadcast_in_dim3A_26, %div3A_28 : vector<400x1xf32>
    %add3A_30 = arith.constant 9.99999974E-6 : f32
    %add3A_31 = vector.broadcast %add3A_30 : f32 to vector<400x1xf32>
    %add3A_32 = arith.addf %div3A_29, %add3A_31 : vector<400x1xf32>
    %rsqrt3A = math.rsqrt %add3A_32 : vector<400x1xf32>
    %mul3A_33 = vector.broadcast %rsqrt3A : vector<400x1xf32> to vector<400x128xf32>
    %mul3A_34 = arith.mulf %sub3A_23, %mul3A_33 : vector<400x128xf32>
    %get3A_35 = arith.constant 0 : index
    %get3A_36 = arith.constant 0 : index
    %get3A_37 = vector.load %arg3[%get3A_35, %get3A_36] : memref<1x128xf32, #tpu.memory_space<vmem>>, vector<1x128xf32>
    %mul3A_38 = vector.broadcast %get3A_37 : vector<1x128xf32> to vector<400x128xf32>
    %mul3A_39 = arith.mulf %mul3A_34, %mul3A_38 : vector<400x128xf32>
    %get3A_40 = arith.constant 0 : index
    %get3A_41 = arith.constant 0 : index
    %get3A_42 = vector.load %arg4[%get3A_40, %get3A_41] : memref<1x128xf32, #tpu.memory_space<vmem>>, vector<1x128xf32>
    %add3A_43 = vector.broadcast %get3A_42 : vector<1x128xf32> to vector<400x128xf32>
    %add3A_44 = arith.addf %mul3A_39, %add3A_43 : vector<400x128xf32>
    %swap3A = arith.constant 0 : index
    %swap3A_45 = arith.constant 0 : index
    %swap3A_46 = vector.load %arg5[%swap3A, %swap3A_45] : memref<400x256xf32, #tpu.memory_space<vmem>>, vector<400x128xf32>
    tpu.vector_store %arg5[%swap3A, %swap3A_45], %add3A_44 {strides = array<i32>} : memref<400x256xf32, #tpu.memory_space<vmem>>, vector<400x128xf32>,
    %broadcast_in_dim3A_47 = vector.shape_cast %add3A_19 : vector<400x1xf32> to vector<400x1xf32>
    %broadcast_in_dim3A_48 = vector.broadcast %broadcast_in_dim3A_47 : vector<400x1xf32> to vector<400x128xf32>
    %swap3A_49 = arith.constant 0 : index
    %swap3A_50 = arith.constant 128 : index
    %swap3A_51 = vector.load %arg5[%swap3A_49, %swap3A_50] : memref<400x256xf32, #tpu.memory_space<vmem>>, vector<400x128xf32>
    tpu.vector_store %arg5[%swap3A_49, %swap3A_50], %broadcast_in_dim3A_48 {strides = array<i32>} : memref<400x256xf32, #tpu.memory_space<vmem>>, vector<400x128xf32>,
    return
  }
  func.func @transform_0(%arg0: i32) -> (i32, i32, i32) {
    %c0_i32 = arith.constant 0 : i32
    %c0_i32_0 = arith.constant 0 : i32
    %c0_i32_1 = arith.constant 0 : i32
    return %c0_i32, %arg0, %c0_i32_0 : i32, i32, i32
  }
  func.func @transform_1(%arg0: i32) -> (i32, i32, i32) {
    %c0_i32 = arith.constant 0 : i32
    %c0_i32_0 = arith.constant 0 : i32
    %c0_i32_1 = arith.constant 0 : i32
    return %c0_i32, %arg0, %c0_i32_0 : i32, i32, i32
  }
  func.func @transform_2(%arg0: i32) -> (i32, i32) {
    %c0_i32 = arith.constant 0 : i32
    %c0_i32_0 = arith.constant 0 : i32
    %c0_i32_1 = arith.constant 0 : i32
    return %c0_i32, %c0_i32_0 : i32, i32
  }
  func.func @transform_3(%arg0: i32) -> (i32, i32) {
    %c0_i32 = arith.constant 0 : i32
    %c0_i32_0 = arith.constant 0 : i32
    %c0_i32_1 = arith.constant 0 : i32
    return %c0_i32, %c0_i32_0 : i32, i32
  }
  func.func @transform_4(%arg0: i32) -> (i32, i32) {
    %c0_i32 = arith.constant 0 : i32
    %c0_i32_0 = arith.constant 0 : i32
    return %arg0, %c0_i32 : i32, i32
  }
}

module attributes {stable_mosaic.version = 14 : i64} {
  func.func @body(%arg0: i32, %arg1: memref<2000x128xf32, #tpu.memory_space<vmem>>, %arg2: memref<2000x256xf32, #tpu.memory_space<vmem>>, %arg3: memref<256x1xf32, #tpu.memory_space<vmem>>, %arg4: memref<1x1xf32, #tpu.memory_space<vmem>>, %arg5: memref<2000x128xf32, #tpu.memory_space<vmem>>, %arg6: memref<2000x128xf32, #tpu.memory_space<vmem>>) attributes {dimension_semantics = [#tpu.dimension_semantics<arbitrary>], iteration_bounds = array<i64: 160>, scalar_prefetch = 0 : i64, scratch_operands = 0 : i64, tpu.core_type = #tpu.core_type<tc>, window_params = [{transform_indices = @transform_0, window_bounds = array<i64: 2000, 128>}, {transform_indices = @transform_1, window_bounds = array<i64: 2000, 256>}, {pipeline_mode = #tpu.pipeline_mode<synchronous>, transform_indices = @transform_2, window_bounds = array<i64: 256, 1>}, {pipeline_mode = #tpu.pipeline_mode<synchronous>, transform_indices = @transform_3, window_bounds = array<i64: 1, 1>}, {transform_indices = @transform_4, window_bounds = array<i64: 2000, 128>}, {transform_indices = @transform_5, window_bounds = array<i64: 2000, 128>}]} {
    %get3A = arith.constant 0 : index
    %get3A_0 = arith.constant 0 : index
    %get3A_1 = vector.load %arg2[%get3A, %get3A_0] : memref<2000x256xf32, #tpu.memory_space<vmem>>, vector<2000x128xf32>
    %get3A_2 = arith.constant 0 : index
    %get3A_3 = arith.constant 128 : index
    %get3A_4 = vector.load %arg2[%get3A_2, %get3A_3] : memref<2000x256xf32, #tpu.memory_space<vmem>>, vector<2000x1xf32>
    %add3A = arith.constant 1.000000e-16 : f32
    %add3A_5 = vector.broadcast %add3A : f32 to vector<2000x1xf32>
    %add3A_6 = arith.addf %get3A_4, %add3A_5 : vector<2000x1xf32>
    %get3A_7 = arith.constant 0 : index
    %get3A_8 = arith.constant 0 : index
    %get3A_9 = vector.load %arg1[%get3A_7, %get3A_8] : memref<2000x128xf32, #tpu.memory_space<vmem>>, vector<2000x128xf32>
    %get3A_10 = arith.constant 0 : index
    %get3A_11 = arith.constant 0 : index
    %get3A_12 = vector.load %arg3[%get3A_10, %get3A_11] : memref<256x1xf32, #tpu.memory_space<vmem>>, vector<256x1xf32>
    %slice3A = vector.extract_strided_slice %get3A_12 {offsets = [0, 0], sizes = [128, 1], strides = [1, 1]} : vector<256x1xf32> to vector<128x1xf32>
    %dot_general3A = arith.constant dense<0.000000e+00> : vector<2000x1xf32>
    %dot_general3A_13 = tpu.matmul %get3A_1, %slice3A, %dot_general3A {dimension_numbers = #tpu.dot_dimension_numbers<[1], [0], [0], [1], [0, 0, 1, 1], [], []>, transpose_lhs_hint = false} : vector<2000x128xf32>, vector<128x1xf32>, vector<2000x1xf32> -> vector<2000x1xf32>
    %slice3A_14 = vector.extract_strided_slice %get3A_12 {offsets = [128, 0], sizes = [128, 1], strides = [1, 1]} : vector<256x1xf32> to vector<128x1xf32>
    %dot_general3A_15 = arith.constant dense<0.000000e+00> : vector<2000x1xf32>
    %dot_general3A_16 = tpu.matmul %get3A_9, %slice3A_14, %dot_general3A_15 {dimension_numbers = #tpu.dot_dimension_numbers<[1], [0], [0], [1], [0, 0, 1, 1], [], []>, transpose_lhs_hint = false} : vector<2000x128xf32>, vector<128x1xf32>, vector<2000x1xf32> -> vector<2000x1xf32>
    %div3A = arith.divf %dot_general3A_16, %add3A_6 : vector<2000x1xf32>
    %add3A_17 = arith.addf %dot_general3A_13, %div3A : vector<2000x1xf32>
    %get3A_18 = arith.constant 0 : index
    %get3A_19 = arith.constant 0 : index
    %get3A_20 = vector.load %arg4[%get3A_18, %get3A_19] : memref<1x1xf32, #tpu.memory_space<vmem>>, vector<1x1xf32>
    %get3A_21 = vector.extract %get3A_20[0, 0] : f32 from vector<1x1xf32>
    %add3A_22 = vector.broadcast %get3A_21 : f32 to vector<2000x1xf32>
    %add3A_23 = arith.addf %add3A_17, %add3A_22 : vector<2000x1xf32>
    %exp3A = math.exp %add3A_23 : vector<2000x1xf32>
    %mul3A = vector.broadcast %exp3A : vector<2000x1xf32> to vector<2000x128xf32>
    %mul3A_24 = arith.mulf %mul3A, %get3A_1 : vector<2000x128xf32>
    %swap3A = arith.constant 0 : index
    %swap3A_25 = arith.constant 0 : index
    %swap3A_26 = vector.load %arg5[%swap3A, %swap3A_25] : memref<2000x128xf32, #tpu.memory_space<vmem>>, vector<2000x128xf32>
    tpu.vector_store %arg5[%swap3A, %swap3A_25], %mul3A_24 {strides = array<i32>} : memref<2000x128xf32, #tpu.memory_space<vmem>>, vector<2000x128xf32>,
    %broadcast_in_dim3A = vector.shape_cast %exp3A : vector<2000x1xf32> to vector<2000x1xf32>
    %broadcast_in_dim3A_27 = vector.broadcast %broadcast_in_dim3A : vector<2000x1xf32> to vector<2000x128xf32>
    %swap3A_28 = arith.constant 0 : index
    %swap3A_29 = arith.constant 0 : index
    %swap3A_30 = vector.load %arg6[%swap3A_28, %swap3A_29] : memref<2000x128xf32, #tpu.memory_space<vmem>>, vector<2000x128xf32>
    tpu.vector_store %arg6[%swap3A_28, %swap3A_29], %broadcast_in_dim3A_27 {strides = array<i32>} : memref<2000x128xf32, #tpu.memory_space<vmem>>, vector<2000x128xf32>,
    return
  }
  func.func @transform_0(%arg0: i32) -> (i32, i32) {
    %c0_i32 = arith.constant 0 : i32
    %c0_i32_0 = arith.constant 0 : i32
    return %arg0, %c0_i32 : i32, i32
  }
  func.func @transform_1(%arg0: i32) -> (i32, i32) {
    %c0_i32 = arith.constant 0 : i32
    %c0_i32_0 = arith.constant 0 : i32
    return %arg0, %c0_i32 : i32, i32
  }
  func.func @transform_2(%arg0: i32) -> (i32, i32) {
    %c0_i32 = arith.constant 0 : i32
    %c0_i32_0 = arith.constant 0 : i32
    %c0_i32_1 = arith.constant 0 : i32
    return %c0_i32, %c0_i32_0 : i32, i32
  }
  func.func @transform_3(%arg0: i32) -> (i32, i32) {
    %c0_i32 = arith.constant 0 : i32
    %c0_i32_0 = arith.constant 0 : i32
    %c0_i32_1 = arith.constant 0 : i32
    return %c0_i32, %c0_i32_0 : i32, i32
  }
  func.func @transform_4(%arg0: i32) -> (i32, i32) {
    %c0_i32 = arith.constant 0 : i32
    %c0_i32_0 = arith.constant 0 : i32
    return %arg0, %c0_i32 : i32, i32
  }
  func.func @transform_5(%arg0: i32) -> (i32, i32) {
    %c0_i32 = arith.constant 0 : i32
    %c0_i32_0 = arith.constant 0 : i32
    return %arg0, %c0_i32 : i32, i32
  }
}

module attributes {stable_mosaic.version = 14 : i64} {
  func.func @body(%arg0: i32, %arg1: memref<2x400x128xf32, #tpu.memory_space<vmem>>, %arg2: memref<2x400x128xf32, #tpu.memory_space<vmem>>, %arg3: memref<400x128xf32, #tpu.memory_space<vmem>>, %arg4: memref<400x128xf32, #tpu.memory_space<vmem>>) attributes {dimension_semantics = [#tpu.dimension_semantics<arbitrary>], iteration_bounds = array<i64: 25>, scalar_prefetch = 0 : i64, scratch_operands = 0 : i64, tpu.core_type = #tpu.core_type<tc>, window_params = [{transform_indices = @transform_0, window_bounds = array<i64: 2, 400, 128>}, {transform_indices = @transform_1, window_bounds = array<i64: 2, 400, 128>}, {transform_indices = @transform_2, window_bounds = array<i64: 400, 128>}, {transform_indices = @transform_3, window_bounds = array<i64: 400, 128>}]} {
    %get3A = arith.constant 0 : index
    %get3A_0 = arith.constant 0 : index
    %get3A_1 = arith.constant 0 : index
    %get3A_2 = vector.load %arg1[%get3A, %get3A_0, %get3A_1] : memref<2x400x128xf32, #tpu.memory_space<vmem>>, vector<1x400x128xf32>
    %get3A_3 = vector.shape_cast %get3A_2 : vector<1x400x128xf32> to vector<400x128xf32>
    %get3A_4 = arith.constant 1 : index
    %get3A_5 = arith.constant 0 : index
    %get3A_6 = arith.constant 0 : index
    %get3A_7 = vector.load %arg1[%get3A_4, %get3A_5, %get3A_6] : memref<2x400x128xf32, #tpu.memory_space<vmem>>, vector<1x400x128xf32>
    %get3A_8 = vector.shape_cast %get3A_7 : vector<1x400x128xf32> to vector<400x128xf32>
    %add3A = arith.addf %get3A_3, %get3A_8 : vector<400x128xf32>
    %get3A_9 = arith.constant 0 : index
    %get3A_10 = arith.constant 0 : index
    %get3A_11 = arith.constant 0 : index
    %get3A_12 = vector.load %arg2[%get3A_9, %get3A_10, %get3A_11] : memref<2x400x128xf32, #tpu.memory_space<vmem>>, vector<1x400x1xf32>
    %get3A_13 = vector.shape_cast %get3A_12 : vector<1x400x1xf32> to vector<400x1xf32>
    %get3A_14 = arith.constant 1 : index
    %get3A_15 = arith.constant 0 : index
    %get3A_16 = arith.constant 0 : index
    %get3A_17 = vector.load %arg2[%get3A_14, %get3A_15, %get3A_16] : memref<2x400x128xf32, #tpu.memory_space<vmem>>, vector<1x400x1xf32>
    %get3A_18 = vector.shape_cast %get3A_17 : vector<1x400x1xf32> to vector<400x1xf32>
    %add3A_19 = arith.addf %get3A_13, %get3A_18 : vector<400x1xf32>
    %add3A_20 = arith.constant 1.000000e-16 : f32
    %add3A_21 = vector.broadcast %add3A_20 : f32 to vector<400x1xf32>
    %add3A_22 = arith.addf %add3A_19, %add3A_21 : vector<400x1xf32>
    %div3A = vector.broadcast %add3A_22 : vector<400x1xf32> to vector<400x128xf32>
    %div3A_23 = arith.divf %add3A, %div3A : vector<400x128xf32>
    %get3A_24 = arith.constant 0 : index
    %get3A_25 = arith.constant 0 : index
    %get3A_26 = vector.load %arg3[%get3A_24, %get3A_25] : memref<400x128xf32, #tpu.memory_space<vmem>>, vector<400x128xf32>
    %add3A_27 = arith.addf %div3A_23, %get3A_26 : vector<400x128xf32>
    %swap3A = arith.constant 0 : index
    %swap3A_28 = arith.constant 0 : index
    %swap3A_29 = vector.load %arg4[%swap3A, %swap3A_28] : memref<400x128xf32, #tpu.memory_space<vmem>>, vector<400x128xf32>
    tpu.vector_store %arg4[%swap3A, %swap3A_28], %add3A_27 {strides = array<i32>} : memref<400x128xf32, #tpu.memory_space<vmem>>, vector<400x128xf32>,
    return
  }
  func.func @transform_0(%arg0: i32) -> (i32, i32, i32) {
    %c0_i32 = arith.constant 0 : i32
    %c0_i32_0 = arith.constant 0 : i32
    %c0_i32_1 = arith.constant 0 : i32
    return %c0_i32, %arg0, %c0_i32_0 : i32, i32, i32
  }
  func.func @transform_1(%arg0: i32) -> (i32, i32, i32) {
    %c0_i32 = arith.constant 0 : i32
    %c0_i32_0 = arith.constant 0 : i32
    %c0_i32_1 = arith.constant 0 : i32
    return %c0_i32, %arg0, %c0_i32_0 : i32, i32, i32
  }
  func.func @transform_2(%arg0: i32) -> (i32, i32) {
    %c0_i32 = arith.constant 0 : i32
    %c0_i32_0 = arith.constant 0 : i32
    return %arg0, %c0_i32 : i32, i32
  }
  func.func @transform_3(%arg0: i32) -> (i32, i32) {
    %c0_i32 = arith.constant 0 : i32
    %c0_i32_0 = arith.constant 0 : i32
    return %arg0, %c0_i32 : i32, i32
  }
}

</mosaic_0001>

<sc_bundles>
// kernel: kernel.14.cloned.1.call-start
scs
__scs_entry_jumppad:
0x0: {  	(pc) =	sbr.rel $0x88, $3  }
0x1: {  	(tag) =	ssettag $0x0;
	lr =	simm.s32 $0x1  }
0x2: {  	[smem:$0x3F98] =	sst lr;
	_ =	strace $0xD0000000  }
0x3: {  	_ = 	snop  }
0x4: {  	_ = 	snop  }
0x5: {  	_ = 	snop  }
0x6: {  	_ = 	snop  }
0x7: {  	_ = 	snop  }
__scs_overlays_trampoline_lowered:
0x8: {  	[smem:$0x3FA7] =	sst s0  }
0x9: {  	[smem:$0x3FA8] =	sst s1  }
0xa: {  	[smem:$0x3FA9] =	sst s2  }
0xb: {  	[smem:$0x3FAA] =	sst s3  }
0xc: {  	[smem:$0x3FAB] =	sst s4  }
0xd: {  	[smem:$0x3FAC] =	sst s5  }
0xe: {  	[smem:$0x3FAD] =	sst s6  }
0xf: {  	[smem:$0x3FAE] =	sst s7  }
0x10: {  	[smem:$0x3FAF] =	sst s8  }
0x11: {  	[smem:$0x3FB0] =	sst s9;
	s0 =	simm.s32 @!p0 $0x0  }
0x12: {  	s1 =	sld [smem:$0x3F96];
	s0 =	simm.s32 @p0 $0x1  }
0x13: {  	[smem:$0x3FB1] =	sst s0;
	s0 =	simm.s32 @!p1 $0x0  }
0x14: {  	s2 =	sld [smem:$0x3F95];
	s0 =	simm.s32 @p1 $0x1  }
0x15: {  	[smem:$0x3FB2] =	sst s0;
	s0 =	simm.s32 @!p2 $0x0  }
0x16: {  	s3 =	sld [smem:$0x3FDB];
	s0 =	simm.s32 @p2 $0x1  }
0x17: {  	s4 =	simm.s32 $0x1BF5;
	[smem:$0x3FB4] =	sst s0  }
0x18: {  	s0 =	sld [smem:$0x3F97];
	_ =	swait.ge [sflag:s4], $0x0  }
0x19: {  	s7 =	sld [smem:$0x3F98]  }
0x1a: {  	s8 =	sadd.s32 $0xFFFFE003, lr  }
0x1b: {  	s9 =	sadd.s32 $0xFFFFFEF7, lr;
	s5 =	simm.s32 $0xFFFFFFFF;
	p2 =	slt.u32 s8, $0xFFFFF086  }
0x1c: {  	p1 =	slt.u32 s9, $0xF7A;
	s5 =	simm.s32 @!p2 $0x0  }
0x1d: {  	s5 =	simm.s32 @p1 $0x1;
	p0 =	seq.s32 s7, s2  }
0x1e: {  	s7 =	smul.u32 @!p0 $0xF7A, s2;
	p2 =	seq.s32 @!p0 s5, $0x0  }
0x1f: {  	s9 =	smul.u32 $0xF7A, s1;
	s8 =	simm.s32 @!p0 $0x1BF5;
	p2 =	por !p2, p0  }
0x20: {  	[sflag:s8] =	ssyncset.s32 @!p0 $0xFFFFF086;
	s6 =	sadd.s32 @!p0 s3, s7;
	s7 =	simm.s32 @!p0 $0x108  }
0x21: {  	s3 =	sadd.s32 s3, s9;
	s6 =	sadd.s32 @!p0 $0x88, s6;
	s7 =	simm.s32 @p2 $0x1082  }
0x22: {  	[simem:s7], [sflag:s8] =	dma.local @!p0 [hbm:s6], $0xF7A  }
0x23: {  	s9 =	sor.u32 $0xD0000000, s2;
	s6 =	simm.s32 $0x108;
	_ =	swait.ge @!p0 [sflag:s8], $0x0  }
0x24: {  	s3 =	sadd.s32 $0x88, s3;
	s6 =	simm.s32 @!p1 $0x1082;
	[sflag:s4] =	ssyncset.s32 $0xFFFFF086  }
0x25: {  	[simem:s6], [sflag:s4] =	dma.local [hbm:s3], $0xF7A  }
0x26: {  	[smem:$0x3F98] =	sst s1;
	(tag) =	ssettag s2;
	_ =	strace s9  }
0x27: {  	s1 =	sld [smem:$0x3FA8]  }
0x28: {  	s2 =	sld [smem:$0x3FA9]  }
0x29: {  	s4 =	sld [smem:$0x3FAB]  }
0x2a: {  	p0 =	seq.s32 s5, $0x0;
	s5 =	sld [smem:$0x3FAC]  }
0x2b: {  	s6 =	sld [smem:$0x3FAD]  }
0x2c: {  	s7 =	sld [smem:$0x3FAE]  }
0x2d: {  	s3 =	simm.s32 $0x108;
	s8 =	sld [smem:$0x3FAF]  }
0x2e: {  	s3 =	simm.s32 @!p0 $0x1082;
	s9 =	sld [smem:$0x3FB0]  }
0x2f: {  	lr =	sadd.s32 s0, s3;
	s0 =	sld [smem:$0x3FA7]  }
0x30: {  	s3 =	sld [smem:$0x3FAA]  }
0x31: {  	[smem:$0x3FB3] =	sst s10  }
0x32: {  	s10 =	sld [smem:$0x3FB1];
	_ =	sdelay $0x3  }
0x33: {  	p0 =	seq.s32 s10, $0x1;
	s10 =	sld [smem:$0x3FB3];
	_ =	sdelay $0x3  }
0x34: {  	[smem:$0x3FB3] =	sst s10  }
0x35: {  	s10 =	sld [smem:$0x3FB2];
	_ =	sdelay $0x3  }
0x36: {  	p1 =	seq.s32 s10, $0x1;
	s10 =	sld [smem:$0x3FB3];
	_ =	sdelay $0x3  }
0x37: {  	[smem:$0x3FB3] =	sst s10  }
0x38: {  	s10 =	sld [smem:$0x3FB4]  }
0x39: {  	_ = 	snop;
	(pc) =	sbr.ind lr, $3  }
0x3a: {  	_ = 	snop  }
0x3b: {  	_ = 	snop  }
0x3c: {  	p2 =	seq.s32 s10, $0x1;
	s10 =	sld [smem:$0x3FB3]  }
0x3d: {  	_ =	shalt  }
0x3e: {  	_ =	shalt  }
0x3f: {  	_ =	shalt  }
0x40: {  	_ =	shalt  }
0x41: {  	_ =	shalt  }
0x42: {  	_ =	shalt  }
0x43: {  	_ =	shalt  }
0x44: {  	_ =	shalt  }
0x45: {  	_ =	shalt  }
0x46: {  	_ =	shalt  }
0x47: {  	_ =	shalt  }
0x48: {  	_ =	shalt  }
0x49: {  	_ =	shalt  }
0x4a: {  	_ =	shalt  }
0x4b: {  	_ =	shalt  }
0x4c: {  	_ =	shalt  }
0x4d: {  	_ =	shalt  }
0x4e: {  	_ =	shalt  }
0x4f: {  	_ =	shalt  }
0x50: {  	_ =	shalt  }
0x51: {  	_ =	shalt  }
0x52: {  	_ =	shalt  }
0x53: {  	_ =	shalt  }
0x54: {  	_ =	shalt  }
0x55: {  	_ =	shalt  }
0x56: {  	_ =	shalt  }
0x57: {  	_ =	shalt  }
0x58: {  	_ =	shalt  }
0x59: {  	_ =	shalt  }
0x5a: {  	_ =	shalt  }
0x5b: {  	_ =	shalt  }
0x5c: {  	_ =	shalt  }
0x5d: {  	_ =	shalt  }
0x5e: {  	_ =	shalt  }
0x5f: {  	_ =	shalt  }
0x60: {  	_ =	shalt  }
0x61: {  	_ =	shalt  }
0x62: {  	_ =	shalt  }
0x63: {  	_ =	shalt  }
0x64: {  	_ =	shalt  }
0x65: {  	_ =	shalt  }
0x66: {  	_ =	shalt  }
0x67: {  	_ =	shalt  }
0x68: {  	_ =	shalt  }
0x69: {  	_ =	shalt  }
0x6a: {  	_ =	shalt  }
0x6b: {  	_ =	shalt  }
0x6c: {  	_ =	shalt  }
0x6d: {  	_ =	shalt  }
0x6e: {  	_ =	shalt  }
0x6f: {  	_ =	shalt  }
0x70: {  	_ =	shalt  }
0x71: {  	_ =	shalt  }
0x72: {  	_ =	shalt  }
0x73: {  	_ =	shalt  }
0x74: {  	_ =	shalt  }
0x75: {  	_ =	shalt  }
0x76: {  	_ =	shalt  }
0x77: {  	_ =	shalt  }
0x78: {  	_ =	shalt  }
0x79: {  	_ =	shalt  }
0x7a: {  	_ =	shalt  }
0x7b: {  	_ =	shalt  }
0x7c: {  	_ =	shalt  }
0x7d: {  	_ =	shalt  }
0x7e: {  	_ =	shalt  }
0x7f: {  	_ =	shalt  }
0x80: {  	_ =	shalt  }
0x81: {  	_ =	shalt  }
0x82: {  	_ =	shalt  }
0x83: {  	_ =	shalt  }
0x84: {  	_ =	shalt  }
0x85: {  	_ =	shalt  }
0x86: {  	_ =	shalt  }
0x87: {  	_ =	shalt  }
.Lfunc_end0:
.L_simem_size_0:
called_computation_lowered:
.L_overlay_start_0:
0x88: {  	s2 =	sld [smem:$0x3FD9]  }
0x89: {  	s3 =	sld [smem:$0x3FFE];
	_ =	sdelay $0x1  }
0x8a: {  	s1 =	srdreg.scid  }
0x8b: {  	s0 =	sand.u32 $0x1, s1  }
0x8c: {  	s17 =	sshll.u32 s0, $0xA;
	s2 =	sadd.s32 s3, s2  }
0x8d: {  	s2 =	sadd.s32 s2, s17  }
0x8e: {  	[smem:$0x3FBF] =	sst s2  }
0x8f: {  	_ = 	snop  }
0x90: {  	s2 =	sld [smem:$0x3FC9]  }
0x91: {  	s18 =	sld [smem:$0x3FC8];
	(tm) =	ssettm $0x1  }
0x92: {  	s4 =	sld [smem:$0x3FFB];
	_ =	sdelay $0x3  }
0x93: {  	_ =	strace s4  }
0x94: {  	s4 =	sld [smem:$0x3FFC];
	_ =	sdelay $0x3  }
0x95: {  	_ =	strace s4  }
0x96: {  	s4 =	sld [smem:$0x3FFD];
	_ =	sdelay $0x3  }
0x97: {  	_ =	strace s4  }
0x98: {  	_ =	strace $0x8FFFFFFF  }
0x99: {  	s19 =	sld [smem:$0x3FDB];
	_ =	sdelay $0x1  }
0x9a: {  	s5 =	simm.s32 $_scs_section_size  }
0x9b: {  	s6 =	simm.s32 $_size__tile_overlayer_lowered;
	s7 =	simm.s32 $_tile_overlayer_lowered  }
0x9c: {  	s22 =	simm.s32 $0x1BFF;
	s21 =	sshll.u32 s7, $0x1;
	s4 =	sadd.s32 s5, s19  }
0x9d: {  	s8 =	simm.s32 $0x0;
	s20 =	sshll.u32 s6, $0x1;
	s6 =	sadd.s32 s21, s4  }
0x9e: {  	[timem:s8], [sflag:s22] =	dma.local [hbm:s6], s20  }
0x9f: {  	_ =	swait.ge [sflag:s22], s20  }
0xa0: {  	s5 =	ssub.s32 $0x0, s20;
	[sflag:s22] =	ssyncset.done $0x0  }
0xa1: {  	[sflag:s22] =	ssyncadd.s32 s5;
	_ =	sdelay $0x1  }
0xa2: {  	s23 =	simm.s32 $0x1B8B  }
0xa3: {  	_ =	swait.ge [sflag:s23], $0x1  }
0xa4: {  	[sflag:s23] =	ssyncset.done $0x0  }
0xa5: {  	s25 =	simm.s32 $0x1B8E;
	s24 =	sld [smem:$0x3FFE];
	[sflag:s23] =	ssyncadd.s32 $0xFFFFFFFF  }
0xa6: {  	s26 =	simm.s32 $execute0_lowered;
	[smem:$0x3FD2] =	sst s25  }
0xa7: {  	s6 =	sshll.u32 s26, $0x1;
	_ =	strace $0x80000046;
	[dreg:$0x1] =	wrdreg $0xFFFFFFFF  }
0xa8: {  	s28 =	simm.s32 $_size_execute0_lowered;
	s4 =	sadd.s32 s4, s6;
	[dreg:$0x0] =	wrdreg $0x0  }
0xa9: {  	s6 =	sshll.u32 s28, $0x1;
	[dreg:$0x2] =	wrdreg s4  }
0xaa: {  	[dreg:$0x3] =	wrdreg s6  }
0xab: {  	[dreg:$0x4] =	wrdreg $0xC0  }
0xac: {  	_ =	task [dreg:s8], $0x5FFFF  }
0xad: {  	[dreg:$0x1] =	wrdreg $0xFFFFFFFF  }
0xae: {  	[dreg:$0x0] =	wrdreg $0x60  }
0xaf: {  	[dreg:$0x2] =	wrdreg s2  }
0xb0: {  	[dreg:$0x3] =	wrdreg s18  }
0xb1: {  	[dreg:$0x4] =	wrdreg s24  }
0xb2: {  	[dreg:$0x5] =	wrdreg $0x9  }
0xb3: {  	_ =	task.clear_ibuf [dreg:s8], $0x6FFFF;
	_ =	strace $0x90000046  }
0xb4: {  	s29 =	simm.s32 $0x9;
	_ =	strace $0x80000048  }
0xb5: {  	_ =	swait.ge [sflag:s29], $0x1  }
0xb6: {  	[sflag:s29] =	ssyncadd.s32 $0xFFFFFFFF  }
0xb7: {  	_ =	strace $0x90000048  }
0xb8: {  	_ =	sfence  }
0xb9: {  	s30 =	sld [smem:$0x0];
	_ =	sdelay $0x2  }
0xba: {  	s31 =	sshll.u32 s1, $0xD;
	s1 =	sshrl.u32 s1, $0x2  }
0xbb: {  	s3 =	sand.u32 $0x4000, s31;
	s1 =	sadd.s32 s1, s30  }
0xbc: {  	s0 =	sor.u32 s3, s0;
	s1 =	sshll.u32 s1, $0x11  }
0xbd: {  	s0 =	sor.u32 s1, s0  }
0xbe: {  	s0 =	sadd.s32 $0x8F2B, s0  }
0xbf: {  	[sflag:s0] =	ssyncadd.remote.s32 $0x1  }
0xc0: {  	_ =	sfence.sel $0xFFFF  }
0xc1: {  	[dreg:$0x0] =	wrdreg $0xFFFFFFFF;
	(pc) =	sbr.abs _section_cstart, $3  }
0xc2: {  	[dreg:$0x1] =	wrdreg $0xFFFFFFFF  }
0xc3: {  	_ =	task.clear_ibuf [dreg:s8], $0x2FFFF;
	_ =	strace $0x9FFFFFFF  }
0xc4: {  	(tm) =	ssettm $0x7FFFFFFF  }
0xc5: {  	_ =	shalt  }
tec
execute0_lowered:
.L_overlay_start_1:
0x0: {  	(tag) =	ssettag $0x1  }
0x1: {  	s1 =	rddreg [dreg:$0x0]  }
0x2: {  	s4 =	rddreg [dreg:$0x1]  }
0x3: {  	s2 =	srdreg.scid;
	s0 =	stileid.u32  }
0x4: {  	s6 =	rddreg [dreg:$0x2];
	s3 =	simm.s32 $0x0;
	s11 =	simm.s32 $0x0  }
0x5: {  	s5 =	sand.u32 $0x1, s2;
	s7 =	sshll.u32 s0, $0x1;
	s2 =	rddreg [dreg:$0x3]  }
0x6: {  	[smem:$0x7FF] =	sst s3;
	s10 =	smul.u32 $0x4E200, s0;
	s7 =	sor.u32 s5, s7  }
0x7: {  	s8 =	ssub.s32 $0x2, s5;
	_ =	strace $0x80000047;
	s31 =	smul.u32 $0x27100, s5  }
0x8: {  	s7 =	smul.u32 $0x2710, s7;
	s9 =	sshrl.u32 s8, $0x1;
	s6 =	sadd.s32 s10, s6  }
0x9: {  	s10 =	simm.s32 $0x1;
	s8 =	ssub.s32 s8, s9;
	s6 =	sadd.s32 s31, s6  }
0xa: {  	s9 =	simm.s32 $0x2780;
	s7 =	sshrl.u32 s7, $0x3;
	s5 =	smax.u32 s8, $0x1  }
0xb: {  	s8 =	simm.s32 $0x50;
	s4 =	sadd.s32 s4, s7;
	s7 =	simm.s32 $0x2  }
.LBB2_1:
0xc: {  	[tilespmem:s3], [sflag:$0x2] =	stream.linear.gather [hbm4b:s4+s3], $0x2710, $0x38;
	[tilespmem:$0x4F80] =	vst v63  }
0xd: {  	_ =	swait.ge [sflag:s7], $0x2710  }
0xe: {  	[sflag:s7] =	ssyncset.done $0x0  }
0xf: {  	s12 =	simm.s32 $0x0;
	[sflag:s7] =	ssyncadd.s32 $0xFFFFD8F0  }
0x10: {  	[tilespmem:s9], [sflag:$0x1] =	stream.indirect.gather [hbm4b:s1+s8], $0x80, s12, s8, $0xb8;
	[tilespmem:$0x4F80] =	vst v63  }
0x11: {  	_ =	swait.ge [sflag:s10], $0x2800  }
0x12: {  	[sflag:s10] =	ssyncset.done $0x0  }
0x13: {  	[sflag:s10] =	ssyncadd.s32 $0xFFFFD800  }
0x14: {  	[hbm4b:s6+s3] =	stream.linear.scatter [tilespmem:s9], [sflag:$0x2], $0x2800, $0x38;
	[tilespmem:$0x4F80] =	vst v63  }
0x15: {  	s13 =	simm.s32 $0x140;
	_ =	swait.ge [sflag:s7], $0x2800  }
0x16: {  	s14 =	simm.s32 $0x280;
	s12 =	sadd.s32 $0x500, s6;
	[sflag:s7] =	ssyncset.done $0x0  }
.LBB2_2:
0x17: {  	s15 =	sshra.s32 s13, $0x2  }
0x18: {  	[sflag:s7] =	ssyncadd.s32 $0xFFFFD800;
	s13 =	smov.u32 s14;
	s16 =	sadd.s32 $0x140, s14  }
0x19: {  	[tilespmem:s9], [sflag:$0x1] =	stream.indirect.gather [hbm4b:s1+s8], $0x80, s15, s8, $0xb8;
	[tilespmem:$0x4F80] =	vst v63  }
0x1a: {  	p0 =	sne.s32 s14, $0x9B00;
	_ =	swait.ge [sflag:s10], $0x2800  }
.Ltmp0:
0x1b: {  	[sflag:s10] =	ssyncset.done $0x0;
	(pc) =	sbr.rel @p0 .LBB2_2-.Ltmp0, $4  }
0x1c: {  	[sflag:s10] =	ssyncadd.s32 $0xFFFFD800  }
0x1d: {  	[hbm4b:s12+s3] =	stream.linear.scatter [tilespmem:s9], [sflag:$0x2], $0x2800, $0x38;
	[tilespmem:$0x4F80] =	vst v63  }
0x1e: {  	_ =	swait.ge [sflag:s7], $0x2800  }
0x1f: {  	s14 =	smov.u32 s16;
	s12 =	sadd.s32 $0x500, s12;
	[sflag:s7] =	ssyncset.done $0x0  }
0x20: {  	s13 =	sshra.s32 s13, $0x2;
	[sflag:s7] =	ssyncadd.s32 $0xFFFFD800  }
0x21: {  	[tilespmem:s9], [sflag:$0x1] =	stream.indirect.gather [hbm4b:s1+s8], $0x80, s13, s8, $0xb8;
	[tilespmem:$0x4F80] =	vst v63  }
0x22: {  	s11 =	sadd.s32 $0x1, s11;
	_ =	swait.ge [sflag:s10], $0x2800  }
0x23: {  	p0 =	sne.s32 s11, s5;
	[sflag:s10] =	ssyncset.done $0x0  }
.Ltmp1:
0x24: {  	[sflag:s10] =	ssyncadd.s32 $0xFFFFD800;
	(pc) =	sbr.rel @p0 .LBB2_1-.Ltmp1, $4  }
0x25: {  	[hbm4b:s12+s3] =	stream.linear.scatter [tilespmem:s9], [sflag:$0x2], $0x2800, $0x38;
	[tilespmem:$0x4F80] =	vst v63  }
0x26: {  	_ =	swait.ge [sflag:s7], $0x2800  }
0x27: {  	[sflag:s7] =	ssyncset.done $0x0  }
0x28: {  	[sflag:s7] =	ssyncadd.s32 $0xFFFFD800  }
0x29: {  	_ =	sfence.sel $0x180000  }
0x2a: {  	[bflag:$0x0] =	sbarrier.arrive $0xFFFF  }
0x2b: {  	p0 =	sne.s32 s0, $0x0;
	_ =	strace $0x90000047  }
0x2c: {  	s0 =	sadd.s32 @!p0 $0x100000, s2;
	[bflag:$0x2] =	sbarrier.arrive $0xFFFF  }
0x2d: {  	[sflag:s0] =	ssyncadd.tile.s32 @!p0 $0x1;
	_ =	shalt  }
.Lfunc_end2:
_tile_overlayer_lowered:
.L_overlay_start_2:
0x2e: {  	(tag) =	ssettag $0x2  }
0x2f: {  	s0 =	rddreg [dreg:$0x0];
	s2 =	stileid.u32  }
0x30: {  	s1 =	rddreg [dreg:$0x1];
	p0 =	sne.s32 s2, $0x0  }
0x31: {  	s3 =	rddreg [dreg:$0x2];
	[bflag:$0x3] =	sbarrier.arrive $0xFFFF;
	s2 =	simm.s32 @!p0 $0x1C02  }
0x32: {  	[timem:s3], [sflag:s2] =	dma.local @!p0 [hbm:s0], s1  }
0x33: {  	s0 =	simm.s32 @!p0 $0x2  }
0x34: {  	_ =	swait.ge @!p0 [sflag:s0], s1  }
0x35: {  	s1 =	ssub.s32 @!p0 $0x0, s1;
	[sflag:s0] =	ssyncset.done @!p0 $0x0  }
0x36: {  	[sflag:s0] =	ssyncadd.s32 @!p0 s1  }
0x37: {  	[bflag:$0x3] =	sbarrier.arrive $0xFFFF  }
0x38: {  	_ =	shalt  }

// kernel: kernel.17.cloned.1.call-start
scs
__scs_entry_jumppad:
0x0: {  	(pc) =	sbr.rel $0x88, $3  }
0x1: {  	(tag) =	ssettag $0x0;
	lr =	simm.s32 $0x1  }
0x2: {  	[smem:$0x3F98] =	sst lr;
	_ =	strace $0xD0000000  }
0x3: {  	_ = 	snop  }
0x4: {  	_ = 	snop  }
0x5: {  	_ = 	snop  }
0x6: {  	_ = 	snop  }
0x7: {  	_ = 	snop  }
__scs_overlays_trampoline_lowered:
0x8: {  	[smem:$0x3FA7] =	sst s0  }
0x9: {  	[smem:$0x3FA8] =	sst s1  }
0xa: {  	[smem:$0x3FA9] =	sst s2  }
0xb: {  	[smem:$0x3FAA] =	sst s3  }
0xc: {  	[smem:$0x3FAB] =	sst s4  }
0xd: {  	[smem:$0x3FAC] =	sst s5  }
0xe: {  	[smem:$0x3FAD] =	sst s6  }
0xf: {  	[smem:$0x3FAE] =	sst s7  }
0x10: {  	[smem:$0x3FAF] =	sst s8  }
0x11: {  	[smem:$0x3FB0] =	sst s9;
	s0 =	simm.s32 @!p0 $0x0  }
0x12: {  	s1 =	sld [smem:$0x3F96];
	s0 =	simm.s32 @p0 $0x1  }
0x13: {  	[smem:$0x3FB1] =	sst s0;
	s0 =	simm.s32 @!p1 $0x0  }
0x14: {  	s2 =	sld [smem:$0x3F95];
	s0 =	simm.s32 @p1 $0x1  }
0x15: {  	[smem:$0x3FB2] =	sst s0;
	s0 =	simm.s32 @!p2 $0x0  }
0x16: {  	s3 =	sld [smem:$0x3FDB];
	s0 =	simm.s32 @p2 $0x1  }
0x17: {  	s4 =	simm.s32 $0x1BF5;
	[smem:$0x3FB4] =	sst s0  }
0x18: {  	s0 =	sld [smem:$0x3F97];
	_ =	swait.ge [sflag:s4], $0x0  }
0x19: {  	s7 =	sld [smem:$0x3F98]  }
0x1a: {  	s8 =	sadd.s32 $0xFFFFE003, lr  }
0x1b: {  	s9 =	sadd.s32 $0xFFFFFEF7, lr;
	s5 =	simm.s32 $0xFFFFFFFF;
	p2 =	slt.u32 s8, $0xFFFFF086  }
0x1c: {  	p1 =	slt.u32 s9, $0xF7A;
	s5 =	simm.s32 @!p2 $0x0  }
0x1d: {  	s5 =	simm.s32 @p1 $0x1;
	p0 =	seq.s32 s7, s2  }
0x1e: {  	s7 =	smul.u32 @!p0 $0xF7A, s2;
	p2 =	seq.s32 @!p0 s5, $0x0  }
0x1f: {  	s9 =	smul.u32 $0xF7A, s1;
	s8 =	simm.s32 @!p0 $0x1BF5;
	p2 =	por !p2, p0  }
0x20: {  	[sflag:s8] =	ssyncset.s32 @!p0 $0xFFFFF086;
	s6 =	sadd.s32 @!p0 s3, s7;
	s7 =	simm.s32 @!p0 $0x108  }
0x21: {  	s3 =	sadd.s32 s3, s9;
	s6 =	sadd.s32 @!p0 $0x88, s6;
	s7 =	simm.s32 @p2 $0x1082  }
0x22: {  	[simem:s7], [sflag:s8] =	dma.local @!p0 [hbm:s6], $0xF7A  }
0x23: {  	s9 =	sor.u32 $0xD0000000, s2;
	s6 =	simm.s32 $0x108;
	_ =	swait.ge @!p0 [sflag:s8], $0x0  }
0x24: {  	s3 =	sadd.s32 $0x88, s3;
	s6 =	simm.s32 @!p1 $0x1082;
	[sflag:s4] =	ssyncset.s32 $0xFFFFF086  }
0x25: {  	[simem:s6], [sflag:s4] =	dma.local [hbm:s3], $0xF7A  }
0x26: {  	[smem:$0x3F98] =	sst s1;
	(tag) =	ssettag s2;
	_ =	strace s9  }
0x27: {  	s1 =	sld [smem:$0x3FA8]  }
0x28: {  	s2 =	sld [smem:$0x3FA9]  }
0x29: {  	s4 =	sld [smem:$0x3FAB]  }
0x2a: {  	p0 =	seq.s32 s5, $0x0;
	s5 =	sld [smem:$0x3FAC]  }
0x2b: {  	s6 =	sld [smem:$0x3FAD]  }
0x2c: {  	s7 =	sld [smem:$0x3FAE]  }
0x2d: {  	s3 =	simm.s32 $0x108;
	s8 =	sld [smem:$0x3FAF]  }
0x2e: {  	s3 =	simm.s32 @!p0 $0x1082;
	s9 =	sld [smem:$0x3FB0]  }
0x2f: {  	lr =	sadd.s32 s0, s3;
	s0 =	sld [smem:$0x3FA7]  }
0x30: {  	s3 =	sld [smem:$0x3FAA]  }
0x31: {  	[smem:$0x3FB3] =	sst s10  }
0x32: {  	s10 =	sld [smem:$0x3FB1];
	_ =	sdelay $0x3  }
0x33: {  	p0 =	seq.s32 s10, $0x1;
	s10 =	sld [smem:$0x3FB3];
	_ =	sdelay $0x3  }
0x34: {  	[smem:$0x3FB3] =	sst s10  }
0x35: {  	s10 =	sld [smem:$0x3FB2];
	_ =	sdelay $0x3  }
0x36: {  	p1 =	seq.s32 s10, $0x1;
	s10 =	sld [smem:$0x3FB3];
	_ =	sdelay $0x3  }
0x37: {  	[smem:$0x3FB3] =	sst s10  }
0x38: {  	s10 =	sld [smem:$0x3FB4]  }
0x39: {  	_ = 	snop;
	(pc) =	sbr.ind lr, $3  }
0x3a: {  	_ = 	snop  }
0x3b: {  	_ = 	snop  }
0x3c: {  	p2 =	seq.s32 s10, $0x1;
	s10 =	sld [smem:$0x3FB3]  }
0x3d: {  	_ =	shalt  }
0x3e: {  	_ =	shalt  }
0x3f: {  	_ =	shalt  }
0x40: {  	_ =	shalt  }
0x41: {  	_ =	shalt  }
0x42: {  	_ =	shalt  }
0x43: {  	_ =	shalt  }
0x44: {  	_ =	shalt  }
0x45: {  	_ =	shalt  }
0x46: {  	_ =	shalt  }
0x47: {  	_ =	shalt  }
0x48: {  	_ =	shalt  }
0x49: {  	_ =	shalt  }
0x4a: {  	_ =	shalt  }
0x4b: {  	_ =	shalt  }
0x4c: {  	_ =	shalt  }
0x4d: {  	_ =	shalt  }
0x4e: {  	_ =	shalt  }
0x4f: {  	_ =	shalt  }
0x50: {  	_ =	shalt  }
0x51: {  	_ =	shalt  }
0x52: {  	_ =	shalt  }
0x53: {  	_ =	shalt  }
0x54: {  	_ =	shalt  }
0x55: {  	_ =	shalt  }
0x56: {  	_ =	shalt  }
0x57: {  	_ =	shalt  }
0x58: {  	_ =	shalt  }
0x59: {  	_ =	shalt  }
0x5a: {  	_ =	shalt  }
0x5b: {  	_ =	shalt  }
0x5c: {  	_ =	shalt  }
0x5d: {  	_ =	shalt  }
0x5e: {  	_ =	shalt  }
0x5f: {  	_ =	shalt  }
0x60: {  	_ =	shalt  }
0x61: {  	_ =	shalt  }
0x62: {  	_ =	shalt  }
0x63: {  	_ =	shalt  }
0x64: {  	_ =	shalt  }
0x65: {  	_ =	shalt  }
0x66: {  	_ =	shalt  }
0x67: {  	_ =	shalt  }
0x68: {  	_ =	shalt  }
0x69: {  	_ =	shalt  }
0x6a: {  	_ =	shalt  }
0x6b: {  	_ =	shalt  }
0x6c: {  	_ =	shalt  }
0x6d: {  	_ =	shalt  }
0x6e: {  	_ =	shalt  }
0x6f: {  	_ =	shalt  }
0x70: {  	_ =	shalt  }
0x71: {  	_ =	shalt  }
0x72: {  	_ =	shalt  }
0x73: {  	_ =	shalt  }
0x74: {  	_ =	shalt  }
0x75: {  	_ =	shalt  }
0x76: {  	_ =	shalt  }
0x77: {  	_ =	shalt  }
0x78: {  	_ =	shalt  }
0x79: {  	_ =	shalt  }
0x7a: {  	_ =	shalt  }
0x7b: {  	_ =	shalt  }
0x7c: {  	_ =	shalt  }
0x7d: {  	_ =	shalt  }
0x7e: {  	_ =	shalt  }
0x7f: {  	_ =	shalt  }
0x80: {  	_ =	shalt  }
0x81: {  	_ =	shalt  }
0x82: {  	_ =	shalt  }
0x83: {  	_ =	shalt  }
0x84: {  	_ =	shalt  }
0x85: {  	_ =	shalt  }
0x86: {  	_ =	shalt  }
0x87: {  	_ =	shalt  }
.Lfunc_end0:
.L_simem_size_0:
called_computation.1_lowered:
.L_overlay_start_0:
0x88: {  	s2 =	sld [smem:$0x3FD9]  }
0x89: {  	s3 =	sld [smem:$0x3FFE];
	_ =	sdelay $0x1  }
0x8a: {  	s1 =	srdreg.scid  }
0x8b: {  	s0 =	sand.u32 $0x1, s1  }
0x8c: {  	s16 =	sshll.u32 s0, $0xA;
	s2 =	sadd.s32 s3, s2  }
0x8d: {  	s2 =	sadd.s32 s2, s16  }
0x8e: {  	[smem:$0x3FBF] =	sst s2  }
0x8f: {  	_ = 	snop  }
0x90: {  	(tm) =	ssettm $0x1  }
0x91: {  	s17 =	sld [smem:$0x3FFB];
	_ =	sdelay $0x3  }
0x92: {  	_ =	strace s17  }
0x93: {  	s2 =	sld [smem:$0x3FFC];
	_ =	sdelay $0x3  }
0x94: {  	_ =	strace s2  }
0x95: {  	s2 =	sld [smem:$0x3FFD];
	_ =	sdelay $0x3  }
0x96: {  	_ =	strace s2  }
0x97: {  	_ =	strace $0x8FFFFFFF  }
0x98: {  	s18 =	sld [smem:$0x3FDB];
	_ =	sdelay $0x1  }
0x99: {  	s19 =	simm.s32 $_scs_section_size  }
0x9a: {  	s4 =	simm.s32 $_size__tile_overlayer_lowered;
	s5 =	simm.s32 $_tile_overlayer_lowered  }
0x9b: {  	s22 =	simm.s32 $0x1BFF;
	s21 =	sshll.u32 s5, $0x1;
	s2 =	sadd.s32 s19, s18  }
0x9c: {  	s6 =	simm.s32 $0x0;
	s20 =	sshll.u32 s4, $0x1;
	s4 =	sadd.s32 s21, s2  }
0x9d: {  	[timem:s6], [sflag:s22] =	dma.local [hbm:s4], s20  }
0x9e: {  	_ =	swait.ge [sflag:s22], s20  }
0x9f: {  	s3 =	ssub.s32 $0x0, s20;
	[sflag:s22] =	ssyncset.done $0x0  }
0xa0: {  	[sflag:s22] =	ssyncadd.s32 s3;
	_ =	sdelay $0x1  }
0xa1: {  	s23 =	simm.s32 $0x1B8B  }
0xa2: {  	_ =	swait.ge [sflag:s23], $0x1  }
0xa3: {  	[sflag:s23] =	ssyncset.done $0x0  }
0xa4: {  	s25 =	simm.s32 $0x1B8E;
	s24 =	sld [smem:$0x3FFE];
	[sflag:s23] =	ssyncadd.s32 $0xFFFFFFFF  }
0xa5: {  	s26 =	simm.s32 $execute0_lowered;
	[smem:$0x3FD2] =	sst s25  }
0xa6: {  	s4 =	sshll.u32 s26, $0x1;
	_ =	strace $0x80000049;
	[dreg:$0x1] =	wrdreg $0xFFFFFFFF  }
0xa7: {  	s28 =	simm.s32 $_size_execute0_lowered;
	s2 =	sadd.s32 s2, s4;
	[dreg:$0x0] =	wrdreg $0x0  }
0xa8: {  	s4 =	sshll.u32 s28, $0x1;
	[dreg:$0x2] =	wrdreg s2  }
0xa9: {  	[dreg:$0x3] =	wrdreg s4  }
0xaa: {  	[dreg:$0x4] =	wrdreg $0xC0  }
0xab: {  	_ =	task [dreg:s6], $0x5FFFF  }
0xac: {  	[dreg:$0x1] =	wrdreg $0xFFFFFFFF  }
0xad: {  	[dreg:$0x0] =	wrdreg $0x60  }
0xae: {  	[dreg:$0x2] =	wrdreg s24  }
0xaf: {  	[dreg:$0x3] =	wrdreg $0x7C800  }
0xb0: {  	[dreg:$0x4] =	wrdreg $0x9  }
0xb1: {  	_ =	task.clear_ibuf [dreg:s6], $0x5FFFF;
	_ =	strace $0x90000049  }
0xb2: {  	s29 =	simm.s32 $0x9;
	_ =	strace $0x8000004B  }
0xb3: {  	_ =	swait.ge [sflag:s29], $0x1  }
0xb4: {  	[sflag:s29] =	ssyncadd.s32 $0xFFFFFFFF  }
0xb5: {  	_ =	strace $0x9000004B  }
0xb6: {  	_ =	sfence  }
0xb7: {  	s30 =	sld [smem:$0x0];
	_ =	sdelay $0x2  }
0xb8: {  	s31 =	sshll.u32 s1, $0xD;
	s1 =	sshrl.u32 s1, $0x2  }
0xb9: {  	s3 =	sand.u32 $0x4000, s31;
	s1 =	sadd.s32 s1, s30  }
0xba: {  	s0 =	sor.u32 s3, s0;
	s1 =	sshll.u32 s1, $0x11  }
0xbb: {  	s0 =	sor.u32 s1, s0  }
0xbc: {  	s0 =	sadd.s32 $0x8F2B, s0  }
0xbd: {  	[sflag:s0] =	ssyncadd.remote.s32 $0x1  }
0xbe: {  	_ =	sfence.sel $0xFFFF  }
0xbf: {  	[dreg:$0x0] =	wrdreg $0xFFFFFFFF;
	(pc) =	sbr.abs _section_cstart, $3  }
0xc0: {  	[dreg:$0x1] =	wrdreg $0xFFFFFFFF  }
0xc1: {  	_ =	task.clear_ibuf [dreg:s6], $0x2FFFF;
	_ =	strace $0x9FFFFFFF  }
0xc2: {  	(tm) =	ssettm $0x7FFFFFFF  }
0xc3: {  	_ =	shalt  }
tec
execute0_lowered:
.L_overlay_start_1:
0x0: {  	(tag) =	ssettag $0x1  }
0x1: {  	s0 =	rddreg [dreg:$0x0]  }
0x2: {  	s2 =	rddreg [dreg:$0x1];
	s3 =	simm.s32 $0x0  }
0x3: {  	s1 =	srdreg.scid;
	s17 =	stileid.u32;
	s28 =	simm.s32 $0x1  }
0x4: {  	s30 =	simm.s32 $0x4080;
	s31 =	simm.s32 $0x50;
	s7 =	smul.u32 $0x50000, s17  }
0x5: {  	[smem:$0x7FF] =	sst s3;
	s1 =	sand.u32 $0x1, s1;
	s22 =	smul.u32 $0x4E20, s17  }
0x6: {  	s4 =	sshll.u32 s17, $0x1;
	s5 =	sadd.s32 $0x9D4400, s0;
	s21 =	smul.u32 $0x14000, s17  }
0x7: {  	_ =	strace $0x8000004A;
	[dreg:$0x3] =	wrdreg s5;
	s26 =	smul.u32 $0x140000, s1  }
0x8: {  	s4 =	sor.u32 s1, s4;
	s6 =	ssub.s32 $0x2, s1;
	s1 =	smul.u32 $0x2710, s1  }
0x9: {  	s25 =	sshll.u32 s4, $0xB;
	s4 =	sshll.u32 s4, $0x1;
	s8 =	sshrl.u32 s6, $0x1  }
0xa: {  	s7 =	sshrl.u32 s7, $0x2;
	s5 =	sadd.s32 s25, s0;
	s4 =	sadd.s32 s4, s0  }
0xb: {  	s8 =	ssub.s32 s6, s8;
	s7 =	sadd.s32 s7, s2;
	s1 =	sadd.s32 s1, s22  }
0xc: {  	s5 =	sadd.s32 $0x4E2000, s5;
	s6 =	sadd.s32 $0x4F2000, s4;
	s8 =	smax.u32 s8, $0x1  }
0xd: {  	s9 =	sadd.s32 $0x1400, s7;
	s10 =	sadd.s32 $0x2800, s7;
	s11 =	sadd.s32 $0x3C00, s7  }
0xe: {  	s12 =	sadd.s32 $0x5000, s7;
	s13 =	sadd.s32 $0x6400, s7;
	s14 =	sadd.s32 $0x7800, s7  }
0xf: {  	s15 =	sadd.s32 $0x8C00, s7;
	s16 =	sadd.s32 $0xA000, s7;
	s17 =	sadd.s32 $0xB400, s7  }
0x10: {  	s18 =	sadd.s32 $0xC800, s7;
	s19 =	sadd.s32 $0xDC00, s7;
	s20 =	sadd.s32 $0xF000, s7  }
0x11: {  	s4 =	sadd.s32 s21, s26;
	s21 =	sadd.s32 $0x10400, s7;
	[dreg:$0x4] =	wrdreg s1  }
0x12: {  	s23 =	sadd.s32 $0x11800, s7;
	s25 =	sadd.s32 $0x12C00, s7;
	s29 =	sshrl.u32 s4, $0x3  }
0x13: {  	v0 =	vimm.f32 $0.0e+00;
	s26 =	simm.s32 $0x6880;
	s24 =	sadd.s32 s29, s0;
	s0 =	simm.s32 $0x0  }
.LBB2_1:
0x14: {  	s1 =	simm.s32 $0x70;
	s4 =	simm.s32 $0x3C0  }
.LBB2_2:
0x15: {  	p0 =	sne.s32 s4, $0x4FC0;
	[tilespmem:s1+$0x6880] =	vst v0  }
0x16: {  	[tilespmem:s1+$0x6810] =	vst v0  }
0x17: {  	[tilespmem:s1+$0x6820] =	vst v0  }
.Ltmp0:
0x18: {  	[tilespmem:s1+$0x6830] =	vst v0;
	(pc) =	sbr.rel @p0 .LBB2_2-.Ltmp0, $4  }
0x19: {  	[tilespmem:s1+$0x6840] =	vst v0  }
0x1a: {  	[tilespmem:s1+$0x6850] =	vst v0  }
0x1b: {  	[tilespmem:s1+$0x6860] =	vst v0  }
0x1c: {  	[tilespmem:s1+$0x6870] =	vst v0;
	s1 =	sshra.s32 s4, $0x2;
	s4 =	sadd.s32 $0x200, s4  }
0x1d: {  	[tilespmem:s1+$0x6880] =	vst v0  }
0x1e: {  	[tilespmem:s1+$0x6810] =	vst v0  }
0x1f: {  	[tilespmem:s1+$0x6820] =	vst v0  }
0x20: {  	[tilespmem:s1+$0x6830] =	vst v0  }
0x21: {  	[tilespmem:s1+$0x6840] =	vst v0  }
0x22: {  	[tilespmem:s1+$0x6850] =	vst v0  }
0x23: {  	[tilespmem:s1+$0x6860] =	vst v0  }
0x24: {  	[tilespmem:s1+$0x6870] =	vst v0  }
0x25: {  	[spmem:s7] =	stream.linear.scatter [tilespmem:s26], [sflag:$0x1], $0x1400, $0x38;
	[tilespmem:$0x1BC80] =	vst v63  }
0x26: {  	_ =	swait.ge [sflag:s28], $0x1400  }
0x27: {  	[sflag:s28] =	ssyncset.done $0x0  }
0x28: {  	[sflag:s28] =	ssyncadd.s32 $0xFFFFEC00  }
0x29: {  	[spmem:s9] =	stream.linear.scatter [tilespmem:s26], [sflag:$0x1], $0x1400, $0x38;
	[tilespmem:$0x1BC80] =	vst v63  }
0x2a: {  	_ =	swait.ge [sflag:s28], $0x1400  }
0x2b: {  	[sflag:s28] =	ssyncset.done $0x0  }
0x2c: {  	[sflag:s28] =	ssyncadd.s32 $0xFFFFEC00  }
0x2d: {  	[spmem:s10] =	stream.linear.scatter [tilespmem:s26], [sflag:$0x1], $0x1400, $0x38;
	[tilespmem:$0x1BC80] =	vst v63  }
0x2e: {  	_ =	swait.ge [sflag:s28], $0x1400  }
0x2f: {  	[sflag:s28] =	ssyncset.done $0x0  }
0x30: {  	[sflag:s28] =	ssyncadd.s32 $0xFFFFEC00  }
0x31: {  	[spmem:s11] =	stream.linear.scatter [tilespmem:s26], [sflag:$0x1], $0x1400, $0x38;
	[tilespmem:$0x1BC80] =	vst v63  }
0x32: {  	_ =	swait.ge [sflag:s28], $0x1400  }
0x33: {  	[sflag:s28] =	ssyncset.done $0x0  }
0x34: {  	[sflag:s28] =	ssyncadd.s32 $0xFFFFEC00  }
0x35: {  	[spmem:s12] =	stream.linear.scatter [tilespmem:s26], [sflag:$0x1], $0x1400, $0x38;
	[tilespmem:$0x1BC80] =	vst v63  }
0x36: {  	_ =	swait.ge [sflag:s28], $0x1400  }
0x37: {  	[sflag:s28] =	ssyncset.done $0x0  }
0x38: {  	[sflag:s28] =	ssyncadd.s32 $0xFFFFEC00  }
0x39: {  	[spmem:s13] =	stream.linear.scatter [tilespmem:s26], [sflag:$0x1], $0x1400, $0x38;
	[tilespmem:$0x1BC80] =	vst v63  }
0x3a: {  	_ =	swait.ge [sflag:s28], $0x1400  }
0x3b: {  	[sflag:s28] =	ssyncset.done $0x0  }
0x3c: {  	[sflag:s28] =	ssyncadd.s32 $0xFFFFEC00  }
0x3d: {  	[spmem:s14] =	stream.linear.scatter [tilespmem:s26], [sflag:$0x1], $0x1400, $0x38;
	[tilespmem:$0x1BC80] =	vst v63  }
0x3e: {  	_ =	swait.ge [sflag:s28], $0x1400  }
0x3f: {  	[sflag:s28] =	ssyncset.done $0x0  }
0x40: {  	[sflag:s28] =	ssyncadd.s32 $0xFFFFEC00  }
0x41: {  	[spmem:s15] =	stream.linear.scatter [tilespmem:s26], [sflag:$0x1], $0x1400, $0x38;
	[tilespmem:$0x1BC80] =	vst v63  }
0x42: {  	_ =	swait.ge [sflag:s28], $0x1400  }
0x43: {  	[sflag:s28] =	ssyncset.done $0x0  }
0x44: {  	[sflag:s28] =	ssyncadd.s32 $0xFFFFEC00  }
0x45: {  	[spmem:s16] =	stream.linear.scatter [tilespmem:s26], [sflag:$0x1], $0x1400, $0x38;
	[tilespmem:$0x1BC80] =	vst v63  }
0x46: {  	_ =	swait.ge [sflag:s28], $0x1400  }
0x47: {  	[sflag:s28] =	ssyncset.done $0x0  }
0x48: {  	[sflag:s28] =	ssyncadd.s32 $0xFFFFEC00  }
0x49: {  	[spmem:s17] =	stream.linear.scatter [tilespmem:s26], [sflag:$0x1], $0x1400, $0x38;
	[tilespmem:$0x1BC80] =	vst v63  }
0x4a: {  	_ =	swait.ge [sflag:s28], $0x1400  }
0x4b: {  	[sflag:s28] =	ssyncset.done $0x0  }
0x4c: {  	[sflag:s28] =	ssyncadd.s32 $0xFFFFEC00  }
0x4d: {  	[spmem:s18] =	stream.linear.scatter [tilespmem:s26], [sflag:$0x1], $0x1400, $0x38;
	[tilespmem:$0x1BC80] =	vst v63  }
0x4e: {  	_ =	swait.ge [sflag:s28], $0x1400  }
0x4f: {  	[sflag:s28] =	ssyncset.done $0x0  }
0x50: {  	[sflag:s28] =	ssyncadd.s32 $0xFFFFEC00  }
0x51: {  	[spmem:s19] =	stream.linear.scatter [tilespmem:s26], [sflag:$0x1], $0x1400, $0x38;
	[tilespmem:$0x1BC80] =	vst v63  }
0x52: {  	_ =	swait.ge [sflag:s28], $0x1400  }
0x53: {  	[sflag:s28] =	ssyncset.done $0x0  }
0x54: {  	[sflag:s28] =	ssyncadd.s32 $0xFFFFEC00  }
0x55: {  	[spmem:s20] =	stream.linear.scatter [tilespmem:s26], [sflag:$0x1], $0x1400, $0x38;
	[tilespmem:$0x1BC80] =	vst v63  }
0x56: {  	_ =	swait.ge [sflag:s28], $0x1400  }
0x57: {  	[sflag:s28] =	ssyncset.done $0x0  }
0x58: {  	[sflag:s28] =	ssyncadd.s32 $0xFFFFEC00  }
0x59: {  	[spmem:s21] =	stream.linear.scatter [tilespmem:s26], [sflag:$0x1], $0x1400, $0x38;
	[tilespmem:$0x1BC80] =	vst v63  }
0x5a: {  	_ =	swait.ge [sflag:s28], $0x1400  }
0x5b: {  	[sflag:s28] =	ssyncset.done $0x0  }
0x5c: {  	[sflag:s28] =	ssyncadd.s32 $0xFFFFEC00  }
0x5d: {  	[spmem:s23] =	stream.linear.scatter [tilespmem:s26], [sflag:$0x1], $0x1400, $0x38;
	[tilespmem:$0x1BC80] =	vst v63  }
0x5e: {  	_ =	swait.ge [sflag:s28], $0x1400  }
0x5f: {  	[sflag:s28] =	ssyncset.done $0x0  }
0x60: {  	[sflag:s28] =	ssyncadd.s32 $0xFFFFEC00  }
0x61: {  	[spmem:s25] =	stream.linear.scatter [tilespmem:s26], [sflag:$0x1], $0x1400, $0x38;
	[tilespmem:$0x1BC80] =	vst v63  }
0x62: {  	_ =	swait.ge [sflag:s28], $0x1400  }
0x63: {  	[sflag:s28] =	ssyncset.done $0x0  }
0x64: {  	[sflag:s28] =	ssyncadd.s32 $0xFFFFEC00  }
0x65: {  	[bflag:$0x0] =	sbarrier.arrive $0xFFFF  }
0x66: {  	[tilespmem:s3], [sflag:$0x1] =	stream.linear.gather [hbm4b:s5+s3], $0x3E80, $0x38;
	[tilespmem:$0x1BC80] =	vst v63  }
0x67: {  	_ =	swait.ge [sflag:s28], $0x3E80  }
0x68: {  	[sflag:s28] =	ssyncset.done $0x0  }
0x69: {  	s22 =	simm.s32 $0x4000;
	[sflag:s28] =	ssyncadd.s32 $0xFFFFC180  }
0x6a: {  	[tilespmem:s22], [sflag:$0x1] =	stream.linear.gather [hbm4b:s6+s3], $0x10, $0x38;
	[tilespmem:$0x1BC80] =	vst v63  }
0x6b: {  	_ =	swait.ge [sflag:s28], $0x10  }
0x6c: {  	[sflag:s28] =	ssyncset.done $0x0  }
0x6d: {  	[sflag:s28] =	ssyncadd.s32 $0xFFFFFFF0  }
0x6e: {  	v1 =	vld [tilespmem:$0x4000];
	_ =	sdelay $0x4  }
0x6f: {  	(v2sf) =	vpush v1, $0x0  }
0x70: {  	(v2sf) =	vpush v1, $0x1;
	_ =	sdelay $0xd  }
0x71: {  	s4 =	spop (v2sf)  }
0x72: {  	s29 =	spop (v2sf)  }
0x73: {  	p0 =	sle.s32 s29, s4  }
.Ltmp1:
0x74: {  	_ = 	snop;
	(pc) =	sbr.rel @p0 .LBB2_7-.Ltmp1, $1  }
0x75: {  	_ =	sdelay $0x3  }
0x76: {  	s1 =	smul.u32 $0x50, s4  }
0x77: {  	s22 =	rddreg [dreg:$0x4]  }
0x78: {  	s1 =	sadd.s32 s1, s22  }
0x79: {  	s22 =	rddreg [dreg:$0x3];
	s1 =	sshll.u32 s1, $0x4  }
0x7a: {  	s29 =	ssub.s32 s29, s4;
	s1 =	sadd.s32 s1, s22  }
0x7b: {  	[tilespmem:s30], [sflag:$0x1] =	stream.linear.gather [hbm4b:s1+s3], $0x2800, $0x38;
	[tilespmem:$0x1BC80] =	vst v63  }
0x7c: {  	p0 =	sne.s32 s29, $0x1;
	_ =	swait.ge [sflag:s28], $0x2800  }
.Ltmp2:
0x7d: {  	s22 =	sshll.u32 s4, $0x9;
	[sflag:s28] =	ssyncset.done $0x0;
	(pc) =	sbr.rel @!p0 .LBB2_6-.Ltmp2, $4  }
0x7e: {  	s4 =	sshra.s32 s22, $0x2;
	[sflag:s28] =	ssyncadd.s32 $0xFFFFD800  }
0x7f: {  	[spmem:s2] =	stream.indirect.scatter.add.f32 [tilespmem:s30], [sflag:$0x1], $0x80, s4, s31, $0xb8;
	[tilespmem:$0x1BC80] =	vst v63  }
0x80: {  	_ =	swait.ge [sflag:s28], $0x2800  }
0x81: {  	s29 =	sadd.s32 $0xFFFFFFFF, s29;
	[sflag:s28] =	ssyncset.done $0x0  }
.LBB2_5:
0x82: {  	[sflag:s28] =	ssyncadd.s32 $0xFFFFD800;
	s4 =	sadd.s32 $0x80, s4;
	s1 =	sadd.s32 $0x500, s1  }
0x83: {  	[tilespmem:s30], [sflag:$0x1] =	stream.linear.gather [hbm4b:s1+s3], $0x2800, $0x38;
	[tilespmem:$0x1BC80] =	vst v63  }
0x84: {  	p0 =	sne.s32 s29, $0x1;
	s29 =	sadd.s32 $0xFFFFFFFF, s29;
	_ =	swait.ge [sflag:s28], $0x2800  }
.Ltmp3:
0x85: {  	[sflag:s28] =	ssyncset.done $0x0;
	(pc) =	sbr.rel @p0 .LBB2_5-.Ltmp3, $4  }
0x86: {  	[sflag:s28] =	ssyncadd.s32 $0xFFFFD800  }
0x87: {  	[spmem:s2] =	stream.indirect.scatter.add.f32 [tilespmem:s30], [sflag:$0x1], $0x80, s4, s31, $0xb8;
	[tilespmem:$0x1BC80] =	vst v63  }
0x88: {  	_ =	swait.ge [sflag:s28], $0x2800  }
0x89: {  	[sflag:s28] =	ssyncset.done $0x0  }
.LBB2_6:
0x8a: {  	[sflag:s28] =	ssyncadd.s32 $0xFFFFD800  }
.LBB2_7:
0x8b: {  	[bflag:$0x0] =	sbarrier.arrive $0xFFFF  }
0x8c: {  	[tilespmem:s26], [sflag:$0x1] =	stream.linear.gather [spmem:s7], $0x1400, $0x38;
	[tilespmem:$0x1BC80] =	vst v63  }
0x8d: {  	_ =	swait.ge [sflag:s28], $0x1400  }
0x8e: {  	[sflag:s28] =	ssyncset.done $0x0  }
0x8f: {  	s1 =	sadd.s32 $0x0, s24;
	[sflag:s28] =	ssyncadd.s32 $0xFFFFEC00  }
0x90: {  	[hbm4b:s1+s3] =	stream.linear.scatter [tilespmem:s26], [sflag:$0x1], $0x1400, $0x38;
	[tilespmem:$0x1BC80] =	vst v63  }
0x91: {  	_ =	swait.ge [sflag:s28], $0x1400  }
0x92: {  	s4 =	smov.u32 s7;
	s1 =	simm.s32 $0x280;
	[sflag:s28] =	ssyncset.done $0x0  }
.LBB2_8:
0x93: {  	p0 =	sne.s32 s1, $0x2580;
	[sflag:s28] =	ssyncadd.s32 $0xFFFFEC00;
	s4 =	sadd.s32 $0x1400, s4  }
0x94: {  	[tilespmem:s26], [sflag:$0x1] =	stream.linear.gather [spmem:s4], $0x1400, $0x38;
	[tilespmem:$0x1BC80] =	vst v63  }
0x95: {  	s22 =	smov.u32 s1;
	s1 =	sadd.s32 $0x280, s1;
	_ =	swait.ge [sflag:s28], $0x1400  }
.Ltmp4:
0x96: {  	[sflag:s28] =	ssyncset.done $0x0;
	(pc) =	sbr.rel @p0 .LBB2_8-.Ltmp4, $4  }
0x97: {  	s22 =	sadd.s32 s22, s24;
	[sflag:s28] =	ssyncadd.s32 $0xFFFFEC00  }
0x98: {  	[hbm4b:s22+s3] =	stream.linear.scatter [tilespmem:s26], [sflag:$0x1], $0x1400, $0x38;
	[tilespmem:$0x1BC80] =	vst v63  }
0x99: {  	_ =	swait.ge [sflag:s28], $0x1400  }
0x9a: {  	[sflag:s28] =	ssyncset.done $0x0  }
0x9b: {  	s0 =	sadd.s32 $0x1, s0  }
0x9c: {  	p0 =	sne.s32 s0, s8  }
.Ltmp5:
0x9d: {  	_ = 	snop;
	(pc) =	sbr.rel @p0 .LBB2_1-.Ltmp5, $2  }
0x9e: {  	_ =	sdelay $0x2  }
0x9f: {  	[sflag:s28] =	ssyncadd.s32 $0xFFFFEC00  }
0xa0: {  	_ =	sfence.sel $0x180000  }
0xa1: {  	[bflag:$0x0] =	sbarrier.arrive $0xFFFF  }
0xa2: {  	_ =	strace $0x9000004A  }
0xa3: {  	s0 =	stileid.u32;
	[bflag:$0x2] =	sbarrier.arrive $0xFFFF  }
0xa4: {  	p0 =	sne.s32 s0, $0x0;
	s0 =	rddreg [dreg:$0x2]  }
0xa5: {  	s0 =	sadd.s32 @!p0 $0x100000, s0  }
0xa6: {  	[sflag:s0] =	ssyncadd.tile.s32 @!p0 $0x1;
	_ =	shalt  }
.Lfunc_end2:
_tile_overlayer_lowered:
.L_overlay_start_2:
0xa7: {  	(tag) =	ssettag $0x2  }
0xa8: {  	s0 =	rddreg [dreg:$0x0];
	s2 =	stileid.u32  }
0xa9: {  	s1 =	rddreg [dreg:$0x1];
	p0 =	sne.s32 s2, $0x0  }
0xaa: {  	s3 =	rddreg [dreg:$0x2];
	[bflag:$0x3] =	sbarrier.arrive $0xFFFF;
	s2 =	simm.s32 @!p0 $0x1C01  }
0xab: {  	[timem:s3], [sflag:s2] =	dma.local @!p0 [hbm:s0], s1  }
0xac: {  	s0 =	simm.s32 @!p0 $0x1  }
0xad: {  	_ =	swait.ge @!p0 [sflag:s0], s1  }
0xae: {  	s1 =	ssub.s32 @!p0 $0x0, s1;
	[sflag:s0] =	ssyncset.done @!p0 $0x0  }
0xaf: {  	[sflag:s0] =	ssyncadd.s32 @!p0 s1  }
0xb0: {  	[bflag:$0x3] =	sbarrier.arrive $0xFFFF  }
0xb1: {  	_ =	shalt  }

// kernel: kernel.20.cloned.1.call-start
scs
__scs_entry_jumppad:
0x0: {  	(pc) =	sbr.rel $0x88, $3  }
0x1: {  	(tag) =	ssettag $0x0;
	lr =	simm.s32 $0x1  }
0x2: {  	[smem:$0x3F98] =	sst lr;
	_ =	strace $0xD0000000  }
0x3: {  	_ = 	snop  }
0x4: {  	_ = 	snop  }
0x5: {  	_ = 	snop  }
0x6: {  	_ = 	snop  }
0x7: {  	_ = 	snop  }
__scs_overlays_trampoline_lowered:
0x8: {  	[smem:$0x3FA7] =	sst s0  }
0x9: {  	[smem:$0x3FA8] =	sst s1  }
0xa: {  	[smem:$0x3FA9] =	sst s2  }
0xb: {  	[smem:$0x3FAA] =	sst s3  }
0xc: {  	[smem:$0x3FAB] =	sst s4  }
0xd: {  	[smem:$0x3FAC] =	sst s5  }
0xe: {  	[smem:$0x3FAD] =	sst s6  }
0xf: {  	[smem:$0x3FAE] =	sst s7  }
0x10: {  	[smem:$0x3FAF] =	sst s8  }
0x11: {  	[smem:$0x3FB0] =	sst s9;
	s0 =	simm.s32 @!p0 $0x0  }
0x12: {  	s1 =	sld [smem:$0x3F96];
	s0 =	simm.s32 @p0 $0x1  }
0x13: {  	[smem:$0x3FB1] =	sst s0;
	s0 =	simm.s32 @!p1 $0x0  }
0x14: {  	s2 =	sld [smem:$0x3F95];
	s0 =	simm.s32 @p1 $0x1  }
0x15: {  	[smem:$0x3FB2] =	sst s0;
	s0 =	simm.s32 @!p2 $0x0  }
0x16: {  	s3 =	sld [smem:$0x3FDB];
	s0 =	simm.s32 @p2 $0x1  }
0x17: {  	s4 =	simm.s32 $0x1BF5;
	[smem:$0x3FB4] =	sst s0  }
0x18: {  	s0 =	sld [smem:$0x3F97];
	_ =	swait.ge [sflag:s4], $0x0  }
0x19: {  	s7 =	sld [smem:$0x3F98]  }
0x1a: {  	s8 =	sadd.s32 $0xFFFFE003, lr  }
0x1b: {  	s9 =	sadd.s32 $0xFFFFFEF7, lr;
	s5 =	simm.s32 $0xFFFFFFFF;
	p2 =	slt.u32 s8, $0xFFFFF086  }
0x1c: {  	p1 =	slt.u32 s9, $0xF7A;
	s5 =	simm.s32 @!p2 $0x0  }
0x1d: {  	s5 =	simm.s32 @p1 $0x1;
	p0 =	seq.s32 s7, s2  }
0x1e: {  	s7 =	smul.u32 @!p0 $0xF7A, s2;
	p2 =	seq.s32 @!p0 s5, $0x0  }
0x1f: {  	s9 =	smul.u32 $0xF7A, s1;
	s8 =	simm.s32 @!p0 $0x1BF5;
	p2 =	por !p2, p0  }
0x20: {  	[sflag:s8] =	ssyncset.s32 @!p0 $0xFFFFF086;
	s6 =	sadd.s32 @!p0 s3, s7;
	s7 =	simm.s32 @!p0 $0x108  }
0x21: {  	s3 =	sadd.s32 s3, s9;
	s6 =	sadd.s32 @!p0 $0x88, s6;
	s7 =	simm.s32 @p2 $0x1082  }
0x22: {  	[simem:s7], [sflag:s8] =	dma.local @!p0 [hbm:s6], $0xF7A  }
0x23: {  	s9 =	sor.u32 $0xD0000000, s2;
	s6 =	simm.s32 $0x108;
	_ =	swait.ge @!p0 [sflag:s8], $0x0  }
0x24: {  	s3 =	sadd.s32 $0x88, s3;
	s6 =	simm.s32 @!p1 $0x1082;
	[sflag:s4] =	ssyncset.s32 $0xFFFFF086  }
0x25: {  	[simem:s6], [sflag:s4] =	dma.local [hbm:s3], $0xF7A  }
0x26: {  	[smem:$0x3F98] =	sst s1;
	(tag) =	ssettag s2;
	_ =	strace s9  }
0x27: {  	s1 =	sld [smem:$0x3FA8]  }
0x28: {  	s2 =	sld [smem:$0x3FA9]  }
0x29: {  	s4 =	sld [smem:$0x3FAB]  }
0x2a: {  	p0 =	seq.s32 s5, $0x0;
	s5 =	sld [smem:$0x3FAC]  }
0x2b: {  	s6 =	sld [smem:$0x3FAD]  }
0x2c: {  	s7 =	sld [smem:$0x3FAE]  }
0x2d: {  	s3 =	simm.s32 $0x108;
	s8 =	sld [smem:$0x3FAF]  }
0x2e: {  	s3 =	simm.s32 @!p0 $0x1082;
	s9 =	sld [smem:$0x3FB0]  }
0x2f: {  	lr =	sadd.s32 s0, s3;
	s0 =	sld [smem:$0x3FA7]  }
0x30: {  	s3 =	sld [smem:$0x3FAA]  }
0x31: {  	[smem:$0x3FB3] =	sst s10  }
0x32: {  	s10 =	sld [smem:$0x3FB1];
	_ =	sdelay $0x3  }
0x33: {  	p0 =	seq.s32 s10, $0x1;
	s10 =	sld [smem:$0x3FB3];
	_ =	sdelay $0x3  }
0x34: {  	[smem:$0x3FB3] =	sst s10  }
0x35: {  	s10 =	sld [smem:$0x3FB2];
	_ =	sdelay $0x3  }
0x36: {  	p1 =	seq.s32 s10, $0x1;
	s10 =	sld [smem:$0x3FB3];
	_ =	sdelay $0x3  }
0x37: {  	[smem:$0x3FB3] =	sst s10  }
0x38: {  	s10 =	sld [smem:$0x3FB4]  }
0x39: {  	_ = 	snop;
	(pc) =	sbr.ind lr, $3  }
0x3a: {  	_ = 	snop  }
0x3b: {  	_ = 	snop  }
0x3c: {  	p2 =	seq.s32 s10, $0x1;
	s10 =	sld [smem:$0x3FB3]  }
0x3d: {  	_ =	shalt  }
0x3e: {  	_ =	shalt  }
0x3f: {  	_ =	shalt  }
0x40: {  	_ =	shalt  }
0x41: {  	_ =	shalt  }
0x42: {  	_ =	shalt  }
0x43: {  	_ =	shalt  }
0x44: {  	_ =	shalt  }
0x45: {  	_ =	shalt  }
0x46: {  	_ =	shalt  }
0x47: {  	_ =	shalt  }
0x48: {  	_ =	shalt  }
0x49: {  	_ =	shalt  }
0x4a: {  	_ =	shalt  }
0x4b: {  	_ =	shalt  }
0x4c: {  	_ =	shalt  }
0x4d: {  	_ =	shalt  }
0x4e: {  	_ =	shalt  }
0x4f: {  	_ =	shalt  }
0x50: {  	_ =	shalt  }
0x51: {  	_ =	shalt  }
0x52: {  	_ =	shalt  }
0x53: {  	_ =	shalt  }
0x54: {  	_ =	shalt  }
0x55: {  	_ =	shalt  }
0x56: {  	_ =	shalt  }
0x57: {  	_ =	shalt  }
0x58: {  	_ =	shalt  }
0x59: {  	_ =	shalt  }
0x5a: {  	_ =	shalt  }
0x5b: {  	_ =	shalt  }
0x5c: {  	_ =	shalt  }
0x5d: {  	_ =	shalt  }
0x5e: {  	_ =	shalt  }
0x5f: {  	_ =	shalt  }
0x60: {  	_ =	shalt  }
0x61: {  	_ =	shalt  }
0x62: {  	_ =	shalt  }
0x63: {  	_ =	shalt  }
0x64: {  	_ =	shalt  }
0x65: {  	_ =	shalt  }
0x66: {  	_ =	shalt  }
0x67: {  	_ =	shalt  }
0x68: {  	_ =	shalt  }
0x69: {  	_ =	shalt  }
0x6a: {  	_ =	shalt  }
0x6b: {  	_ =	shalt  }
0x6c: {  	_ =	shalt  }
0x6d: {  	_ =	shalt  }
0x6e: {  	_ =	shalt  }
0x6f: {  	_ =	shalt  }
0x70: {  	_ =	shalt  }
0x71: {  	_ =	shalt  }
0x72: {  	_ =	shalt  }
0x73: {  	_ =	shalt  }
0x74: {  	_ =	shalt  }
0x75: {  	_ =	shalt  }
0x76: {  	_ =	shalt  }
0x77: {  	_ =	shalt  }
0x78: {  	_ =	shalt  }
0x79: {  	_ =	shalt  }
0x7a: {  	_ =	shalt  }
0x7b: {  	_ =	shalt  }
0x7c: {  	_ =	shalt  }
0x7d: {  	_ =	shalt  }
0x7e: {  	_ =	shalt  }
0x7f: {  	_ =	shalt  }
0x80: {  	_ =	shalt  }
0x81: {  	_ =	shalt  }
0x82: {  	_ =	shalt  }
0x83: {  	_ =	shalt  }
0x84: {  	_ =	shalt  }
0x85: {  	_ =	shalt  }
0x86: {  	_ =	shalt  }
0x87: {  	_ =	shalt  }
.Lfunc_end0:
.L_simem_size_0:
called_computation.2_lowered:
.L_overlay_start_0:
0x88: {  	s2 =	sld [smem:$0x3FD9]  }
0x89: {  	s3 =	sld [smem:$0x3FFE];
	_ =	sdelay $0x1  }
0x8a: {  	s1 =	srdreg.scid  }
0x8b: {  	s0 =	sand.u32 $0x1, s1  }
0x8c: {  	s17 =	sshll.u32 s0, $0xA;
	s2 =	sadd.s32 s3, s2  }
0x8d: {  	s2 =	sadd.s32 s2, s17  }
0x8e: {  	[smem:$0x3FBF] =	sst s2  }
0x8f: {  	_ = 	snop  }
0x90: {  	s18 =	sld [smem:$0x3FD0];
	(tm) =	ssettm $0x1  }
0x91: {  	s19 =	sld [smem:$0x3FFB];
	_ =	sdelay $0x3  }
0x92: {  	_ =	strace s19  }
0x93: {  	s2 =	sld [smem:$0x3FFC];
	_ =	sdelay $0x3  }
0x94: {  	_ =	strace s2  }
0x95: {  	s2 =	sld [smem:$0x3FFD];
	_ =	sdelay $0x3  }
0x96: {  	_ =	strace s2  }
0x97: {  	_ =	strace $0x8FFFFFFF  }
0x98: {  	s20 =	sld [smem:$0x3FDB];
	_ =	sdelay $0x1  }
0x99: {  	s4 =	simm.s32 $_scs_section_size  }
0x9a: {  	s5 =	simm.s32 $_size__tile_overlayer_lowered;
	s6 =	simm.s32 $_tile_overlayer_lowered  }
0x9b: {  	s7 =	simm.s32 $0x1BFF;
	s21 =	sshll.u32 s6, $0x1;
	s4 =	sadd.s32 s4, s20  }
0x9c: {  	s22 =	simm.s32 $0x0;
	s5 =	sshll.u32 s5, $0x1;
	s6 =	sadd.s32 s21, s4  }
0x9d: {  	[timem:s22], [sflag:s7] =	dma.local [hbm:s6], s5  }
0x9e: {  	_ =	swait.ge [sflag:s7], s5  }
0x9f: {  	s5 =	ssub.s32 $0x0, s5;
	[sflag:s7] =	ssyncset.done $0x0  }
0xa0: {  	[sflag:s7] =	ssyncadd.s32 s5;
	_ =	sdelay $0x1  }
0xa1: {  	s23 =	simm.s32 $0x1B8B  }
0xa2: {  	_ =	swait.ge [sflag:s23], $0x1  }
0xa3: {  	[sflag:s23] =	ssyncset.done $0x0  }
0xa4: {  	[sflag:s23] =	ssyncadd.s32 $0xFFFFFFFF  }
0xa5: {  	s5 =	sld [smem:$0x0]  }
0xa6: {  	s6 =	sand.u32 $0xFFFFFFFE, s1  }
0xa7: {  	p0 =	sne.s32 s1, s6  }
0xa8: {  	s6 =	sshll.u32 @p0 s6, $0xE  }
0xa9: {  	s6 =	sadd.s32 @p0 $0x11B8D, s6;
	s7 =	sshll.u32 @p0 s5, $0x11  }
0xaa: {  	s6 =	sor.u32 @p0 s7, s6  }
0xab: {  	[sflag:s6] =	ssyncadd.remote.s32 @p0 $0x1;
	_ =	sdelay $0x1  }
0xac: {  	s6 =	simm.s32 @p0 $0x1B8D  }
0xad: {  	_ =	swait.eq @p0 [sflag:s6], $0x1  }
0xae: {  	[sflag:s6] =	ssyncadd.s32 @p0 $0xFFFFFFFF  }
0xaf: {  	s7 =	sshll.u32 @!p0 s1, $0xE  }
0xb0: {  	s7 =	sor.u32 @!p0 $0x4000, s7;
	s6 =	simm.s32 @!p0 $0x1B8D  }
0xb1: {  	s5 =	sshll.u32 @!p0 s5, $0x11;
	s7 =	sadd.s32 @!p0 $0x11B8D, s7;
	_ =	swait.eq @!p0 [sflag:s6], $0x1  }
0xb2: {  	s5 =	sor.u32 @!p0 s5, s7;
	[sflag:s6] =	ssyncadd.s32 @!p0 $0xFFFFFFFF  }
0xb3: {  	s25 =	simm.s32 $0x1B8E;
	s24 =	sld [smem:$0x3FFE];
	[sflag:s5] =	ssyncadd.remote.s32 @!p0 $0x1  }
0xb4: {  	s26 =	simm.s32 $execute0_lowered;
	[smem:$0x3FD2] =	sst s25  }
0xb5: {  	s6 =	sshll.u32 s26, $0x1;
	_ =	strace $0x8000004C;
	[dreg:$0x1] =	wrdreg $0xFFFFFFFF  }
0xb6: {  	s28 =	simm.s32 $_size_execute0_lowered;
	s4 =	sadd.s32 s4, s6;
	[dreg:$0x0] =	wrdreg $0x0  }
0xb7: {  	s6 =	sshll.u32 s28, $0x1;
	[dreg:$0x2] =	wrdreg s4  }
0xb8: {  	[dreg:$0x3] =	wrdreg s6  }
0xb9: {  	[dreg:$0x4] =	wrdreg $0xC0  }
0xba: {  	_ =	task [dreg:s22], $0x5FFFF  }
0xbb: {  	[dreg:$0x1] =	wrdreg $0xFFFFFFFF  }
0xbc: {  	[dreg:$0x0] =	wrdreg $0x60  }
0xbd: {  	[dreg:$0x2] =	wrdreg s24  }
0xbe: {  	[dreg:$0x3] =	wrdreg s18  }
0xbf: {  	[dreg:$0x4] =	wrdreg $0x7C800  }
0xc0: {  	[dreg:$0x5] =	wrdreg $0xA  }
0xc1: {  	_ =	task.clear_ibuf [dreg:s22], $0x6FFFF;
	_ =	strace $0x9000004C  }
0xc2: {  	s29 =	simm.s32 $0xA;
	_ =	strace $0x8000004E  }
0xc3: {  	_ =	swait.ge [sflag:s29], $0x1  }
0xc4: {  	[sflag:s29] =	ssyncadd.s32 $0xFFFFFFFF  }
0xc5: {  	_ =	strace $0x9000004E  }
0xc6: {  	_ =	sfence  }
0xc7: {  	s30 =	sld [smem:$0x0];
	_ =	sdelay $0x2  }
0xc8: {  	s31 =	sshll.u32 s1, $0xD;
	s1 =	sshrl.u32 s1, $0x2  }
0xc9: {  	s4 =	sand.u32 $0x4000, s31;
	s1 =	sadd.s32 s1, s30  }
0xca: {  	s0 =	sor.u32 s4, s0;
	s1 =	sshll.u32 s1, $0x11  }
0xcb: {  	s0 =	sor.u32 s1, s0  }
0xcc: {  	s0 =	sadd.s32 $0x8F2B, s0  }
0xcd: {  	[sflag:s0] =	ssyncadd.remote.s32 $0x1  }
0xce: {  	_ =	sfence.sel $0xFFFF  }
0xcf: {  	[dreg:$0x0] =	wrdreg $0xFFFFFFFF;
	(pc) =	sbr.abs _section_cstart, $3  }
0xd0: {  	[dreg:$0x1] =	wrdreg $0xFFFFFFFF  }
0xd1: {  	_ =	task.clear_ibuf [dreg:s22], $0x2FFFF;
	_ =	strace $0x9FFFFFFF  }
0xd2: {  	(tm) =	ssettm $0x7FFFFFFF  }
0xd3: {  	_ =	shalt  }
tec
execute0_lowered:
.L_overlay_start_1:
0x0: {  	(tag) =	ssettag $0x1  }
0x1: {  	s0 =	rddreg [dreg:$0x0]  }
0x2: {  	s2 =	rddreg [dreg:$0x1]  }
0x3: {  	s1 =	rddreg [dreg:$0x2];
	s18 =	stileid.u32  }
0x4: {  	s3 =	srdreg.scid;
	s28 =	simm.s32 $0x1;
	s6 =	smul.u32 $0x14000, s18  }
0x5: {  	s30 =	simm.s32 $0x4080;
	s31 =	simm.s32 $0x50;
	s24 =	smul.u32 $0x50000, s18  }
0x6: {  	s4 =	sand.u32 $0x1, s3;
	s3 =	simm.s32 $0x0;
	s29 =	smul.u32 $0x4E20, s18  }
0x7: {  	s7 =	sshll.u32 s18, $0x1;
	s8 =	sadd.s32 $0x9D4400, s0;
	s5 =	smul.u32 $0x140000, s4  }
0x8: {  	[smem:$0x7FF] =	sst s3;
	s7 =	sor.u32 s4, s7;
	s25 =	ssub.s32 $0x2, s4  }
0x9: {  	s4 =	smul.u32 $0x2710, s4;
	_ =	strace $0x8000004D;
	[dreg:$0x4] =	wrdreg s8  }
0xa: {  	s23 =	sshll.u32 s7, $0x1;
	s26 =	sshrl.u32 s25, $0x1;
	s7 =	sshll.u32 s7, $0xB  }
0xb: {  	s8 =	sshrl.u32 s24, $0x2;
	s5 =	sadd.s32 s6, s5;
	s9 =	sadd.s32 s23, s0  }
0xc: {  	s10 =	ssub.s32 s25, s26;
	s6 =	sadd.s32 s8, s1;
	s26 =	simm.s32 $0x6880  }
0xd: {  	s5 =	sshrl.u32 s5, $0x3;
	s8 =	smax.u32 s10, $0x1;
	s10 =	sadd.s32 $0x2800, s6  }
0xe: {  	s11 =	sadd.s32 $0x3C00, s6;
	s12 =	sadd.s32 $0x5000, s6;
	s13 =	sadd.s32 $0x6400, s6  }
0xf: {  	s14 =	sadd.s32 $0x7800, s6;
	s15 =	sadd.s32 $0x8C00, s6;
	s16 =	sadd.s32 $0xA000, s6  }
0x10: {  	s17 =	sadd.s32 $0xB400, s6;
	s18 =	sadd.s32 $0xC800, s6;
	s19 =	sadd.s32 $0xDC00, s6  }
0x11: {  	s20 =	sadd.s32 $0xF000, s6;
	s21 =	sadd.s32 $0x10400, s6;
	s22 =	sadd.s32 $0x11800, s6  }
0x12: {  	s24 =	sadd.s32 $0x12C00, s6;
	s0 =	sadd.s32 s5, s0;
	s5 =	sadd.s32 s2, s7  }
0x13: {  	s7 =	sadd.s32 $0x50000, s9;
	s9 =	sadd.s32 $0x1400, s6;
	s2 =	sadd.s32 s4, s29  }
0x14: {  	v0 =	vimm.f32 $0.0e+00;
	[dreg:$0x5] =	wrdreg s2;
	s25 =	sadd.s32 $0x50200, s0;
	s0 =	simm.s32 $0x0  }
.LBB2_1:
0x15: {  	s2 =	simm.s32 $0x70;
	s4 =	simm.s32 $0x3C0  }
.LBB2_2:
0x16: {  	p0 =	sne.s32 s4, $0x4FC0;
	[tilespmem:s2+$0x6880] =	vst v0  }
0x17: {  	[tilespmem:s2+$0x6810] =	vst v0  }
0x18: {  	[tilespmem:s2+$0x6820] =	vst v0  }
.Ltmp0:
0x19: {  	[tilespmem:s2+$0x6830] =	vst v0;
	(pc) =	sbr.rel @p0 .LBB2_2-.Ltmp0, $4  }
0x1a: {  	[tilespmem:s2+$0x6840] =	vst v0  }
0x1b: {  	[tilespmem:s2+$0x6850] =	vst v0  }
0x1c: {  	[tilespmem:s2+$0x6860] =	vst v0  }
0x1d: {  	[tilespmem:s2+$0x6870] =	vst v0;
	s2 =	sshra.s32 s4, $0x2;
	s4 =	sadd.s32 $0x200, s4  }
0x1e: {  	[tilespmem:s2+$0x6880] =	vst v0  }
0x1f: {  	[tilespmem:s2+$0x6810] =	vst v0  }
0x20: {  	[tilespmem:s2+$0x6820] =	vst v0  }
0x21: {  	[tilespmem:s2+$0x6830] =	vst v0  }
0x22: {  	[tilespmem:s2+$0x6840] =	vst v0  }
0x23: {  	[tilespmem:s2+$0x6850] =	vst v0  }
0x24: {  	[tilespmem:s2+$0x6860] =	vst v0  }
0x25: {  	[tilespmem:s2+$0x6870] =	vst v0  }
0x26: {  	[spmem:s6] =	stream.linear.scatter [tilespmem:s26], [sflag:$0x1], $0x1400, $0x38;
	[tilespmem:$0x1BC80] =	vst v63  }
0x27: {  	_ =	swait.ge [sflag:s28], $0x1400  }
0x28: {  	[sflag:s28] =	ssyncset.done $0x0  }
0x29: {  	[sflag:s28] =	ssyncadd.s32 $0xFFFFEC00  }
0x2a: {  	[spmem:s9] =	stream.linear.scatter [tilespmem:s26], [sflag:$0x1], $0x1400, $0x38;
	[tilespmem:$0x1BC80] =	vst v63  }
0x2b: {  	_ =	swait.ge [sflag:s28], $0x1400  }
0x2c: {  	[sflag:s28] =	ssyncset.done $0x0  }
0x2d: {  	[sflag:s28] =	ssyncadd.s32 $0xFFFFEC00  }
0x2e: {  	[spmem:s10] =	stream.linear.scatter [tilespmem:s26], [sflag:$0x1], $0x1400, $0x38;
	[tilespmem:$0x1BC80] =	vst v63  }
0x2f: {  	_ =	swait.ge [sflag:s28], $0x1400  }
0x30: {  	[sflag:s28] =	ssyncset.done $0x0  }
0x31: {  	[sflag:s28] =	ssyncadd.s32 $0xFFFFEC00  }
0x32: {  	[spmem:s11] =	stream.linear.scatter [tilespmem:s26], [sflag:$0x1], $0x1400, $0x38;
	[tilespmem:$0x1BC80] =	vst v63  }
0x33: {  	_ =	swait.ge [sflag:s28], $0x1400  }
0x34: {  	[sflag:s28] =	ssyncset.done $0x0  }
0x35: {  	[sflag:s28] =	ssyncadd.s32 $0xFFFFEC00  }
0x36: {  	[spmem:s12] =	stream.linear.scatter [tilespmem:s26], [sflag:$0x1], $0x1400, $0x38;
	[tilespmem:$0x1BC80] =	vst v63  }
0x37: {  	_ =	swait.ge [sflag:s28], $0x1400  }
0x38: {  	[sflag:s28] =	ssyncset.done $0x0  }
0x39: {  	[sflag:s28] =	ssyncadd.s32 $0xFFFFEC00  }
0x3a: {  	[spmem:s13] =	stream.linear.scatter [tilespmem:s26], [sflag:$0x1], $0x1400, $0x38;
	[tilespmem:$0x1BC80] =	vst v63  }
0x3b: {  	_ =	swait.ge [sflag:s28], $0x1400  }
0x3c: {  	[sflag:s28] =	ssyncset.done $0x0  }
0x3d: {  	[sflag:s28] =	ssyncadd.s32 $0xFFFFEC00  }
0x3e: {  	[spmem:s14] =	stream.linear.scatter [tilespmem:s26], [sflag:$0x1], $0x1400, $0x38;
	[tilespmem:$0x1BC80] =	vst v63  }
0x3f: {  	_ =	swait.ge [sflag:s28], $0x1400  }
0x40: {  	[sflag:s28] =	ssyncset.done $0x0  }
0x41: {  	[sflag:s28] =	ssyncadd.s32 $0xFFFFEC00  }
0x42: {  	[spmem:s15] =	stream.linear.scatter [tilespmem:s26], [sflag:$0x1], $0x1400, $0x38;
	[tilespmem:$0x1BC80] =	vst v63  }
0x43: {  	_ =	swait.ge [sflag:s28], $0x1400  }
0x44: {  	[sflag:s28] =	ssyncset.done $0x0  }
0x45: {  	[sflag:s28] =	ssyncadd.s32 $0xFFFFEC00  }
0x46: {  	[spmem:s16] =	stream.linear.scatter [tilespmem:s26], [sflag:$0x1], $0x1400, $0x38;
	[tilespmem:$0x1BC80] =	vst v63  }
0x47: {  	_ =	swait.ge [sflag:s28], $0x1400  }
0x48: {  	[sflag:s28] =	ssyncset.done $0x0  }
0x49: {  	[sflag:s28] =	ssyncadd.s32 $0xFFFFEC00  }
0x4a: {  	[spmem:s17] =	stream.linear.scatter [tilespmem:s26], [sflag:$0x1], $0x1400, $0x38;
	[tilespmem:$0x1BC80] =	vst v63  }
0x4b: {  	_ =	swait.ge [sflag:s28], $0x1400  }
0x4c: {  	[sflag:s28] =	ssyncset.done $0x0  }
0x4d: {  	[sflag:s28] =	ssyncadd.s32 $0xFFFFEC00  }
0x4e: {  	[spmem:s18] =	stream.linear.scatter [tilespmem:s26], [sflag:$0x1], $0x1400, $0x38;
	[tilespmem:$0x1BC80] =	vst v63  }
0x4f: {  	_ =	swait.ge [sflag:s28], $0x1400  }
0x50: {  	[sflag:s28] =	ssyncset.done $0x0  }
0x51: {  	[sflag:s28] =	ssyncadd.s32 $0xFFFFEC00  }
0x52: {  	[spmem:s19] =	stream.linear.scatter [tilespmem:s26], [sflag:$0x1], $0x1400, $0x38;
	[tilespmem:$0x1BC80] =	vst v63  }
0x53: {  	_ =	swait.ge [sflag:s28], $0x1400  }
0x54: {  	[sflag:s28] =	ssyncset.done $0x0  }
0x55: {  	[sflag:s28] =	ssyncadd.s32 $0xFFFFEC00  }
0x56: {  	[spmem:s20] =	stream.linear.scatter [tilespmem:s26], [sflag:$0x1], $0x1400, $0x38;
	[tilespmem:$0x1BC80] =	vst v63  }
0x57: {  	_ =	swait.ge [sflag:s28], $0x1400  }
0x58: {  	[sflag:s28] =	ssyncset.done $0x0  }
0x59: {  	[sflag:s28] =	ssyncadd.s32 $0xFFFFEC00  }
0x5a: {  	[spmem:s21] =	stream.linear.scatter [tilespmem:s26], [sflag:$0x1], $0x1400, $0x38;
	[tilespmem:$0x1BC80] =	vst v63  }
0x5b: {  	_ =	swait.ge [sflag:s28], $0x1400  }
0x5c: {  	[sflag:s28] =	ssyncset.done $0x0  }
0x5d: {  	[sflag:s28] =	ssyncadd.s32 $0xFFFFEC00  }
0x5e: {  	[spmem:s22] =	stream.linear.scatter [tilespmem:s26], [sflag:$0x1], $0x1400, $0x38;
	[tilespmem:$0x1BC80] =	vst v63  }
0x5f: {  	_ =	swait.ge [sflag:s28], $0x1400  }
0x60: {  	[sflag:s28] =	ssyncset.done $0x0  }
0x61: {  	[sflag:s28] =	ssyncadd.s32 $0xFFFFEC00  }
0x62: {  	[spmem:s24] =	stream.linear.scatter [tilespmem:s26], [sflag:$0x1], $0x1400, $0x38;
	[tilespmem:$0x1BC80] =	vst v63  }
0x63: {  	_ =	swait.ge [sflag:s28], $0x1400  }
0x64: {  	[sflag:s28] =	ssyncset.done $0x0  }
0x65: {  	[sflag:s28] =	ssyncadd.s32 $0xFFFFEC00  }
0x66: {  	[bflag:$0x0] =	sbarrier.arrive $0xFFFF  }
0x67: {  	[tilespmem:s3], [sflag:$0x1] =	stream.linear.gather [hbm4b:s5+s3], $0x3E80, $0x38;
	[tilespmem:$0x1BC80] =	vst v63  }
0x68: {  	_ =	swait.ge [sflag:s28], $0x3E80  }
0x69: {  	[sflag:s28] =	ssyncset.done $0x0  }
0x6a: {  	s23 =	simm.s32 $0x4000;
	[sflag:s28] =	ssyncadd.s32 $0xFFFFC180  }
0x6b: {  	[tilespmem:s23], [sflag:$0x1] =	stream.linear.gather [hbm4b:s7+s3], $0x10, $0x38;
	[tilespmem:$0x1BC80] =	vst v63  }
0x6c: {  	_ =	swait.ge [sflag:s28], $0x10  }
0x6d: {  	[sflag:s28] =	ssyncset.done $0x0  }
0x6e: {  	[sflag:s28] =	ssyncadd.s32 $0xFFFFFFF0  }
0x6f: {  	v1 =	vld [tilespmem:$0x4000];
	_ =	sdelay $0x4  }
0x70: {  	(v2sf) =	vpush v1, $0x0  }
0x71: {  	(v2sf) =	vpush v1, $0x1;
	_ =	sdelay $0xd  }
0x72: {  	s4 =	spop (v2sf)  }
0x73: {  	s29 =	spop (v2sf)  }
0x74: {  	p0 =	sle.s32 s29, s4  }
.Ltmp1:
0x75: {  	_ = 	snop;
	(pc) =	sbr.rel @p0 .LBB2_7-.Ltmp1, $1  }
0x76: {  	_ =	sdelay $0x3  }
0x77: {  	s2 =	smul.u32 $0x50, s4  }
0x78: {  	s23 =	rddreg [dreg:$0x5]  }
0x79: {  	s2 =	sadd.s32 s2, s23  }
0x7a: {  	s23 =	rddreg [dreg:$0x4];
	s2 =	sshll.u32 s2, $0x4  }
0x7b: {  	s29 =	ssub.s32 s29, s4;
	s2 =	sadd.s32 s2, s23  }
0x7c: {  	[tilespmem:s30], [sflag:$0x1] =	stream.linear.gather [hbm4b:s2+s3], $0x2800, $0x38;
	[tilespmem:$0x1BC80] =	vst v63  }
0x7d: {  	p0 =	sne.s32 s29, $0x1;
	_ =	swait.ge [sflag:s28], $0x2800  }
.Ltmp2:
0x7e: {  	s23 =	sshll.u32 s4, $0x9;
	[sflag:s28] =	ssyncset.done $0x0;
	(pc) =	sbr.rel @!p0 .LBB2_6-.Ltmp2, $4  }
0x7f: {  	s4 =	sshra.s32 s23, $0x2;
	[sflag:s28] =	ssyncadd.s32 $0xFFFFD800  }
0x80: {  	[spmem:s1] =	stream.indirect.scatter.add.f32 [tilespmem:s30], [sflag:$0x1], $0x80, s4, s31, $0xb8;
	[tilespmem:$0x1BC80] =	vst v63  }
0x81: {  	_ =	swait.ge [sflag:s28], $0x2800  }
0x82: {  	s29 =	sadd.s32 $0xFFFFFFFF, s29;
	[sflag:s28] =	ssyncset.done $0x0  }
.LBB2_5:
0x83: {  	[sflag:s28] =	ssyncadd.s32 $0xFFFFD800;
	s4 =	sadd.s32 $0x80, s4;
	s2 =	sadd.s32 $0x500, s2  }
0x84: {  	[tilespmem:s30], [sflag:$0x1] =	stream.linear.gather [hbm4b:s2+s3], $0x2800, $0x38;
	[tilespmem:$0x1BC80] =	vst v63  }
0x85: {  	p0 =	sne.s32 s29, $0x1;
	s29 =	sadd.s32 $0xFFFFFFFF, s29;
	_ =	swait.ge [sflag:s28], $0x2800  }
.Ltmp3:
0x86: {  	[sflag:s28] =	ssyncset.done $0x0;
	(pc) =	sbr.rel @p0 .LBB2_5-.Ltmp3, $4  }
0x87: {  	[sflag:s28] =	ssyncadd.s32 $0xFFFFD800  }
0x88: {  	[spmem:s1] =	stream.indirect.scatter.add.f32 [tilespmem:s30], [sflag:$0x1], $0x80, s4, s31, $0xb8;
	[tilespmem:$0x1BC80] =	vst v63  }
0x89: {  	_ =	swait.ge [sflag:s28], $0x2800  }
0x8a: {  	[sflag:s28] =	ssyncset.done $0x0  }
.LBB2_6:
0x8b: {  	[sflag:s28] =	ssyncadd.s32 $0xFFFFD800  }
.LBB2_7:
0x8c: {  	[bflag:$0x0] =	sbarrier.arrive $0xFFFF  }
0x8d: {  	[tilespmem:s26], [sflag:$0x1] =	stream.linear.gather [spmem:s6], $0x1400, $0x38;
	[tilespmem:$0x1BC80] =	vst v63  }
0x8e: {  	_ =	swait.ge [sflag:s28], $0x1400  }
0x8f: {  	[sflag:s28] =	ssyncset.done $0x0  }
0x90: {  	s2 =	sadd.s32 $0x0, s25;
	[sflag:s28] =	ssyncadd.s32 $0xFFFFEC00  }
0x91: {  	[hbm4b:s2+s3] =	stream.linear.scatter [tilespmem:s26], [sflag:$0x1], $0x1400, $0x38;
	[tilespmem:$0x1BC80] =	vst v63  }
0x92: {  	_ =	swait.ge [sflag:s28], $0x1400  }
0x93: {  	s4 =	smov.u32 s6;
	s2 =	simm.s32 $0x280;
	[sflag:s28] =	ssyncset.done $0x0  }
.LBB2_8:
0x94: {  	p0 =	sne.s32 s2, $0x2580;
	[sflag:s28] =	ssyncadd.s32 $0xFFFFEC00;
	s4 =	sadd.s32 $0x1400, s4  }
0x95: {  	[tilespmem:s26], [sflag:$0x1] =	stream.linear.gather [spmem:s4], $0x1400, $0x38;
	[tilespmem:$0x1BC80] =	vst v63  }
0x96: {  	s23 =	smov.u32 s2;
	s2 =	sadd.s32 $0x280, s2;
	_ =	swait.ge [sflag:s28], $0x1400  }
.Ltmp4:
0x97: {  	[sflag:s28] =	ssyncset.done $0x0;
	(pc) =	sbr.rel @p0 .LBB2_8-.Ltmp4, $4  }
0x98: {  	s23 =	sadd.s32 s23, s25;
	[sflag:s28] =	ssyncadd.s32 $0xFFFFEC00  }
0x99: {  	[hbm4b:s23+s3] =	stream.linear.scatter [tilespmem:s26], [sflag:$0x1], $0x1400, $0x38;
	[tilespmem:$0x1BC80] =	vst v63  }
0x9a: {  	_ =	swait.ge [sflag:s28], $0x1400  }
0x9b: {  	[sflag:s28] =	ssyncset.done $0x0  }
0x9c: {  	s0 =	sadd.s32 $0x1, s0  }
0x9d: {  	p0 =	sne.s32 s0, s8  }
.Ltmp5:
0x9e: {  	_ = 	snop;
	(pc) =	sbr.rel @p0 .LBB2_1-.Ltmp5, $2  }
0x9f: {  	_ =	sdelay $0x2  }
0xa0: {  	[sflag:s28] =	ssyncadd.s32 $0xFFFFEC00  }
0xa1: {  	_ =	sfence.sel $0x180000  }
0xa2: {  	[bflag:$0x0] =	sbarrier.arrive $0xFFFF  }
0xa3: {  	_ =	strace $0x9000004D  }
0xa4: {  	s0 =	stileid.u32;
	[bflag:$0x2] =	sbarrier.arrive $0xFFFF  }
0xa5: {  	p0 =	sne.s32 s0, $0x0;
	s0 =	rddreg [dreg:$0x3]  }
0xa6: {  	s0 =	sadd.s32 @!p0 $0x100000, s0  }
0xa7: {  	[sflag:s0] =	ssyncadd.tile.s32 @!p0 $0x1;
	_ =	shalt  }
.Lfunc_end2:
_tile_overlayer_lowered:
.L_overlay_start_2:
0xa8: {  	(tag) =	ssettag $0x2  }
0xa9: {  	s0 =	rddreg [dreg:$0x0];
	s2 =	stileid.u32  }
0xaa: {  	s1 =	rddreg [dreg:$0x1];
	p0 =	sne.s32 s2, $0x0  }
0xab: {  	s3 =	rddreg [dreg:$0x2];
	[bflag:$0x3] =	sbarrier.arrive $0xFFFF;
	s2 =	simm.s32 @!p0 $0x1C01  }
0xac: {  	[timem:s3], [sflag:s2] =	dma.local @!p0 [hbm:s0], s1  }
0xad: {  	s0 =	simm.s32 @!p0 $0x1  }
0xae: {  	_ =	swait.ge @!p0 [sflag:s0], s1  }
0xaf: {  	s1 =	ssub.s32 @!p0 $0x0, s1;
	[sflag:s0] =	ssyncset.done @!p0 $0x0  }
0xb0: {  	[sflag:s0] =	ssyncadd.s32 @!p0 s1  }
0xb1: {  	[bflag:$0x3] =	sbarrier.arrive $0xFFFF  }
0xb2: {  	_ =	shalt  }

// kernel: kernel.23.cloned.1.call-start
scs
__scs_entry_jumppad:
0x0: {  	(pc) =	sbr.rel $0x88, $3  }
0x1: {  	(tag) =	ssettag $0x0;
	lr =	simm.s32 $0x1  }
0x2: {  	[smem:$0x3F98] =	sst lr;
	_ =	strace $0xD0000000  }
0x3: {  	_ = 	snop  }
0x4: {  	_ = 	snop  }
0x5: {  	_ = 	snop  }
0x6: {  	_ = 	snop  }
0x7: {  	_ = 	snop  }
__scs_overlays_trampoline_lowered:
0x8: {  	[smem:$0x3FA7] =	sst s0  }
0x9: {  	[smem:$0x3FA8] =	sst s1  }
0xa: {  	[smem:$0x3FA9] =	sst s2  }
0xb: {  	[smem:$0x3FAA] =	sst s3  }
0xc: {  	[smem:$0x3FAB] =	sst s4  }
0xd: {  	[smem:$0x3FAC] =	sst s5  }
0xe: {  	[smem:$0x3FAD] =	sst s6  }
0xf: {  	[smem:$0x3FAE] =	sst s7  }
0x10: {  	[smem:$0x3FAF] =	sst s8  }
0x11: {  	[smem:$0x3FB0] =	sst s9;
	s0 =	simm.s32 @!p0 $0x0  }
0x12: {  	s1 =	sld [smem:$0x3F96];
	s0 =	simm.s32 @p0 $0x1  }
0x13: {  	[smem:$0x3FB1] =	sst s0;
	s0 =	simm.s32 @!p1 $0x0  }
0x14: {  	s2 =	sld [smem:$0x3F95];
	s0 =	simm.s32 @p1 $0x1  }
0x15: {  	[smem:$0x3FB2] =	sst s0;
	s0 =	simm.s32 @!p2 $0x0  }
0x16: {  	s3 =	sld [smem:$0x3FDB];
	s0 =	simm.s32 @p2 $0x1  }
0x17: {  	s4 =	simm.s32 $0x1BF5;
	[smem:$0x3FB4] =	sst s0  }
0x18: {  	s0 =	sld [smem:$0x3F97];
	_ =	swait.ge [sflag:s4], $0x0  }
0x19: {  	s7 =	sld [smem:$0x3F98]  }
0x1a: {  	s8 =	sadd.s32 $0xFFFFE003, lr  }
0x1b: {  	s9 =	sadd.s32 $0xFFFFFEF7, lr;
	s5 =	simm.s32 $0xFFFFFFFF;
	p2 =	slt.u32 s8, $0xFFFFF086  }
0x1c: {  	p1 =	slt.u32 s9, $0xF7A;
	s5 =	simm.s32 @!p2 $0x0  }
0x1d: {  	s5 =	simm.s32 @p1 $0x1;
	p0 =	seq.s32 s7, s2  }
0x1e: {  	s7 =	smul.u32 @!p0 $0xF7A, s2;
	p2 =	seq.s32 @!p0 s5, $0x0  }
0x1f: {  	s9 =	smul.u32 $0xF7A, s1;
	s8 =	simm.s32 @!p0 $0x1BF5;
	p2 =	por !p2, p0  }
0x20: {  	[sflag:s8] =	ssyncset.s32 @!p0 $0xFFFFF086;
	s6 =	sadd.s32 @!p0 s3, s7;
	s7 =	simm.s32 @!p0 $0x108  }
0x21: {  	s3 =	sadd.s32 s3, s9;
	s6 =	sadd.s32 @!p0 $0x88, s6;
	s7 =	simm.s32 @p2 $0x1082  }
0x22: {  	[simem:s7], [sflag:s8] =	dma.local @!p0 [hbm:s6], $0xF7A  }
0x23: {  	s9 =	sor.u32 $0xD0000000, s2;
	s6 =	simm.s32 $0x108;
	_ =	swait.ge @!p0 [sflag:s8], $0x0  }
0x24: {  	s3 =	sadd.s32 $0x88, s3;
	s6 =	simm.s32 @!p1 $0x1082;
	[sflag:s4] =	ssyncset.s32 $0xFFFFF086  }
0x25: {  	[simem:s6], [sflag:s4] =	dma.local [hbm:s3], $0xF7A  }
0x26: {  	[smem:$0x3F98] =	sst s1;
	(tag) =	ssettag s2;
	_ =	strace s9  }
0x27: {  	s1 =	sld [smem:$0x3FA8]  }
0x28: {  	s2 =	sld [smem:$0x3FA9]  }
0x29: {  	s4 =	sld [smem:$0x3FAB]  }
0x2a: {  	p0 =	seq.s32 s5, $0x0;
	s5 =	sld [smem:$0x3FAC]  }
0x2b: {  	s6 =	sld [smem:$0x3FAD]  }
0x2c: {  	s7 =	sld [smem:$0x3FAE]  }
0x2d: {  	s3 =	simm.s32 $0x108;
	s8 =	sld [smem:$0x3FAF]  }
0x2e: {  	s3 =	simm.s32 @!p0 $0x1082;
	s9 =	sld [smem:$0x3FB0]  }
0x2f: {  	lr =	sadd.s32 s0, s3;
	s0 =	sld [smem:$0x3FA7]  }
0x30: {  	s3 =	sld [smem:$0x3FAA]  }
0x31: {  	[smem:$0x3FB3] =	sst s10  }
0x32: {  	s10 =	sld [smem:$0x3FB1];
	_ =	sdelay $0x3  }
0x33: {  	p0 =	seq.s32 s10, $0x1;
	s10 =	sld [smem:$0x3FB3];
	_ =	sdelay $0x3  }
0x34: {  	[smem:$0x3FB3] =	sst s10  }
0x35: {  	s10 =	sld [smem:$0x3FB2];
	_ =	sdelay $0x3  }
0x36: {  	p1 =	seq.s32 s10, $0x1;
	s10 =	sld [smem:$0x3FB3];
	_ =	sdelay $0x3  }
0x37: {  	[smem:$0x3FB3] =	sst s10  }
0x38: {  	s10 =	sld [smem:$0x3FB4]  }
0x39: {  	_ = 	snop;
	(pc) =	sbr.ind lr, $3  }
0x3a: {  	_ = 	snop  }
0x3b: {  	_ = 	snop  }
0x3c: {  	p2 =	seq.s32 s10, $0x1;
	s10 =	sld [smem:$0x3FB3]  }
0x3d: {  	_ =	shalt  }
0x3e: {  	_ =	shalt  }
0x3f: {  	_ =	shalt  }
0x40: {  	_ =	shalt  }
0x41: {  	_ =	shalt  }
0x42: {  	_ =	shalt  }
0x43: {  	_ =	shalt  }
0x44: {  	_ =	shalt  }
0x45: {  	_ =	shalt  }
0x46: {  	_ =	shalt  }
0x47: {  	_ =	shalt  }
0x48: {  	_ =	shalt  }
0x49: {  	_ =	shalt  }
0x4a: {  	_ =	shalt  }
0x4b: {  	_ =	shalt  }
0x4c: {  	_ =	shalt  }
0x4d: {  	_ =	shalt  }
0x4e: {  	_ =	shalt  }
0x4f: {  	_ =	shalt  }
0x50: {  	_ =	shalt  }
0x51: {  	_ =	shalt  }
0x52: {  	_ =	shalt  }
0x53: {  	_ =	shalt  }
0x54: {  	_ =	shalt  }
0x55: {  	_ =	shalt  }
0x56: {  	_ =	shalt  }
0x57: {  	_ =	shalt  }
0x58: {  	_ =	shalt  }
0x59: {  	_ =	shalt  }
0x5a: {  	_ =	shalt  }
0x5b: {  	_ =	shalt  }
0x5c: {  	_ =	shalt  }
0x5d: {  	_ =	shalt  }
0x5e: {  	_ =	shalt  }
0x5f: {  	_ =	shalt  }
0x60: {  	_ =	shalt  }
0x61: {  	_ =	shalt  }
0x62: {  	_ =	shalt  }
0x63: {  	_ =	shalt  }
0x64: {  	_ =	shalt  }
0x65: {  	_ =	shalt  }
0x66: {  	_ =	shalt  }
0x67: {  	_ =	shalt  }
0x68: {  	_ =	shalt  }
0x69: {  	_ =	shalt  }
0x6a: {  	_ =	shalt  }
0x6b: {  	_ =	shalt  }
0x6c: {  	_ =	shalt  }
0x6d: {  	_ =	shalt  }
0x6e: {  	_ =	shalt  }
0x6f: {  	_ =	shalt  }
0x70: {  	_ =	shalt  }
0x71: {  	_ =	shalt  }
0x72: {  	_ =	shalt  }
0x73: {  	_ =	shalt  }
0x74: {  	_ =	shalt  }
0x75: {  	_ =	shalt  }
0x76: {  	_ =	shalt  }
0x77: {  	_ =	shalt  }
0x78: {  	_ =	shalt  }
0x79: {  	_ =	shalt  }
0x7a: {  	_ =	shalt  }
0x7b: {  	_ =	shalt  }
0x7c: {  	_ =	shalt  }
0x7d: {  	_ =	shalt  }
0x7e: {  	_ =	shalt  }
0x7f: {  	_ =	shalt  }
0x80: {  	_ =	shalt  }
0x81: {  	_ =	shalt  }
0x82: {  	_ =	shalt  }
0x83: {  	_ =	shalt  }
0x84: {  	_ =	shalt  }
0x85: {  	_ =	shalt  }
0x86: {  	_ =	shalt  }
0x87: {  	_ =	shalt  }
.Lfunc_end0:
.L_simem_size_0:
called_computation.3_lowered:
.L_overlay_start_0:
0x88: {  	s2 =	sld [smem:$0x3FD9]  }
0x89: {  	s3 =	sld [smem:$0x3FFE];
	_ =	sdelay $0x1  }
0x8a: {  	s1 =	srdreg.scid  }
0x8b: {  	s0 =	sand.u32 $0x1, s1  }
0x8c: {  	s17 =	sshll.u32 s0, $0xA;
	s2 =	sadd.s32 s3, s2  }
0x8d: {  	s2 =	sadd.s32 s2, s17  }
0x8e: {  	[smem:$0x3FBF] =	sst s2  }
0x8f: {  	_ = 	snop  }
0x90: {  	(tm) =	ssettm $0x1  }
0x91: {  	s18 =	sld [smem:$0x3FFB];
	_ =	sdelay $0x3  }
0x92: {  	_ =	strace s18  }
0x93: {  	s2 =	sld [smem:$0x3FFC];
	_ =	sdelay $0x3  }
0x94: {  	_ =	strace s2  }
0x95: {  	s2 =	sld [smem:$0x3FFD];
	_ =	sdelay $0x3  }
0x96: {  	_ =	strace s2  }
0x97: {  	_ =	strace $0x8FFFFFFF  }
0x98: {  	s19 =	sld [smem:$0x3FDB];
	_ =	sdelay $0x1  }
0x99: {  	s20 =	simm.s32 $_scs_section_size  }
0x9a: {  	s4 =	simm.s32 $_size__tile_overlayer_lowered;
	s5 =	simm.s32 $_tile_overlayer_lowered  }
0x9b: {  	s6 =	simm.s32 $0x1BFF;
	s21 =	sshll.u32 s5, $0x1;
	s3 =	sadd.s32 s20, s19  }
0x9c: {  	s22 =	simm.s32 $0x0;
	s4 =	sshll.u32 s4, $0x1;
	s5 =	sadd.s32 s21, s3  }
0x9d: {  	[timem:s22], [sflag:s6] =	dma.local [hbm:s5], s4  }
0x9e: {  	_ =	swait.ge [sflag:s6], s4  }
0x9f: {  	s4 =	ssub.s32 $0x0, s4;
	[sflag:s6] =	ssyncset.done $0x0  }
0xa0: {  	[sflag:s6] =	ssyncadd.s32 s4;
	_ =	sdelay $0x1  }
0xa1: {  	s23 =	simm.s32 $0x1B8B  }
0xa2: {  	_ =	swait.ge [sflag:s23], $0x1  }
0xa3: {  	[sflag:s23] =	ssyncset.done $0x0  }
0xa4: {  	[sflag:s23] =	ssyncadd.s32 $0xFFFFFFFF  }
0xa5: {  	s4 =	sld [smem:$0x0]  }
0xa6: {  	s5 =	sand.u32 $0xFFFFFFFE, s1  }
0xa7: {  	p0 =	sne.s32 s1, s5  }
0xa8: {  	s5 =	sshll.u32 @p0 s5, $0xE  }
0xa9: {  	s5 =	sadd.s32 @p0 $0x11B8D, s5;
	s6 =	sshll.u32 @p0 s4, $0x11  }
0xaa: {  	s5 =	sor.u32 @p0 s6, s5  }
0xab: {  	[sflag:s5] =	ssyncadd.remote.s32 @p0 $0x1;
	_ =	sdelay $0x1  }
0xac: {  	s5 =	simm.s32 @p0 $0x1B8D  }
0xad: {  	_ =	swait.eq @p0 [sflag:s5], $0x1  }
0xae: {  	[sflag:s5] =	ssyncadd.s32 @p0 $0xFFFFFFFF  }
0xaf: {  	s6 =	sshll.u32 @!p0 s1, $0xE  }
0xb0: {  	s6 =	sor.u32 @!p0 $0x4000, s6;
	s5 =	simm.s32 @!p0 $0x1B8D  }
0xb1: {  	s4 =	sshll.u32 @!p0 s4, $0x11;
	s6 =	sadd.s32 @!p0 $0x11B8D, s6;
	_ =	swait.eq @!p0 [sflag:s5], $0x1  }
0xb2: {  	s4 =	sor.u32 @!p0 s4, s6;
	[sflag:s5] =	ssyncadd.s32 @!p0 $0xFFFFFFFF  }
0xb3: {  	s25 =	simm.s32 $0x1B8E;
	s24 =	sld [smem:$0x3FFE];
	[sflag:s4] =	ssyncadd.remote.s32 @!p0 $0x1  }
0xb4: {  	s26 =	simm.s32 $execute0_lowered;
	[smem:$0x3FD2] =	sst s25  }
0xb5: {  	s5 =	sshll.u32 s26, $0x1;
	_ =	strace $0x8000004F;
	[dreg:$0x1] =	wrdreg $0xFFFFFFFF  }
0xb6: {  	s28 =	simm.s32 $_size_execute0_lowered;
	s3 =	sadd.s32 s3, s5;
	[dreg:$0x0] =	wrdreg $0x0  }
0xb7: {  	s5 =	sshll.u32 s28, $0x1;
	[dreg:$0x2] =	wrdreg s3  }
0xb8: {  	[dreg:$0x3] =	wrdreg s5  }
0xb9: {  	[dreg:$0x4] =	wrdreg $0xC0  }
0xba: {  	_ =	task [dreg:s22], $0x5FFFF  }
0xbb: {  	[dreg:$0x1] =	wrdreg $0xFFFFFFFF  }
0xbc: {  	[dreg:$0x0] =	wrdreg $0x60  }
0xbd: {  	[dreg:$0x2] =	wrdreg s24  }
0xbe: {  	[dreg:$0x3] =	wrdreg $0x7C800  }
0xbf: {  	[dreg:$0x4] =	wrdreg $0xB  }
0xc0: {  	_ =	task.clear_ibuf [dreg:s22], $0x5FFFF;
	_ =	strace $0x9000004F  }
0xc1: {  	s29 =	simm.s32 $0xB;
	_ =	strace $0x80000051  }
0xc2: {  	_ =	swait.ge [sflag:s29], $0x1  }
0xc3: {  	[sflag:s29] =	ssyncadd.s32 $0xFFFFFFFF  }
0xc4: {  	_ =	strace $0x90000051  }
0xc5: {  	_ =	sfence  }
0xc6: {  	s30 =	sld [smem:$0x0];
	_ =	sdelay $0x2  }
0xc7: {  	s31 =	sshll.u32 s1, $0xD;
	s1 =	sshrl.u32 s1, $0x2  }
0xc8: {  	s4 =	sand.u32 $0x4000, s31;
	s1 =	sadd.s32 s1, s30  }
0xc9: {  	s0 =	sor.u32 s4, s0;
	s1 =	sshll.u32 s1, $0x11  }
0xca: {  	s0 =	sor.u32 s1, s0  }
0xcb: {  	s0 =	sadd.s32 $0x8F2B, s0  }
0xcc: {  	[sflag:s0] =	ssyncadd.remote.s32 $0x1  }
0xcd: {  	_ =	sfence.sel $0xFFFF  }
0xce: {  	[dreg:$0x0] =	wrdreg $0xFFFFFFFF;
	(pc) =	sbr.abs _section_cstart, $3  }
0xcf: {  	[dreg:$0x1] =	wrdreg $0xFFFFFFFF  }
0xd0: {  	_ =	task.clear_ibuf [dreg:s22], $0x2FFFF;
	_ =	strace $0x9FFFFFFF  }
0xd1: {  	(tm) =	ssettm $0x7FFFFFFF  }
tec
execute0_lowered:
.L_overlay_start_1:
0x0: {  	(tag) =	ssettag $0x1  }
0x1: {  	s0 =	rddreg [dreg:$0x0]  }
0x2: {  	s2 =	rddreg [dreg:$0x1]  }
0x3: {  	s1 =	srdreg.scid;
	s18 =	stileid.u32  }
0x4: {  	s3 =	simm.s32 $0x0;
	s28 =	simm.s32 $0x1;
	s30 =	simm.s32 $0x4080  }
0x5: {  	s31 =	simm.s32 $0x50;
	s1 =	sand.u32 $0x1, s1;
	s7 =	smul.u32 $0x14000, s18  }
0x6: {  	s4 =	sshll.u32 s18, $0x1;
	[smem:$0x7FF] =	sst s3;
	s24 =	smul.u32 $0x50000, s18  }
0x7: {  	s8 =	sadd.s32 $0x4F2400, s0;
	s29 =	smul.u32 $0x4E20, s18;
	s4 =	sor.u32 s1, s4  }
0x8: {  	s5 =	smul.u32 $0x140000, s1;
	_ =	strace $0x80000050;
	[dreg:$0x3] =	wrdreg s8  }
0x9: {  	s25 =	ssub.s32 $0x2, s1;
	s1 =	smul.u32 $0x2710, s1;
	s6 =	sshll.u32 s4, $0xB  }
0xa: {  	s4 =	sshll.u32 s4, $0x1;
	s26 =	sshrl.u32 s25, $0x1;
	s6 =	sadd.s32 s6, s0  }
0xb: {  	s5 =	sadd.s32 s7, s5;
	s4 =	sadd.s32 s4, s0;
	s7 =	sshrl.u32 s24, $0x2  }
0xc: {  	s8 =	ssub.s32 s25, s26;
	s1 =	sadd.s32 s1, s29;
	s26 =	simm.s32 $0x6880  }
0xd: {  	s5 =	sshrl.u32 s5, $0x3;
	s8 =	smax.u32 s8, $0x1;
	[dreg:$0x4] =	wrdreg s1  }
0xe: {  	s0 =	sadd.s32 s5, s0;
	s5 =	sadd.s32 $0x4E2000, s6;
	s6 =	sadd.s32 s7, s2  }
0xf: {  	s7 =	sadd.s32 $0x4F2000, s4;
	s9 =	sadd.s32 $0x1400, s6;
	s10 =	sadd.s32 $0x2800, s6  }
0x10: {  	s11 =	sadd.s32 $0x3C00, s6;
	s12 =	sadd.s32 $0x5000, s6;
	s13 =	sadd.s32 $0x6400, s6  }
0x11: {  	s14 =	sadd.s32 $0x7800, s6;
	s15 =	sadd.s32 $0x8C00, s6;
	s16 =	sadd.s32 $0xA000, s6  }
0x12: {  	s17 =	sadd.s32 $0xB400, s6;
	s18 =	sadd.s32 $0xC800, s6;
	s19 =	sadd.s32 $0xDC00, s6  }
0x13: {  	s20 =	sadd.s32 $0xF000, s6;
	s21 =	sadd.s32 $0x10400, s6;
	s22 =	sadd.s32 $0x11800, s6  }
0x14: {  	v0 =	vimm.f32 $0.0e+00;
	s24 =	sadd.s32 $0x12C00, s6;
	s25 =	sadd.s32 $0xA0200, s0;
	s0 =	simm.s32 $0x0  }
.LBB2_1:
0x15: {  	s1 =	simm.s32 $0x70;
	s4 =	simm.s32 $0x3C0  }
.LBB2_2:
0x16: {  	p0 =	sne.s32 s4, $0x4FC0;
	[tilespmem:s1+$0x6880] =	vst v0  }
0x17: {  	[tilespmem:s1+$0x6810] =	vst v0  }
0x18: {  	[tilespmem:s1+$0x6820] =	vst v0  }
.Ltmp0:
0x19: {  	[tilespmem:s1+$0x6830] =	vst v0;
	(pc) =	sbr.rel @p0 .LBB2_2-.Ltmp0, $4  }
0x1a: {  	[tilespmem:s1+$0x6840] =	vst v0  }
0x1b: {  	[tilespmem:s1+$0x6850] =	vst v0  }
0x1c: {  	[tilespmem:s1+$0x6860] =	vst v0  }
0x1d: {  	[tilespmem:s1+$0x6870] =	vst v0;
	s1 =	sshra.s32 s4, $0x2;
	s4 =	sadd.s32 $0x200, s4  }
0x1e: {  	[tilespmem:s1+$0x6880] =	vst v0  }
0x1f: {  	[tilespmem:s1+$0x6810] =	vst v0  }
0x20: {  	[tilespmem:s1+$0x6820] =	vst v0  }
0x21: {  	[tilespmem:s1+$0x6830] =	vst v0  }
0x22: {  	[tilespmem:s1+$0x6840] =	vst v0  }
0x23: {  	[tilespmem:s1+$0x6850] =	vst v0  }
0x24: {  	[tilespmem:s1+$0x6860] =	vst v0  }
0x25: {  	[tilespmem:s1+$0x6870] =	vst v0  }
0x26: {  	[spmem:s6] =	stream.linear.scatter [tilespmem:s26], [sflag:$0x1], $0x1400, $0x38;
	[tilespmem:$0x1BC80] =	vst v63  }
0x27: {  	_ =	swait.ge [sflag:s28], $0x1400  }
0x28: {  	[sflag:s28] =	ssyncset.done $0x0  }
0x29: {  	[sflag:s28] =	ssyncadd.s32 $0xFFFFEC00  }
0x2a: {  	[spmem:s9] =	stream.linear.scatter [tilespmem:s26], [sflag:$0x1], $0x1400, $0x38;
	[tilespmem:$0x1BC80] =	vst v63  }
0x2b: {  	_ =	swait.ge [sflag:s28], $0x1400  }
0x2c: {  	[sflag:s28] =	ssyncset.done $0x0  }
0x2d: {  	[sflag:s28] =	ssyncadd.s32 $0xFFFFEC00  }
0x2e: {  	[spmem:s10] =	stream.linear.scatter [tilespmem:s26], [sflag:$0x1], $0x1400, $0x38;
	[tilespmem:$0x1BC80] =	vst v63  }
0x2f: {  	_ =	swait.ge [sflag:s28], $0x1400  }
0x30: {  	[sflag:s28] =	ssyncset.done $0x0  }
0x31: {  	[sflag:s28] =	ssyncadd.s32 $0xFFFFEC00  }
0x32: {  	[spmem:s11] =	stream.linear.scatter [tilespmem:s26], [sflag:$0x1], $0x1400, $0x38;
	[tilespmem:$0x1BC80] =	vst v63  }
0x33: {  	_ =	swait.ge [sflag:s28], $0x1400  }
0x34: {  	[sflag:s28] =	ssyncset.done $0x0  }
0x35: {  	[sflag:s28] =	ssyncadd.s32 $0xFFFFEC00  }
0x36: {  	[spmem:s12] =	stream.linear.scatter [tilespmem:s26], [sflag:$0x1], $0x1400, $0x38;
	[tilespmem:$0x1BC80] =	vst v63  }
0x37: {  	_ =	swait.ge [sflag:s28], $0x1400  }
0x38: {  	[sflag:s28] =	ssyncset.done $0x0  }
0x39: {  	[sflag:s28] =	ssyncadd.s32 $0xFFFFEC00  }
0x3a: {  	[spmem:s13] =	stream.linear.scatter [tilespmem:s26], [sflag:$0x1], $0x1400, $0x38;
	[tilespmem:$0x1BC80] =	vst v63  }
0x3b: {  	_ =	swait.ge [sflag:s28], $0x1400  }
0x3c: {  	[sflag:s28] =	ssyncset.done $0x0  }
0x3d: {  	[sflag:s28] =	ssyncadd.s32 $0xFFFFEC00  }
0x3e: {  	[spmem:s14] =	stream.linear.scatter [tilespmem:s26], [sflag:$0x1], $0x1400, $0x38;
	[tilespmem:$0x1BC80] =	vst v63  }
0x3f: {  	_ =	swait.ge [sflag:s28], $0x1400  }
0x40: {  	[sflag:s28] =	ssyncset.done $0x0  }
0x41: {  	[sflag:s28] =	ssyncadd.s32 $0xFFFFEC00  }
0x42: {  	[spmem:s15] =	stream.linear.scatter [tilespmem:s26], [sflag:$0x1], $0x1400, $0x38;
	[tilespmem:$0x1BC80] =	vst v63  }
0x43: {  	_ =	swait.ge [sflag:s28], $0x1400  }
0x44: {  	[sflag:s28] =	ssyncset.done $0x0  }
0x45: {  	[sflag:s28] =	ssyncadd.s32 $0xFFFFEC00  }
0x46: {  	[spmem:s16] =	stream.linear.scatter [tilespmem:s26], [sflag:$0x1], $0x1400, $0x38;
	[tilespmem:$0x1BC80] =	vst v63  }
0x47: {  	_ =	swait.ge [sflag:s28], $0x1400  }
0x48: {  	[sflag:s28] =	ssyncset.done $0x0  }
0x49: {  	[sflag:s28] =	ssyncadd.s32 $0xFFFFEC00  }
0x4a: {  	[spmem:s17] =	stream.linear.scatter [tilespmem:s26], [sflag:$0x1], $0x1400, $0x38;
	[tilespmem:$0x1BC80] =	vst v63  }
0x4b: {  	_ =	swait.ge [sflag:s28], $0x1400  }
0x4c: {  	[sflag:s28] =	ssyncset.done $0x0  }
0x4d: {  	[sflag:s28] =	ssyncadd.s32 $0xFFFFEC00  }
0x4e: {  	[spmem:s18] =	stream.linear.scatter [tilespmem:s26], [sflag:$0x1], $0x1400, $0x38;
	[tilespmem:$0x1BC80] =	vst v63  }
0x4f: {  	_ =	swait.ge [sflag:s28], $0x1400  }
0x50: {  	[sflag:s28] =	ssyncset.done $0x0  }
0x51: {  	[sflag:s28] =	ssyncadd.s32 $0xFFFFEC00  }
0x52: {  	[spmem:s19] =	stream.linear.scatter [tilespmem:s26], [sflag:$0x1], $0x1400, $0x38;
	[tilespmem:$0x1BC80] =	vst v63  }
0x53: {  	_ =	swait.ge [sflag:s28], $0x1400  }
0x54: {  	[sflag:s28] =	ssyncset.done $0x0  }
0x55: {  	[sflag:s28] =	ssyncadd.s32 $0xFFFFEC00  }
0x56: {  	[spmem:s20] =	stream.linear.scatter [tilespmem:s26], [sflag:$0x1], $0x1400, $0x38;
	[tilespmem:$0x1BC80] =	vst v63  }
0x57: {  	_ =	swait.ge [sflag:s28], $0x1400  }
0x58: {  	[sflag:s28] =	ssyncset.done $0x0  }
0x59: {  	[sflag:s28] =	ssyncadd.s32 $0xFFFFEC00  }
0x5a: {  	[spmem:s21] =	stream.linear.scatter [tilespmem:s26], [sflag:$0x1], $0x1400, $0x38;
	[tilespmem:$0x1BC80] =	vst v63  }
0x5b: {  	_ =	swait.ge [sflag:s28], $0x1400  }
0x5c: {  	[sflag:s28] =	ssyncset.done $0x0  }
0x5d: {  	[sflag:s28] =	ssyncadd.s32 $0xFFFFEC00  }
0x5e: {  	[spmem:s22] =	stream.linear.scatter [tilespmem:s26], [sflag:$0x1], $0x1400, $0x38;
	[tilespmem:$0x1BC80] =	vst v63  }
0x5f: {  	_ =	swait.ge [sflag:s28], $0x1400  }
0x60: {  	[sflag:s28] =	ssyncset.done $0x0  }
0x61: {  	[sflag:s28] =	ssyncadd.s32 $0xFFFFEC00  }
0x62: {  	[spmem:s24] =	stream.linear.scatter [tilespmem:s26], [sflag:$0x1], $0x1400, $0x38;
	[tilespmem:$0x1BC80] =	vst v63  }
0x63: {  	_ =	swait.ge [sflag:s28], $0x1400  }
0x64: {  	[sflag:s28] =	ssyncset.done $0x0  }
0x65: {  	[sflag:s28] =	ssyncadd.s32 $0xFFFFEC00  }
0x66: {  	[bflag:$0x0] =	sbarrier.arrive $0xFFFF  }
0x67: {  	[tilespmem:s3], [sflag:$0x1] =	stream.linear.gather [hbm4b:s5+s3], $0x3E80, $0x38;
	[tilespmem:$0x1BC80] =	vst v63  }
0x68: {  	_ =	swait.ge [sflag:s28], $0x3E80  }
0x69: {  	[sflag:s28] =	ssyncset.done $0x0  }
0x6a: {  	s23 =	simm.s32 $0x4000;
	[sflag:s28] =	ssyncadd.s32 $0xFFFFC180  }
0x6b: {  	[tilespmem:s23], [sflag:$0x1] =	stream.linear.gather [hbm4b:s7+s3], $0x10, $0x38;
	[tilespmem:$0x1BC80] =	vst v63  }
0x6c: {  	_ =	swait.ge [sflag:s28], $0x10  }
0x6d: {  	[sflag:s28] =	ssyncset.done $0x0  }
0x6e: {  	[sflag:s28] =	ssyncadd.s32 $0xFFFFFFF0  }
0x6f: {  	v1 =	vld [tilespmem:$0x4000];
	_ =	sdelay $0x4  }
0x70: {  	(v2sf) =	vpush v1, $0x0  }
0x71: {  	(v2sf) =	vpush v1, $0x1;
	_ =	sdelay $0xd  }
0x72: {  	s4 =	spop (v2sf)  }
0x73: {  	s29 =	spop (v2sf)  }
0x74: {  	p0 =	sle.s32 s29, s4  }
.Ltmp1:
0x75: {  	_ = 	snop;
	(pc) =	sbr.rel @p0 .LBB2_7-.Ltmp1, $1  }
0x76: {  	_ =	sdelay $0x3  }
0x77: {  	s1 =	smul.u32 $0x50, s4  }
0x78: {  	s23 =	rddreg [dreg:$0x4]  }
0x79: {  	s1 =	sadd.s32 s1, s23  }
0x7a: {  	s23 =	rddreg [dreg:$0x3];
	s1 =	sshll.u32 s1, $0x4  }
0x7b: {  	s29 =	ssub.s32 s29, s4;
	s1 =	sadd.s32 s1, s23  }
0x7c: {  	[tilespmem:s30], [sflag:$0x1] =	stream.linear.gather [hbm4b:s1+s3], $0x2800, $0x38;
	[tilespmem:$0x1BC80] =	vst v63  }
0x7d: {  	p0 =	sne.s32 s29, $0x1;
	_ =	swait.ge [sflag:s28], $0x2800  }
.Ltmp2:
0x7e: {  	s23 =	sshll.u32 s4, $0x9;
	[sflag:s28] =	ssyncset.done $0x0;
	(pc) =	sbr.rel @!p0 .LBB2_6-.Ltmp2, $4  }
0x7f: {  	s4 =	sshra.s32 s23, $0x2;
	[sflag:s28] =	ssyncadd.s32 $0xFFFFD800  }
0x80: {  	[spmem:s2] =	stream.indirect.scatter.add.f32 [tilespmem:s30], [sflag:$0x1], $0x80, s4, s31, $0xb8;
	[tilespmem:$0x1BC80] =	vst v63  }
0x81: {  	_ =	swait.ge [sflag:s28], $0x2800  }
0x82: {  	s29 =	sadd.s32 $0xFFFFFFFF, s29;
	[sflag:s28] =	ssyncset.done $0x0  }
.LBB2_5:
0x83: {  	[sflag:s28] =	ssyncadd.s32 $0xFFFFD800;
	s4 =	sadd.s32 $0x80, s4;
	s1 =	sadd.s32 $0x500, s1  }
0x84: {  	[tilespmem:s30], [sflag:$0x1] =	stream.linear.gather [hbm4b:s1+s3], $0x2800, $0x38;
	[tilespmem:$0x1BC80] =	vst v63  }
0x85: {  	p0 =	sne.s32 s29, $0x1;
	s29 =	sadd.s32 $0xFFFFFFFF, s29;
	_ =	swait.ge [sflag:s28], $0x2800  }
.Ltmp3:
0x86: {  	[sflag:s28] =	ssyncset.done $0x0;
	(pc) =	sbr.rel @p0 .LBB2_5-.Ltmp3, $4  }
0x87: {  	[sflag:s28] =	ssyncadd.s32 $0xFFFFD800  }
0x88: {  	[spmem:s2] =	stream.indirect.scatter.add.f32 [tilespmem:s30], [sflag:$0x1], $0x80, s4, s31, $0xb8;
	[tilespmem:$0x1BC80] =	vst v63  }
0x89: {  	_ =	swait.ge [sflag:s28], $0x2800  }
0x8a: {  	[sflag:s28] =	ssyncset.done $0x0  }
.LBB2_6:
0x8b: {  	[sflag:s28] =	ssyncadd.s32 $0xFFFFD800  }
.LBB2_7:
0x8c: {  	[bflag:$0x0] =	sbarrier.arrive $0xFFFF  }
0x8d: {  	[tilespmem:s26], [sflag:$0x1] =	stream.linear.gather [spmem:s6], $0x1400, $0x38;
	[tilespmem:$0x1BC80] =	vst v63  }
0x8e: {  	_ =	swait.ge [sflag:s28], $0x1400  }
0x8f: {  	[sflag:s28] =	ssyncset.done $0x0  }
0x90: {  	s1 =	sadd.s32 $0x0, s25;
	[sflag:s28] =	ssyncadd.s32 $0xFFFFEC00  }
0x91: {  	[hbm4b:s1+s3] =	stream.linear.scatter [tilespmem:s26], [sflag:$0x1], $0x1400, $0x38;
	[tilespmem:$0x1BC80] =	vst v63  }
0x92: {  	_ =	swait.ge [sflag:s28], $0x1400  }
0x93: {  	s4 =	smov.u32 s6;
	s1 =	simm.s32 $0x280;
	[sflag:s28] =	ssyncset.done $0x0  }
.LBB2_8:
0x94: {  	p0 =	sne.s32 s1, $0x2580;
	[sflag:s28] =	ssyncadd.s32 $0xFFFFEC00;
	s4 =	sadd.s32 $0x1400, s4  }
0x95: {  	[tilespmem:s26], [sflag:$0x1] =	stream.linear.gather [spmem:s4], $0x1400, $0x38;
	[tilespmem:$0x1BC80] =	vst v63  }
0x96: {  	s23 =	smov.u32 s1;
	s1 =	sadd.s32 $0x280, s1;
	_ =	swait.ge [sflag:s28], $0x1400  }
.Ltmp4:
0x97: {  	[sflag:s28] =	ssyncset.done $0x0;
	(pc) =	sbr.rel @p0 .LBB2_8-.Ltmp4, $4  }
0x98: {  	s23 =	sadd.s32 s23, s25;
	[sflag:s28] =	ssyncadd.s32 $0xFFFFEC00  }
0x99: {  	[hbm4b:s23+s3] =	stream.linear.scatter [tilespmem:s26], [sflag:$0x1], $0x1400, $0x38;
	[tilespmem:$0x1BC80] =	vst v63  }
0x9a: {  	_ =	swait.ge [sflag:s28], $0x1400  }
0x9b: {  	[sflag:s28] =	ssyncset.done $0x0  }
0x9c: {  	s0 =	sadd.s32 $0x1, s0  }
0x9d: {  	p0 =	sne.s32 s0, s8  }
.Ltmp5:
0x9e: {  	_ = 	snop;
	(pc) =	sbr.rel @p0 .LBB2_1-.Ltmp5, $2  }
0x9f: {  	_ =	sdelay $0x2  }
0xa0: {  	[sflag:s28] =	ssyncadd.s32 $0xFFFFEC00  }
0xa1: {  	_ =	sfence.sel $0x180000  }
0xa2: {  	[bflag:$0x0] =	sbarrier.arrive $0xFFFF  }
0xa3: {  	_ =	strace $0x90000050  }
0xa4: {  	s0 =	stileid.u32;
	[bflag:$0x2] =	sbarrier.arrive $0xFFFF  }
0xa5: {  	p0 =	sne.s32 s0, $0x0;
	s0 =	rddreg [dreg:$0x2]  }
0xa6: {  	s0 =	sadd.s32 @!p0 $0x100000, s0  }
0xa7: {  	[sflag:s0] =	ssyncadd.tile.s32 @!p0 $0x1;
	_ =	shalt  }
.Lfunc_end2:
_tile_overlayer_lowered:
.L_overlay_start_2:
0xa8: {  	(tag) =	ssettag $0x2  }
0xa9: {  	s0 =	rddreg [dreg:$0x0];
	s2 =	stileid.u32  }
0xaa: {  	s1 =	rddreg [dreg:$0x1];
	p0 =	sne.s32 s2, $0x0  }
0xab: {  	s3 =	rddreg [dreg:$0x2];
	[bflag:$0x3] =	sbarrier.arrive $0xFFFF;
	s2 =	simm.s32 @!p0 $0x1C01  }
0xac: {  	[timem:s3], [sflag:s2] =	dma.local @!p0 [hbm:s0], s1  }
0xad: {  	s0 =	simm.s32 @!p0 $0x1  }
0xae: {  	_ =	swait.ge @!p0 [sflag:s0], s1  }
0xaf: {  	s1 =	ssub.s32 @!p0 $0x0, s1;
	[sflag:s0] =	ssyncset.done @!p0 $0x0  }
0xb0: {  	[sflag:s0] =	ssyncadd.s32 @!p0 s1  }
0xb1: {  	[bflag:$0x3] =	sbarrier.arrive $0xFFFF  }
0xb2: {  	_ =	shalt  }

// kernel: kernel.26.cloned.1.call-start
scs
__scs_entry_jumppad:
0x0: {  	(pc) =	sbr.rel $0x88, $3  }
0x1: {  	(tag) =	ssettag $0x0;
	lr =	simm.s32 $0x1  }
0x2: {  	[smem:$0x3F98] =	sst lr;
	_ =	strace $0xD0000000  }
0x3: {  	_ = 	snop  }
0x4: {  	_ = 	snop  }
0x5: {  	_ = 	snop  }
0x6: {  	_ = 	snop  }
0x7: {  	_ = 	snop  }
__scs_overlays_trampoline_lowered:
0x8: {  	[smem:$0x3FA7] =	sst s0  }
0x9: {  	[smem:$0x3FA8] =	sst s1  }
0xa: {  	[smem:$0x3FA9] =	sst s2  }
0xb: {  	[smem:$0x3FAA] =	sst s3  }
0xc: {  	[smem:$0x3FAB] =	sst s4  }
0xd: {  	[smem:$0x3FAC] =	sst s5  }
0xe: {  	[smem:$0x3FAD] =	sst s6  }
0xf: {  	[smem:$0x3FAE] =	sst s7  }
0x10: {  	[smem:$0x3FAF] =	sst s8  }
0x11: {  	[smem:$0x3FB0] =	sst s9;
	s0 =	simm.s32 @!p0 $0x0  }
0x12: {  	s1 =	sld [smem:$0x3F96];
	s0 =	simm.s32 @p0 $0x1  }
0x13: {  	[smem:$0x3FB1] =	sst s0;
	s0 =	simm.s32 @!p1 $0x0  }
0x14: {  	s2 =	sld [smem:$0x3F95];
	s0 =	simm.s32 @p1 $0x1  }
0x15: {  	[smem:$0x3FB2] =	sst s0;
	s0 =	simm.s32 @!p2 $0x0  }
0x16: {  	s3 =	sld [smem:$0x3FDB];
	s0 =	simm.s32 @p2 $0x1  }
0x17: {  	s4 =	simm.s32 $0x1BF5;
	[smem:$0x3FB4] =	sst s0  }
0x18: {  	s0 =	sld [smem:$0x3F97];
	_ =	swait.ge [sflag:s4], $0x0  }
0x19: {  	s7 =	sld [smem:$0x3F98]  }
0x1a: {  	s8 =	sadd.s32 $0xFFFFE003, lr  }
0x1b: {  	s9 =	sadd.s32 $0xFFFFFEF7, lr;
	s5 =	simm.s32 $0xFFFFFFFF;
	p2 =	slt.u32 s8, $0xFFFFF086  }
0x1c: {  	p1 =	slt.u32 s9, $0xF7A;
	s5 =	simm.s32 @!p2 $0x0  }
0x1d: {  	s5 =	simm.s32 @p1 $0x1;
	p0 =	seq.s32 s7, s2  }
0x1e: {  	s7 =	smul.u32 @!p0 $0xF7A, s2;
	p2 =	seq.s32 @!p0 s5, $0x0  }
0x1f: {  	s9 =	smul.u32 $0xF7A, s1;
	s8 =	simm.s32 @!p0 $0x1BF5;
	p2 =	por !p2, p0  }
0x20: {  	[sflag:s8] =	ssyncset.s32 @!p0 $0xFFFFF086;
	s6 =	sadd.s32 @!p0 s3, s7;
	s7 =	simm.s32 @!p0 $0x108  }
0x21: {  	s3 =	sadd.s32 s3, s9;
	s6 =	sadd.s32 @!p0 $0x88, s6;
	s7 =	simm.s32 @p2 $0x1082  }
0x22: {  	[simem:s7], [sflag:s8] =	dma.local @!p0 [hbm:s6], $0xF7A  }
0x23: {  	s9 =	sor.u32 $0xD0000000, s2;
	s6 =	simm.s32 $0x108;
	_ =	swait.ge @!p0 [sflag:s8], $0x0  }
0x24: {  	s3 =	sadd.s32 $0x88, s3;
	s6 =	simm.s32 @!p1 $0x1082;
	[sflag:s4] =	ssyncset.s32 $0xFFFFF086  }
0x25: {  	[simem:s6], [sflag:s4] =	dma.local [hbm:s3], $0xF7A  }
0x26: {  	[smem:$0x3F98] =	sst s1;
	(tag) =	ssettag s2;
	_ =	strace s9  }
0x27: {  	s1 =	sld [smem:$0x3FA8]  }
0x28: {  	s2 =	sld [smem:$0x3FA9]  }
0x29: {  	s4 =	sld [smem:$0x3FAB]  }
0x2a: {  	p0 =	seq.s32 s5, $0x0;
	s5 =	sld [smem:$0x3FAC]  }
0x2b: {  	s6 =	sld [smem:$0x3FAD]  }
0x2c: {  	s7 =	sld [smem:$0x3FAE]  }
0x2d: {  	s3 =	simm.s32 $0x108;
	s8 =	sld [smem:$0x3FAF]  }
0x2e: {  	s3 =	simm.s32 @!p0 $0x1082;
	s9 =	sld [smem:$0x3FB0]  }
0x2f: {  	lr =	sadd.s32 s0, s3;
	s0 =	sld [smem:$0x3FA7]  }
0x30: {  	s3 =	sld [smem:$0x3FAA]  }
0x31: {  	[smem:$0x3FB3] =	sst s10  }
0x32: {  	s10 =	sld [smem:$0x3FB1];
	_ =	sdelay $0x3  }
0x33: {  	p0 =	seq.s32 s10, $0x1;
	s10 =	sld [smem:$0x3FB3];
	_ =	sdelay $0x3  }
0x34: {  	[smem:$0x3FB3] =	sst s10  }
0x35: {  	s10 =	sld [smem:$0x3FB2];
	_ =	sdelay $0x3  }
0x36: {  	p1 =	seq.s32 s10, $0x1;
	s10 =	sld [smem:$0x3FB3];
	_ =	sdelay $0x3  }
0x37: {  	[smem:$0x3FB3] =	sst s10  }
0x38: {  	s10 =	sld [smem:$0x3FB4]  }
0x39: {  	_ = 	snop;
	(pc) =	sbr.ind lr, $3  }
0x3a: {  	_ = 	snop  }
0x3b: {  	_ = 	snop  }
0x3c: {  	p2 =	seq.s32 s10, $0x1;
	s10 =	sld [smem:$0x3FB3]  }
0x3d: {  	_ =	shalt  }
0x3e: {  	_ =	shalt  }
0x3f: {  	_ =	shalt  }
0x40: {  	_ =	shalt  }
0x41: {  	_ =	shalt  }
0x42: {  	_ =	shalt  }
0x43: {  	_ =	shalt  }
0x44: {  	_ =	shalt  }
0x45: {  	_ =	shalt  }
0x46: {  	_ =	shalt  }
0x47: {  	_ =	shalt  }
0x48: {  	_ =	shalt  }
0x49: {  	_ =	shalt  }
0x4a: {  	_ =	shalt  }
0x4b: {  	_ =	shalt  }
0x4c: {  	_ =	shalt  }
0x4d: {  	_ =	shalt  }
0x4e: {  	_ =	shalt  }
0x4f: {  	_ =	shalt  }
0x50: {  	_ =	shalt  }
0x51: {  	_ =	shalt  }
0x52: {  	_ =	shalt  }
0x53: {  	_ =	shalt  }
0x54: {  	_ =	shalt  }
0x55: {  	_ =	shalt  }
0x56: {  	_ =	shalt  }
0x57: {  	_ =	shalt  }
0x58: {  	_ =	shalt  }
0x59: {  	_ =	shalt  }
0x5a: {  	_ =	shalt  }
0x5b: {  	_ =	shalt  }
0x5c: {  	_ =	shalt  }
0x5d: {  	_ =	shalt  }
0x5e: {  	_ =	shalt  }
0x5f: {  	_ =	shalt  }
0x60: {  	_ =	shalt  }
0x61: {  	_ =	shalt  }
0x62: {  	_ =	shalt  }
0x63: {  	_ =	shalt  }
0x64: {  	_ =	shalt  }
0x65: {  	_ =	shalt  }
0x66: {  	_ =	shalt  }
0x67: {  	_ =	shalt  }
0x68: {  	_ =	shalt  }
0x69: {  	_ =	shalt  }
0x6a: {  	_ =	shalt  }
0x6b: {  	_ =	shalt  }
0x6c: {  	_ =	shalt  }
0x6d: {  	_ =	shalt  }
0x6e: {  	_ =	shalt  }
0x6f: {  	_ =	shalt  }
0x70: {  	_ =	shalt  }
0x71: {  	_ =	shalt  }
0x72: {  	_ =	shalt  }
0x73: {  	_ =	shalt  }
0x74: {  	_ =	shalt  }
0x75: {  	_ =	shalt  }
0x76: {  	_ =	shalt  }
0x77: {  	_ =	shalt  }
0x78: {  	_ =	shalt  }
0x79: {  	_ =	shalt  }
0x7a: {  	_ =	shalt  }
0x7b: {  	_ =	shalt  }
0x7c: {  	_ =	shalt  }
0x7d: {  	_ =	shalt  }
0x7e: {  	_ =	shalt  }
0x7f: {  	_ =	shalt  }
0x80: {  	_ =	shalt  }
0x81: {  	_ =	shalt  }
0x82: {  	_ =	shalt  }
0x83: {  	_ =	shalt  }
0x84: {  	_ =	shalt  }
0x85: {  	_ =	shalt  }
0x86: {  	_ =	shalt  }
0x87: {  	_ =	shalt  }
.Lfunc_end0:
.L_simem_size_0:
called_computation.4_lowered:
.L_overlay_start_0:
0x88: {  	s2 =	sld [smem:$0x3FD9]  }
0x89: {  	s3 =	sld [smem:$0x3FFE];
	_ =	sdelay $0x1  }
0x8a: {  	s1 =	srdreg.scid  }
0x8b: {  	s0 =	sand.u32 $0x1, s1  }
0x8c: {  	s17 =	sshll.u32 s0, $0xA;
	s2 =	sadd.s32 s3, s2  }
0x8d: {  	s2 =	sadd.s32 s2, s17  }
0x8e: {  	[smem:$0x3FBF] =	sst s2  }
0x8f: {  	_ = 	snop  }
0x90: {  	s18 =	sld [smem:$0x3FD0];
	(tm) =	ssettm $0x1  }
0x91: {  	s19 =	sld [smem:$0x3FFB];
	_ =	sdelay $0x3  }
0x92: {  	_ =	strace s19  }
0x93: {  	s2 =	sld [smem:$0x3FFC];
	_ =	sdelay $0x3  }
0x94: {  	_ =	strace s2  }
0x95: {  	s2 =	sld [smem:$0x3FFD];
	_ =	sdelay $0x3  }
0x96: {  	_ =	strace s2  }
0x97: {  	_ =	strace $0x8FFFFFFF  }
0x98: {  	s20 =	sld [smem:$0x3FDB];
	_ =	sdelay $0x1  }
0x99: {  	s4 =	simm.s32 $_scs_section_size  }
0x9a: {  	s5 =	simm.s32 $_size__tile_overlayer_lowered;
	s6 =	simm.s32 $_tile_overlayer_lowered  }
0x9b: {  	s7 =	simm.s32 $0x1BFF;
	s21 =	sshll.u32 s6, $0x1;
	s4 =	sadd.s32 s4, s20  }
0x9c: {  	s22 =	simm.s32 $0x0;
	s5 =	sshll.u32 s5, $0x1;
	s6 =	sadd.s32 s21, s4  }
0x9d: {  	[timem:s22], [sflag:s7] =	dma.local [hbm:s6], s5  }
0x9e: {  	_ =	swait.ge [sflag:s7], s5  }
0x9f: {  	s5 =	ssub.s32 $0x0, s5;
	[sflag:s7] =	ssyncset.done $0x0  }
0xa0: {  	[sflag:s7] =	ssyncadd.s32 s5;
	_ =	sdelay $0x1  }
0xa1: {  	s23 =	simm.s32 $0x1B8B  }
0xa2: {  	_ =	swait.ge [sflag:s23], $0x1  }
0xa3: {  	[sflag:s23] =	ssyncset.done $0x0  }
0xa4: {  	[sflag:s23] =	ssyncadd.s32 $0xFFFFFFFF  }
0xa5: {  	s5 =	sld [smem:$0x0]  }
0xa6: {  	s6 =	sand.u32 $0xFFFFFFFE, s1  }
0xa7: {  	p0 =	sne.s32 s1, s6  }
0xa8: {  	s6 =	sshll.u32 @p0 s6, $0xE  }
0xa9: {  	s6 =	sadd.s32 @p0 $0x11B8D, s6;
	s7 =	sshll.u32 @p0 s5, $0x11  }
0xaa: {  	s6 =	sor.u32 @p0 s7, s6  }
0xab: {  	[sflag:s6] =	ssyncadd.remote.s32 @p0 $0x1;
	_ =	sdelay $0x1  }
0xac: {  	s6 =	simm.s32 @p0 $0x1B8D  }
0xad: {  	_ =	swait.eq @p0 [sflag:s6], $0x1  }
0xae: {  	[sflag:s6] =	ssyncadd.s32 @p0 $0xFFFFFFFF  }
0xaf: {  	s7 =	sshll.u32 @!p0 s1, $0xE  }
0xb0: {  	s7 =	sor.u32 @!p0 $0x4000, s7;
	s6 =	simm.s32 @!p0 $0x1B8D  }
0xb1: {  	s5 =	sshll.u32 @!p0 s5, $0x11;
	s7 =	sadd.s32 @!p0 $0x11B8D, s7;
	_ =	swait.eq @!p0 [sflag:s6], $0x1  }
0xb2: {  	s5 =	sor.u32 @!p0 s5, s7;
	[sflag:s6] =	ssyncadd.s32 @!p0 $0xFFFFFFFF  }
0xb3: {  	s25 =	simm.s32 $0x1B8E;
	s24 =	sld [smem:$0x3FFE];
	[sflag:s5] =	ssyncadd.remote.s32 @!p0 $0x1  }
0xb4: {  	s26 =	simm.s32 $execute0_lowered;
	[smem:$0x3FD2] =	sst s25  }
0xb5: {  	s6 =	sshll.u32 s26, $0x1;
	_ =	strace $0x80000052;
	[dreg:$0x1] =	wrdreg $0xFFFFFFFF  }
0xb6: {  	s28 =	simm.s32 $_size_execute0_lowered;
	s4 =	sadd.s32 s4, s6;
	[dreg:$0x0] =	wrdreg $0x0  }
0xb7: {  	s6 =	sshll.u32 s28, $0x1;
	[dreg:$0x2] =	wrdreg s4  }
0xb8: {  	[dreg:$0x3] =	wrdreg s6  }
0xb9: {  	[dreg:$0x4] =	wrdreg $0xC0  }
0xba: {  	_ =	task [dreg:s22], $0x5FFFF  }
0xbb: {  	[dreg:$0x1] =	wrdreg $0xFFFFFFFF  }
0xbc: {  	[dreg:$0x0] =	wrdreg $0x60  }
0xbd: {  	[dreg:$0x2] =	wrdreg s24  }
0xbe: {  	[dreg:$0x3] =	wrdreg s18  }
0xbf: {  	[dreg:$0x4] =	wrdreg $0x7C800  }
0xc0: {  	[dreg:$0x5] =	wrdreg $0xC  }
0xc1: {  	_ =	task.clear_ibuf [dreg:s22], $0x6FFFF;
	_ =	strace $0x90000052  }
0xc2: {  	s29 =	simm.s32 $0xC;
	_ =	strace $0x80000054  }
0xc3: {  	_ =	swait.ge [sflag:s29], $0x1  }
0xc4: {  	[sflag:s29] =	ssyncadd.s32 $0xFFFFFFFF  }
0xc5: {  	_ =	strace $0x90000054  }
0xc6: {  	_ =	sfence  }
0xc7: {  	s30 =	sld [smem:$0x0];
	_ =	sdelay $0x2  }
0xc8: {  	s31 =	sshll.u32 s1, $0xD;
	s1 =	sshrl.u32 s1, $0x2  }
0xc9: {  	s4 =	sand.u32 $0x4000, s31;
	s1 =	sadd.s32 s1, s30  }
0xca: {  	s0 =	sor.u32 s4, s0;
	s1 =	sshll.u32 s1, $0x11  }
0xcb: {  	s0 =	sor.u32 s1, s0  }
0xcc: {  	s0 =	sadd.s32 $0x8F2B, s0  }
0xcd: {  	[sflag:s0] =	ssyncadd.remote.s32 $0x1  }
0xce: {  	_ =	sfence.sel $0xFFFF  }
0xcf: {  	[dreg:$0x0] =	wrdreg $0xFFFFFFFF;
	(pc) =	sbr.abs _section_cstart, $3  }
0xd0: {  	[dreg:$0x1] =	wrdreg $0xFFFFFFFF  }
0xd1: {  	_ =	task.clear_ibuf [dreg:s22], $0x2FFFF;
	_ =	strace $0x9FFFFFFF  }
0xd2: {  	(tm) =	ssettm $0x7FFFFFFF  }
0xd3: {  	_ =	shalt  }
tec
execute0_lowered:
.L_overlay_start_1:
0x0: {  	(tag) =	ssettag $0x1  }
0x1: {  	s0 =	rddreg [dreg:$0x0]  }
0x2: {  	s2 =	rddreg [dreg:$0x1]  }
0x3: {  	s1 =	rddreg [dreg:$0x2];
	s18 =	stileid.u32  }
0x4: {  	s3 =	srdreg.scid;
	s28 =	simm.s32 $0x1;
	s6 =	smul.u32 $0x14000, s18  }
0x5: {  	s30 =	simm.s32 $0x4080;
	s31 =	simm.s32 $0x50;
	s24 =	smul.u32 $0x50000, s18  }
0x6: {  	s4 =	sand.u32 $0x1, s3;
	s3 =	simm.s32 $0x0;
	s29 =	smul.u32 $0x4E20, s18  }
0x7: {  	s7 =	sshll.u32 s18, $0x1;
	s8 =	sadd.s32 $0x4F2400, s0;
	s5 =	smul.u32 $0x140000, s4  }
0x8: {  	[smem:$0x7FF] =	sst s3;
	s7 =	sor.u32 s4, s7;
	s25 =	ssub.s32 $0x2, s4  }
0x9: {  	s4 =	smul.u32 $0x2710, s4;
	_ =	strace $0x80000053;
	[dreg:$0x4] =	wrdreg s8  }
0xa: {  	s23 =	sshll.u32 s7, $0x1;
	s26 =	sshrl.u32 s25, $0x1;
	s7 =	sshll.u32 s7, $0xB  }
0xb: {  	s8 =	sshrl.u32 s24, $0x2;
	s5 =	sadd.s32 s6, s5;
	s9 =	sadd.s32 s23, s0  }
0xc: {  	s10 =	ssub.s32 s25, s26;
	s6 =	sadd.s32 s8, s1;
	s26 =	simm.s32 $0x6880  }
0xd: {  	s5 =	sshrl.u32 s5, $0x3;
	s8 =	smax.u32 s10, $0x1;
	s10 =	sadd.s32 $0x2800, s6  }
0xe: {  	s11 =	sadd.s32 $0x3C00, s6;
	s12 =	sadd.s32 $0x5000, s6;
	s13 =	sadd.s32 $0x6400, s6  }
0xf: {  	s14 =	sadd.s32 $0x7800, s6;
	s15 =	sadd.s32 $0x8C00, s6;
	s16 =	sadd.s32 $0xA000, s6  }
0x10: {  	s17 =	sadd.s32 $0xB400, s6;
	s18 =	sadd.s32 $0xC800, s6;
	s19 =	sadd.s32 $0xDC00, s6  }
0x11: {  	s20 =	sadd.s32 $0xF000, s6;
	s21 =	sadd.s32 $0x10400, s6;
	s22 =	sadd.s32 $0x11800, s6  }
0x12: {  	s24 =	sadd.s32 $0x12C00, s6;
	s0 =	sadd.s32 s5, s0;
	s5 =	sadd.s32 s2, s7  }
0x13: {  	s7 =	sadd.s32 $0x50000, s9;
	s9 =	sadd.s32 $0x1400, s6;
	s2 =	sadd.s32 s4, s29  }
0x14: {  	v0 =	vimm.f32 $0.0e+00;
	[dreg:$0x5] =	wrdreg s2;
	s25 =	sadd.s32 $0xF0200, s0;
	s0 =	simm.s32 $0x0  }
.LBB2_1:
0x15: {  	s2 =	simm.s32 $0x70;
	s4 =	simm.s32 $0x3C0  }
.LBB2_2:
0x16: {  	p0 =	sne.s32 s4, $0x4FC0;
	[tilespmem:s2+$0x6880] =	vst v0  }
0x17: {  	[tilespmem:s2+$0x6810] =	vst v0  }
0x18: {  	[tilespmem:s2+$0x6820] =	vst v0  }
.Ltmp0:
0x19: {  	[tilespmem:s2+$0x6830] =	vst v0;
	(pc) =	sbr.rel @p0 .LBB2_2-.Ltmp0, $4  }
0x1a: {  	[tilespmem:s2+$0x6840] =	vst v0  }
0x1b: {  	[tilespmem:s2+$0x6850] =	vst v0  }
0x1c: {  	[tilespmem:s2+$0x6860] =	vst v0  }
0x1d: {  	[tilespmem:s2+$0x6870] =	vst v0;
	s2 =	sshra.s32 s4, $0x2;
	s4 =	sadd.s32 $0x200, s4  }
0x1e: {  	[tilespmem:s2+$0x6880] =	vst v0  }
0x1f: {  	[tilespmem:s2+$0x6810] =	vst v0  }
0x20: {  	[tilespmem:s2+$0x6820] =	vst v0  }
0x21: {  	[tilespmem:s2+$0x6830] =	vst v0  }
0x22: {  	[tilespmem:s2+$0x6840] =	vst v0  }
0x23: {  	[tilespmem:s2+$0x6850] =	vst v0  }
0x24: {  	[tilespmem:s2+$0x6860] =	vst v0  }
0x25: {  	[tilespmem:s2+$0x6870] =	vst v0  }
0x26: {  	[spmem:s6] =	stream.linear.scatter [tilespmem:s26], [sflag:$0x1], $0x1400, $0x38;
	[tilespmem:$0x1BC80] =	vst v63  }
0x27: {  	_ =	swait.ge [sflag:s28], $0x1400  }
0x28: {  	[sflag:s28] =	ssyncset.done $0x0  }
0x29: {  	[sflag:s28] =	ssyncadd.s32 $0xFFFFEC00  }
0x2a: {  	[spmem:s9] =	stream.linear.scatter [tilespmem:s26], [sflag:$0x1], $0x1400, $0x38;
	[tilespmem:$0x1BC80] =	vst v63  }
0x2b: {  	_ =	swait.ge [sflag:s28], $0x1400  }
0x2c: {  	[sflag:s28] =	ssyncset.done $0x0  }
0x2d: {  	[sflag:s28] =	ssyncadd.s32 $0xFFFFEC00  }
0x2e: {  	[spmem:s10] =	stream.linear.scatter [tilespmem:s26], [sflag:$0x1], $0x1400, $0x38;
	[tilespmem:$0x1BC80] =	vst v63  }
0x2f: {  	_ =	swait.ge [sflag:s28], $0x1400  }
0x30: {  	[sflag:s28] =	ssyncset.done $0x0  }
0x31: {  	[sflag:s28] =	ssyncadd.s32 $0xFFFFEC00  }
0x32: {  	[spmem:s11] =	stream.linear.scatter [tilespmem:s26], [sflag:$0x1], $0x1400, $0x38;
	[tilespmem:$0x1BC80] =	vst v63  }
0x33: {  	_ =	swait.ge [sflag:s28], $0x1400  }
0x34: {  	[sflag:s28] =	ssyncset.done $0x0  }
0x35: {  	[sflag:s28] =	ssyncadd.s32 $0xFFFFEC00  }
0x36: {  	[spmem:s12] =	stream.linear.scatter [tilespmem:s26], [sflag:$0x1], $0x1400, $0x38;
	[tilespmem:$0x1BC80] =	vst v63  }
0x37: {  	_ =	swait.ge [sflag:s28], $0x1400  }
0x38: {  	[sflag:s28] =	ssyncset.done $0x0  }
0x39: {  	[sflag:s28] =	ssyncadd.s32 $0xFFFFEC00  }
0x3a: {  	[spmem:s13] =	stream.linear.scatter [tilespmem:s26], [sflag:$0x1], $0x1400, $0x38;
	[tilespmem:$0x1BC80] =	vst v63  }
0x3b: {  	_ =	swait.ge [sflag:s28], $0x1400  }
0x3c: {  	[sflag:s28] =	ssyncset.done $0x0  }
0x3d: {  	[sflag:s28] =	ssyncadd.s32 $0xFFFFEC00  }
0x3e: {  	[spmem:s14] =	stream.linear.scatter [tilespmem:s26], [sflag:$0x1], $0x1400, $0x38;
	[tilespmem:$0x1BC80] =	vst v63  }
0x3f: {  	_ =	swait.ge [sflag:s28], $0x1400  }
0x40: {  	[sflag:s28] =	ssyncset.done $0x0  }
0x41: {  	[sflag:s28] =	ssyncadd.s32 $0xFFFFEC00  }
0x42: {  	[spmem:s15] =	stream.linear.scatter [tilespmem:s26], [sflag:$0x1], $0x1400, $0x38;
	[tilespmem:$0x1BC80] =	vst v63  }
0x43: {  	_ =	swait.ge [sflag:s28], $0x1400  }
0x44: {  	[sflag:s28] =	ssyncset.done $0x0  }
0x45: {  	[sflag:s28] =	ssyncadd.s32 $0xFFFFEC00  }
0x46: {  	[spmem:s16] =	stream.linear.scatter [tilespmem:s26], [sflag:$0x1], $0x1400, $0x38;
	[tilespmem:$0x1BC80] =	vst v63  }
0x47: {  	_ =	swait.ge [sflag:s28], $0x1400  }
0x48: {  	[sflag:s28] =	ssyncset.done $0x0  }
0x49: {  	[sflag:s28] =	ssyncadd.s32 $0xFFFFEC00  }
0x4a: {  	[spmem:s17] =	stream.linear.scatter [tilespmem:s26], [sflag:$0x1], $0x1400, $0x38;
	[tilespmem:$0x1BC80] =	vst v63  }
0x4b: {  	_ =	swait.ge [sflag:s28], $0x1400  }
0x4c: {  	[sflag:s28] =	ssyncset.done $0x0  }
0x4d: {  	[sflag:s28] =	ssyncadd.s32 $0xFFFFEC00  }
0x4e: {  	[spmem:s18] =	stream.linear.scatter [tilespmem:s26], [sflag:$0x1], $0x1400, $0x38;
	[tilespmem:$0x1BC80] =	vst v63  }
0x4f: {  	_ =	swait.ge [sflag:s28], $0x1400  }
0x50: {  	[sflag:s28] =	ssyncset.done $0x0  }
0x51: {  	[sflag:s28] =	ssyncadd.s32 $0xFFFFEC00  }
0x52: {  	[spmem:s19] =	stream.linear.scatter [tilespmem:s26], [sflag:$0x1], $0x1400, $0x38;
	[tilespmem:$0x1BC80] =	vst v63  }
0x53: {  	_ =	swait.ge [sflag:s28], $0x1400  }
0x54: {  	[sflag:s28] =	ssyncset.done $0x0  }
0x55: {  	[sflag:s28] =	ssyncadd.s32 $0xFFFFEC00  }
0x56: {  	[spmem:s20] =	stream.linear.scatter [tilespmem:s26], [sflag:$0x1], $0x1400, $0x38;
	[tilespmem:$0x1BC80] =	vst v63  }
0x57: {  	_ =	swait.ge [sflag:s28], $0x1400  }
0x58: {  	[sflag:s28] =	ssyncset.done $0x0  }
0x59: {  	[sflag:s28] =	ssyncadd.s32 $0xFFFFEC00  }
0x5a: {  	[spmem:s21] =	stream.linear.scatter [tilespmem:s26], [sflag:$0x1], $0x1400, $0x38;
	[tilespmem:$0x1BC80] =	vst v63  }
0x5b: {  	_ =	swait.ge [sflag:s28], $0x1400  }
0x5c: {  	[sflag:s28] =	ssyncset.done $0x0  }
0x5d: {  	[sflag:s28] =	ssyncadd.s32 $0xFFFFEC00  }
0x5e: {  	[spmem:s22] =	stream.linear.scatter [tilespmem:s26], [sflag:$0x1], $0x1400, $0x38;
	[tilespmem:$0x1BC80] =	vst v63  }
0x5f: {  	_ =	swait.ge [sflag:s28], $0x1400  }
0x60: {  	[sflag:s28] =	ssyncset.done $0x0  }
0x61: {  	[sflag:s28] =	ssyncadd.s32 $0xFFFFEC00  }
0x62: {  	[spmem:s24] =	stream.linear.scatter [tilespmem:s26], [sflag:$0x1], $0x1400, $0x38;
	[tilespmem:$0x1BC80] =	vst v63  }
0x63: {  	_ =	swait.ge [sflag:s28], $0x1400  }
0x64: {  	[sflag:s28] =	ssyncset.done $0x0  }
0x65: {  	[sflag:s28] =	ssyncadd.s32 $0xFFFFEC00  }
0x66: {  	[bflag:$0x0] =	sbarrier.arrive $0xFFFF  }
0x67: {  	[tilespmem:s3], [sflag:$0x1] =	stream.linear.gather [hbm4b:s5+s3], $0x3E80, $0x38;
	[tilespmem:$0x1BC80] =	vst v63  }
0x68: {  	_ =	swait.ge [sflag:s28], $0x3E80  }
0x69: {  	[sflag:s28] =	ssyncset.done $0x0  }
0x6a: {  	s23 =	simm.s32 $0x4000;
	[sflag:s28] =	ssyncadd.s32 $0xFFFFC180  }
0x6b: {  	[tilespmem:s23], [sflag:$0x1] =	stream.linear.gather [hbm4b:s7+s3], $0x10, $0x38;
	[tilespmem:$0x1BC80] =	vst v63  }
0x6c: {  	_ =	swait.ge [sflag:s28], $0x10  }
0x6d: {  	[sflag:s28] =	ssyncset.done $0x0  }
0x6e: {  	[sflag:s28] =	ssyncadd.s32 $0xFFFFFFF0  }
0x6f: {  	v1 =	vld [tilespmem:$0x4000];
	_ =	sdelay $0x4  }
0x70: {  	(v2sf) =	vpush v1, $0x0  }
0x71: {  	(v2sf) =	vpush v1, $0x1;
	_ =	sdelay $0xd  }
0x72: {  	s4 =	spop (v2sf)  }
0x73: {  	s29 =	spop (v2sf)  }
0x74: {  	p0 =	sle.s32 s29, s4  }
.Ltmp1:
0x75: {  	_ = 	snop;
	(pc) =	sbr.rel @p0 .LBB2_7-.Ltmp1, $1  }
0x76: {  	_ =	sdelay $0x3  }
0x77: {  	s2 =	smul.u32 $0x50, s4  }
0x78: {  	s23 =	rddreg [dreg:$0x5]  }
0x79: {  	s2 =	sadd.s32 s2, s23  }
0x7a: {  	s23 =	rddreg [dreg:$0x4];
	s2 =	sshll.u32 s2, $0x4  }
0x7b: {  	s29 =	ssub.s32 s29, s4;
	s2 =	sadd.s32 s2, s23  }
0x7c: {  	[tilespmem:s30], [sflag:$0x1] =	stream.linear.gather [hbm4b:s2+s3], $0x2800, $0x38;
	[tilespmem:$0x1BC80] =	vst v63  }
0x7d: {  	p0 =	sne.s32 s29, $0x1;
	_ =	swait.ge [sflag:s28], $0x2800  }
.Ltmp2:
0x7e: {  	s23 =	sshll.u32 s4, $0x9;
	[sflag:s28] =	ssyncset.done $0x0;
	(pc) =	sbr.rel @!p0 .LBB2_6-.Ltmp2, $4  }
0x7f: {  	s4 =	sshra.s32 s23, $0x2;
	[sflag:s28] =	ssyncadd.s32 $0xFFFFD800  }
0x80: {  	[spmem:s1] =	stream.indirect.scatter.add.f32 [tilespmem:s30], [sflag:$0x1], $0x80, s4, s31, $0xb8;
	[tilespmem:$0x1BC80] =	vst v63  }
0x81: {  	_ =	swait.ge [sflag:s28], $0x2800  }
0x82: {  	s29 =	sadd.s32 $0xFFFFFFFF, s29;
	[sflag:s28] =	ssyncset.done $0x0  }
.LBB2_5:
0x83: {  	[sflag:s28] =	ssyncadd.s32 $0xFFFFD800;
	s4 =	sadd.s32 $0x80, s4;
	s2 =	sadd.s32 $0x500, s2  }
0x84: {  	[tilespmem:s30], [sflag:$0x1] =	stream.linear.gather [hbm4b:s2+s3], $0x2800, $0x38;
	[tilespmem:$0x1BC80] =	vst v63  }
0x85: {  	p0 =	sne.s32 s29, $0x1;
	s29 =	sadd.s32 $0xFFFFFFFF, s29;
	_ =	swait.ge [sflag:s28], $0x2800  }
.Ltmp3:
0x86: {  	[sflag:s28] =	ssyncset.done $0x0;
	(pc) =	sbr.rel @p0 .LBB2_5-.Ltmp3, $4  }
0x87: {  	[sflag:s28] =	ssyncadd.s32 $0xFFFFD800  }
0x88: {  	[spmem:s1] =	stream.indirect.scatter.add.f32 [tilespmem:s30], [sflag:$0x1], $0x80, s4, s31, $0xb8;
	[tilespmem:$0x1BC80] =	vst v63  }
0x89: {  	_ =	swait.ge [sflag:s28], $0x2800  }
0x8a: {  	[sflag:s28] =	ssyncset.done $0x0  }
.LBB2_6:
0x8b: {  	[sflag:s28] =	ssyncadd.s32 $0xFFFFD800  }
.LBB2_7:
0x8c: {  	[bflag:$0x0] =	sbarrier.arrive $0xFFFF  }
0x8d: {  	[tilespmem:s26], [sflag:$0x1] =	stream.linear.gather [spmem:s6], $0x1400, $0x38;
	[tilespmem:$0x1BC80] =	vst v63  }
0x8e: {  	_ =	swait.ge [sflag:s28], $0x1400  }
0x8f: {  	[sflag:s28] =	ssyncset.done $0x0  }
0x90: {  	s2 =	sadd.s32 $0x0, s25;
	[sflag:s28] =	ssyncadd.s32 $0xFFFFEC00  }
0x91: {  	[hbm4b:s2+s3] =	stream.linear.scatter [tilespmem:s26], [sflag:$0x1], $0x1400, $0x38;
	[tilespmem:$0x1BC80] =	vst v63  }
0x92: {  	_ =	swait.ge [sflag:s28], $0x1400  }
0x93: {  	s4 =	smov.u32 s6;
	s2 =	simm.s32 $0x280;
	[sflag:s28] =	ssyncset.done $0x0  }
.LBB2_8:
0x94: {  	p0 =	sne.s32 s2, $0x2580;
	[sflag:s28] =	ssyncadd.s32 $0xFFFFEC00;
	s4 =	sadd.s32 $0x1400, s4  }
0x95: {  	[tilespmem:s26], [sflag:$0x1] =	stream.linear.gather [spmem:s4], $0x1400, $0x38;
	[tilespmem:$0x1BC80] =	vst v63  }
0x96: {  	s23 =	smov.u32 s2;
	s2 =	sadd.s32 $0x280, s2;
	_ =	swait.ge [sflag:s28], $0x1400  }
.Ltmp4:
0x97: {  	[sflag:s28] =	ssyncset.done $0x0;
	(pc) =	sbr.rel @p0 .LBB2_8-.Ltmp4, $4  }
0x98: {  	s23 =	sadd.s32 s23, s25;
	[sflag:s28] =	ssyncadd.s32 $0xFFFFEC00  }
0x99: {  	[hbm4b:s23+s3] =	stream.linear.scatter [tilespmem:s26], [sflag:$0x1], $0x1400, $0x38;
	[tilespmem:$0x1BC80] =	vst v63  }
0x9a: {  	_ =	swait.ge [sflag:s28], $0x1400  }
0x9b: {  	[sflag:s28] =	ssyncset.done $0x0  }
0x9c: {  	s0 =	sadd.s32 $0x1, s0  }
0x9d: {  	p0 =	sne.s32 s0, s8  }
.Ltmp5:
0x9e: {  	_ = 	snop;
	(pc) =	sbr.rel @p0 .LBB2_1-.Ltmp5, $2  }
0x9f: {  	_ =	sdelay $0x2  }
0xa0: {  	[sflag:s28] =	ssyncadd.s32 $0xFFFFEC00  }
0xa1: {  	_ =	sfence.sel $0x180000  }
0xa2: {  	[bflag:$0x0] =	sbarrier.arrive $0xFFFF  }
0xa3: {  	_ =	strace $0x90000053  }
0xa4: {  	s0 =	stileid.u32;
	[bflag:$0x2] =	sbarrier.arrive $0xFFFF  }
0xa5: {  	p0 =	sne.s32 s0, $0x0;
	s0 =	rddreg [dreg:$0x3]  }
0xa6: {  	s0 =	sadd.s32 @!p0 $0x100000, s0  }
0xa7: {  	[sflag:s0] =	ssyncadd.tile.s32 @!p0 $0x1;
	_ =	shalt  }
.Lfunc_end2:
_tile_overlayer_lowered:
.L_overlay_start_2:
0xa8: {  	(tag) =	ssettag $0x2  }
0xa9: {  	s0 =	rddreg [dreg:$0x0];
	s2 =	stileid.u32  }
0xaa: {  	s1 =	rddreg [dreg:$0x1];
	p0 =	sne.s32 s2, $0x0  }
0xab: {  	s3 =	rddreg [dreg:$0x2];
	[bflag:$0x3] =	sbarrier.arrive $0xFFFF;
	s2 =	simm.s32 @!p0 $0x1C01  }
0xac: {  	[timem:s3], [sflag:s2] =	dma.local @!p0 [hbm:s0], s1  }
0xad: {  	s0 =	simm.s32 @!p0 $0x1  }
0xae: {  	_ =	swait.ge @!p0 [sflag:s0], s1  }
0xaf: {  	s1 =	ssub.s32 @!p0 $0x0, s1;
	[sflag:s0] =	ssyncset.done @!p0 $0x0  }
0xb0: {  	[sflag:s0] =	ssyncadd.s32 @!p0 s1  }
0xb1: {  	[bflag:$0x3] =	sbarrier.arrive $0xFFFF  }
0xb2: {  	_ =	shalt  }

// kernel: kernel.29.cloned.1.call-start
scs
__scs_entry_jumppad:
0x0: {  	(pc) =	sbr.rel $0x88, $3  }
0x1: {  	(tag) =	ssettag $0x0;
	lr =	simm.s32 $0x1  }
0x2: {  	[smem:$0x3F98] =	sst lr;
	_ =	strace $0xD0000000  }
0x3: {  	_ = 	snop  }
0x4: {  	_ = 	snop  }
0x5: {  	_ = 	snop  }
0x6: {  	_ = 	snop  }
0x7: {  	_ = 	snop  }
__scs_overlays_trampoline_lowered:
0x8: {  	[smem:$0x3FA7] =	sst s0  }
0x9: {  	[smem:$0x3FA8] =	sst s1  }
0xa: {  	[smem:$0x3FA9] =	sst s2  }
0xb: {  	[smem:$0x3FAA] =	sst s3  }
0xc: {  	[smem:$0x3FAB] =	sst s4  }
0xd: {  	[smem:$0x3FAC] =	sst s5  }
0xe: {  	[smem:$0x3FAD] =	sst s6  }
0xf: {  	[smem:$0x3FAE] =	sst s7  }
0x10: {  	[smem:$0x3FAF] =	sst s8  }
0x11: {  	[smem:$0x3FB0] =	sst s9;
	s0 =	simm.s32 @!p0 $0x0  }
0x12: {  	s1 =	sld [smem:$0x3F96];
	s0 =	simm.s32 @p0 $0x1  }
0x13: {  	[smem:$0x3FB1] =	sst s0;
	s0 =	simm.s32 @!p1 $0x0  }
0x14: {  	s2 =	sld [smem:$0x3F95];
	s0 =	simm.s32 @p1 $0x1  }
0x15: {  	[smem:$0x3FB2] =	sst s0;
	s0 =	simm.s32 @!p2 $0x0  }
0x16: {  	s3 =	sld [smem:$0x3FDB];
	s0 =	simm.s32 @p2 $0x1  }
0x17: {  	s4 =	simm.s32 $0x1BF5;
	[smem:$0x3FB4] =	sst s0  }
0x18: {  	s0 =	sld [smem:$0x3F97];
	_ =	swait.ge [sflag:s4], $0x0  }
0x19: {  	s7 =	sld [smem:$0x3F98]  }
0x1a: {  	s8 =	sadd.s32 $0xFFFFE003, lr  }
0x1b: {  	s9 =	sadd.s32 $0xFFFFFEF7, lr;
	s5 =	simm.s32 $0xFFFFFFFF;
	p2 =	slt.u32 s8, $0xFFFFF086  }
0x1c: {  	p1 =	slt.u32 s9, $0xF7A;
	s5 =	simm.s32 @!p2 $0x0  }
0x1d: {  	s5 =	simm.s32 @p1 $0x1;
	p0 =	seq.s32 s7, s2  }
0x1e: {  	s7 =	smul.u32 @!p0 $0xF7A, s2;
	p2 =	seq.s32 @!p0 s5, $0x0  }
0x1f: {  	s9 =	smul.u32 $0xF7A, s1;
	s8 =	simm.s32 @!p0 $0x1BF5;
	p2 =	por !p2, p0  }
0x20: {  	[sflag:s8] =	ssyncset.s32 @!p0 $0xFFFFF086;
	s6 =	sadd.s32 @!p0 s3, s7;
	s7 =	simm.s32 @!p0 $0x108  }
0x21: {  	s3 =	sadd.s32 s3, s9;
	s6 =	sadd.s32 @!p0 $0x88, s6;
	s7 =	simm.s32 @p2 $0x1082  }
0x22: {  	[simem:s7], [sflag:s8] =	dma.local @!p0 [hbm:s6], $0xF7A  }
0x23: {  	s9 =	sor.u32 $0xD0000000, s2;
	s6 =	simm.s32 $0x108;
	_ =	swait.ge @!p0 [sflag:s8], $0x0  }
0x24: {  	s3 =	sadd.s32 $0x88, s3;
	s6 =	simm.s32 @!p1 $0x1082;
	[sflag:s4] =	ssyncset.s32 $0xFFFFF086  }
0x25: {  	[simem:s6], [sflag:s4] =	dma.local [hbm:s3], $0xF7A  }
0x26: {  	[smem:$0x3F98] =	sst s1;
	(tag) =	ssettag s2;
	_ =	strace s9  }
0x27: {  	s1 =	sld [smem:$0x3FA8]  }
0x28: {  	s2 =	sld [smem:$0x3FA9]  }
0x29: {  	s4 =	sld [smem:$0x3FAB]  }
0x2a: {  	p0 =	seq.s32 s5, $0x0;
	s5 =	sld [smem:$0x3FAC]  }
0x2b: {  	s6 =	sld [smem:$0x3FAD]  }
0x2c: {  	s7 =	sld [smem:$0x3FAE]  }
0x2d: {  	s3 =	simm.s32 $0x108;
	s8 =	sld [smem:$0x3FAF]  }
0x2e: {  	s3 =	simm.s32 @!p0 $0x1082;
	s9 =	sld [smem:$0x3FB0]  }
0x2f: {  	lr =	sadd.s32 s0, s3;
	s0 =	sld [smem:$0x3FA7]  }
0x30: {  	s3 =	sld [smem:$0x3FAA]  }
0x31: {  	[smem:$0x3FB3] =	sst s10  }
0x32: {  	s10 =	sld [smem:$0x3FB1];
	_ =	sdelay $0x3  }
0x33: {  	p0 =	seq.s32 s10, $0x1;
	s10 =	sld [smem:$0x3FB3];
	_ =	sdelay $0x3  }
0x34: {  	[smem:$0x3FB3] =	sst s10  }
0x35: {  	s10 =	sld [smem:$0x3FB2];
	_ =	sdelay $0x3  }
0x36: {  	p1 =	seq.s32 s10, $0x1;
	s10 =	sld [smem:$0x3FB3];
	_ =	sdelay $0x3  }
0x37: {  	[smem:$0x3FB3] =	sst s10  }
0x38: {  	s10 =	sld [smem:$0x3FB4]  }
0x39: {  	_ = 	snop;
	(pc) =	sbr.ind lr, $3  }
0x3a: {  	_ = 	snop  }
0x3b: {  	_ = 	snop  }
0x3c: {  	p2 =	seq.s32 s10, $0x1;
	s10 =	sld [smem:$0x3FB3]  }
0x3d: {  	_ =	shalt  }
0x3e: {  	_ =	shalt  }
0x3f: {  	_ =	shalt  }
0x40: {  	_ =	shalt  }
0x41: {  	_ =	shalt  }
0x42: {  	_ =	shalt  }
0x43: {  	_ =	shalt  }
0x44: {  	_ =	shalt  }
0x45: {  	_ =	shalt  }
0x46: {  	_ =	shalt  }
0x47: {  	_ =	shalt  }
0x48: {  	_ =	shalt  }
0x49: {  	_ =	shalt  }
0x4a: {  	_ =	shalt  }
0x4b: {  	_ =	shalt  }
0x4c: {  	_ =	shalt  }
0x4d: {  	_ =	shalt  }
0x4e: {  	_ =	shalt  }
0x4f: {  	_ =	shalt  }
0x50: {  	_ =	shalt  }
0x51: {  	_ =	shalt  }
0x52: {  	_ =	shalt  }
0x53: {  	_ =	shalt  }
0x54: {  	_ =	shalt  }
0x55: {  	_ =	shalt  }
0x56: {  	_ =	shalt  }
0x57: {  	_ =	shalt  }
0x58: {  	_ =	shalt  }
0x59: {  	_ =	shalt  }
0x5a: {  	_ =	shalt  }
0x5b: {  	_ =	shalt  }
0x5c: {  	_ =	shalt  }
0x5d: {  	_ =	shalt  }
0x5e: {  	_ =	shalt  }
0x5f: {  	_ =	shalt  }
0x60: {  	_ =	shalt  }
0x61: {  	_ =	shalt  }
0x62: {  	_ =	shalt  }
0x63: {  	_ =	shalt  }
0x64: {  	_ =	shalt  }
0x65: {  	_ =	shalt  }
0x66: {  	_ =	shalt  }
0x67: {  	_ =	shalt  }
0x68: {  	_ =	shalt  }
0x69: {  	_ =	shalt  }
0x6a: {  	_ =	shalt  }
0x6b: {  	_ =	shalt  }
0x6c: {  	_ =	shalt  }
0x6d: {  	_ =	shalt  }
0x6e: {  	_ =	shalt  }
0x6f: {  	_ =	shalt  }
0x70: {  	_ =	shalt  }
0x71: {  	_ =	shalt  }
0x72: {  	_ =	shalt  }
0x73: {  	_ =	shalt  }
0x74: {  	_ =	shalt  }
0x75: {  	_ =	shalt  }
0x76: {  	_ =	shalt  }
0x77: {  	_ =	shalt  }
0x78: {  	_ =	shalt  }
0x79: {  	_ =	shalt  }
0x7a: {  	_ =	shalt  }
0x7b: {  	_ =	shalt  }
0x7c: {  	_ =	shalt  }
0x7d: {  	_ =	shalt  }
0x7e: {  	_ =	shalt  }
0x7f: {  	_ =	shalt  }
0x80: {  	_ =	shalt  }
0x81: {  	_ =	shalt  }
0x82: {  	_ =	shalt  }
0x83: {  	_ =	shalt  }
0x84: {  	_ =	shalt  }
0x85: {  	_ =	shalt  }
0x86: {  	_ =	shalt  }
0x87: {  	_ =	shalt  }
.Lfunc_end0:
.L_simem_size_0:
called_computation.5_lowered:
.L_overlay_start_0:
0x88: {  	s2 =	sld [smem:$0x3FD9]  }
0x89: {  	s3 =	sld [smem:$0x3FFE];
	_ =	sdelay $0x1  }
0x8a: {  	s1 =	srdreg.scid  }
0x8b: {  	s0 =	sand.u32 $0x1, s1  }
0x8c: {  	s17 =	sshll.u32 s0, $0xA;
	s2 =	sadd.s32 s3, s2  }
0x8d: {  	s2 =	sadd.s32 s2, s17  }
0x8e: {  	[smem:$0x3FBF] =	sst s2  }
0x8f: {  	_ = 	snop  }
0x90: {  	s2 =	sld [smem:$0x3FC7];
	(tm) =	ssettm $0x1  }
0x91: {  	s18 =	sld [smem:$0x3FFB];
	_ =	sdelay $0x3  }
0x92: {  	_ =	strace s18  }
0x93: {  	s3 =	sld [smem:$0x3FFC];
	_ =	sdelay $0x3  }
0x94: {  	_ =	strace s3  }
0x95: {  	s3 =	sld [smem:$0x3FFD];
	_ =	sdelay $0x3  }
0x96: {  	_ =	strace s3  }
0x97: {  	_ =	strace $0x8FFFFFFF  }
0x98: {  	s19 =	sld [smem:$0x3FDB];
	_ =	sdelay $0x1  }
0x99: {  	s4 =	simm.s32 $_scs_section_size  }
0x9a: {  	s5 =	simm.s32 $_size__tile_overlayer_lowered;
	s6 =	simm.s32 $_tile_overlayer_lowered  }
0x9b: {  	s22 =	simm.s32 $0x1BFF;
	s21 =	sshll.u32 s6, $0x1;
	s3 =	sadd.s32 s4, s19  }
0x9c: {  	s7 =	simm.s32 $0x0;
	s20 =	sshll.u32 s5, $0x1;
	s5 =	sadd.s32 s21, s3  }
0x9d: {  	[timem:s7], [sflag:s22] =	dma.local [hbm:s5], s20  }
0x9e: {  	_ =	swait.ge [sflag:s22], s20  }
0x9f: {  	s4 =	ssub.s32 $0x0, s20;
	[sflag:s22] =	ssyncset.done $0x0  }
0xa0: {  	[sflag:s22] =	ssyncadd.s32 s4;
	_ =	sdelay $0x1  }
0xa1: {  	s23 =	simm.s32 $0x1B8B  }
0xa2: {  	_ =	swait.ge [sflag:s23], $0x1  }
0xa3: {  	[sflag:s23] =	ssyncset.done $0x0  }
0xa4: {  	s25 =	simm.s32 $0x1B8E;
	s24 =	sld [smem:$0x3FFE];
	[sflag:s23] =	ssyncadd.s32 $0xFFFFFFFF  }
0xa5: {  	s26 =	simm.s32 $execute0_lowered;
	[smem:$0x3FD2] =	sst s25  }
0xa6: {  	s5 =	sshll.u32 s26, $0x1;
	_ =	strace $0x80000055;
	[dreg:$0x1] =	wrdreg $0xFFFFFFFF  }
0xa7: {  	s28 =	simm.s32 $_size_execute0_lowered;
	s3 =	sadd.s32 s3, s5;
	[dreg:$0x0] =	wrdreg $0x0  }
0xa8: {  	s5 =	sshll.u32 s28, $0x1;
	[dreg:$0x2] =	wrdreg s3  }
0xa9: {  	[dreg:$0x3] =	wrdreg s5  }
0xaa: {  	[dreg:$0x4] =	wrdreg $0xC0  }
0xab: {  	_ =	task [dreg:s7], $0x5FFFF  }
0xac: {  	[dreg:$0x1] =	wrdreg $0xFFFFFFFF  }
0xad: {  	[dreg:$0x0] =	wrdreg $0x60  }
0xae: {  	[dreg:$0x2] =	wrdreg s24  }
0xaf: {  	[dreg:$0x3] =	wrdreg s2  }
0xb0: {  	[dreg:$0x4] =	wrdreg $0x9  }
0xb1: {  	_ =	task.clear_ibuf [dreg:s7], $0x5FFFF;
	_ =	strace $0x90000055  }
0xb2: {  	s29 =	simm.s32 $0x9;
	_ =	strace $0x80000057  }
0xb3: {  	_ =	swait.ge [sflag:s29], $0x1  }
0xb4: {  	[sflag:s29] =	ssyncadd.s32 $0xFFFFFFFF  }
0xb5: {  	_ =	strace $0x90000057  }
0xb6: {  	_ =	sfence  }
0xb7: {  	s30 =	sld [smem:$0x0];
	_ =	sdelay $0x2  }
0xb8: {  	s31 =	sshll.u32 s1, $0xD;
	s1 =	sshrl.u32 s1, $0x2  }
0xb9: {  	s3 =	sand.u32 $0x4000, s31;
	s1 =	sadd.s32 s1, s30  }
0xba: {  	s0 =	sor.u32 s3, s0;
	s1 =	sshll.u32 s1, $0x11  }
0xbb: {  	s0 =	sor.u32 s1, s0  }
0xbc: {  	s0 =	sadd.s32 $0x8F2B, s0  }
0xbd: {  	[sflag:s0] =	ssyncadd.remote.s32 $0x1  }
0xbe: {  	_ =	sfence.sel $0xFFFF  }
0xbf: {  	[dreg:$0x0] =	wrdreg $0xFFFFFFFF;
	(pc) =	sbr.abs _section_cstart, $3  }
0xc0: {  	[dreg:$0x1] =	wrdreg $0xFFFFFFFF  }
0xc1: {  	_ =	task.clear_ibuf [dreg:s7], $0x2FFFF;
	_ =	strace $0x9FFFFFFF  }
0xc2: {  	(tm) =	ssettm $0x7FFFFFFF  }
0xc3: {  	_ =	shalt  }
tec
execute0_lowered:
.L_overlay_start_1:
0x0: {  	(tag) =	ssettag $0x1  }
0x1: {  	s2 =	rddreg [dreg:$0x0]  }
0x2: {  	s4 =	rddreg [dreg:$0x1];
	s1 =	stileid.u32  }
0x3: {  	s3 =	srdreg.scid;
	s0 =	rddreg [dreg:$0x2];
	s10 =	simm.s32 $0x3780  }
0x4: {  	s11 =	simm.s32 $0x3F80;
	s12 =	simm.s32 $0x4780;
	s13 =	simm.s32 $0x4F80  }
0x5: {  	s14 =	simm.s32 $0x5780;
	s15 =	simm.s32 $0x5F80;
	s16 =	simm.s32 $0x6780  }
0x6: {  	s17 =	simm.s32 $0x6F80;
	s18 =	simm.s32 $0x1;
	s5 =	sand.u32 $0x1, s3  }
0x7: {  	s6 =	sshll.u32 s1, $0x1;
	s3 =	simm.s32 $0x0;
	s7 =	smul.u32 $0x9C400, s1  }
0x8: {  	s6 =	sor.u32 s5, s6;
	s8 =	ssub.s32 $0x2, s5;
	s5 =	smul.u32 $0x4E200, s5  }
0x9: {  	s19 =	simm.s32 $0x0;
	[smem:$0x7FF] =	sst s3;
	s6 =	smul.u32 $0x2710, s6  }
0xa: {  	_ =	strace $0x80000056;
	s7 =	sadd.s32 s7, s2;
	s9 =	sshrl.u32 s8, $0x1  }
0xb: {  	v2 =	vlaneseq.u32;
	s8 =	ssub.s32 s8, s9;
	s31 =	sadd.s32 s5, s7;
	s7 =	simm.s32 $0x2  }
0xc: {  	vm0 =	vmmov $0xffff;
	v1 =	vshrl.u32 v2, $0x3;
	s9 =	simm.s32 $0x2F80;
	s6 =	sshrl.u32 s6, $0x3;
	s5 =	smax.u32 s8, $0x1  }
0xd: {  	v0 =	vand.u32 $0x7, v2;
	v2 =	vor.u32 $0x8, v2;
	v1 =	vmul.u32 $0x8, v1;
	s8 =	simm.s32 $0x2780;
	s4 =	sadd.s32 s4, s6;
	s6 =	sadd.s32 $0xEB6400, s31  }
.LBB2_1:
0xe: {  	[tilespmem:s3], [sflag:$0x2] =	stream.linear.gather [hbm4b:s4+s3], $0x2710, $0x38;
	[tilespmem:$0x7780] =	vst v63  }
0xf: {  	_ =	swait.ge [sflag:s7], $0x2710  }
0x10: {  	[sflag:s7] =	ssyncset.done $0x0  }
0x11: {  	s20 =	simm.s32 $0x20;
	s21 =	simm.s32 $0x0;
	[sflag:s7] =	ssyncadd.s32 $0xFFFFD8F0  }
.LBB2_2:
0x12: {  	v3 =	vld [tilespmem:s20+$0xFFFFFFE0];
	_ =	sdelay $0x4  }
0x13: {  	v4 =	vshll.u32 v3, $0x1  }
0x14: {  	v3 =	vand.u32 $0x7, v3;
	v4 =	vand.u32 $0xFFFFFFF0, v4  }
0x15: {  	v3 =	vor.u32 v3, v4  }
0x16: {  	v4 =	vperm.xlane v3, v0;
	_ =	sdelay $0x1  }
0x17: {  	v3 =	vperm.xlane v3, v2;
	v4 =	vadd.s32 v1, v4;
	_ =	sdelay $0x1  }
0x18: {  	v3 =	vadd.s32 v1, v3;
	_ =	sdelay $0x2  }
0x19: {  	[tilespmem:s8], [sflag:$0x1] =	stream.indirect_vreg.gather [hbm4b:s2+s3], $0x80, v4, vm0, $0xb8;
	[tilespmem:$0x7780] =	vst v63  }
0x1a: {  	_ = 	snop  }
0x1b: {  	[tilespmem:s9], [sflag:$0x1] =	stream.indirect_vreg.gather [hbm4b:s2+s3], $0x80, v3, vm0, $0xb8;
	[tilespmem:$0x7780] =	vst v63  }
0x1c: {  	v3 =	vld [tilespmem:s20+$0xFFFFFFF0];
	_ =	sdelay $0x4  }
0x1d: {  	v60 =	vshll.u32 v3, $0x1  }
0x1e: {  	v3 =	vand.u32 $0x7, v3;
	v4 =	vand.u32 $0xFFFFFFF0, v60  }
0x1f: {  	v3 =	vor.u32 v3, v4  }
0x20: {  	v4 =	vperm.xlane v3, v0;
	_ =	sdelay $0x1  }
0x21: {  	v3 =	vperm.xlane v3, v2;
	v4 =	vadd.s32 v1, v4;
	_ =	sdelay $0x1  }
0x22: {  	v3 =	vadd.s32 v1, v3;
	_ =	sdelay $0x2  }
0x23: {  	[tilespmem:s10], [sflag:$0x1] =	stream.indirect_vreg.gather [hbm4b:s2+s3], $0x80, v4, vm0, $0xb8;
	[tilespmem:$0x7780] =	vst v63  }
0x24: {  	_ = 	snop  }
0x25: {  	[tilespmem:s11], [sflag:$0x1] =	stream.indirect_vreg.gather [hbm4b:s2+s3], $0x80, v3, vm0, $0xb8;
	[tilespmem:$0x7780] =	vst v63  }
0x26: {  	v3 =	vld [tilespmem:s20+$0x0];
	_ =	sdelay $0x4  }
0x27: {  	v61 =	vshll.u32 v3, $0x1  }
0x28: {  	v3 =	vand.u32 $0x7, v3;
	v4 =	vand.u32 $0xFFFFFFF0, v61  }
0x29: {  	v3 =	vor.u32 v3, v4  }
0x2a: {  	v4 =	vperm.xlane v3, v0;
	_ =	sdelay $0x1  }
0x2b: {  	v3 =	vperm.xlane v3, v2;
	v4 =	vadd.s32 v1, v4;
	_ =	sdelay $0x1  }
0x2c: {  	v3 =	vadd.s32 v1, v3;
	_ =	sdelay $0x2  }
0x2d: {  	[tilespmem:s12], [sflag:$0x1] =	stream.indirect_vreg.gather [hbm4b:s2+s3], $0x80, v4, vm0, $0xb8;
	[tilespmem:$0x7780] =	vst v63  }
0x2e: {  	_ = 	snop  }
0x2f: {  	[tilespmem:s13], [sflag:$0x1] =	stream.indirect_vreg.gather [hbm4b:s2+s3], $0x80, v3, vm0, $0xb8;
	[tilespmem:$0x7780] =	vst v63  }
0x30: {  	v3 =	vld [tilespmem:s20+$0x10];
	_ =	sdelay $0x4  }
0x31: {  	v62 =	vshll.u32 v3, $0x1  }
0x32: {  	v3 =	vand.u32 $0x7, v3;
	v4 =	vand.u32 $0xFFFFFFF0, v62  }
0x33: {  	v3 =	vor.u32 v3, v4  }
0x34: {  	v4 =	vperm.xlane v3, v0;
	_ =	sdelay $0x1  }
0x35: {  	v3 =	vperm.xlane v3, v2;
	v4 =	vadd.s32 v1, v4;
	_ =	sdelay $0x1  }
0x36: {  	v3 =	vadd.s32 v1, v3;
	_ =	sdelay $0x2  }
0x37: {  	[tilespmem:s14], [sflag:$0x1] =	stream.indirect_vreg.gather [hbm4b:s2+s3], $0x80, v4, vm0, $0xb8;
	[tilespmem:$0x7780] =	vst v63  }
0x38: {  	_ = 	snop  }
0x39: {  	[tilespmem:s15], [sflag:$0x1] =	stream.indirect_vreg.gather [hbm4b:s2+s3], $0x80, v3, vm0, $0xb8;
	[tilespmem:$0x7780] =	vst v63  }
0x3a: {  	v3 =	vld [tilespmem:s20+$0x20];
	_ =	sdelay $0x4  }
0x3b: {  	v63 =	vshll.u32 v3, $0x1  }
0x3c: {  	v3 =	vand.u32 $0x7, v3;
	v4 =	vand.u32 $0xFFFFFFF0, v63  }
0x3d: {  	v3 =	vor.u32 v3, v4  }
0x3e: {  	v4 =	vperm.xlane v3, v0;
	_ =	sdelay $0x1  }
0x3f: {  	v3 =	vperm.xlane v3, v2;
	v4 =	vadd.s32 v1, v4;
	_ =	sdelay $0x1  }
0x40: {  	v3 =	vadd.s32 v1, v3;
	_ =	sdelay $0x2  }
0x41: {  	[tilespmem:s16], [sflag:$0x1] =	stream.indirect_vreg.gather [hbm4b:s2+s3], $0x80, v4, vm0, $0xb8;
	[tilespmem:$0x7780] =	vst v63  }
0x42: {  	_ = 	snop  }
0x43: {  	[tilespmem:s17], [sflag:$0x1] =	stream.indirect_vreg.gather [hbm4b:s2+s3], $0x80, v3, vm0, $0xb8;
	[tilespmem:$0x7780] =	vst v63  }
0x44: {  	_ =	swait.ge [sflag:s18], $0x5000  }
0x45: {  	p0 =	sne.s32 s21, $0x4D800;
	[sflag:s18] =	ssyncset.done $0x0  }
.Ltmp0:
0x46: {  	s22 =	sadd.s32 s21, s6;
	[sflag:s18] =	ssyncadd.s32 $0xFFFFB000;
	(pc) =	sbr.rel @p0 .LBB2_2-.Ltmp0, $4  }
0x47: {  	[hbm4b:s22+s3] =	stream.linear.scatter [tilespmem:s8], [sflag:$0x2], $0x5000, $0x38;
	[tilespmem:$0x7780] =	vst v63  }
0x48: {  	_ =	swait.ge [sflag:s7], $0x5000  }
0x49: {  	[sflag:s7] =	ssyncset.done $0x0  }
0x4a: {  	s21 =	sadd.s32 $0xA00, s21;
	s20 =	sadd.s32 $0x50, s20;
	[sflag:s7] =	ssyncadd.s32 $0xFFFFB000  }
0x4b: {  	s19 =	sadd.s32 $0x1, s19  }
0x4c: {  	p0 =	sne.s32 s19, s5  }
.Ltmp1:
0x4d: {  	_ = 	snop;
	(pc) =	sbr.rel @p0 .LBB2_1-.Ltmp1, $1  }
0x4e: {  	_ =	sdelay $0x3  }
0x4f: {  	_ =	sfence.sel $0x180000  }
0x50: {  	[bflag:$0x0] =	sbarrier.arrive $0xFFFF  }
0x51: {  	p0 =	sne.s32 s1, $0x0;
	_ =	strace $0x90000056  }
0x52: {  	s0 =	sadd.s32 @!p0 $0x100000, s0;
	[bflag:$0x2] =	sbarrier.arrive $0xFFFF  }
0x53: {  	[sflag:s0] =	ssyncadd.tile.s32 @!p0 $0x1;
	_ =	shalt  }
.Lfunc_end2:
_tile_overlayer_lowered:
.L_overlay_start_2:
0x54: {  	(tag) =	ssettag $0x2  }
0x55: {  	s0 =	rddreg [dreg:$0x0];
	s2 =	stileid.u32  }
0x56: {  	s1 =	rddreg [dreg:$0x1];
	p0 =	sne.s32 s2, $0x0  }
0x57: {  	s3 =	rddreg [dreg:$0x2];
	[bflag:$0x3] =	sbarrier.arrive $0xFFFF;
	s2 =	simm.s32 @!p0 $0x1C02  }
0x58: {  	[timem:s3], [sflag:s2] =	dma.local @!p0 [hbm:s0], s1  }
0x59: {  	s0 =	simm.s32 @!p0 $0x2  }
0x5a: {  	_ =	swait.ge @!p0 [sflag:s0], s1  }
0x5b: {  	s1 =	ssub.s32 @!p0 $0x0, s1;
	[sflag:s0] =	ssyncset.done @!p0 $0x0  }
0x5c: {  	[sflag:s0] =	ssyncadd.s32 @!p0 s1  }
0x5d: {  	[bflag:$0x3] =	sbarrier.arrive $0xFFFF  }
0x5e: {  	_ =	shalt  }

// kernel: kernel.32.cloned.1.call-start
scs
__scs_entry_jumppad:
0x0: {  	(pc) =	sbr.rel $0x88, $3  }
0x1: {  	(tag) =	ssettag $0x0;
	lr =	simm.s32 $0x1  }
0x2: {  	[smem:$0x3F98] =	sst lr;
	_ =	strace $0xD0000000  }
0x3: {  	_ = 	snop  }
0x4: {  	_ = 	snop  }
0x5: {  	_ = 	snop  }
0x6: {  	_ = 	snop  }
0x7: {  	_ = 	snop  }
__scs_overlays_trampoline_lowered:
0x8: {  	[smem:$0x3FA7] =	sst s0  }
0x9: {  	[smem:$0x3FA8] =	sst s1  }
0xa: {  	[smem:$0x3FA9] =	sst s2  }
0xb: {  	[smem:$0x3FAA] =	sst s3  }
0xc: {  	[smem:$0x3FAB] =	sst s4  }
0xd: {  	[smem:$0x3FAC] =	sst s5  }
0xe: {  	[smem:$0x3FAD] =	sst s6  }
0xf: {  	[smem:$0x3FAE] =	sst s7  }
0x10: {  	[smem:$0x3FAF] =	sst s8  }
0x11: {  	[smem:$0x3FB0] =	sst s9;
	s0 =	simm.s32 @!p0 $0x0  }
0x12: {  	s1 =	sld [smem:$0x3F96];
	s0 =	simm.s32 @p0 $0x1  }
0x13: {  	[smem:$0x3FB1] =	sst s0;
	s0 =	simm.s32 @!p1 $0x0  }
0x14: {  	s2 =	sld [smem:$0x3F95];
	s0 =	simm.s32 @p1 $0x1  }
0x15: {  	[smem:$0x3FB2] =	sst s0;
	s0 =	simm.s32 @!p2 $0x0  }
0x16: {  	s3 =	sld [smem:$0x3FDB];
	s0 =	simm.s32 @p2 $0x1  }
0x17: {  	s4 =	simm.s32 $0x1BF5;
	[smem:$0x3FB4] =	sst s0  }
0x18: {  	s0 =	sld [smem:$0x3F97];
	_ =	swait.ge [sflag:s4], $0x0  }
0x19: {  	s7 =	sld [smem:$0x3F98]  }
0x1a: {  	s8 =	sadd.s32 $0xFFFFE003, lr  }
0x1b: {  	s9 =	sadd.s32 $0xFFFFFEF7, lr;
	s5 =	simm.s32 $0xFFFFFFFF;
	p2 =	slt.u32 s8, $0xFFFFF086  }
0x1c: {  	p1 =	slt.u32 s9, $0xF7A;
	s5 =	simm.s32 @!p2 $0x0  }
0x1d: {  	s5 =	simm.s32 @p1 $0x1;
	p0 =	seq.s32 s7, s2  }
0x1e: {  	s7 =	smul.u32 @!p0 $0xF7A, s2;
	p2 =	seq.s32 @!p0 s5, $0x0  }
0x1f: {  	s9 =	smul.u32 $0xF7A, s1;
	s8 =	simm.s32 @!p0 $0x1BF5;
	p2 =	por !p2, p0  }
0x20: {  	[sflag:s8] =	ssyncset.s32 @!p0 $0xFFFFF086;
	s6 =	sadd.s32 @!p0 s3, s7;
	s7 =	simm.s32 @!p0 $0x108  }
0x21: {  	s3 =	sadd.s32 s3, s9;
	s6 =	sadd.s32 @!p0 $0x88, s6;
	s7 =	simm.s32 @p2 $0x1082  }
0x22: {  	[simem:s7], [sflag:s8] =	dma.local @!p0 [hbm:s6], $0xF7A  }
0x23: {  	s9 =	sor.u32 $0xD0000000, s2;
	s6 =	simm.s32 $0x108;
	_ =	swait.ge @!p0 [sflag:s8], $0x0  }
0x24: {  	s3 =	sadd.s32 $0x88, s3;
	s6 =	simm.s32 @!p1 $0x1082;
	[sflag:s4] =	ssyncset.s32 $0xFFFFF086  }
0x25: {  	[simem:s6], [sflag:s4] =	dma.local [hbm:s3], $0xF7A  }
0x26: {  	[smem:$0x3F98] =	sst s1;
	(tag) =	ssettag s2;
	_ =	strace s9  }
0x27: {  	s1 =	sld [smem:$0x3FA8]  }
0x28: {  	s2 =	sld [smem:$0x3FA9]  }
0x29: {  	s4 =	sld [smem:$0x3FAB]  }
0x2a: {  	p0 =	seq.s32 s5, $0x0;
	s5 =	sld [smem:$0x3FAC]  }
0x2b: {  	s6 =	sld [smem:$0x3FAD]  }
0x2c: {  	s7 =	sld [smem:$0x3FAE]  }
0x2d: {  	s3 =	simm.s32 $0x108;
	s8 =	sld [smem:$0x3FAF]  }
0x2e: {  	s3 =	simm.s32 @!p0 $0x1082;
	s9 =	sld [smem:$0x3FB0]  }
0x2f: {  	lr =	sadd.s32 s0, s3;
	s0 =	sld [smem:$0x3FA7]  }
0x30: {  	s3 =	sld [smem:$0x3FAA]  }
0x31: {  	[smem:$0x3FB3] =	sst s10  }
0x32: {  	s10 =	sld [smem:$0x3FB1];
	_ =	sdelay $0x3  }
0x33: {  	p0 =	seq.s32 s10, $0x1;
	s10 =	sld [smem:$0x3FB3];
	_ =	sdelay $0x3  }
0x34: {  	[smem:$0x3FB3] =	sst s10  }
0x35: {  	s10 =	sld [smem:$0x3FB2];
	_ =	sdelay $0x3  }
0x36: {  	p1 =	seq.s32 s10, $0x1;
	s10 =	sld [smem:$0x3FB3];
	_ =	sdelay $0x3  }
0x37: {  	[smem:$0x3FB3] =	sst s10  }
0x38: {  	s10 =	sld [smem:$0x3FB4]  }
0x39: {  	_ = 	snop;
	(pc) =	sbr.ind lr, $3  }
0x3a: {  	_ = 	snop  }
0x3b: {  	_ = 	snop  }
0x3c: {  	p2 =	seq.s32 s10, $0x1;
	s10 =	sld [smem:$0x3FB3]  }
0x3d: {  	_ =	shalt  }
0x3e: {  	_ =	shalt  }
0x3f: {  	_ =	shalt  }
0x40: {  	_ =	shalt  }
0x41: {  	_ =	shalt  }
0x42: {  	_ =	shalt  }
0x43: {  	_ =	shalt  }
0x44: {  	_ =	shalt  }
0x45: {  	_ =	shalt  }
0x46: {  	_ =	shalt  }
0x47: {  	_ =	shalt  }
0x48: {  	_ =	shalt  }
0x49: {  	_ =	shalt  }
0x4a: {  	_ =	shalt  }
0x4b: {  	_ =	shalt  }
0x4c: {  	_ =	shalt  }
0x4d: {  	_ =	shalt  }
0x4e: {  	_ =	shalt  }
0x4f: {  	_ =	shalt  }
0x50: {  	_ =	shalt  }
0x51: {  	_ =	shalt  }
0x52: {  	_ =	shalt  }
0x53: {  	_ =	shalt  }
0x54: {  	_ =	shalt  }
0x55: {  	_ =	shalt  }
0x56: {  	_ =	shalt  }
0x57: {  	_ =	shalt  }
0x58: {  	_ =	shalt  }
0x59: {  	_ =	shalt  }
0x5a: {  	_ =	shalt  }
0x5b: {  	_ =	shalt  }
0x5c: {  	_ =	shalt  }
0x5d: {  	_ =	shalt  }
0x5e: {  	_ =	shalt  }
0x5f: {  	_ =	shalt  }
0x60: {  	_ =	shalt  }
0x61: {  	_ =	shalt  }
0x62: {  	_ =	shalt  }
0x63: {  	_ =	shalt  }
0x64: {  	_ =	shalt  }
0x65: {  	_ =	shalt  }
0x66: {  	_ =	shalt  }
0x67: {  	_ =	shalt  }
0x68: {  	_ =	shalt  }
0x69: {  	_ =	shalt  }
0x6a: {  	_ =	shalt  }
0x6b: {  	_ =	shalt  }
0x6c: {  	_ =	shalt  }
0x6d: {  	_ =	shalt  }
0x6e: {  	_ =	shalt  }
0x6f: {  	_ =	shalt  }
0x70: {  	_ =	shalt  }
0x71: {  	_ =	shalt  }
0x72: {  	_ =	shalt  }
0x73: {  	_ =	shalt  }
0x74: {  	_ =	shalt  }
0x75: {  	_ =	shalt  }
0x76: {  	_ =	shalt  }
0x77: {  	_ =	shalt  }
0x78: {  	_ =	shalt  }
0x79: {  	_ =	shalt  }
0x7a: {  	_ =	shalt  }
0x7b: {  	_ =	shalt  }
0x7c: {  	_ =	shalt  }
0x7d: {  	_ =	shalt  }
0x7e: {  	_ =	shalt  }
0x7f: {  	_ =	shalt  }
0x80: {  	_ =	shalt  }
0x81: {  	_ =	shalt  }
0x82: {  	_ =	shalt  }
0x83: {  	_ =	shalt  }
0x84: {  	_ =	shalt  }
0x85: {  	_ =	shalt  }
0x86: {  	_ =	shalt  }
0x87: {  	_ =	shalt  }
.Lfunc_end0:
.L_simem_size_0:
called_computation.6_lowered:
.L_overlay_start_0:
0x88: {  	s2 =	sld [smem:$0x3FD9]  }
0x89: {  	s3 =	sld [smem:$0x3FFE];
	_ =	sdelay $0x1  }
0x8a: {  	s1 =	srdreg.scid  }
0x8b: {  	s0 =	sand.u32 $0x1, s1  }
0x8c: {  	s17 =	sshll.u32 s0, $0xA;
	s2 =	sadd.s32 s3, s2  }
0x8d: {  	s2 =	sadd.s32 s2, s17  }
0x8e: {  	[smem:$0x3FBF] =	sst s2  }
0x8f: {  	_ = 	snop  }
0x90: {  	s18 =	sld [smem:$0x3FD0];
	(tm) =	ssettm $0x1  }
0x91: {  	s19 =	sld [smem:$0x3FFB];
	_ =	sdelay $0x3  }
0x92: {  	_ =	strace s19  }
0x93: {  	s2 =	sld [smem:$0x3FFC];
	_ =	sdelay $0x3  }
0x94: {  	_ =	strace s2  }
0x95: {  	s2 =	sld [smem:$0x3FFD];
	_ =	sdelay $0x3  }
0x96: {  	_ =	strace s2  }
0x97: {  	_ =	strace $0x8FFFFFFF  }
0x98: {  	s20 =	sld [smem:$0x3FDB];
	_ =	sdelay $0x1  }
0x99: {  	s4 =	simm.s32 $_scs_section_size  }
0x9a: {  	s5 =	simm.s32 $_size__tile_overlayer_lowered;
	s6 =	simm.s32 $_tile_overlayer_lowered  }
0x9b: {  	s7 =	simm.s32 $0x1BFF;
	s21 =	sshll.u32 s6, $0x1;
	s4 =	sadd.s32 s4, s20  }
0x9c: {  	s22 =	simm.s32 $0x0;
	s5 =	sshll.u32 s5, $0x1;
	s6 =	sadd.s32 s21, s4  }
0x9d: {  	[timem:s22], [sflag:s7] =	dma.local [hbm:s6], s5  }
0x9e: {  	_ =	swait.ge [sflag:s7], s5  }
0x9f: {  	s5 =	ssub.s32 $0x0, s5;
	[sflag:s7] =	ssyncset.done $0x0  }
0xa0: {  	[sflag:s7] =	ssyncadd.s32 s5;
	_ =	sdelay $0x1  }
0xa1: {  	s23 =	simm.s32 $0x1B8B  }
0xa2: {  	_ =	swait.ge [sflag:s23], $0x1  }
0xa3: {  	[sflag:s23] =	ssyncset.done $0x0  }
0xa4: {  	[sflag:s23] =	ssyncadd.s32 $0xFFFFFFFF  }
0xa5: {  	s5 =	sld [smem:$0x0]  }
0xa6: {  	s6 =	sand.u32 $0xFFFFFFFE, s1  }
0xa7: {  	p0 =	sne.s32 s1, s6  }
0xa8: {  	s6 =	sshll.u32 @p0 s6, $0xE  }
0xa9: {  	s6 =	sadd.s32 @p0 $0x11B8D, s6;
	s7 =	sshll.u32 @p0 s5, $0x11  }
0xaa: {  	s6 =	sor.u32 @p0 s7, s6  }
0xab: {  	[sflag:s6] =	ssyncadd.remote.s32 @p0 $0x1;
	_ =	sdelay $0x1  }
0xac: {  	s6 =	simm.s32 @p0 $0x1B8D  }
0xad: {  	_ =	swait.eq @p0 [sflag:s6], $0x1  }
0xae: {  	[sflag:s6] =	ssyncadd.s32 @p0 $0xFFFFFFFF  }
0xaf: {  	s7 =	sshll.u32 @!p0 s1, $0xE  }
0xb0: {  	s7 =	sor.u32 @!p0 $0x4000, s7;
	s6 =	simm.s32 @!p0 $0x1B8D  }
0xb1: {  	s5 =	sshll.u32 @!p0 s5, $0x11;
	s7 =	sadd.s32 @!p0 $0x11B8D, s7;
	_ =	swait.eq @!p0 [sflag:s6], $0x1  }
0xb2: {  	s5 =	sor.u32 @!p0 s5, s7;
	[sflag:s6] =	ssyncadd.s32 @!p0 $0xFFFFFFFF  }
0xb3: {  	s25 =	simm.s32 $0x1B8E;
	s24 =	sld [smem:$0x3FFE];
	[sflag:s5] =	ssyncadd.remote.s32 @!p0 $0x1  }
0xb4: {  	s26 =	simm.s32 $execute0_lowered;
	[smem:$0x3FD2] =	sst s25  }
0xb5: {  	s6 =	sshll.u32 s26, $0x1;
	_ =	strace $0x8000005B;
	[dreg:$0x1] =	wrdreg $0xFFFFFFFF  }
0xb6: {  	s28 =	simm.s32 $_size_execute0_lowered;
	s4 =	sadd.s32 s4, s6;
	[dreg:$0x0] =	wrdreg $0x0  }
0xb7: {  	s6 =	sshll.u32 s28, $0x1;
	[dreg:$0x2] =	wrdreg s4  }
0xb8: {  	[dreg:$0x3] =	wrdreg s6  }
0xb9: {  	[dreg:$0x4] =	wrdreg $0xC0  }
0xba: {  	_ =	task [dreg:s22], $0x5FFFF  }
0xbb: {  	[dreg:$0x1] =	wrdreg $0xFFFFFFFF  }
0xbc: {  	[dreg:$0x0] =	wrdreg $0x60  }
0xbd: {  	[dreg:$0x2] =	wrdreg s24  }
0xbe: {  	[dreg:$0x3] =	wrdreg s18  }
0xbf: {  	[dreg:$0x4] =	wrdreg $0x7C800  }
0xc0: {  	[dreg:$0x5] =	wrdreg $0x9  }
0xc1: {  	_ =	task.clear_ibuf [dreg:s22], $0x6FFFF;
	_ =	strace $0x9000005B  }
0xc2: {  	s29 =	simm.s32 $0x9;
	_ =	strace $0x8000005D  }
0xc3: {  	_ =	swait.ge [sflag:s29], $0x1  }
0xc4: {  	[sflag:s29] =	ssyncadd.s32 $0xFFFFFFFF  }
0xc5: {  	_ =	strace $0x9000005D  }
0xc6: {  	_ =	sfence  }
0xc7: {  	s30 =	sld [smem:$0x0];
	_ =	sdelay $0x2  }
0xc8: {  	s31 =	sshll.u32 s1, $0xD;
	s1 =	sshrl.u32 s1, $0x2  }
0xc9: {  	s4 =	sand.u32 $0x4000, s31;
	s1 =	sadd.s32 s1, s30  }
0xca: {  	s0 =	sor.u32 s4, s0;
	s1 =	sshll.u32 s1, $0x11  }
0xcb: {  	s0 =	sor.u32 s1, s0  }
0xcc: {  	s0 =	sadd.s32 $0x8F2B, s0  }
0xcd: {  	[sflag:s0] =	ssyncadd.remote.s32 $0x1  }
0xce: {  	_ =	sfence.sel $0xFFFF  }
0xcf: {  	[dreg:$0x0] =	wrdreg $0xFFFFFFFF;
	(pc) =	sbr.abs _section_cstart, $3  }
0xd0: {  	[dreg:$0x1] =	wrdreg $0xFFFFFFFF  }
0xd1: {  	_ =	task.clear_ibuf [dreg:s22], $0x2FFFF;
	_ =	strace $0x9FFFFFFF  }
0xd2: {  	(tm) =	ssettm $0x7FFFFFFF  }
0xd3: {  	_ =	shalt  }
tec
execute0_lowered:
.L_overlay_start_1:
0x0: {  	(tag) =	ssettag $0x1  }
0x1: {  	s0 =	rddreg [dreg:$0x0]  }
0x2: {  	s2 =	rddreg [dreg:$0x1]  }
0x3: {  	s1 =	rddreg [dreg:$0x2];
	s18 =	stileid.u32  }
0x4: {  	s3 =	srdreg.scid;
	s28 =	simm.s32 $0x1;
	s6 =	smul.u32 $0x14000, s18  }
0x5: {  	s30 =	simm.s32 $0x4080;
	s31 =	simm.s32 $0x50;
	s24 =	smul.u32 $0x50000, s18  }
0x6: {  	s4 =	sand.u32 $0x1, s3;
	s3 =	simm.s32 $0x0;
	s29 =	smul.u32 $0x4E20, s18  }
0x7: {  	s7 =	sshll.u32 s18, $0x1;
	s8 =	sadd.s32 $0x187A400, s0;
	s5 =	smul.u32 $0x140000, s4  }
0x8: {  	[smem:$0x7FF] =	sst s3;
	s7 =	sor.u32 s4, s7;
	s25 =	ssub.s32 $0x2, s4  }
0x9: {  	s4 =	smul.u32 $0x2710, s4;
	_ =	strace $0x8000005C;
	[dreg:$0x4] =	wrdreg s8  }
0xa: {  	s23 =	sshll.u32 s7, $0x1;
	s26 =	sshrl.u32 s25, $0x1;
	s7 =	sshll.u32 s7, $0xB  }
0xb: {  	s8 =	sshrl.u32 s24, $0x2;
	s5 =	sadd.s32 s6, s5;
	s9 =	sadd.s32 s23, s0  }
0xc: {  	s10 =	ssub.s32 s25, s26;
	s6 =	sadd.s32 s8, s1;
	s26 =	simm.s32 $0x6880  }
0xd: {  	s5 =	sshrl.u32 s5, $0x3;
	s8 =	smax.u32 s10, $0x1;
	s10 =	sadd.s32 $0x2800, s6  }
0xe: {  	s11 =	sadd.s32 $0x3C00, s6;
	s12 =	sadd.s32 $0x5000, s6;
	s13 =	sadd.s32 $0x6400, s6  }
0xf: {  	s14 =	sadd.s32 $0x7800, s6;
	s15 =	sadd.s32 $0x8C00, s6;
	s16 =	sadd.s32 $0xA000, s6  }
0x10: {  	s17 =	sadd.s32 $0xB400, s6;
	s18 =	sadd.s32 $0xC800, s6;
	s19 =	sadd.s32 $0xDC00, s6  }
0x11: {  	s20 =	sadd.s32 $0xF000, s6;
	s21 =	sadd.s32 $0x10400, s6;
	s22 =	sadd.s32 $0x11800, s6  }
0x12: {  	s24 =	sadd.s32 $0x12C00, s6;
	s0 =	sadd.s32 s5, s0;
	s5 =	sadd.s32 s2, s7  }
0x13: {  	s7 =	sadd.s32 $0x9C600, s9;
	s9 =	sadd.s32 $0x1400, s6;
	s2 =	sadd.s32 s4, s29  }
0x14: {  	v0 =	vimm.f32 $0.0e+00;
	[dreg:$0x5] =	wrdreg s2;
	s25 =	sadd.s32 $0x57E800, s0;
	s0 =	simm.s32 $0x0  }
.LBB2_1:
0x15: {  	s2 =	simm.s32 $0x70;
	s4 =	simm.s32 $0x3C0  }
.LBB2_2:
0x16: {  	p0 =	sne.s32 s4, $0x4FC0;
	[tilespmem:s2+$0x6880] =	vst v0  }
0x17: {  	[tilespmem:s2+$0x6810] =	vst v0  }
0x18: {  	[tilespmem:s2+$0x6820] =	vst v0  }
.Ltmp0:
0x19: {  	[tilespmem:s2+$0x6830] =	vst v0;
	(pc) =	sbr.rel @p0 .LBB2_2-.Ltmp0, $4  }
0x1a: {  	[tilespmem:s2+$0x6840] =	vst v0  }
0x1b: {  	[tilespmem:s2+$0x6850] =	vst v0  }
0x1c: {  	[tilespmem:s2+$0x6860] =	vst v0  }
0x1d: {  	[tilespmem:s2+$0x6870] =	vst v0;
	s2 =	sshra.s32 s4, $0x2;
	s4 =	sadd.s32 $0x200, s4  }
0x1e: {  	[tilespmem:s2+$0x6880] =	vst v0  }
0x1f: {  	[tilespmem:s2+$0x6810] =	vst v0  }
0x20: {  	[tilespmem:s2+$0x6820] =	vst v0  }
0x21: {  	[tilespmem:s2+$0x6830] =	vst v0  }
0x22: {  	[tilespmem:s2+$0x6840] =	vst v0  }
0x23: {  	[tilespmem:s2+$0x6850] =	vst v0  }
0x24: {  	[tilespmem:s2+$0x6860] =	vst v0  }
0x25: {  	[tilespmem:s2+$0x6870] =	vst v0  }
0x26: {  	[spmem:s6] =	stream.linear.scatter [tilespmem:s26], [sflag:$0x1], $0x1400, $0x38;
	[tilespmem:$0x1BC80] =	vst v63  }
0x27: {  	_ =	swait.ge [sflag:s28], $0x1400  }
0x28: {  	[sflag:s28] =	ssyncset.done $0x0  }
0x29: {  	[sflag:s28] =	ssyncadd.s32 $0xFFFFEC00  }
0x2a: {  	[spmem:s9] =	stream.linear.scatter [tilespmem:s26], [sflag:$0x1], $0x1400, $0x38;
	[tilespmem:$0x1BC80] =	vst v63  }
0x2b: {  	_ =	swait.ge [sflag:s28], $0x1400  }
0x2c: {  	[sflag:s28] =	ssyncset.done $0x0  }
0x2d: {  	[sflag:s28] =	ssyncadd.s32 $0xFFFFEC00  }
0x2e: {  	[spmem:s10] =	stream.linear.scatter [tilespmem:s26], [sflag:$0x1], $0x1400, $0x38;
	[tilespmem:$0x1BC80] =	vst v63  }
0x2f: {  	_ =	swait.ge [sflag:s28], $0x1400  }
0x30: {  	[sflag:s28] =	ssyncset.done $0x0  }
0x31: {  	[sflag:s28] =	ssyncadd.s32 $0xFFFFEC00  }
0x32: {  	[spmem:s11] =	stream.linear.scatter [tilespmem:s26], [sflag:$0x1], $0x1400, $0x38;
	[tilespmem:$0x1BC80] =	vst v63  }
0x33: {  	_ =	swait.ge [sflag:s28], $0x1400  }
0x34: {  	[sflag:s28] =	ssyncset.done $0x0  }
0x35: {  	[sflag:s28] =	ssyncadd.s32 $0xFFFFEC00  }
0x36: {  	[spmem:s12] =	stream.linear.scatter [tilespmem:s26], [sflag:$0x1], $0x1400, $0x38;
	[tilespmem:$0x1BC80] =	vst v63  }
0x37: {  	_ =	swait.ge [sflag:s28], $0x1400  }
0x38: {  	[sflag:s28] =	ssyncset.done $0x0  }
0x39: {  	[sflag:s28] =	ssyncadd.s32 $0xFFFFEC00  }
0x3a: {  	[spmem:s13] =	stream.linear.scatter [tilespmem:s26], [sflag:$0x1], $0x1400, $0x38;
	[tilespmem:$0x1BC80] =	vst v63  }
0x3b: {  	_ =	swait.ge [sflag:s28], $0x1400  }
0x3c: {  	[sflag:s28] =	ssyncset.done $0x0  }
0x3d: {  	[sflag:s28] =	ssyncadd.s32 $0xFFFFEC00  }
0x3e: {  	[spmem:s14] =	stream.linear.scatter [tilespmem:s26], [sflag:$0x1], $0x1400, $0x38;
	[tilespmem:$0x1BC80] =	vst v63  }
0x3f: {  	_ =	swait.ge [sflag:s28], $0x1400  }
0x40: {  	[sflag:s28] =	ssyncset.done $0x0  }
0x41: {  	[sflag:s28] =	ssyncadd.s32 $0xFFFFEC00  }
0x42: {  	[spmem:s15] =	stream.linear.scatter [tilespmem:s26], [sflag:$0x1], $0x1400, $0x38;
	[tilespmem:$0x1BC80] =	vst v63  }
0x43: {  	_ =	swait.ge [sflag:s28], $0x1400  }
0x44: {  	[sflag:s28] =	ssyncset.done $0x0  }
0x45: {  	[sflag:s28] =	ssyncadd.s32 $0xFFFFEC00  }
0x46: {  	[spmem:s16] =	stream.linear.scatter [tilespmem:s26], [sflag:$0x1], $0x1400, $0x38;
	[tilespmem:$0x1BC80] =	vst v63  }
0x47: {  	_ =	swait.ge [sflag:s28], $0x1400  }
0x48: {  	[sflag:s28] =	ssyncset.done $0x0  }
0x49: {  	[sflag:s28] =	ssyncadd.s32 $0xFFFFEC00  }
0x4a: {  	[spmem:s17] =	stream.linear.scatter [tilespmem:s26], [sflag:$0x1], $0x1400, $0x38;
	[tilespmem:$0x1BC80] =	vst v63  }
0x4b: {  	_ =	swait.ge [sflag:s28], $0x1400  }
0x4c: {  	[sflag:s28] =	ssyncset.done $0x0  }
0x4d: {  	[sflag:s28] =	ssyncadd.s32 $0xFFFFEC00  }
0x4e: {  	[spmem:s18] =	stream.linear.scatter [tilespmem:s26], [sflag:$0x1], $0x1400, $0x38;
	[tilespmem:$0x1BC80] =	vst v63  }
0x4f: {  	_ =	swait.ge [sflag:s28], $0x1400  }
0x50: {  	[sflag:s28] =	ssyncset.done $0x0  }
0x51: {  	[sflag:s28] =	ssyncadd.s32 $0xFFFFEC00  }
0x52: {  	[spmem:s19] =	stream.linear.scatter [tilespmem:s26], [sflag:$0x1], $0x1400, $0x38;
	[tilespmem:$0x1BC80] =	vst v63  }
0x53: {  	_ =	swait.ge [sflag:s28], $0x1400  }
0x54: {  	[sflag:s28] =	ssyncset.done $0x0  }
0x55: {  	[sflag:s28] =	ssyncadd.s32 $0xFFFFEC00  }
0x56: {  	[spmem:s20] =	stream.linear.scatter [tilespmem:s26], [sflag:$0x1], $0x1400, $0x38;
	[tilespmem:$0x1BC80] =	vst v63  }
0x57: {  	_ =	swait.ge [sflag:s28], $0x1400  }
0x58: {  	[sflag:s28] =	ssyncset.done $0x0  }
0x59: {  	[sflag:s28] =	ssyncadd.s32 $0xFFFFEC00  }
0x5a: {  	[spmem:s21] =	stream.linear.scatter [tilespmem:s26], [sflag:$0x1], $0x1400, $0x38;
	[tilespmem:$0x1BC80] =	vst v63  }
0x5b: {  	_ =	swait.ge [sflag:s28], $0x1400  }
0x5c: {  	[sflag:s28] =	ssyncset.done $0x0  }
0x5d: {  	[sflag:s28] =	ssyncadd.s32 $0xFFFFEC00  }
0x5e: {  	[spmem:s22] =	stream.linear.scatter [tilespmem:s26], [sflag:$0x1], $0x1400, $0x38;
	[tilespmem:$0x1BC80] =	vst v63  }
0x5f: {  	_ =	swait.ge [sflag:s28], $0x1400  }
0x60: {  	[sflag:s28] =	ssyncset.done $0x0  }
0x61: {  	[sflag:s28] =	ssyncadd.s32 $0xFFFFEC00  }
0x62: {  	[spmem:s24] =	stream.linear.scatter [tilespmem:s26], [sflag:$0x1], $0x1400, $0x38;
	[tilespmem:$0x1BC80] =	vst v63  }
0x63: {  	_ =	swait.ge [sflag:s28], $0x1400  }
0x64: {  	[sflag:s28] =	ssyncset.done $0x0  }
0x65: {  	[sflag:s28] =	ssyncadd.s32 $0xFFFFEC00  }
0x66: {  	[bflag:$0x0] =	sbarrier.arrive $0xFFFF  }
0x67: {  	[tilespmem:s3], [sflag:$0x1] =	stream.linear.gather [hbm4b:s5+s3], $0x3E80, $0x38;
	[tilespmem:$0x1BC80] =	vst v63  }
0x68: {  	_ =	swait.ge [sflag:s28], $0x3E80  }
0x69: {  	[sflag:s28] =	ssyncset.done $0x0  }
0x6a: {  	s23 =	simm.s32 $0x4000;
	[sflag:s28] =	ssyncadd.s32 $0xFFFFC180  }
0x6b: {  	[tilespmem:s23], [sflag:$0x1] =	stream.linear.gather [hbm4b:s7+s3], $0x10, $0x38;
	[tilespmem:$0x1BC80] =	vst v63  }
0x6c: {  	_ =	swait.ge [sflag:s28], $0x10  }
0x6d: {  	[sflag:s28] =	ssyncset.done $0x0  }
0x6e: {  	[sflag:s28] =	ssyncadd.s32 $0xFFFFFFF0  }
0x6f: {  	v1 =	vld [tilespmem:$0x4000];
	_ =	sdelay $0x4  }
0x70: {  	(v2sf) =	vpush v1, $0x0  }
0x71: {  	(v2sf) =	vpush v1, $0x1;
	_ =	sdelay $0xd  }
0x72: {  	s4 =	spop (v2sf)  }
0x73: {  	s29 =	spop (v2sf)  }
0x74: {  	p0 =	sle.s32 s29, s4  }
.Ltmp1:
0x75: {  	_ = 	snop;
	(pc) =	sbr.rel @p0 .LBB2_7-.Ltmp1, $1  }
0x76: {  	_ =	sdelay $0x3  }
0x77: {  	s2 =	smul.u32 $0x50, s4  }
0x78: {  	s23 =	rddreg [dreg:$0x5]  }
0x79: {  	s2 =	sadd.s32 s2, s23  }
0x7a: {  	s23 =	rddreg [dreg:$0x4];
	s2 =	sshll.u32 s2, $0x4  }
0x7b: {  	s29 =	ssub.s32 s29, s4;
	s2 =	sadd.s32 s2, s23  }
0x7c: {  	[tilespmem:s30], [sflag:$0x1] =	stream.linear.gather [hbm4b:s2+s3], $0x2800, $0x38;
	[tilespmem:$0x1BC80] =	vst v63  }
0x7d: {  	p0 =	sne.s32 s29, $0x1;
	_ =	swait.ge [sflag:s28], $0x2800  }
.Ltmp2:
0x7e: {  	s23 =	sshll.u32 s4, $0x9;
	[sflag:s28] =	ssyncset.done $0x0;
	(pc) =	sbr.rel @!p0 .LBB2_6-.Ltmp2, $4  }
0x7f: {  	s4 =	sshra.s32 s23, $0x2;
	[sflag:s28] =	ssyncadd.s32 $0xFFFFD800  }
0x80: {  	[spmem:s1] =	stream.indirect.scatter.add.f32 [tilespmem:s30], [sflag:$0x1], $0x80, s4, s31, $0xb8;
	[tilespmem:$0x1BC80] =	vst v63  }
0x81: {  	_ =	swait.ge [sflag:s28], $0x2800  }
0x82: {  	s29 =	sadd.s32 $0xFFFFFFFF, s29;
	[sflag:s28] =	ssyncset.done $0x0  }
.LBB2_5:
0x83: {  	[sflag:s28] =	ssyncadd.s32 $0xFFFFD800;
	s4 =	sadd.s32 $0x80, s4;
	s2 =	sadd.s32 $0x500, s2  }
0x84: {  	[tilespmem:s30], [sflag:$0x1] =	stream.linear.gather [hbm4b:s2+s3], $0x2800, $0x38;
	[tilespmem:$0x1BC80] =	vst v63  }
0x85: {  	p0 =	sne.s32 s29, $0x1;
	s29 =	sadd.s32 $0xFFFFFFFF, s29;
	_ =	swait.ge [sflag:s28], $0x2800  }
.Ltmp3:
0x86: {  	[sflag:s28] =	ssyncset.done $0x0;
	(pc) =	sbr.rel @p0 .LBB2_5-.Ltmp3, $4  }
0x87: {  	[sflag:s28] =	ssyncadd.s32 $0xFFFFD800  }
0x88: {  	[spmem:s1] =	stream.indirect.scatter.add.f32 [tilespmem:s30], [sflag:$0x1], $0x80, s4, s31, $0xb8;
	[tilespmem:$0x1BC80] =	vst v63  }
0x89: {  	_ =	swait.ge [sflag:s28], $0x2800  }
0x8a: {  	[sflag:s28] =	ssyncset.done $0x0  }
.LBB2_6:
0x8b: {  	[sflag:s28] =	ssyncadd.s32 $0xFFFFD800  }
.LBB2_7:
0x8c: {  	[bflag:$0x0] =	sbarrier.arrive $0xFFFF  }
0x8d: {  	[tilespmem:s26], [sflag:$0x1] =	stream.linear.gather [spmem:s6], $0x1400, $0x38;
	[tilespmem:$0x1BC80] =	vst v63  }
0x8e: {  	_ =	swait.ge [sflag:s28], $0x1400  }
0x8f: {  	[sflag:s28] =	ssyncset.done $0x0  }
0x90: {  	s2 =	sadd.s32 $0x0, s25;
	[sflag:s28] =	ssyncadd.s32 $0xFFFFEC00  }
0x91: {  	[hbm4b:s2+s3] =	stream.linear.scatter [tilespmem:s26], [sflag:$0x1], $0x1400, $0x38;
	[tilespmem:$0x1BC80] =	vst v63  }
0x92: {  	_ =	swait.ge [sflag:s28], $0x1400  }
0x93: {  	s4 =	smov.u32 s6;
	s2 =	simm.s32 $0x280;
	[sflag:s28] =	ssyncset.done $0x0  }
.LBB2_8:
0x94: {  	p0 =	sne.s32 s2, $0x2580;
	[sflag:s28] =	ssyncadd.s32 $0xFFFFEC00;
	s4 =	sadd.s32 $0x1400, s4  }
0x95: {  	[tilespmem:s26], [sflag:$0x1] =	stream.linear.gather [spmem:s4], $0x1400, $0x38;
	[tilespmem:$0x1BC80] =	vst v63  }
0x96: {  	s23 =	smov.u32 s2;
	s2 =	sadd.s32 $0x280, s2;
	_ =	swait.ge [sflag:s28], $0x1400  }
.Ltmp4:
0x97: {  	[sflag:s28] =	ssyncset.done $0x0;
	(pc) =	sbr.rel @p0 .LBB2_8-.Ltmp4, $4  }
0x98: {  	s23 =	sadd.s32 s23, s25;
	[sflag:s28] =	ssyncadd.s32 $0xFFFFEC00  }
0x99: {  	[hbm4b:s23+s3] =	stream.linear.scatter [tilespmem:s26], [sflag:$0x1], $0x1400, $0x38;
	[tilespmem:$0x1BC80] =	vst v63  }
0x9a: {  	_ =	swait.ge [sflag:s28], $0x1400  }
0x9b: {  	[sflag:s28] =	ssyncset.done $0x0  }
0x9c: {  	s0 =	sadd.s32 $0x1, s0  }
0x9d: {  	p0 =	sne.s32 s0, s8  }
.Ltmp5:
0x9e: {  	_ = 	snop;
	(pc) =	sbr.rel @p0 .LBB2_1-.Ltmp5, $2  }
0x9f: {  	_ =	sdelay $0x2  }
0xa0: {  	[sflag:s28] =	ssyncadd.s32 $0xFFFFEC00  }
0xa1: {  	_ =	sfence.sel $0x180000  }
0xa2: {  	[bflag:$0x0] =	sbarrier.arrive $0xFFFF  }
0xa3: {  	_ =	strace $0x9000005C  }
0xa4: {  	s0 =	stileid.u32;
	[bflag:$0x2] =	sbarrier.arrive $0xFFFF  }
0xa5: {  	p0 =	sne.s32 s0, $0x0;
	s0 =	rddreg [dreg:$0x3]  }
0xa6: {  	s0 =	sadd.s32 @!p0 $0x100000, s0  }
0xa7: {  	[sflag:s0] =	ssyncadd.tile.s32 @!p0 $0x1;
	_ =	shalt  }
.Lfunc_end2:
_tile_overlayer_lowered:
.L_overlay_start_2:
0xa8: {  	(tag) =	ssettag $0x2  }
0xa9: {  	s0 =	rddreg [dreg:$0x0];
	s2 =	stileid.u32  }
0xaa: {  	s1 =	rddreg [dreg:$0x1];
	p0 =	sne.s32 s2, $0x0  }
0xab: {  	s3 =	rddreg [dreg:$0x2];
	[bflag:$0x3] =	sbarrier.arrive $0xFFFF;
	s2 =	simm.s32 @!p0 $0x1C01  }
0xac: {  	[timem:s3], [sflag:s2] =	dma.local @!p0 [hbm:s0], s1  }
0xad: {  	s0 =	simm.s32 @!p0 $0x1  }
0xae: {  	_ =	swait.ge @!p0 [sflag:s0], s1  }
0xaf: {  	s1 =	ssub.s32 @!p0 $0x0, s1;
	[sflag:s0] =	ssyncset.done @!p0 $0x0  }
0xb0: {  	[sflag:s0] =	ssyncadd.s32 @!p0 s1  }
0xb1: {  	[bflag:$0x3] =	sbarrier.arrive $0xFFFF  }
0xb2: {  	_ =	shalt  }

// kernel: kernel.35.cloned.1.call-start
scs
__scs_entry_jumppad:
0x0: {  	(pc) =	sbr.rel $0x88, $3  }
0x1: {  	(tag) =	ssettag $0x0;
	lr =	simm.s32 $0x1  }
0x2: {  	[smem:$0x3F98] =	sst lr;
	_ =	strace $0xD0000000  }
0x3: {  	_ = 	snop  }
0x4: {  	_ = 	snop  }
0x5: {  	_ = 	snop  }
0x6: {  	_ = 	snop  }
0x7: {  	_ = 	snop  }
__scs_overlays_trampoline_lowered:
0x8: {  	[smem:$0x3FA7] =	sst s0  }
0x9: {  	[smem:$0x3FA8] =	sst s1  }
0xa: {  	[smem:$0x3FA9] =	sst s2  }
0xb: {  	[smem:$0x3FAA] =	sst s3  }
0xc: {  	[smem:$0x3FAB] =	sst s4  }
0xd: {  	[smem:$0x3FAC] =	sst s5  }
0xe: {  	[smem:$0x3FAD] =	sst s6  }
0xf: {  	[smem:$0x3FAE] =	sst s7  }
0x10: {  	[smem:$0x3FAF] =	sst s8  }
0x11: {  	[smem:$0x3FB0] =	sst s9;
	s0 =	simm.s32 @!p0 $0x0  }
0x12: {  	s1 =	sld [smem:$0x3F96];
	s0 =	simm.s32 @p0 $0x1  }
0x13: {  	[smem:$0x3FB1] =	sst s0;
	s0 =	simm.s32 @!p1 $0x0  }
0x14: {  	s2 =	sld [smem:$0x3F95];
	s0 =	simm.s32 @p1 $0x1  }
0x15: {  	[smem:$0x3FB2] =	sst s0;
	s0 =	simm.s32 @!p2 $0x0  }
0x16: {  	s3 =	sld [smem:$0x3FDB];
	s0 =	simm.s32 @p2 $0x1  }
0x17: {  	s4 =	simm.s32 $0x1BF5;
	[smem:$0x3FB4] =	sst s0  }
0x18: {  	s0 =	sld [smem:$0x3F97];
	_ =	swait.ge [sflag:s4], $0x0  }
0x19: {  	s7 =	sld [smem:$0x3F98]  }
0x1a: {  	s8 =	sadd.s32 $0xFFFFE003, lr  }
0x1b: {  	s9 =	sadd.s32 $0xFFFFFEF7, lr;
	s5 =	simm.s32 $0xFFFFFFFF;
	p2 =	slt.u32 s8, $0xFFFFF086  }
0x1c: {  	p1 =	slt.u32 s9, $0xF7A;
	s5 =	simm.s32 @!p2 $0x0  }
0x1d: {  	s5 =	simm.s32 @p1 $0x1;
	p0 =	seq.s32 s7, s2  }
0x1e: {  	s7 =	smul.u32 @!p0 $0xF7A, s2;
	p2 =	seq.s32 @!p0 s5, $0x0  }
0x1f: {  	s9 =	smul.u32 $0xF7A, s1;
	s8 =	simm.s32 @!p0 $0x1BF5;
	p2 =	por !p2, p0  }
0x20: {  	[sflag:s8] =	ssyncset.s32 @!p0 $0xFFFFF086;
	s6 =	sadd.s32 @!p0 s3, s7;
	s7 =	simm.s32 @!p0 $0x108  }
0x21: {  	s3 =	sadd.s32 s3, s9;
	s6 =	sadd.s32 @!p0 $0x88, s6;
	s7 =	simm.s32 @p2 $0x1082  }
0x22: {  	[simem:s7], [sflag:s8] =	dma.local @!p0 [hbm:s6], $0xF7A  }
0x23: {  	s9 =	sor.u32 $0xD0000000, s2;
	s6 =	simm.s32 $0x108;
	_ =	swait.ge @!p0 [sflag:s8], $0x0  }
0x24: {  	s3 =	sadd.s32 $0x88, s3;
	s6 =	simm.s32 @!p1 $0x1082;
	[sflag:s4] =	ssyncset.s32 $0xFFFFF086  }
0x25: {  	[simem:s6], [sflag:s4] =	dma.local [hbm:s3], $0xF7A  }
0x26: {  	[smem:$0x3F98] =	sst s1;
	(tag) =	ssettag s2;
	_ =	strace s9  }
0x27: {  	s1 =	sld [smem:$0x3FA8]  }
0x28: {  	s2 =	sld [smem:$0x3FA9]  }
0x29: {  	s4 =	sld [smem:$0x3FAB]  }
0x2a: {  	p0 =	seq.s32 s5, $0x0;
	s5 =	sld [smem:$0x3FAC]  }
0x2b: {  	s6 =	sld [smem:$0x3FAD]  }
0x2c: {  	s7 =	sld [smem:$0x3FAE]  }
0x2d: {  	s3 =	simm.s32 $0x108;
	s8 =	sld [smem:$0x3FAF]  }
0x2e: {  	s3 =	simm.s32 @!p0 $0x1082;
	s9 =	sld [smem:$0x3FB0]  }
0x2f: {  	lr =	sadd.s32 s0, s3;
	s0 =	sld [smem:$0x3FA7]  }
0x30: {  	s3 =	sld [smem:$0x3FAA]  }
0x31: {  	[smem:$0x3FB3] =	sst s10  }
0x32: {  	s10 =	sld [smem:$0x3FB1];
	_ =	sdelay $0x3  }
0x33: {  	p0 =	seq.s32 s10, $0x1;
	s10 =	sld [smem:$0x3FB3];
	_ =	sdelay $0x3  }
0x34: {  	[smem:$0x3FB3] =	sst s10  }
0x35: {  	s10 =	sld [smem:$0x3FB2];
	_ =	sdelay $0x3  }
0x36: {  	p1 =	seq.s32 s10, $0x1;
	s10 =	sld [smem:$0x3FB3];
	_ =	sdelay $0x3  }
0x37: {  	[smem:$0x3FB3] =	sst s10  }
0x38: {  	s10 =	sld [smem:$0x3FB4]  }
0x39: {  	_ = 	snop;
	(pc) =	sbr.ind lr, $3  }
0x3a: {  	_ = 	snop  }
0x3b: {  	_ = 	snop  }
0x3c: {  	p2 =	seq.s32 s10, $0x1;
	s10 =	sld [smem:$0x3FB3]  }
0x3d: {  	_ =	shalt  }
0x3e: {  	_ =	shalt  }
0x3f: {  	_ =	shalt  }
0x40: {  	_ =	shalt  }
0x41: {  	_ =	shalt  }
0x42: {  	_ =	shalt  }
0x43: {  	_ =	shalt  }
0x44: {  	_ =	shalt  }
0x45: {  	_ =	shalt  }
0x46: {  	_ =	shalt  }
0x47: {  	_ =	shalt  }
0x48: {  	_ =	shalt  }
0x49: {  	_ =	shalt  }
0x4a: {  	_ =	shalt  }
0x4b: {  	_ =	shalt  }
0x4c: {  	_ =	shalt  }
0x4d: {  	_ =	shalt  }
0x4e: {  	_ =	shalt  }
0x4f: {  	_ =	shalt  }
0x50: {  	_ =	shalt  }
0x51: {  	_ =	shalt  }
0x52: {  	_ =	shalt  }
0x53: {  	_ =	shalt  }
0x54: {  	_ =	shalt  }
0x55: {  	_ =	shalt  }
0x56: {  	_ =	shalt  }
0x57: {  	_ =	shalt  }
0x58: {  	_ =	shalt  }
0x59: {  	_ =	shalt  }
0x5a: {  	_ =	shalt  }
0x5b: {  	_ =	shalt  }
0x5c: {  	_ =	shalt  }
0x5d: {  	_ =	shalt  }
0x5e: {  	_ =	shalt  }
0x5f: {  	_ =	shalt  }
0x60: {  	_ =	shalt  }
0x61: {  	_ =	shalt  }
0x62: {  	_ =	shalt  }
0x63: {  	_ =	shalt  }
0x64: {  	_ =	shalt  }
0x65: {  	_ =	shalt  }
0x66: {  	_ =	shalt  }
0x67: {  	_ =	shalt  }
0x68: {  	_ =	shalt  }
0x69: {  	_ =	shalt  }
0x6a: {  	_ =	shalt  }
0x6b: {  	_ =	shalt  }
0x6c: {  	_ =	shalt  }
0x6d: {  	_ =	shalt  }
0x6e: {  	_ =	shalt  }
0x6f: {  	_ =	shalt  }
0x70: {  	_ =	shalt  }
0x71: {  	_ =	shalt  }
0x72: {  	_ =	shalt  }
0x73: {  	_ =	shalt  }
0x74: {  	_ =	shalt  }
0x75: {  	_ =	shalt  }
0x76: {  	_ =	shalt  }
0x77: {  	_ =	shalt  }
0x78: {  	_ =	shalt  }
0x79: {  	_ =	shalt  }
0x7a: {  	_ =	shalt  }
0x7b: {  	_ =	shalt  }
0x7c: {  	_ =	shalt  }
0x7d: {  	_ =	shalt  }
0x7e: {  	_ =	shalt  }
0x7f: {  	_ =	shalt  }
0x80: {  	_ =	shalt  }
0x81: {  	_ =	shalt  }
0x82: {  	_ =	shalt  }
0x83: {  	_ =	shalt  }
0x84: {  	_ =	shalt  }
0x85: {  	_ =	shalt  }
0x86: {  	_ =	shalt  }
0x87: {  	_ =	shalt  }
.Lfunc_end0:
.L_simem_size_0:
called_computation.7_lowered:
.L_overlay_start_0:
0x88: {  	s2 =	sld [smem:$0x3FD9]  }
0x89: {  	s3 =	sld [smem:$0x3FFE];
	_ =	sdelay $0x1  }
0x8a: {  	s1 =	srdreg.scid  }
0x8b: {  	s0 =	sand.u32 $0x1, s1  }
0x8c: {  	s17 =	sshll.u32 s0, $0xA;
	s2 =	sadd.s32 s3, s2  }
0x8d: {  	s2 =	sadd.s32 s2, s17  }
0x8e: {  	[smem:$0x3FBF] =	sst s2  }
0x8f: {  	_ = 	snop  }
0x90: {  	s2 =	sld [smem:$0x3FD0];
	(tm) =	ssettm $0x1  }
0x91: {  	s18 =	sld [smem:$0x3FFB];
	_ =	sdelay $0x3  }
0x92: {  	_ =	strace s18  }
0x93: {  	s3 =	sld [smem:$0x3FFC];
	_ =	sdelay $0x3  }
0x94: {  	_ =	strace s3  }
0x95: {  	s3 =	sld [smem:$0x3FFD];
	_ =	sdelay $0x3  }
0x96: {  	_ =	strace s3  }
0x97: {  	_ =	strace $0x8FFFFFFF  }
0x98: {  	s19 =	sld [smem:$0x3FDB];
	_ =	sdelay $0x1  }
0x99: {  	s4 =	simm.s32 $_scs_section_size  }
0x9a: {  	s5 =	simm.s32 $_size__tile_overlayer_lowered;
	s6 =	simm.s32 $_tile_overlayer_lowered  }
0x9b: {  	s22 =	simm.s32 $0x1BFF;
	s21 =	sshll.u32 s6, $0x1;
	s3 =	sadd.s32 s4, s19  }
0x9c: {  	s7 =	simm.s32 $0x0;
	s20 =	sshll.u32 s5, $0x1;
	s5 =	sadd.s32 s21, s3  }
0x9d: {  	[timem:s7], [sflag:s22] =	dma.local [hbm:s5], s20  }
0x9e: {  	_ =	swait.ge [sflag:s22], s20  }
0x9f: {  	s4 =	ssub.s32 $0x0, s20;
	[sflag:s22] =	ssyncset.done $0x0  }
0xa0: {  	[sflag:s22] =	ssyncadd.s32 s4;
	_ =	sdelay $0x1  }
0xa1: {  	s23 =	simm.s32 $0x1B8B  }
0xa2: {  	_ =	swait.ge [sflag:s23], $0x1  }
0xa3: {  	[sflag:s23] =	ssyncset.done $0x0  }
0xa4: {  	s25 =	simm.s32 $0x1B8E;
	s24 =	sld [smem:$0x3FFE];
	[sflag:s23] =	ssyncadd.s32 $0xFFFFFFFF  }
0xa5: {  	s26 =	simm.s32 $execute0_lowered;
	[smem:$0x3FD2] =	sst s25  }
0xa6: {  	s5 =	sshll.u32 s26, $0x1;
	_ =	strace $0x80000058;
	[dreg:$0x1] =	wrdreg $0xFFFFFFFF  }
0xa7: {  	s28 =	simm.s32 $_size_execute0_lowered;
	s3 =	sadd.s32 s3, s5;
	[dreg:$0x0] =	wrdreg $0x0  }
0xa8: {  	s5 =	sshll.u32 s28, $0x1;
	[dreg:$0x2] =	wrdreg s3  }
0xa9: {  	[dreg:$0x3] =	wrdreg s5  }
0xaa: {  	[dreg:$0x4] =	wrdreg $0xC0  }
0xab: {  	_ =	task [dreg:s7], $0x5FFFF  }
0xac: {  	[dreg:$0x1] =	wrdreg $0xFFFFFFFF  }
0xad: {  	[dreg:$0x0] =	wrdreg $0x60  }
0xae: {  	[dreg:$0x2] =	wrdreg s24  }
0xaf: {  	[dreg:$0x3] =	wrdreg s2  }
0xb0: {  	[dreg:$0x4] =	wrdreg $0x7C800  }
0xb1: {  	[dreg:$0x5] =	wrdreg $0xA  }
0xb2: {  	_ =	task.clear_ibuf [dreg:s7], $0x6FFFF;
	_ =	strace $0x90000058  }
0xb3: {  	s29 =	simm.s32 $0xA;
	_ =	strace $0x8000005A  }
0xb4: {  	_ =	swait.ge [sflag:s29], $0x1  }
0xb5: {  	[sflag:s29] =	ssyncadd.s32 $0xFFFFFFFF  }
0xb6: {  	_ =	strace $0x9000005A  }
0xb7: {  	_ =	sfence  }
0xb8: {  	s30 =	sld [smem:$0x0];
	_ =	sdelay $0x2  }
0xb9: {  	s31 =	sshll.u32 s1, $0xD;
	s1 =	sshrl.u32 s1, $0x2  }
0xba: {  	s3 =	sand.u32 $0x4000, s31;
	s1 =	sadd.s32 s1, s30  }
0xbb: {  	s0 =	sor.u32 s3, s0;
	s1 =	sshll.u32 s1, $0x11  }
0xbc: {  	s0 =	sor.u32 s1, s0  }
0xbd: {  	s0 =	sadd.s32 $0x8F2B, s0  }
0xbe: {  	[sflag:s0] =	ssyncadd.remote.s32 $0x1  }
0xbf: {  	_ =	sfence.sel $0xFFFF  }
0xc0: {  	[dreg:$0x0] =	wrdreg $0xFFFFFFFF;
	(pc) =	sbr.abs _section_cstart, $3  }
0xc1: {  	[dreg:$0x1] =	wrdreg $0xFFFFFFFF  }
0xc2: {  	_ =	task.clear_ibuf [dreg:s7], $0x2FFFF;
	_ =	strace $0x9FFFFFFF  }
0xc3: {  	(tm) =	ssettm $0x7FFFFFFF  }
tec
execute0_lowered:
.L_overlay_start_1:
0x0: {  	(tag) =	ssettag $0x1  }
0x1: {  	s0 =	rddreg [dreg:$0x0]  }
0x2: {  	s1 =	rddreg [dreg:$0x1]  }
0x3: {  	s2 =	rddreg [dreg:$0x2]  }
0x4: {  	s3 =	simm.s32 $0x0;
	s4 =	srdreg.scid;
	s17 =	stileid.u32  }
0x5: {  	s28 =	simm.s32 $0x1;
	s30 =	simm.s32 $0x4080;
	s31 =	simm.s32 $0x50  }
0x6: {  	[smem:$0x7FF] =	sst s3;
	s4 =	sand.u32 $0x1, s4;
	s8 =	smul.u32 $0x50000, s17  }
0x7: {  	s5 =	sshll.u32 s17, $0x1;
	s9 =	sadd.s32 $0x9C800, s0;
	s22 =	smul.u32 $0x4E20, s17  }
0x8: {  	s21 =	smul.u32 $0x14000, s17;
	_ =	strace $0x80000059;
	s5 =	sor.u32 s4, s5  }
0x9: {  	s7 =	ssub.s32 $0x2, s4;
	[dreg:$0x4] =	wrdreg s9;
	s29 =	smul.u32 $0x140000, s4  }
0xa: {  	s4 =	smul.u32 $0x2710, s4;
	s6 =	sshll.u32 s5, $0x1;
	s25 =	sshrl.u32 s7, $0x1  }
0xb: {  	s5 =	sshll.u32 s5, $0xB;
	s26 =	sshrl.u32 s8, $0x2;
	s6 =	sadd.s32 s6, s0  }
0xc: {  	s9 =	ssub.s32 s7, s25;
	s5 =	sadd.s32 s1, s5;
	s7 =	sadd.s32 s26, s2  }
0xd: {  	s1 =	sadd.s32 s21, s29;
	s4 =	sadd.s32 s4, s22;
	s26 =	simm.s32 $0x6880  }
0xe: {  	s6 =	sadd.s32 $0x9C600, s6;
	s8 =	smax.u32 s9, $0x1;
	s9 =	sadd.s32 $0x1400, s7  }
0xf: {  	s10 =	sadd.s32 $0x2800, s7;
	s11 =	sadd.s32 $0x3C00, s7;
	s12 =	sadd.s32 $0x5000, s7  }
0x10: {  	s13 =	sadd.s32 $0x6400, s7;
	s14 =	sadd.s32 $0x7800, s7;
	s15 =	sadd.s32 $0x8C00, s7  }
0x11: {  	s16 =	sadd.s32 $0xA000, s7;
	s17 =	sadd.s32 $0xB400, s7;
	s18 =	sadd.s32 $0xC800, s7  }
0x12: {  	s19 =	sadd.s32 $0xDC00, s7;
	s20 =	sadd.s32 $0xF000, s7;
	s21 =	sadd.s32 $0x10400, s7  }
0x13: {  	[dreg:$0x5] =	wrdreg s4;
	s1 =	sshrl.u32 s1, $0x3;
	s23 =	sadd.s32 $0x11800, s7  }
0x14: {  	v0 =	vimm.f32 $0.0e+00;
	s25 =	sadd.s32 $0x12C00, s7;
	s24 =	sadd.s32 s1, s0;
	s0 =	simm.s32 $0x0  }
.LBB2_1:
0x15: {  	s1 =	simm.s32 $0x70;
	s4 =	simm.s32 $0x3C0  }
.LBB2_2:
0x16: {  	p0 =	sne.s32 s4, $0x4FC0;
	[tilespmem:s1+$0x6880] =	vst v0  }
0x17: {  	[tilespmem:s1+$0x6810] =	vst v0  }
0x18: {  	[tilespmem:s1+$0x6820] =	vst v0  }
.Ltmp0:
0x19: {  	[tilespmem:s1+$0x6830] =	vst v0;
	(pc) =	sbr.rel @p0 .LBB2_2-.Ltmp0, $4  }
0x1a: {  	[tilespmem:s1+$0x6840] =	vst v0  }
0x1b: {  	[tilespmem:s1+$0x6850] =	vst v0  }
0x1c: {  	[tilespmem:s1+$0x6860] =	vst v0  }
0x1d: {  	[tilespmem:s1+$0x6870] =	vst v0;
	s1 =	sshra.s32 s4, $0x2;
	s4 =	sadd.s32 $0x200, s4  }
0x1e: {  	[tilespmem:s1+$0x6880] =	vst v0  }
0x1f: {  	[tilespmem:s1+$0x6810] =	vst v0  }
0x20: {  	[tilespmem:s1+$0x6820] =	vst v0  }
0x21: {  	[tilespmem:s1+$0x6830] =	vst v0  }
0x22: {  	[tilespmem:s1+$0x6840] =	vst v0  }
0x23: {  	[tilespmem:s1+$0x6850] =	vst v0  }
0x24: {  	[tilespmem:s1+$0x6860] =	vst v0  }
0x25: {  	[tilespmem:s1+$0x6870] =	vst v0  }
0x26: {  	[spmem:s7] =	stream.linear.scatter [tilespmem:s26], [sflag:$0x1], $0x1400, $0x38;
	[tilespmem:$0x1BC80] =	vst v63  }
0x27: {  	_ =	swait.ge [sflag:s28], $0x1400  }
0x28: {  	[sflag:s28] =	ssyncset.done $0x0  }
0x29: {  	[sflag:s28] =	ssyncadd.s32 $0xFFFFEC00  }
0x2a: {  	[spmem:s9] =	stream.linear.scatter [tilespmem:s26], [sflag:$0x1], $0x1400, $0x38;
	[tilespmem:$0x1BC80] =	vst v63  }
0x2b: {  	_ =	swait.ge [sflag:s28], $0x1400  }
0x2c: {  	[sflag:s28] =	ssyncset.done $0x0  }
0x2d: {  	[sflag:s28] =	ssyncadd.s32 $0xFFFFEC00  }
0x2e: {  	[spmem:s10] =	stream.linear.scatter [tilespmem:s26], [sflag:$0x1], $0x1400, $0x38;
	[tilespmem:$0x1BC80] =	vst v63  }
0x2f: {  	_ =	swait.ge [sflag:s28], $0x1400  }
0x30: {  	[sflag:s28] =	ssyncset.done $0x0  }
0x31: {  	[sflag:s28] =	ssyncadd.s32 $0xFFFFEC00  }
0x32: {  	[spmem:s11] =	stream.linear.scatter [tilespmem:s26], [sflag:$0x1], $0x1400, $0x38;
	[tilespmem:$0x1BC80] =	vst v63  }
0x33: {  	_ =	swait.ge [sflag:s28], $0x1400  }
0x34: {  	[sflag:s28] =	ssyncset.done $0x0  }
0x35: {  	[sflag:s28] =	ssyncadd.s32 $0xFFFFEC00  }
0x36: {  	[spmem:s12] =	stream.linear.scatter [tilespmem:s26], [sflag:$0x1], $0x1400, $0x38;
	[tilespmem:$0x1BC80] =	vst v63  }
0x37: {  	_ =	swait.ge [sflag:s28], $0x1400  }
0x38: {  	[sflag:s28] =	ssyncset.done $0x0  }
0x39: {  	[sflag:s28] =	ssyncadd.s32 $0xFFFFEC00  }
0x3a: {  	[spmem:s13] =	stream.linear.scatter [tilespmem:s26], [sflag:$0x1], $0x1400, $0x38;
	[tilespmem:$0x1BC80] =	vst v63  }
0x3b: {  	_ =	swait.ge [sflag:s28], $0x1400  }
0x3c: {  	[sflag:s28] =	ssyncset.done $0x0  }
0x3d: {  	[sflag:s28] =	ssyncadd.s32 $0xFFFFEC00  }
0x3e: {  	[spmem:s14] =	stream.linear.scatter [tilespmem:s26], [sflag:$0x1], $0x1400, $0x38;
	[tilespmem:$0x1BC80] =	vst v63  }
0x3f: {  	_ =	swait.ge [sflag:s28], $0x1400  }
0x40: {  	[sflag:s28] =	ssyncset.done $0x0  }
0x41: {  	[sflag:s28] =	ssyncadd.s32 $0xFFFFEC00  }
0x42: {  	[spmem:s15] =	stream.linear.scatter [tilespmem:s26], [sflag:$0x1], $0x1400, $0x38;
	[tilespmem:$0x1BC80] =	vst v63  }
0x43: {  	_ =	swait.ge [sflag:s28], $0x1400  }
0x44: {  	[sflag:s28] =	ssyncset.done $0x0  }
0x45: {  	[sflag:s28] =	ssyncadd.s32 $0xFFFFEC00  }
0x46: {  	[spmem:s16] =	stream.linear.scatter [tilespmem:s26], [sflag:$0x1], $0x1400, $0x38;
	[tilespmem:$0x1BC80] =	vst v63  }
0x47: {  	_ =	swait.ge [sflag:s28], $0x1400  }
0x48: {  	[sflag:s28] =	ssyncset.done $0x0  }
0x49: {  	[sflag:s28] =	ssyncadd.s32 $0xFFFFEC00  }
0x4a: {  	[spmem:s17] =	stream.linear.scatter [tilespmem:s26], [sflag:$0x1], $0x1400, $0x38;
	[tilespmem:$0x1BC80] =	vst v63  }
0x4b: {  	_ =	swait.ge [sflag:s28], $0x1400  }
0x4c: {  	[sflag:s28] =	ssyncset.done $0x0  }
0x4d: {  	[sflag:s28] =	ssyncadd.s32 $0xFFFFEC00  }
0x4e: {  	[spmem:s18] =	stream.linear.scatter [tilespmem:s26], [sflag:$0x1], $0x1400, $0x38;
	[tilespmem:$0x1BC80] =	vst v63  }
0x4f: {  	_ =	swait.ge [sflag:s28], $0x1400  }
0x50: {  	[sflag:s28] =	ssyncset.done $0x0  }
0x51: {  	[sflag:s28] =	ssyncadd.s32 $0xFFFFEC00  }
0x52: {  	[spmem:s19] =	stream.linear.scatter [tilespmem:s26], [sflag:$0x1], $0x1400, $0x38;
	[tilespmem:$0x1BC80] =	vst v63  }
0x53: {  	_ =	swait.ge [sflag:s28], $0x1400  }
0x54: {  	[sflag:s28] =	ssyncset.done $0x0  }
0x55: {  	[sflag:s28] =	ssyncadd.s32 $0xFFFFEC00  }
0x56: {  	[spmem:s20] =	stream.linear.scatter [tilespmem:s26], [sflag:$0x1], $0x1400, $0x38;
	[tilespmem:$0x1BC80] =	vst v63  }
0x57: {  	_ =	swait.ge [sflag:s28], $0x1400  }
0x58: {  	[sflag:s28] =	ssyncset.done $0x0  }
0x59: {  	[sflag:s28] =	ssyncadd.s32 $0xFFFFEC00  }
0x5a: {  	[spmem:s21] =	stream.linear.scatter [tilespmem:s26], [sflag:$0x1], $0x1400, $0x38;
	[tilespmem:$0x1BC80] =	vst v63  }
0x5b: {  	_ =	swait.ge [sflag:s28], $0x1400  }
0x5c: {  	[sflag:s28] =	ssyncset.done $0x0  }
0x5d: {  	[sflag:s28] =	ssyncadd.s32 $0xFFFFEC00  }
0x5e: {  	[spmem:s23] =	stream.linear.scatter [tilespmem:s26], [sflag:$0x1], $0x1400, $0x38;
	[tilespmem:$0x1BC80] =	vst v63  }
0x5f: {  	_ =	swait.ge [sflag:s28], $0x1400  }
0x60: {  	[sflag:s28] =	ssyncset.done $0x0  }
0x61: {  	[sflag:s28] =	ssyncadd.s32 $0xFFFFEC00  }
0x62: {  	[spmem:s25] =	stream.linear.scatter [tilespmem:s26], [sflag:$0x1], $0x1400, $0x38;
	[tilespmem:$0x1BC80] =	vst v63  }
0x63: {  	_ =	swait.ge [sflag:s28], $0x1400  }
0x64: {  	[sflag:s28] =	ssyncset.done $0x0  }
0x65: {  	[sflag:s28] =	ssyncadd.s32 $0xFFFFEC00  }
0x66: {  	[bflag:$0x0] =	sbarrier.arrive $0xFFFF  }
0x67: {  	[tilespmem:s3], [sflag:$0x1] =	stream.linear.gather [hbm4b:s5+s3], $0x3E80, $0x38;
	[tilespmem:$0x1BC80] =	vst v63  }
0x68: {  	_ =	swait.ge [sflag:s28], $0x3E80  }
0x69: {  	[sflag:s28] =	ssyncset.done $0x0  }
0x6a: {  	s22 =	simm.s32 $0x4000;
	[sflag:s28] =	ssyncadd.s32 $0xFFFFC180  }
0x6b: {  	[tilespmem:s22], [sflag:$0x1] =	stream.linear.gather [hbm4b:s6+s3], $0x10, $0x38;
	[tilespmem:$0x1BC80] =	vst v63  }
0x6c: {  	_ =	swait.ge [sflag:s28], $0x10  }
0x6d: {  	[sflag:s28] =	ssyncset.done $0x0  }
0x6e: {  	[sflag:s28] =	ssyncadd.s32 $0xFFFFFFF0  }
0x6f: {  	v1 =	vld [tilespmem:$0x4000];
	_ =	sdelay $0x4  }
0x70: {  	(v2sf) =	vpush v1, $0x0  }
0x71: {  	(v2sf) =	vpush v1, $0x1;
	_ =	sdelay $0xd  }
0x72: {  	s4 =	spop (v2sf)  }
0x73: {  	s29 =	spop (v2sf)  }
0x74: {  	p0 =	sle.s32 s29, s4  }
.Ltmp1:
0x75: {  	_ = 	snop;
	(pc) =	sbr.rel @p0 .LBB2_7-.Ltmp1, $1  }
0x76: {  	_ =	sdelay $0x3  }
0x77: {  	s1 =	smul.u32 $0x50, s4  }
0x78: {  	s22 =	rddreg [dreg:$0x5]  }
0x79: {  	s1 =	sadd.s32 s1, s22  }
0x7a: {  	s22 =	rddreg [dreg:$0x4];
	s1 =	sshll.u32 s1, $0x4  }
0x7b: {  	s29 =	ssub.s32 s29, s4;
	s1 =	sadd.s32 s1, s22  }
0x7c: {  	[tilespmem:s30], [sflag:$0x1] =	stream.linear.gather [hbm4b:s1+s3], $0x2800, $0x38;
	[tilespmem:$0x1BC80] =	vst v63  }
0x7d: {  	p0 =	sne.s32 s29, $0x1;
	_ =	swait.ge [sflag:s28], $0x2800  }
.Ltmp2:
0x7e: {  	s22 =	sshll.u32 s4, $0x9;
	[sflag:s28] =	ssyncset.done $0x0;
	(pc) =	sbr.rel @!p0 .LBB2_6-.Ltmp2, $4  }
0x7f: {  	s4 =	sshra.s32 s22, $0x2;
	[sflag:s28] =	ssyncadd.s32 $0xFFFFD800  }
0x80: {  	[spmem:s2] =	stream.indirect.scatter.add.f32 [tilespmem:s30], [sflag:$0x1], $0x80, s4, s31, $0xb8;
	[tilespmem:$0x1BC80] =	vst v63  }
0x81: {  	_ =	swait.ge [sflag:s28], $0x2800  }
0x82: {  	s29 =	sadd.s32 $0xFFFFFFFF, s29;
	[sflag:s28] =	ssyncset.done $0x0  }
.LBB2_5:
0x83: {  	[sflag:s28] =	ssyncadd.s32 $0xFFFFD800;
	s4 =	sadd.s32 $0x80, s4;
	s1 =	sadd.s32 $0x500, s1  }
0x84: {  	[tilespmem:s30], [sflag:$0x1] =	stream.linear.gather [hbm4b:s1+s3], $0x2800, $0x38;
	[tilespmem:$0x1BC80] =	vst v63  }
0x85: {  	p0 =	sne.s32 s29, $0x1;
	s29 =	sadd.s32 $0xFFFFFFFF, s29;
	_ =	swait.ge [sflag:s28], $0x2800  }
.Ltmp3:
0x86: {  	[sflag:s28] =	ssyncset.done $0x0;
	(pc) =	sbr.rel @p0 .LBB2_5-.Ltmp3, $4  }
0x87: {  	[sflag:s28] =	ssyncadd.s32 $0xFFFFD800  }
0x88: {  	[spmem:s2] =	stream.indirect.scatter.add.f32 [tilespmem:s30], [sflag:$0x1], $0x80, s4, s31, $0xb8;
	[tilespmem:$0x1BC80] =	vst v63  }
0x89: {  	_ =	swait.ge [sflag:s28], $0x2800  }
0x8a: {  	[sflag:s28] =	ssyncset.done $0x0  }
.LBB2_6:
0x8b: {  	[sflag:s28] =	ssyncadd.s32 $0xFFFFD800  }
.LBB2_7:
0x8c: {  	[bflag:$0x0] =	sbarrier.arrive $0xFFFF  }
0x8d: {  	[tilespmem:s26], [sflag:$0x1] =	stream.linear.gather [spmem:s7], $0x1400, $0x38;
	[tilespmem:$0x1BC80] =	vst v63  }
0x8e: {  	_ =	swait.ge [sflag:s28], $0x1400  }
0x8f: {  	[sflag:s28] =	ssyncset.done $0x0  }
0x90: {  	s1 =	sadd.s32 $0x0, s24;
	[sflag:s28] =	ssyncadd.s32 $0xFFFFEC00  }
0x91: {  	[hbm4b:s1+s3] =	stream.linear.scatter [tilespmem:s26], [sflag:$0x1], $0x1400, $0x38;
	[tilespmem:$0x1BC80] =	vst v63  }
0x92: {  	_ =	swait.ge [sflag:s28], $0x1400  }
0x93: {  	s4 =	smov.u32 s7;
	s1 =	simm.s32 $0x280;
	[sflag:s28] =	ssyncset.done $0x0  }
.LBB2_8:
0x94: {  	p0 =	sne.s32 s1, $0x2580;
	[sflag:s28] =	ssyncadd.s32 $0xFFFFEC00;
	s4 =	sadd.s32 $0x1400, s4  }
0x95: {  	[tilespmem:s26], [sflag:$0x1] =	stream.linear.gather [spmem:s4], $0x1400, $0x38;
	[tilespmem:$0x1BC80] =	vst v63  }
0x96: {  	s22 =	smov.u32 s1;
	s1 =	sadd.s32 $0x280, s1;
	_ =	swait.ge [sflag:s28], $0x1400  }
.Ltmp4:
0x97: {  	[sflag:s28] =	ssyncset.done $0x0;
	(pc) =	sbr.rel @p0 .LBB2_8-.Ltmp4, $4  }
0x98: {  	s22 =	sadd.s32 s22, s24;
	[sflag:s28] =	ssyncadd.s32 $0xFFFFEC00  }
0x99: {  	[hbm4b:s22+s3] =	stream.linear.scatter [tilespmem:s26], [sflag:$0x1], $0x1400, $0x38;
	[tilespmem:$0x1BC80] =	vst v63  }
0x9a: {  	_ =	swait.ge [sflag:s28], $0x1400  }
0x9b: {  	[sflag:s28] =	ssyncset.done $0x0  }
0x9c: {  	s0 =	sadd.s32 $0x1, s0  }
0x9d: {  	p0 =	sne.s32 s0, s8  }
.Ltmp5:
0x9e: {  	_ = 	snop;
	(pc) =	sbr.rel @p0 .LBB2_1-.Ltmp5, $2  }
0x9f: {  	_ =	sdelay $0x2  }
0xa0: {  	[sflag:s28] =	ssyncadd.s32 $0xFFFFEC00  }
0xa1: {  	_ =	sfence.sel $0x180000  }
0xa2: {  	[bflag:$0x0] =	sbarrier.arrive $0xFFFF  }
0xa3: {  	_ =	strace $0x90000059  }
0xa4: {  	s0 =	stileid.u32;
	[bflag:$0x2] =	sbarrier.arrive $0xFFFF  }
0xa5: {  	p0 =	sne.s32 s0, $0x0;
	s0 =	rddreg [dreg:$0x3]  }
0xa6: {  	s0 =	sadd.s32 @!p0 $0x100000, s0  }
0xa7: {  	[sflag:s0] =	ssyncadd.tile.s32 @!p0 $0x1;
	_ =	shalt  }
.Lfunc_end2:
_tile_overlayer_lowered:
.L_overlay_start_2:
0xa8: {  	(tag) =	ssettag $0x2  }
0xa9: {  	s0 =	rddreg [dreg:$0x0];
	s2 =	stileid.u32  }
0xaa: {  	s1 =	rddreg [dreg:$0x1];
	p0 =	sne.s32 s2, $0x0  }
0xab: {  	s3 =	rddreg [dreg:$0x2];
	[bflag:$0x3] =	sbarrier.arrive $0xFFFF;
	s2 =	simm.s32 @!p0 $0x1C01  }
0xac: {  	[timem:s3], [sflag:s2] =	dma.local @!p0 [hbm:s0], s1  }
0xad: {  	s0 =	simm.s32 @!p0 $0x1  }
0xae: {  	_ =	swait.ge @!p0 [sflag:s0], s1  }
0xaf: {  	s1 =	ssub.s32 @!p0 $0x0, s1;
	[sflag:s0] =	ssyncset.done @!p0 $0x0  }
0xb0: {  	[sflag:s0] =	ssyncadd.s32 @!p0 s1  }
0xb1: {  	[bflag:$0x3] =	sbarrier.arrive $0xFFFF  }
0xb2: {  	_ =	shalt  }

</sc_bundles>
